<compile_context>
chip_gen: v7x
topology: tpu7x:2x2x1
jax: 0.10.2.dev20260603
libtpu: 0.0.44.dev20260713+nightly
codegen_flags: <defaults>
</compile_context>

<pallas_src>
import functools

import jax
import jax.numpy as jnp
from jax import lax
from jax.experimental import pallas as pl
from jax.experimental.pallas import tpu as pltpu
from jax.experimental.pallas import tpu_sc as plsc

VOCAB = 1000000
DIM = 64
BATCH = 4096
HIST = 200
HALF = VOCAB // 2

NC = 2
NS = 16
NW = NC * NS
L = 16

CB = 256
NBC = BATCH // CB
NITEM = HIST * NBC
ITEMS_PER_W = NITEM // NW

PACK_W = 2048
PACK_GRID = 245
HALF2 = PACK_GRID * PACK_W


def _pack_body(a_ref, o_ref):
    o_ref[:, :DIM] = a_ref[:, :PACK_W].T
    o_ref[:, DIM:] = a_ref[:, PACK_W:].T


_pack_kernel = pl.pallas_call(
    _pack_body,
    out_shape=jax.ShapeDtypeStruct((HALF2, 2 * DIM), jnp.float32),
    grid=(PACK_GRID,),
    in_specs=[pl.BlockSpec((DIM, 2 * PACK_W), lambda j: (0, j))],
    out_specs=pl.BlockSpec((PACK_W, 2 * DIM), lambda j: (j, 0)),
)


@functools.partial(
    pl.kernel,
    out_type=jax.ShapeDtypeStruct((HIST, DIM, BATCH), jnp.float32),
    mesh=plsc.VectorSubcoreMesh(
        core_axis_name="c", subcore_axis_name="s", num_cores=NC, num_subcores=NS
    ),
    scratch_types=[
        *[pltpu.VMEM((CB,), jnp.int32) for _ in range(4)],
        *[pltpu.VMEM((CB,), jnp.int32) for _ in range(2)],
        *[pltpu.VMEM((CB, 2 * DIM), jnp.float32) for _ in range(2)],
        *[pltpu.VMEM((DIM, CB), jnp.float32) for _ in range(2)],
        *[pltpu.SemaphoreType.DMA for _ in range(8)],
    ],
    compiler_params=pltpu.CompilerParams(needs_layout_passes=False),
)
def _gather_kernel(idx_hbm, table2_hbm, out_hbm, *bufs):
    idx_v = list(bufs[0:4])
    pidx_v = list(bufs[4:6])
    pair_v = list(bufs[6:8])
    tr_v = list(bufs[8:10])
    isem = list(bufs[10:14])
    gsem = list(bufs[14:16])
    osem = list(bufs[16:18])

    wid = lax.axis_index("s") * NC + lax.axis_index("c")
    q0 = wid * ITEMS_PER_W

    def idx_slice(i):
        q = q0 + i
        return idx_hbm.at[q // NBC, pl.ds((q % NBC) * CB, CB)]

    def start_idx(i, r):
        pltpu.async_copy(idx_slice(i), idx_v[r], isem[r])

    def wait_idx(i, r):
        pltpu.make_async_copy(idx_slice(i), idx_v[r], isem[r]).wait()

    def mk_pidx(r, b):
        def grp(g, c2):
            v = idx_v[r][pl.ds(g * L, L)]
            j = lax.shift_right_logical(v, 12)
            q = jnp.bitwise_and(v, 4095)
            p = lax.shift_left(j, 11) + jnp.bitwise_and(q, 2047)
            pidx_v[b][pl.ds(g * L, L)] = p
            return c2

        lax.fori_loop(0, CB // L, grp, 0)

    def start_gather(b):
        pltpu.async_copy(table2_hbm.at[pidx_v[b]], pair_v[b], gsem[b])

    def wait_gather(b):
        pltpu.make_async_copy(table2_hbm.at[pidx_v[b]], pair_v[b], gsem[b]).wait()

    def out_slice(i):
        q = q0 + i
        return out_hbm.at[q // NBC, :, pl.ds((q % NBC) * CB, CB)]

    def start_store(i, b):
        pltpu.async_copy(tr_v[b], out_slice(i), osem[b])

    def wait_store(i, b):
        pltpu.make_async_copy(tr_v[b], out_slice(i), osem[b]).wait()

    def transpose(r, b):
        def grp(g, c2):
            jvec = g * L + lax.iota(jnp.int32, L)
            raw = idx_v[r][pl.ds(g * L, L)]
            hi = jnp.bitwise_and(raw, 4095) >= PACK_W
            colbase = jnp.where(hi, DIM, 0)
            for c4 in range(0, DIM, 4):
                v0 = plsc.load_gather(pair_v[b], [jvec, colbase + c4])
                v1 = plsc.load_gather(pair_v[b], [jvec, colbase + (c4 + 1)])
                v2 = plsc.load_gather(pair_v[b], [jvec, colbase + (c4 + 2)])
                v3 = plsc.load_gather(pair_v[b], [jvec, colbase + (c4 + 3)])
                tr_v[b][c4, pl.ds(g * L, L)] = v0
                tr_v[b][c4 + 1, pl.ds(g * L, L)] = v1
                tr_v[b][c4 + 2, pl.ds(g * L, L)] = v2
                tr_v[b][c4 + 3, pl.ds(g * L, L)] = v3
            return c2

        lax.fori_loop(0, CB // L, grp, 0)

    start_idx(0, 0)
    start_idx(1, 1)
    wait_idx(0, 0)
    mk_pidx(0, 0)
    start_gather(0)

    def outer(h, carry):
        for u in range(4):
            i = h * 4 + u
            b = u % 2
            bn = 1 - b
            rn = (u + 1) % 4
            wait_gather(b)

            @pl.when(i + 1 < ITEMS_PER_W)
            def _():
                wait_idx(i + 1, rn)
                mk_pidx(rn, bn)

                @pl.when(i + 1 >= 2)
                def _():
                    wait_store(i - 1, bn)

                start_gather(bn)

                @pl.when(i + 2 < ITEMS_PER_W)
                def _():
                    start_idx(i + 2, (u + 2) % 4)

            transpose(u % 4, b)
            start_store(i, b)
        return carry

    lax.fori_loop(0, ITEMS_PER_W // 4, outer, 0)

    wait_store(ITEMS_PER_W - 2, 0)
    wait_store(ITEMS_PER_W - 1, 1)


def kernel(inputs, embed_weight):
    idx_t = inputs.T
    table2 = _pack_kernel(embed_weight.T)
    out_t = _gather_kernel(idx_t, table2)
    return jnp.transpose(out_t, (2, 0, 1))

# --- scband reference (transcript-rebuilt; emitter-appended) ---
"""Pipeline reference for scband-text-field-embedder-tokens-24790551232697 (READ-ONLY COPY).

The authoritative reference and input builder live on the scoring server;
editing this copy changes nothing except your own understanding.
"""

import jax, jax.numpy as jnp
import numpy as np

VOCAB = 1000000
DIM = 64
BATCH = 4096
HIST = 200

def setup_inputs(seed: int = 0) -> dict:
    key = jax.random.key(seed)
    k1, k2 = jax.random.split(key)
    inputs = jax.random.randint(k1, (BATCH, HIST), 0, VOCAB, dtype=jnp.int64 if jax.config.jax_enable_x64 else jnp.int32)
    embed_weight = jax.random.normal(k2, (VOCAB, DIM), dtype=jnp.float32)
    return {"inputs": inputs, "embed_weight": embed_weight}

def reference(inputs, embed_weight):
    # forward: self.dropout(self.embed(inputs)); dropout p=0.0 (eval) -> identity
    out = jnp.take(embed_weight, inputs, axis=0)
    return out

if __name__ == "__main__":
    import jax
    _d = setup_inputs()
    print(jax.jit(kernel)(*tuple(_d.values())))

</pallas_src>

<mosaic_0001>
#map = affine_map<(d0, d1) -> (0, 0)>
#map1 = affine_map<(d0, d1) -> (0, 0, 0)>
module attributes {stable_mosaic.version = 14 : i64} {
  func.func @_gather_kernel(%arg0: i32, %arg1: i32, %arg2: memref<200x4096xi32, #tpu.memory_space<hbm>>, %arg3: memref<501760x128xf32, #tpu.memory_space<hbm>>, %arg4: memref<200x64x4096xf32, #tpu.memory_space<hbm>>, %arg5: memref<256xi32, #tpu.memory_space<vmem>>, %arg6: memref<256xi32, #tpu.memory_space<vmem>>, %arg7: memref<256xi32, #tpu.memory_space<vmem>>, %arg8: memref<256xi32, #tpu.memory_space<vmem>>, %arg9: memref<256xi32, #tpu.memory_space<vmem>>, %arg10: memref<256xi32, #tpu.memory_space<vmem>>, %arg11: memref<256x128xf32, #tpu.memory_space<vmem>>, %arg12: memref<256x128xf32, #tpu.memory_space<vmem>>, %arg13: memref<64x256xf32, #tpu.memory_space<vmem>>, %arg14: memref<64x256xf32, #tpu.memory_space<vmem>>, %arg15: memref<!tpu.dma_semaphore, #tpu.memory_space<semaphore_mem>>, %arg16: memref<!tpu.dma_semaphore, #tpu.memory_space<semaphore_mem>>, %arg17: memref<!tpu.dma_semaphore, #tpu.memory_space<semaphore_mem>>, %arg18: memref<!tpu.dma_semaphore, #tpu.memory_space<semaphore_mem>>, %arg19: memref<!tpu.dma_semaphore, #tpu.memory_space<semaphore_mem>>, %arg20: memref<!tpu.dma_semaphore, #tpu.memory_space<semaphore_mem>>, %arg21: memref<!tpu.dma_semaphore, #tpu.memory_space<semaphore_mem>>, %arg22: memref<!tpu.dma_semaphore, #tpu.memory_space<semaphore_mem>>) attributes {dimension_semantics = [#tpu.dimension_semantics<core_parallel>, #tpu.dimension_semantics<subcore_parallel>], iteration_bounds = array<i64: 2, 16>, scalar_prefetch = 0 : i64, scratch_operands = 18 : i64, tpu.core_type = #tpu.core_type<sc_vector_subcore>, window_params = [{transform_indices = #map}, {transform_indices = #map}, {transform_indices = #map1}]} {
    %mul3A = arith.constant 2 : i32
    %mul3A_0 = arith.muli %arg1, %mul3A : i32
    %add3A = arith.addi %mul3A_0, %arg0 : i32
    %mul3A_1 = arith.constant 100 : i32
    %mul3A_2 = arith.muli %add3A, %mul3A_1 : i32
    %add3A_3 = arith.constant 0 : i32
    %add3A_4 = arith.addi %mul3A_2, %add3A_3 : i32
    %jit3A = arith.constant 16 : i32
    %div3A = arith.divsi %add3A_4, %jit3A : i32
    %sign3A = arith.constant 0 : i32
    %sign3A_5 = arith.cmpi sgt, %add3A_4, %sign3A : i32
    %sign3A_6 = arith.extui %sign3A_5 : i1 to i32
    %sign3A_7 = arith.constant 0 : i32
    %sign3A_8 = arith.cmpi slt, %add3A_4, %sign3A_7 : i32
    %sign3A_9 = arith.extui %sign3A_8 : i1 to i32
    %sign3A_10 = arith.subi %sign3A_6, %sign3A_9 : i32
    %sign3A_11 = arith.constant 0 : i32
    %sign3A_12 = arith.cmpi sgt, %jit3A, %sign3A_11 : i32
    %sign3A_13 = arith.extui %sign3A_12 : i1 to i32
    %sign3A_14 = arith.constant 0 : i32
    %sign3A_15 = arith.cmpi slt, %jit3A, %sign3A_14 : i32
    %sign3A_16 = arith.extui %sign3A_15 : i1 to i32
    %sign3A_17 = arith.subi %sign3A_13, %sign3A_16 : i32
    %ne3A = arith.cmpi ne, %sign3A_10, %sign3A_17 : i32
    %rem3A = arith.remsi %add3A_4, %jit3A : i32
    %ne3A_18 = arith.constant 0 : i32
    %ne3A_19 = arith.cmpi ne, %rem3A, %ne3A_18 : i32
    %and3A = arith.andi %ne3A, %ne3A_19 : i1
    %sub3A = arith.constant 1 : i32
    %sub3A_20 = arith.subi %div3A, %sub3A : i32
    %select_n3A = arith.select %and3A, %sub3A_20, %div3A : i32
    %jit3A_21 = arith.constant 16 : i32
    %eq3A = arith.constant 0 : i32
    %eq3A_22 = arith.cmpi eq, %jit3A_21, %eq3A : i32
    %jit3A_23 = arith.constant 1 : i32
    %select_n3A_24 = arith.select %eq3A_22, %jit3A_23, %jit3A_21 : i32
    %rem3A_25 = arith.remsi %add3A_4, %select_n3A_24 : i32
    %ne3A_26 = arith.constant 0 : i32
    %ne3A_27 = arith.cmpi ne, %rem3A_25, %ne3A_26 : i32
    %lt3A = arith.constant 0 : i32
    %lt3A_28 = arith.cmpi slt, %rem3A_25, %lt3A : i32
    %lt3A_29 = arith.constant 0 : i32
    %lt3A_30 = arith.cmpi slt, %select_n3A_24, %lt3A_29 : i32
    %ne3A_31 = arith.xori %lt3A_28, %lt3A_30 : i1
    %and3A_32 = arith.andi %ne3A_31, %ne3A_27 : i1
    %add3A_33 = arith.addi %rem3A_25, %select_n3A_24 : i32
    %select_n3A_34 = arith.select %and3A_32, %add3A_33, %rem3A_25 : i32
    %mul3A_35 = arith.constant 256 : i32
    %mul3A_36 = arith.muli %select_n3A_34, %mul3A_35 : i32
    %dma_start3A = tpu.memref_slice %arg2[%select_n3A, %mul3A_36] : memref<200x4096xi32, #tpu.memory_space<hbm>> -> memref<1x256xi32, #tpu.memory_space<hbm>>
    %dma_start3A_37 = tpu.memref_squeeze %dma_start3A : memref<1x256xi32, #tpu.memory_space<hbm>> -> memref<256xi32, #tpu.memory_space<hbm>>
    %dma_start3A_38 = tpu.memref_slice %arg2[%select_n3A, %mul3A_36] : memref<200x4096xi32, #tpu.memory_space<hbm>> -> memref<1x256xi32, #tpu.memory_space<hbm>>
    %dma_start3A_39 = tpu.memref_squeeze %dma_start3A_38 : memref<1x256xi32, #tpu.memory_space<hbm>> -> memref<256xi32, #tpu.memory_space<hbm>>
    tpu.enqueue_dma source(%dma_start3A_39 : memref<256xi32, #tpu.memory_space<hbm>>) target(%arg5 : memref<256xi32, #tpu.memory_space<vmem>>) target_semaphore(%arg15 : memref<!tpu.dma_semaphore, #tpu.memory_space<semaphore_mem>>)
    %add3A_40 = arith.constant 1 : i32
    %add3A_41 = arith.addi %mul3A_2, %add3A_40 : i32
    %jit3A_42 = arith.constant 16 : i32
    %div3A_43 = arith.divsi %add3A_41, %jit3A_42 : i32
    %sign3A_44 = arith.constant 0 : i32
    %sign3A_45 = arith.cmpi sgt, %add3A_41, %sign3A_44 : i32
    %sign3A_46 = arith.extui %sign3A_45 : i1 to i32
    %sign3A_47 = arith.constant 0 : i32
    %sign3A_48 = arith.cmpi slt, %add3A_41, %sign3A_47 : i32
    %sign3A_49 = arith.extui %sign3A_48 : i1 to i32
    %sign3A_50 = arith.subi %sign3A_46, %sign3A_49 : i32
    %sign3A_51 = arith.constant 0 : i32
    %sign3A_52 = arith.cmpi sgt, %jit3A_42, %sign3A_51 : i32
    %sign3A_53 = arith.extui %sign3A_52 : i1 to i32
    %sign3A_54 = arith.constant 0 : i32
    %sign3A_55 = arith.cmpi slt, %jit3A_42, %sign3A_54 : i32
    %sign3A_56 = arith.extui %sign3A_55 : i1 to i32
    %sign3A_57 = arith.subi %sign3A_53, %sign3A_56 : i32
    %ne3A_58 = arith.cmpi ne, %sign3A_50, %sign3A_57 : i32
    %rem3A_59 = arith.remsi %add3A_41, %jit3A_42 : i32
    %ne3A_60 = arith.constant 0 : i32
    %ne3A_61 = arith.cmpi ne, %rem3A_59, %ne3A_60 : i32
    %and3A_62 = arith.andi %ne3A_58, %ne3A_61 : i1
    %sub3A_63 = arith.constant 1 : i32
    %sub3A_64 = arith.subi %div3A_43, %sub3A_63 : i32
    %select_n3A_65 = arith.select %and3A_62, %sub3A_64, %div3A_43 : i32
    %jit3A_66 = arith.constant 16 : i32
    %eq3A_67 = arith.constant 0 : i32
    %eq3A_68 = arith.cmpi eq, %jit3A_66, %eq3A_67 : i32
    %jit3A_69 = arith.constant 1 : i32
    %select_n3A_70 = arith.select %eq3A_68, %jit3A_69, %jit3A_66 : i32
    %rem3A_71 = arith.remsi %add3A_41, %select_n3A_70 : i32
    %ne3A_72 = arith.constant 0 : i32
    %ne3A_73 = arith.cmpi ne, %rem3A_71, %ne3A_72 : i32
    %lt3A_74 = arith.constant 0 : i32
    %lt3A_75 = arith.cmpi slt, %rem3A_71, %lt3A_74 : i32
    %lt3A_76 = arith.constant 0 : i32
    %lt3A_77 = arith.cmpi slt, %select_n3A_70, %lt3A_76 : i32
    %ne3A_78 = arith.xori %lt3A_75, %lt3A_77 : i1
    %and3A_79 = arith.andi %ne3A_78, %ne3A_73 : i1
    %add3A_80 = arith.addi %rem3A_71, %select_n3A_70 : i32
    %select_n3A_81 = arith.select %and3A_79, %add3A_80, %rem3A_71 : i32
    %mul3A_82 = arith.constant 256 : i32
    %mul3A_83 = arith.muli %select_n3A_81, %mul3A_82 : i32
    %dma_start3A_84 = tpu.memref_slice %arg2[%select_n3A_65, %mul3A_83] : memref<200x4096xi32, #tpu.memory_space<hbm>> -> memref<1x256xi32, #tpu.memory_space<hbm>>
    %dma_start3A_85 = tpu.memref_squeeze %dma_start3A_84 : memref<1x256xi32, #tpu.memory_space<hbm>> -> memref<256xi32, #tpu.memory_space<hbm>>
    %dma_start3A_86 = tpu.memref_slice %arg2[%select_n3A_65, %mul3A_83] : memref<200x4096xi32, #tpu.memory_space<hbm>> -> memref<1x256xi32, #tpu.memory_space<hbm>>
    %dma_start3A_87 = tpu.memref_squeeze %dma_start3A_86 : memref<1x256xi32, #tpu.memory_space<hbm>> -> memref<256xi32, #tpu.memory_space<hbm>>
    tpu.enqueue_dma source(%dma_start3A_87 : memref<256xi32, #tpu.memory_space<hbm>>) target(%arg6 : memref<256xi32, #tpu.memory_space<vmem>>) target_semaphore(%arg16 : memref<!tpu.dma_semaphore, #tpu.memory_space<semaphore_mem>>)
    %add3A_88 = arith.constant 0 : i32
    %add3A_89 = arith.addi %mul3A_2, %add3A_88 : i32
    %jit3A_90 = arith.constant 16 : i32
    %div3A_91 = arith.divsi %add3A_89, %jit3A_90 : i32
    %sign3A_92 = arith.constant 0 : i32
    %sign3A_93 = arith.cmpi sgt, %add3A_89, %sign3A_92 : i32
    %sign3A_94 = arith.extui %sign3A_93 : i1 to i32
    %sign3A_95 = arith.constant 0 : i32
    %sign3A_96 = arith.cmpi slt, %add3A_89, %sign3A_95 : i32
    %sign3A_97 = arith.extui %sign3A_96 : i1 to i32
    %sign3A_98 = arith.subi %sign3A_94, %sign3A_97 : i32
    %sign3A_99 = arith.constant 0 : i32
    %sign3A_100 = arith.cmpi sgt, %jit3A_90, %sign3A_99 : i32
    %sign3A_101 = arith.extui %sign3A_100 : i1 to i32
    %sign3A_102 = arith.constant 0 : i32
    %sign3A_103 = arith.cmpi slt, %jit3A_90, %sign3A_102 : i32
    %sign3A_104 = arith.extui %sign3A_103 : i1 to i32
    %sign3A_105 = arith.subi %sign3A_101, %sign3A_104 : i32
    %ne3A_106 = arith.cmpi ne, %sign3A_98, %sign3A_105 : i32
    %rem3A_107 = arith.remsi %add3A_89, %jit3A_90 : i32
    %ne3A_108 = arith.constant 0 : i32
    %ne3A_109 = arith.cmpi ne, %rem3A_107, %ne3A_108 : i32
    %and3A_110 = arith.andi %ne3A_106, %ne3A_109 : i1
    %sub3A_111 = arith.constant 1 : i32
    %sub3A_112 = arith.subi %div3A_91, %sub3A_111 : i32
    %select_n3A_113 = arith.select %and3A_110, %sub3A_112, %div3A_91 : i32
    %jit3A_114 = arith.constant 16 : i32
    %eq3A_115 = arith.constant 0 : i32
    %eq3A_116 = arith.cmpi eq, %jit3A_114, %eq3A_115 : i32
    %jit3A_117 = arith.constant 1 : i32
    %select_n3A_118 = arith.select %eq3A_116, %jit3A_117, %jit3A_114 : i32
    %rem3A_119 = arith.remsi %add3A_89, %select_n3A_118 : i32
    %ne3A_120 = arith.constant 0 : i32
    %ne3A_121 = arith.cmpi ne, %rem3A_119, %ne3A_120 : i32
    %lt3A_122 = arith.constant 0 : i32
    %lt3A_123 = arith.cmpi slt, %rem3A_119, %lt3A_122 : i32
    %lt3A_124 = arith.constant 0 : i32
    %lt3A_125 = arith.cmpi slt, %select_n3A_118, %lt3A_124 : i32
    %ne3A_126 = arith.xori %lt3A_123, %lt3A_125 : i1
    %and3A_127 = arith.andi %ne3A_126, %ne3A_121 : i1
    %add3A_128 = arith.addi %rem3A_119, %select_n3A_118 : i32
    %select_n3A_129 = arith.select %and3A_127, %add3A_128, %rem3A_119 : i32
    %mul3A_130 = arith.constant 256 : i32
    %mul3A_131 = arith.muli %select_n3A_129, %mul3A_130 : i32
    %dma_wait3A = tpu.memref_slice %arg2[%select_n3A_113, %mul3A_131] : memref<200x4096xi32, #tpu.memory_space<hbm>> -> memref<1x256xi32, #tpu.memory_space<hbm>>
    %dma_wait3A_132 = tpu.memref_squeeze %dma_wait3A : memref<1x256xi32, #tpu.memory_space<hbm>> -> memref<256xi32, #tpu.memory_space<hbm>>
    %dma_wait3A_133 = tpu.memref_slice %arg2[%select_n3A_113, %mul3A_131] : memref<200x4096xi32, #tpu.memory_space<hbm>> -> memref<1x256xi32, #tpu.memory_space<hbm>>
    %dma_wait3A_134 = tpu.memref_squeeze %dma_wait3A_133 : memref<1x256xi32, #tpu.memory_space<hbm>> -> memref<256xi32, #tpu.memory_space<hbm>>
    tpu.wait_dma2 semaphore(%arg15 : memref<!tpu.dma_semaphore, #tpu.memory_space<semaphore_mem>>) src(%dma_wait3A_134 : memref<256xi32, #tpu.memory_space<hbm>>) dst(%arg5 : memref<256xi32, #tpu.memory_space<vmem>>)
    %scan3A = arith.constant 0 : i32
    %scan3A_135 = arith.constant 0 : i32
    %scan3A_136 = arith.constant 16 : i32
    %scan3A_137 = arith.addi %scan3A_135, %scan3A_136 : i32
    %scan3A_138 = arith.constant 1 : i32
    scf.for %scan3A_249 = %scan3A_135 to %scan3A_137 step %scan3A_138  : i32 {
      %mul3A_250 = arith.constant 16 : i32
      %mul3A_251 = arith.muli %scan3A_249, %mul3A_250 : i32
      %get3A = arith.index_cast %mul3A_251 : i32 to index
      %get3A_252 = tpu.vector_load %arg5[%get3A] {strides = array<i32>} : memref<256xi32, #tpu.memory_space<vmem>>, vector<16xi32>,
      %shift_right_logical3A = arith.constant 12 : i32
      %shift_right_logical3A_253 = vector.broadcast %shift_right_logical3A : i32 to vector<16xi32>
      %shift_right_logical3A_254 = arith.shrui %get3A_252, %shift_right_logical3A_253 : vector<16xi32>
      %and3A_255 = arith.constant 4095 : i32
      %and3A_256 = vector.broadcast %and3A_255 : i32 to vector<16xi32>
      %and3A_257 = arith.andi %get3A_252, %and3A_256 : vector<16xi32>
      %shift_left3A = arith.constant 11 : i32
      %shift_left3A_258 = vector.broadcast %shift_left3A : i32 to vector<16xi32>
      %shift_left3A_259 = arith.shli %shift_right_logical3A_254, %shift_left3A_258 : vector<16xi32>
      %and3A_260 = arith.constant 2047 : i32
      %and3A_261 = vector.broadcast %and3A_260 : i32 to vector<16xi32>
      %and3A_262 = arith.andi %and3A_257, %and3A_261 : vector<16xi32>
      %add3A_263 = arith.addi %shift_left3A_259, %and3A_262 : vector<16xi32>
      %mul3A_264 = arith.constant 16 : i32
      %mul3A_265 = arith.muli %scan3A_249, %mul3A_264 : i32
      %swap3A = arith.index_cast %mul3A_265 : i32 to index
      %swap3A_266 = tpu.vector_load %arg9[%swap3A] {strides = array<i32>} : memref<256xi32, #tpu.memory_space<vmem>>, vector<16xi32>,
      tpu.vector_store %arg9[%swap3A], %add3A_263 {strides = array<i32>} : memref<256xi32, #tpu.memory_space<vmem>>, vector<16xi32>,
    }
    %scan3A_139 = arith.constant 16 : i32
    %dma_start3A_140 = arith.constant 0 : i32
    %dma_start3A_141 = arith.constant 0 : i32
    %dma_start3A_142 = tpu.memref_slice %arg3[%dma_start3A_140, %dma_start3A_141] : memref<501760x128xf32, #tpu.memory_space<hbm>> -> memref<501760x128xf32, #tpu.memory_space<hbm>>
    tpu.enqueue_indirect_dma source(%dma_start3A_142 : memref<501760x128xf32, #tpu.memory_space<hbm>>) target(%arg11 : memref<256x128xf32, #tpu.memory_space<vmem>>) offsets(%arg9 : memref<256xi32, #tpu.memory_space<vmem>>) semaphore(%arg19 : memref<!tpu.dma_semaphore, #tpu.memory_space<semaphore_mem>>)
    %scan3A_143 = arith.constant 0 : i32
    %scan3A_144 = arith.constant 0 : i32
    %scan3A_145 = arith.constant 25 : i32
    %scan3A_146 = arith.addi %scan3A_144, %scan3A_145 : i32
    %scan3A_147 = arith.constant 1 : i32
    scf.for %scan3A_249 = %scan3A_144 to %scan3A_146 step %scan3A_147  : i32 {
      %mul3A_250 = arith.constant 4 : i32
      %mul3A_251 = arith.muli %scan3A_249, %mul3A_250 : i32
      %add3A_252 = arith.constant 0 : i32
      %add3A_253 = arith.addi %mul3A_251, %add3A_252 : i32
      %dma_wait3A_254 = arith.constant 0 : i32
      %dma_wait3A_255 = arith.constant 0 : i32
      %dma_wait3A_256 = tpu.memref_slice %arg3[%dma_wait3A_254, %dma_wait3A_255] : memref<501760x128xf32, #tpu.memory_space<hbm>> -> memref<501760x128xf32, #tpu.memory_space<hbm>>
      tpu.wait_indirect_dma semaphore(%arg19 : memref<!tpu.dma_semaphore, #tpu.memory_space<semaphore_mem>>) src(%dma_wait3A_256 : memref<501760x128xf32, #tpu.memory_space<hbm>>) dst(%arg11 : memref<256x128xf32, #tpu.memory_space<vmem>>)
      %add3A_257 = arith.constant 1 : i32
      %add3A_258 = arith.addi %add3A_253, %add3A_257 : i32
      %lt3A_259 = arith.constant 100 : i32
      %lt3A_260 = arith.cmpi slt, %add3A_258, %lt3A_259 : i32
      %convert_element_type3A = arith.extui %lt3A_260 : i1 to i32
      %cond3A = arith.constant 0 : i32
      %cond3A_261 = arith.cmpi ne, %convert_element_type3A, %cond3A : i32
      scf.if %cond3A_261 {
        %add3A_524 = arith.constant 1 : i32
        %add3A_525 = arith.addi %add3A_253, %add3A_524 : i32
        %add3A_526 = arith.addi %mul3A_2, %add3A_525 : i32
        %jit3A_527 = arith.constant 16 : i32
        %div3A_528 = arith.divsi %add3A_526, %jit3A_527 : i32
        %sign3A_529 = arith.constant 0 : i32
        %sign3A_530 = arith.cmpi sgt, %add3A_526, %sign3A_529 : i32
        %sign3A_531 = arith.extui %sign3A_530 : i1 to i32
        %sign3A_532 = arith.constant 0 : i32
        %sign3A_533 = arith.cmpi slt, %add3A_526, %sign3A_532 : i32
        %sign3A_534 = arith.extui %sign3A_533 : i1 to i32
        %sign3A_535 = arith.subi %sign3A_531, %sign3A_534 : i32
        %sign3A_536 = arith.constant 0 : i32
        %sign3A_537 = arith.cmpi sgt, %jit3A_527, %sign3A_536 : i32
        %sign3A_538 = arith.extui %sign3A_537 : i1 to i32
        %sign3A_539 = arith.constant 0 : i32
        %sign3A_540 = arith.cmpi slt, %jit3A_527, %sign3A_539 : i32
        %sign3A_541 = arith.extui %sign3A_540 : i1 to i32
        %sign3A_542 = arith.subi %sign3A_538, %sign3A_541 : i32
        %ne3A_543 = arith.cmpi ne, %sign3A_535, %sign3A_542 : i32
        %rem3A_544 = arith.remsi %add3A_526, %jit3A_527 : i32
        %ne3A_545 = arith.constant 0 : i32
        %ne3A_546 = arith.cmpi ne, %rem3A_544, %ne3A_545 : i32
        %and3A_547 = arith.andi %ne3A_543, %ne3A_546 : i1
        %sub3A_548 = arith.constant 1 : i32
        %sub3A_549 = arith.subi %div3A_528, %sub3A_548 : i32
        %select_n3A_550 = arith.select %and3A_547, %sub3A_549, %div3A_528 : i32
        %jit3A_551 = arith.constant 16 : i32
        %eq3A_552 = arith.constant 0 : i32
        %eq3A_553 = arith.cmpi eq, %jit3A_551, %eq3A_552 : i32
        %jit3A_554 = arith.constant 1 : i32
        %select_n3A_555 = arith.select %eq3A_553, %jit3A_554, %jit3A_551 : i32
        %rem3A_556 = arith.remsi %add3A_526, %select_n3A_555 : i32
        %ne3A_557 = arith.constant 0 : i32
        %ne3A_558 = arith.cmpi ne, %rem3A_556, %ne3A_557 : i32
        %lt3A_559 = arith.constant 0 : i32
        %lt3A_560 = arith.cmpi slt, %rem3A_556, %lt3A_559 : i32
        %lt3A_561 = arith.constant 0 : i32
        %lt3A_562 = arith.cmpi slt, %select_n3A_555, %lt3A_561 : i32
        %ne3A_563 = arith.xori %lt3A_560, %lt3A_562 : i1
        %and3A_564 = arith.andi %ne3A_563, %ne3A_558 : i1
        %add3A_565 = arith.addi %rem3A_556, %select_n3A_555 : i32
        %select_n3A_566 = arith.select %and3A_564, %add3A_565, %rem3A_556 : i32
        %mul3A_567 = arith.constant 256 : i32
        %mul3A_568 = arith.muli %select_n3A_566, %mul3A_567 : i32
        %dma_wait3A_569 = tpu.memref_slice %arg2[%select_n3A_550, %mul3A_568] : memref<200x4096xi32, #tpu.memory_space<hbm>> -> memref<1x256xi32, #tpu.memory_space<hbm>>
        %dma_wait3A_570 = tpu.memref_squeeze %dma_wait3A_569 : memref<1x256xi32, #tpu.memory_space<hbm>> -> memref<256xi32, #tpu.memory_space<hbm>>
        %dma_wait3A_571 = tpu.memref_slice %arg2[%select_n3A_550, %mul3A_568] : memref<200x4096xi32, #tpu.memory_space<hbm>> -> memref<1x256xi32, #tpu.memory_space<hbm>>
        %dma_wait3A_572 = tpu.memref_squeeze %dma_wait3A_571 : memref<1x256xi32, #tpu.memory_space<hbm>> -> memref<256xi32, #tpu.memory_space<hbm>>
        tpu.wait_dma2 semaphore(%arg16 : memref<!tpu.dma_semaphore, #tpu.memory_space<semaphore_mem>>) src(%dma_wait3A_572 : memref<256xi32, #tpu.memory_space<hbm>>) dst(%arg6 : memref<256xi32, #tpu.memory_space<vmem>>)
        %scan3A_573 = arith.constant 0 : i32
        %scan3A_574 = arith.constant 0 : i32
        %scan3A_575 = arith.constant 16 : i32
        %scan3A_576 = arith.addi %scan3A_574, %scan3A_575 : i32
        %scan3A_577 = arith.constant 1 : i32
        scf.for %scan3A_595 = %scan3A_574 to %scan3A_576 step %scan3A_577  : i32 {
          %mul3A_596 = arith.constant 16 : i32
          %mul3A_597 = arith.muli %scan3A_595, %mul3A_596 : i32
          %get3A = arith.index_cast %mul3A_597 : i32 to index
          %get3A_598 = tpu.vector_load %arg6[%get3A] {strides = array<i32>} : memref<256xi32, #tpu.memory_space<vmem>>, vector<16xi32>,
          %shift_right_logical3A = arith.constant 12 : i32
          %shift_right_logical3A_599 = vector.broadcast %shift_right_logical3A : i32 to vector<16xi32>
          %shift_right_logical3A_600 = arith.shrui %get3A_598, %shift_right_logical3A_599 : vector<16xi32>
          %and3A_601 = arith.constant 4095 : i32
          %and3A_602 = vector.broadcast %and3A_601 : i32 to vector<16xi32>
          %and3A_603 = arith.andi %get3A_598, %and3A_602 : vector<16xi32>
          %shift_left3A = arith.constant 11 : i32
          %shift_left3A_604 = vector.broadcast %shift_left3A : i32 to vector<16xi32>
          %shift_left3A_605 = arith.shli %shift_right_logical3A_600, %shift_left3A_604 : vector<16xi32>
          %and3A_606 = arith.constant 2047 : i32
          %and3A_607 = vector.broadcast %and3A_606 : i32 to vector<16xi32>
          %and3A_608 = arith.andi %and3A_603, %and3A_607 : vector<16xi32>
          %add3A_609 = arith.addi %shift_left3A_605, %and3A_608 : vector<16xi32>
          %mul3A_610 = arith.constant 16 : i32
          %mul3A_611 = arith.muli %scan3A_595, %mul3A_610 : i32
          %swap3A = arith.index_cast %mul3A_611 : i32 to index
          %swap3A_612 = tpu.vector_load %arg10[%swap3A] {strides = array<i32>} : memref<256xi32, #tpu.memory_space<vmem>>, vector<16xi32>,
          tpu.vector_store %arg10[%swap3A], %add3A_609 {strides = array<i32>} : memref<256xi32, #tpu.memory_space<vmem>>, vector<16xi32>,
        }
        %scan3A_578 = arith.constant 16 : i32
        %add3A_579 = arith.constant 1 : i32
        %add3A_580 = arith.addi %add3A_253, %add3A_579 : i32
        %ge3A = arith.constant 2 : i32
        %ge3A_581 = arith.cmpi sge, %add3A_580, %ge3A : i32
        %convert_element_type3A_582 = arith.extui %ge3A_581 : i1 to i32
        %cond3A_583 = arith.constant 0 : i32
        %cond3A_584 = arith.cmpi ne, %convert_element_type3A_582, %cond3A_583 : i32
        scf.if %cond3A_584 {
          %sub3A_595 = arith.constant 1 : i32
          %sub3A_596 = arith.subi %add3A_253, %sub3A_595 : i32
          %add3A_597 = arith.addi %mul3A_2, %sub3A_596 : i32
          %jit3A_598 = arith.constant 16 : i32
          %div3A_599 = arith.divsi %add3A_597, %jit3A_598 : i32
          %sign3A_600 = arith.constant 0 : i32
          %sign3A_601 = arith.cmpi sgt, %add3A_597, %sign3A_600 : i32
          %sign3A_602 = arith.extui %sign3A_601 : i1 to i32
          %sign3A_603 = arith.constant 0 : i32
          %sign3A_604 = arith.cmpi slt, %add3A_597, %sign3A_603 : i32
          %sign3A_605 = arith.extui %sign3A_604 : i1 to i32
          %sign3A_606 = arith.subi %sign3A_602, %sign3A_605 : i32
          %sign3A_607 = arith.constant 0 : i32
          %sign3A_608 = arith.cmpi sgt, %jit3A_598, %sign3A_607 : i32
          %sign3A_609 = arith.extui %sign3A_608 : i1 to i32
          %sign3A_610 = arith.constant 0 : i32
          %sign3A_611 = arith.cmpi slt, %jit3A_598, %sign3A_610 : i32
          %sign3A_612 = arith.extui %sign3A_611 : i1 to i32
          %sign3A_613 = arith.subi %sign3A_609, %sign3A_612 : i32
          %ne3A_614 = arith.cmpi ne, %sign3A_606, %sign3A_613 : i32
          %rem3A_615 = arith.remsi %add3A_597, %jit3A_598 : i32
          %ne3A_616 = arith.constant 0 : i32
          %ne3A_617 = arith.cmpi ne, %rem3A_615, %ne3A_616 : i32
          %and3A_618 = arith.andi %ne3A_614, %ne3A_617 : i1
          %sub3A_619 = arith.constant 1 : i32
          %sub3A_620 = arith.subi %div3A_599, %sub3A_619 : i32
          %select_n3A_621 = arith.select %and3A_618, %sub3A_620, %div3A_599 : i32
          %jit3A_622 = arith.constant 16 : i32
          %eq3A_623 = arith.constant 0 : i32
          %eq3A_624 = arith.cmpi eq, %jit3A_622, %eq3A_623 : i32
          %jit3A_625 = arith.constant 1 : i32
          %select_n3A_626 = arith.select %eq3A_624, %jit3A_625, %jit3A_622 : i32
          %rem3A_627 = arith.remsi %add3A_597, %select_n3A_626 : i32
          %ne3A_628 = arith.constant 0 : i32
          %ne3A_629 = arith.cmpi ne, %rem3A_627, %ne3A_628 : i32
          %lt3A_630 = arith.constant 0 : i32
          %lt3A_631 = arith.cmpi slt, %rem3A_627, %lt3A_630 : i32
          %lt3A_632 = arith.constant 0 : i32
          %lt3A_633 = arith.cmpi slt, %select_n3A_626, %lt3A_632 : i32
          %ne3A_634 = arith.xori %lt3A_631, %lt3A_633 : i1
          %and3A_635 = arith.andi %ne3A_634, %ne3A_629 : i1
          %add3A_636 = arith.addi %rem3A_627, %select_n3A_626 : i32
          %select_n3A_637 = arith.select %and3A_635, %add3A_636, %rem3A_627 : i32
          %mul3A_638 = arith.constant 256 : i32
          %mul3A_639 = arith.muli %select_n3A_637, %mul3A_638 : i32
          %dma_wait3A_640 = arith.constant 0 : i32
          %dma_wait3A_641 = tpu.memref_slice %arg4[%select_n3A_621, %dma_wait3A_640, %mul3A_639] : memref<200x64x4096xf32, #tpu.memory_space<hbm>> -> memref<1x64x256xf32, #tpu.memory_space<hbm>>
          %dma_wait3A_642 = tpu.memref_squeeze %dma_wait3A_641 : memref<1x64x256xf32, #tpu.memory_space<hbm>> -> memref<64x256xf32, #tpu.memory_space<hbm>>
          %dma_wait3A_643 = arith.constant 0 : i32
          %dma_wait3A_644 = tpu.memref_slice %arg4[%select_n3A_621, %dma_wait3A_643, %mul3A_639] : memref<200x64x4096xf32, #tpu.memory_space<hbm>> -> memref<1x64x256xf32, #tpu.memory_space<hbm>>
          %dma_wait3A_645 = tpu.memref_squeeze %dma_wait3A_644 : memref<1x64x256xf32, #tpu.memory_space<hbm>> -> memref<64x256xf32, #tpu.memory_space<hbm>>
          tpu.wait_dma2 semaphore(%arg22 : memref<!tpu.dma_semaphore, #tpu.memory_space<semaphore_mem>>) src(%arg14 : memref<64x256xf32, #tpu.memory_space<vmem>>) dst(%dma_wait3A_645 : memref<64x256xf32, #tpu.memory_space<hbm>>)
        } else {
        }
        %dma_start3A_585 = arith.constant 0 : i32
        %dma_start3A_586 = arith.constant 0 : i32
        %dma_start3A_587 = tpu.memref_slice %arg3[%dma_start3A_585, %dma_start3A_586] : memref<501760x128xf32, #tpu.memory_space<hbm>> -> memref<501760x128xf32, #tpu.memory_space<hbm>>
        tpu.enqueue_indirect_dma source(%dma_start3A_587 : memref<501760x128xf32, #tpu.memory_space<hbm>>) target(%arg12 : memref<256x128xf32, #tpu.memory_space<vmem>>) offsets(%arg10 : memref<256xi32, #tpu.memory_space<vmem>>) semaphore(%arg20 : memref<!tpu.dma_semaphore, #tpu.memory_space<semaphore_mem>>)
        %add3A_588 = arith.constant 2 : i32
        %add3A_589 = arith.addi %add3A_253, %add3A_588 : i32
        %lt3A_590 = arith.constant 100 : i32
        %lt3A_591 = arith.cmpi slt, %add3A_589, %lt3A_590 : i32
        %convert_element_type3A_592 = arith.extui %lt3A_591 : i1 to i32
        %cond3A_593 = arith.constant 0 : i32
        %cond3A_594 = arith.cmpi ne, %convert_element_type3A_592, %cond3A_593 : i32
        scf.if %cond3A_594 {
          %add3A_595 = arith.constant 2 : i32
          %add3A_596 = arith.addi %add3A_253, %add3A_595 : i32
          %add3A_597 = arith.addi %mul3A_2, %add3A_596 : i32
          %jit3A_598 = arith.constant 16 : i32
          %div3A_599 = arith.divsi %add3A_597, %jit3A_598 : i32
          %sign3A_600 = arith.constant 0 : i32
          %sign3A_601 = arith.cmpi sgt, %add3A_597, %sign3A_600 : i32
          %sign3A_602 = arith.extui %sign3A_601 : i1 to i32
          %sign3A_603 = arith.constant 0 : i32
          %sign3A_604 = arith.cmpi slt, %add3A_597, %sign3A_603 : i32
          %sign3A_605 = arith.extui %sign3A_604 : i1 to i32
          %sign3A_606 = arith.subi %sign3A_602, %sign3A_605 : i32
          %sign3A_607 = arith.constant 0 : i32
          %sign3A_608 = arith.cmpi sgt, %jit3A_598, %sign3A_607 : i32
          %sign3A_609 = arith.extui %sign3A_608 : i1 to i32
          %sign3A_610 = arith.constant 0 : i32
          %sign3A_611 = arith.cmpi slt, %jit3A_598, %sign3A_610 : i32
          %sign3A_612 = arith.extui %sign3A_611 : i1 to i32
          %sign3A_613 = arith.subi %sign3A_609, %sign3A_612 : i32
          %ne3A_614 = arith.cmpi ne, %sign3A_606, %sign3A_613 : i32
          %rem3A_615 = arith.remsi %add3A_597, %jit3A_598 : i32
          %ne3A_616 = arith.constant 0 : i32
          %ne3A_617 = arith.cmpi ne, %rem3A_615, %ne3A_616 : i32
          %and3A_618 = arith.andi %ne3A_614, %ne3A_617 : i1
          %sub3A_619 = arith.constant 1 : i32
          %sub3A_620 = arith.subi %div3A_599, %sub3A_619 : i32
          %select_n3A_621 = arith.select %and3A_618, %sub3A_620, %div3A_599 : i32
          %jit3A_622 = arith.constant 16 : i32
          %eq3A_623 = arith.constant 0 : i32
          %eq3A_624 = arith.cmpi eq, %jit3A_622, %eq3A_623 : i32
          %jit3A_625 = arith.constant 1 : i32
          %select_n3A_626 = arith.select %eq3A_624, %jit3A_625, %jit3A_622 : i32
          %rem3A_627 = arith.remsi %add3A_597, %select_n3A_626 : i32
          %ne3A_628 = arith.constant 0 : i32
          %ne3A_629 = arith.cmpi ne, %rem3A_627, %ne3A_628 : i32
          %lt3A_630 = arith.constant 0 : i32
          %lt3A_631 = arith.cmpi slt, %rem3A_627, %lt3A_630 : i32
          %lt3A_632 = arith.constant 0 : i32
          %lt3A_633 = arith.cmpi slt, %select_n3A_626, %lt3A_632 : i32
          %ne3A_634 = arith.xori %lt3A_631, %lt3A_633 : i1
          %and3A_635 = arith.andi %ne3A_634, %ne3A_629 : i1
          %add3A_636 = arith.addi %rem3A_627, %select_n3A_626 : i32
          %select_n3A_637 = arith.select %and3A_635, %add3A_636, %rem3A_627 : i32
          %mul3A_638 = arith.constant 256 : i32
          %mul3A_639 = arith.muli %select_n3A_637, %mul3A_638 : i32
          %dma_start3A_640 = tpu.memref_slice %arg2[%select_n3A_621, %mul3A_639] : memref<200x4096xi32, #tpu.memory_space<hbm>> -> memref<1x256xi32, #tpu.memory_space<hbm>>
          %dma_start3A_641 = tpu.memref_squeeze %dma_start3A_640 : memref<1x256xi32, #tpu.memory_space<hbm>> -> memref<256xi32, #tpu.memory_space<hbm>>
          %dma_start3A_642 = tpu.memref_slice %arg2[%select_n3A_621, %mul3A_639] : memref<200x4096xi32, #tpu.memory_space<hbm>> -> memref<1x256xi32, #tpu.memory_space<hbm>>
          %dma_start3A_643 = tpu.memref_squeeze %dma_start3A_642 : memref<1x256xi32, #tpu.memory_space<hbm>> -> memref<256xi32, #tpu.memory_space<hbm>>
          tpu.enqueue_dma source(%dma_start3A_643 : memref<256xi32, #tpu.memory_space<hbm>>) target(%arg7 : memref<256xi32, #tpu.memory_space<vmem>>) target_semaphore(%arg17 : memref<!tpu.dma_semaphore, #tpu.memory_space<semaphore_mem>>)
        } else {
        }
      } else {
      }
      %scan3A_262 = arith.constant 0 : i32
      %scan3A_263 = arith.constant 0 : i32
      %scan3A_264 = arith.constant 16 : i32
      %scan3A_265 = arith.addi %scan3A_263, %scan3A_264 : i32
      %scan3A_266 = arith.constant 1 : i32
      scf.for %scan3A_524 = %scan3A_263 to %scan3A_265 step %scan3A_266  : i32 {
        %mul3A_525 = arith.constant 16 : i32
        %mul3A_526 = arith.muli %scan3A_524, %mul3A_525 : i32
        %iota3A = tpu.iota {dimensions = array<i32: 0>} : vector<16xi32>
        %add3A_527 = vector.broadcast %mul3A_526 : i32 to vector<16xi32>
        %add3A_528 = arith.addi %add3A_527, %iota3A : vector<16xi32>
        %mul3A_529 = arith.constant 16 : i32
        %mul3A_530 = arith.muli %scan3A_524, %mul3A_529 : i32
        %get3A = arith.index_cast %mul3A_530 : i32 to index
        %get3A_531 = tpu.vector_load %arg5[%get3A] {strides = array<i32>} : memref<256xi32, #tpu.memory_space<vmem>>, vector<16xi32>,
        %and3A_532 = arith.constant 4095 : i32
        %and3A_533 = vector.broadcast %and3A_532 : i32 to vector<16xi32>
        %and3A_534 = arith.andi %get3A_531, %and3A_533 : vector<16xi32>
        %ge3A = arith.constant 2048 : i32
        %ge3A_535 = vector.broadcast %ge3A : i32 to vector<16xi32>
        %ge3A_536 = arith.cmpi sge, %and3A_534, %ge3A_535 : vector<16xi32>
        %jit3A_537 = arith.constant 64 : i32
        %jit3A_538 = arith.constant 0 : i32
        %broadcast_in_dim3A = vector.broadcast %jit3A_537 : i32 to vector<16xi32>
        %broadcast_in_dim3A_539 = vector.broadcast %jit3A_538 : i32 to vector<16xi32>
        %select_n3A_540 = arith.select %ge3A_536, %broadcast_in_dim3A, %broadcast_in_dim3A_539 : vector<16xi1>, vector<16xi32>
        %add3A_541 = arith.constant 0 : i32
        %add3A_542 = vector.broadcast %add3A_541 : i32 to vector<16xi32>
        %add3A_543 = arith.addi %select_n3A_540, %add3A_542 : vector<16xi32>
        %gather3A = tpu.vector_load_idx %arg11[%add3A_528, %add3A_543] : memref<256x128xf32, #tpu.memory_space<vmem>>[vector<16xi32>, vector<16xi32>], vector<16xf32>,
        %add3A_544 = arith.constant 1 : i32
        %add3A_545 = vector.broadcast %add3A_544 : i32 to vector<16xi32>
        %add3A_546 = arith.addi %select_n3A_540, %add3A_545 : vector<16xi32>
        %gather3A_547 = tpu.vector_load_idx %arg11[%add3A_528, %add3A_546] : memref<256x128xf32, #tpu.memory_space<vmem>>[vector<16xi32>, vector<16xi32>], vector<16xf32>,
        %add3A_548 = arith.constant 2 : i32
        %add3A_549 = vector.broadcast %add3A_548 : i32 to vector<16xi32>
        %add3A_550 = arith.addi %select_n3A_540, %add3A_549 : vector<16xi32>
        %gather3A_551 = tpu.vector_load_idx %arg11[%add3A_528, %add3A_550] : memref<256x128xf32, #tpu.memory_space<vmem>>[vector<16xi32>, vector<16xi32>], vector<16xf32>,
        %add3A_552 = arith.constant 3 : i32
        %add3A_553 = vector.broadcast %add3A_552 : i32 to vector<16xi32>
        %add3A_554 = arith.addi %select_n3A_540, %add3A_553 : vector<16xi32>
        %gather3A_555 = tpu.vector_load_idx %arg11[%add3A_528, %add3A_554] : memref<256x128xf32, #tpu.memory_space<vmem>>[vector<16xi32>, vector<16xi32>], vector<16xf32>,
        %mul3A_556 = arith.constant 16 : i32
        %mul3A_557 = arith.muli %scan3A_524, %mul3A_556 : i32
        %swap3A = arith.constant 0 : i32
        %swap3A_558 = arith.index_cast %swap3A : i32 to index
        %swap3A_559 = arith.index_cast %mul3A_557 : i32 to index
        %swap3A_560 = tpu.vector_load %arg13[%swap3A_558, %swap3A_559] {strides = array<i32>} : memref<64x256xf32, #tpu.memory_space<vmem>>, vector<16xf32>,
        tpu.vector_store %arg13[%swap3A_558, %swap3A_559], %gather3A {strides = array<i32>} : memref<64x256xf32, #tpu.memory_space<vmem>>, vector<16xf32>,
        %mul3A_561 = arith.constant 16 : i32
        %mul3A_562 = arith.muli %scan3A_524, %mul3A_561 : i32
        %swap3A_563 = arith.constant 1 : i32
        %swap3A_564 = arith.index_cast %swap3A_563 : i32 to index
        %swap3A_565 = arith.index_cast %mul3A_562 : i32 to index
        %swap3A_566 = tpu.vector_load %arg13[%swap3A_564, %swap3A_565] {strides = array<i32>} : memref<64x256xf32, #tpu.memory_space<vmem>>, vector<16xf32>,
        tpu.vector_store %arg13[%swap3A_564, %swap3A_565], %gather3A_547 {strides = array<i32>} : memref<64x256xf32, #tpu.memory_space<vmem>>, vector<16xf32>,
        %mul3A_567 = arith.constant 16 : i32
        %mul3A_568 = arith.muli %scan3A_524, %mul3A_567 : i32
        %swap3A_569 = arith.constant 2 : i32
        %swap3A_570 = arith.index_cast %swap3A_569 : i32 to index
        %swap3A_571 = arith.index_cast %mul3A_568 : i32 to index
        %swap3A_572 = tpu.vector_load %arg13[%swap3A_570, %swap3A_571] {strides = array<i32>} : memref<64x256xf32, #tpu.memory_space<vmem>>, vector<16xf32>,
        tpu.vector_store %arg13[%swap3A_570, %swap3A_571], %gather3A_551 {strides = array<i32>} : memref<64x256xf32, #tpu.memory_space<vmem>>, vector<16xf32>,
        %mul3A_573 = arith.constant 16 : i32
        %mul3A_574 = arith.muli %scan3A_524, %mul3A_573 : i32
        %swap3A_575 = arith.constant 3 : i32
        %swap3A_576 = arith.index_cast %swap3A_575 : i32 to index
        %swap3A_577 = arith.index_cast %mul3A_574 : i32 to index
        %swap3A_578 = tpu.vector_load %arg13[%swap3A_576, %swap3A_577] {strides = array<i32>} : memref<64x256xf32, #tpu.memory_space<vmem>>, vector<16xf32>,
        tpu.vector_store %arg13[%swap3A_576, %swap3A_577], %gather3A_555 {strides = array<i32>} : memref<64x256xf32, #tpu.memory_space<vmem>>, vector<16xf32>,
        %add3A_579 = arith.constant 4 : i32
        %add3A_580 = vector.broadcast %add3A_579 : i32 to vector<16xi32>
        %add3A_581 = arith.addi %select_n3A_540, %add3A_580 : vector<16xi32>
        %gather3A_582 = tpu.vector_load_idx %arg11[%add3A_528, %add3A_581] : memref<256x128xf32, #tpu.memory_space<vmem>>[vector<16xi32>, vector<16xi32>], vector<16xf32>,
        %add3A_583 = arith.constant 5 : i32
        %add3A_584 = vector.broadcast %add3A_583 : i32 to vector<16xi32>
        %add3A_585 = arith.addi %select_n3A_540, %add3A_584 : vector<16xi32>
        %gather3A_586 = tpu.vector_load_idx %arg11[%add3A_528, %add3A_585] : memref<256x128xf32, #tpu.memory_space<vmem>>[vector<16xi32>, vector<16xi32>], vector<16xf32>,
        %add3A_587 = arith.constant 6 : i32
        %add3A_588 = vector.broadcast %add3A_587 : i32 to vector<16xi32>
        %add3A_589 = arith.addi %select_n3A_540, %add3A_588 : vector<16xi32>
        %gather3A_590 = tpu.vector_load_idx %arg11[%add3A_528, %add3A_589] : memref<256x128xf32, #tpu.memory_space<vmem>>[vector<16xi32>, vector<16xi32>], vector<16xf32>,
        %add3A_591 = arith.constant 7 : i32
        %add3A_592 = vector.broadcast %add3A_591 : i32 to vector<16xi32>
        %add3A_593 = arith.addi %select_n3A_540, %add3A_592 : vector<16xi32>
        %gather3A_594 = tpu.vector_load_idx %arg11[%add3A_528, %add3A_593] : memref<256x128xf32, #tpu.memory_space<vmem>>[vector<16xi32>, vector<16xi32>], vector<16xf32>,
        %mul3A_595 = arith.constant 16 : i32
        %mul3A_596 = arith.muli %scan3A_524, %mul3A_595 : i32
        %swap3A_597 = arith.constant 4 : i32
        %swap3A_598 = arith.index_cast %swap3A_597 : i32 to index
        %swap3A_599 = arith.index_cast %mul3A_596 : i32 to index
        %swap3A_600 = tpu.vector_load %arg13[%swap3A_598, %swap3A_599] {strides = array<i32>} : memref<64x256xf32, #tpu.memory_space<vmem>>, vector<16xf32>,
        tpu.vector_store %arg13[%swap3A_598, %swap3A_599], %gather3A_582 {strides = array<i32>} : memref<64x256xf32, #tpu.memory_space<vmem>>, vector<16xf32>,
        %mul3A_601 = arith.constant 16 : i32
        %mul3A_602 = arith.muli %scan3A_524, %mul3A_601 : i32
        %swap3A_603 = arith.constant 5 : i32
        %swap3A_604 = arith.index_cast %swap3A_603 : i32 to index
        %swap3A_605 = arith.index_cast %mul3A_602 : i32 to index
        %swap3A_606 = tpu.vector_load %arg13[%swap3A_604, %swap3A_605] {strides = array<i32>} : memref<64x256xf32, #tpu.memory_space<vmem>>, vector<16xf32>,
        tpu.vector_store %arg13[%swap3A_604, %swap3A_605], %gather3A_586 {strides = array<i32>} : memref<64x256xf32, #tpu.memory_space<vmem>>, vector<16xf32>,
        %mul3A_607 = arith.constant 16 : i32
        %mul3A_608 = arith.muli %scan3A_524, %mul3A_607 : i32
        %swap3A_609 = arith.constant 6 : i32
        %swap3A_610 = arith.index_cast %swap3A_609 : i32 to index
        %swap3A_611 = arith.index_cast %mul3A_608 : i32 to index
        %swap3A_612 = tpu.vector_load %arg13[%swap3A_610, %swap3A_611] {strides = array<i32>} : memref<64x256xf32, #tpu.memory_space<vmem>>, vector<16xf32>,
        tpu.vector_store %arg13[%swap3A_610, %swap3A_611], %gather3A_590 {strides = array<i32>} : memref<64x256xf32, #tpu.memory_space<vmem>>, vector<16xf32>,
        %mul3A_613 = arith.constant 16 : i32
        %mul3A_614 = arith.muli %scan3A_524, %mul3A_613 : i32
        %swap3A_615 = arith.constant 7 : i32
        %swap3A_616 = arith.index_cast %swap3A_615 : i32 to index
        %swap3A_617 = arith.index_cast %mul3A_614 : i32 to index
        %swap3A_618 = tpu.vector_load %arg13[%swap3A_616, %swap3A_617] {strides = array<i32>} : memref<64x256xf32, #tpu.memory_space<vmem>>, vector<16xf32>,
        tpu.vector_store %arg13[%swap3A_616, %swap3A_617], %gather3A_594 {strides = array<i32>} : memref<64x256xf32, #tpu.memory_space<vmem>>, vector<16xf32>,
        %add3A_619 = arith.constant 8 : i32
        %add3A_620 = vector.broadcast %add3A_619 : i32 to vector<16xi32>
        %add3A_621 = arith.addi %select_n3A_540, %add3A_620 : vector<16xi32>
        %gather3A_622 = tpu.vector_load_idx %arg11[%add3A_528, %add3A_621] : memref<256x128xf32, #tpu.memory_space<vmem>>[vector<16xi32>, vector<16xi32>], vector<16xf32>,
        %add3A_623 = arith.constant 9 : i32
        %add3A_624 = vector.broadcast %add3A_623 : i32 to vector<16xi32>
        %add3A_625 = arith.addi %select_n3A_540, %add3A_624 : vector<16xi32>
        %gather3A_626 = tpu.vector_load_idx %arg11[%add3A_528, %add3A_625] : memref<256x128xf32, #tpu.memory_space<vmem>>[vector<16xi32>, vector<16xi32>], vector<16xf32>,
        %add3A_627 = arith.constant 10 : i32
        %add3A_628 = vector.broadcast %add3A_627 : i32 to vector<16xi32>
        %add3A_629 = arith.addi %select_n3A_540, %add3A_628 : vector<16xi32>
        %gather3A_630 = tpu.vector_load_idx %arg11[%add3A_528, %add3A_629] : memref<256x128xf32, #tpu.memory_space<vmem>>[vector<16xi32>, vector<16xi32>], vector<16xf32>,
        %add3A_631 = arith.constant 11 : i32
        %add3A_632 = vector.broadcast %add3A_631 : i32 to vector<16xi32>
        %add3A_633 = arith.addi %select_n3A_540, %add3A_632 : vector<16xi32>
        %gather3A_634 = tpu.vector_load_idx %arg11[%add3A_528, %add3A_633] : memref<256x128xf32, #tpu.memory_space<vmem>>[vector<16xi32>, vector<16xi32>], vector<16xf32>,
        %mul3A_635 = arith.constant 16 : i32
        %mul3A_636 = arith.muli %scan3A_524, %mul3A_635 : i32
        %swap3A_637 = arith.constant 8 : i32
        %swap3A_638 = arith.index_cast %swap3A_637 : i32 to index
        %swap3A_639 = arith.index_cast %mul3A_636 : i32 to index
        %swap3A_640 = tpu.vector_load %arg13[%swap3A_638, %swap3A_639] {strides = array<i32>} : memref<64x256xf32, #tpu.memory_space<vmem>>, vector<16xf32>,
        tpu.vector_store %arg13[%swap3A_638, %swap3A_639], %gather3A_622 {strides = array<i32>} : memref<64x256xf32, #tpu.memory_space<vmem>>, vector<16xf32>,
        %mul3A_641 = arith.constant 16 : i32
        %mul3A_642 = arith.muli %scan3A_524, %mul3A_641 : i32
        %swap3A_643 = arith.constant 9 : i32
        %swap3A_644 = arith.index_cast %swap3A_643 : i32 to index
        %swap3A_645 = arith.index_cast %mul3A_642 : i32 to index
        %swap3A_646 = tpu.vector_load %arg13[%swap3A_644, %swap3A_645] {strides = array<i32>} : memref<64x256xf32, #tpu.memory_space<vmem>>, vector<16xf32>,
        tpu.vector_store %arg13[%swap3A_644, %swap3A_645], %gather3A_626 {strides = array<i32>} : memref<64x256xf32, #tpu.memory_space<vmem>>, vector<16xf32>,
        %mul3A_647 = arith.constant 16 : i32
        %mul3A_648 = arith.muli %scan3A_524, %mul3A_647 : i32
        %swap3A_649 = arith.constant 10 : i32
        %swap3A_650 = arith.index_cast %swap3A_649 : i32 to index
        %swap3A_651 = arith.index_cast %mul3A_648 : i32 to index
        %swap3A_652 = tpu.vector_load %arg13[%swap3A_650, %swap3A_651] {strides = array<i32>} : memref<64x256xf32, #tpu.memory_space<vmem>>, vector<16xf32>,
        tpu.vector_store %arg13[%swap3A_650, %swap3A_651], %gather3A_630 {strides = array<i32>} : memref<64x256xf32, #tpu.memory_space<vmem>>, vector<16xf32>,
        %mul3A_653 = arith.constant 16 : i32
        %mul3A_654 = arith.muli %scan3A_524, %mul3A_653 : i32
        %swap3A_655 = arith.constant 11 : i32
        %swap3A_656 = arith.index_cast %swap3A_655 : i32 to index
        %swap3A_657 = arith.index_cast %mul3A_654 : i32 to index
        %swap3A_658 = tpu.vector_load %arg13[%swap3A_656, %swap3A_657] {strides = array<i32>} : memref<64x256xf32, #tpu.memory_space<vmem>>, vector<16xf32>,
        tpu.vector_store %arg13[%swap3A_656, %swap3A_657], %gather3A_634 {strides = array<i32>} : memref<64x256xf32, #tpu.memory_space<vmem>>, vector<16xf32>,
        %add3A_659 = arith.constant 12 : i32
        %add3A_660 = vector.broadcast %add3A_659 : i32 to vector<16xi32>
        %add3A_661 = arith.addi %select_n3A_540, %add3A_660 : vector<16xi32>
        %gather3A_662 = tpu.vector_load_idx %arg11[%add3A_528, %add3A_661] : memref<256x128xf32, #tpu.memory_space<vmem>>[vector<16xi32>, vector<16xi32>], vector<16xf32>,
        %add3A_663 = arith.constant 13 : i32
        %add3A_664 = vector.broadcast %add3A_663 : i32 to vector<16xi32>
        %add3A_665 = arith.addi %select_n3A_540, %add3A_664 : vector<16xi32>
        %gather3A_666 = tpu.vector_load_idx %arg11[%add3A_528, %add3A_665] : memref<256x128xf32, #tpu.memory_space<vmem>>[vector<16xi32>, vector<16xi32>], vector<16xf32>,
        %add3A_667 = arith.constant 14 : i32
        %add3A_668 = vector.broadcast %add3A_667 : i32 to vector<16xi32>
        %add3A_669 = arith.addi %select_n3A_540, %add3A_668 : vector<16xi32>
        %gather3A_670 = tpu.vector_load_idx %arg11[%add3A_528, %add3A_669] : memref<256x128xf32, #tpu.memory_space<vmem>>[vector<16xi32>, vector<16xi32>], vector<16xf32>,
        %add3A_671 = arith.constant 15 : i32
        %add3A_672 = vector.broadcast %add3A_671 : i32 to vector<16xi32>
        %add3A_673 = arith.addi %select_n3A_540, %add3A_672 : vector<16xi32>
        %gather3A_674 = tpu.vector_load_idx %arg11[%add3A_528, %add3A_673] : memref<256x128xf32, #tpu.memory_space<vmem>>[vector<16xi32>, vector<16xi32>], vector<16xf32>,
        %mul3A_675 = arith.constant 16 : i32
        %mul3A_676 = arith.muli %scan3A_524, %mul3A_675 : i32
        %swap3A_677 = arith.constant 12 : i32
        %swap3A_678 = arith.index_cast %swap3A_677 : i32 to index
        %swap3A_679 = arith.index_cast %mul3A_676 : i32 to index
        %swap3A_680 = tpu.vector_load %arg13[%swap3A_678, %swap3A_679] {strides = array<i32>} : memref<64x256xf32, #tpu.memory_space<vmem>>, vector<16xf32>,
        tpu.vector_store %arg13[%swap3A_678, %swap3A_679], %gather3A_662 {strides = array<i32>} : memref<64x256xf32, #tpu.memory_space<vmem>>, vector<16xf32>,
        %mul3A_681 = arith.constant 16 : i32
        %mul3A_682 = arith.muli %scan3A_524, %mul3A_681 : i32
        %swap3A_683 = arith.constant 13 : i32
        %swap3A_684 = arith.index_cast %swap3A_683 : i32 to index
        %swap3A_685 = arith.index_cast %mul3A_682 : i32 to index
        %swap3A_686 = tpu.vector_load %arg13[%swap3A_684, %swap3A_685] {strides = array<i32>} : memref<64x256xf32, #tpu.memory_space<vmem>>, vector<16xf32>,
        tpu.vector_store %arg13[%swap3A_684, %swap3A_685], %gather3A_666 {strides = array<i32>} : memref<64x256xf32, #tpu.memory_space<vmem>>, vector<16xf32>,
        %mul3A_687 = arith.constant 16 : i32
        %mul3A_688 = arith.muli %scan3A_524, %mul3A_687 : i32
        %swap3A_689 = arith.constant 14 : i32
        %swap3A_690 = arith.index_cast %swap3A_689 : i32 to index
        %swap3A_691 = arith.index_cast %mul3A_688 : i32 to index
        %swap3A_692 = tpu.vector_load %arg13[%swap3A_690, %swap3A_691] {strides = array<i32>} : memref<64x256xf32, #tpu.memory_space<vmem>>, vector<16xf32>,
        tpu.vector_store %arg13[%swap3A_690, %swap3A_691], %gather3A_670 {strides = array<i32>} : memref<64x256xf32, #tpu.memory_space<vmem>>, vector<16xf32>,
        %mul3A_693 = arith.constant 16 : i32
        %mul3A_694 = arith.muli %scan3A_524, %mul3A_693 : i32
        %swap3A_695 = arith.constant 15 : i32
        %swap3A_696 = arith.index_cast %swap3A_695 : i32 to index
        %swap3A_697 = arith.index_cast %mul3A_694 : i32 to index
        %swap3A_698 = tpu.vector_load %arg13[%swap3A_696, %swap3A_697] {strides = array<i32>} : memref<64x256xf32, #tpu.memory_space<vmem>>, vector<16xf32>,
        tpu.vector_store %arg13[%swap3A_696, %swap3A_697], %gather3A_674 {strides = array<i32>} : memref<64x256xf32, #tpu.memory_space<vmem>>, vector<16xf32>,
        %add3A_699 = arith.constant 16 : i32
        %add3A_700 = vector.broadcast %add3A_699 : i32 to vector<16xi32>
        %add3A_701 = arith.addi %select_n3A_540, %add3A_700 : vector<16xi32>
        %gather3A_702 = tpu.vector_load_idx %arg11[%add3A_528, %add3A_701] : memref<256x128xf32, #tpu.memory_space<vmem>>[vector<16xi32>, vector<16xi32>], vector<16xf32>,
        %add3A_703 = arith.constant 17 : i32
        %add3A_704 = vector.broadcast %add3A_703 : i32 to vector<16xi32>
        %add3A_705 = arith.addi %select_n3A_540, %add3A_704 : vector<16xi32>
        %gather3A_706 = tpu.vector_load_idx %arg11[%add3A_528, %add3A_705] : memref<256x128xf32, #tpu.memory_space<vmem>>[vector<16xi32>, vector<16xi32>], vector<16xf32>,
        %add3A_707 = arith.constant 18 : i32
        %add3A_708 = vector.broadcast %add3A_707 : i32 to vector<16xi32>
        %add3A_709 = arith.addi %select_n3A_540, %add3A_708 : vector<16xi32>
        %gather3A_710 = tpu.vector_load_idx %arg11[%add3A_528, %add3A_709] : memref<256x128xf32, #tpu.memory_space<vmem>>[vector<16xi32>, vector<16xi32>], vector<16xf32>,
        %add3A_711 = arith.constant 19 : i32
        %add3A_712 = vector.broadcast %add3A_711 : i32 to vector<16xi32>
        %add3A_713 = arith.addi %select_n3A_540, %add3A_712 : vector<16xi32>
        %gather3A_714 = tpu.vector_load_idx %arg11[%add3A_528, %add3A_713] : memref<256x128xf32, #tpu.memory_space<vmem>>[vector<16xi32>, vector<16xi32>], vector<16xf32>,
        %mul3A_715 = arith.constant 16 : i32
        %mul3A_716 = arith.muli %scan3A_524, %mul3A_715 : i32
        %swap3A_717 = arith.constant 16 : i32
        %swap3A_718 = arith.index_cast %swap3A_717 : i32 to index
        %swap3A_719 = arith.index_cast %mul3A_716 : i32 to index
        %swap3A_720 = tpu.vector_load %arg13[%swap3A_718, %swap3A_719] {strides = array<i32>} : memref<64x256xf32, #tpu.memory_space<vmem>>, vector<16xf32>,
        tpu.vector_store %arg13[%swap3A_718, %swap3A_719], %gather3A_702 {strides = array<i32>} : memref<64x256xf32, #tpu.memory_space<vmem>>, vector<16xf32>,
        %mul3A_721 = arith.constant 16 : i32
        %mul3A_722 = arith.muli %scan3A_524, %mul3A_721 : i32
        %swap3A_723 = arith.constant 17 : i32
        %swap3A_724 = arith.index_cast %swap3A_723 : i32 to index
        %swap3A_725 = arith.index_cast %mul3A_722 : i32 to index
        %swap3A_726 = tpu.vector_load %arg13[%swap3A_724, %swap3A_725] {strides = array<i32>} : memref<64x256xf32, #tpu.memory_space<vmem>>, vector<16xf32>,
        tpu.vector_store %arg13[%swap3A_724, %swap3A_725], %gather3A_706 {strides = array<i32>} : memref<64x256xf32, #tpu.memory_space<vmem>>, vector<16xf32>,
        %mul3A_727 = arith.constant 16 : i32
        %mul3A_728 = arith.muli %scan3A_524, %mul3A_727 : i32
        %swap3A_729 = arith.constant 18 : i32
        %swap3A_730 = arith.index_cast %swap3A_729 : i32 to index
        %swap3A_731 = arith.index_cast %mul3A_728 : i32 to index
        %swap3A_732 = tpu.vector_load %arg13[%swap3A_730, %swap3A_731] {strides = array<i32>} : memref<64x256xf32, #tpu.memory_space<vmem>>, vector<16xf32>,
        tpu.vector_store %arg13[%swap3A_730, %swap3A_731], %gather3A_710 {strides = array<i32>} : memref<64x256xf32, #tpu.memory_space<vmem>>, vector<16xf32>,
        %mul3A_733 = arith.constant 16 : i32
        %mul3A_734 = arith.muli %scan3A_524, %mul3A_733 : i32
        %swap3A_735 = arith.constant 19 : i32
        %swap3A_736 = arith.index_cast %swap3A_735 : i32 to index
        %swap3A_737 = arith.index_cast %mul3A_734 : i32 to index
        %swap3A_738 = tpu.vector_load %arg13[%swap3A_736, %swap3A_737] {strides = array<i32>} : memref<64x256xf32, #tpu.memory_space<vmem>>, vector<16xf32>,
        tpu.vector_store %arg13[%swap3A_736, %swap3A_737], %gather3A_714 {strides = array<i32>} : memref<64x256xf32, #tpu.memory_space<vmem>>, vector<16xf32>,
        %add3A_739 = arith.constant 20 : i32
        %add3A_740 = vector.broadcast %add3A_739 : i32 to vector<16xi32>
        %add3A_741 = arith.addi %select_n3A_540, %add3A_740 : vector<16xi32>
        %gather3A_742 = tpu.vector_load_idx %arg11[%add3A_528, %add3A_741] : memref<256x128xf32, #tpu.memory_space<vmem>>[vector<16xi32>, vector<16xi32>], vector<16xf32>,
        %add3A_743 = arith.constant 21 : i32
        %add3A_744 = vector.broadcast %add3A_743 : i32 to vector<16xi32>
        %add3A_745 = arith.addi %select_n3A_540, %add3A_744 : vector<16xi32>
        %gather3A_746 = tpu.vector_load_idx %arg11[%add3A_528, %add3A_745] : memref<256x128xf32, #tpu.memory_space<vmem>>[vector<16xi32>, vector<16xi32>], vector<16xf32>,
        %add3A_747 = arith.constant 22 : i32
        %add3A_748 = vector.broadcast %add3A_747 : i32 to vector<16xi32>
        %add3A_749 = arith.addi %select_n3A_540, %add3A_748 : vector<16xi32>
        %gather3A_750 = tpu.vector_load_idx %arg11[%add3A_528, %add3A_749] : memref<256x128xf32, #tpu.memory_space<vmem>>[vector<16xi32>, vector<16xi32>], vector<16xf32>,
        %add3A_751 = arith.constant 23 : i32
        %add3A_752 = vector.broadcast %add3A_751 : i32 to vector<16xi32>
        %add3A_753 = arith.addi %select_n3A_540, %add3A_752 : vector<16xi32>
        %gather3A_754 = tpu.vector_load_idx %arg11[%add3A_528, %add3A_753] : memref<256x128xf32, #tpu.memory_space<vmem>>[vector<16xi32>, vector<16xi32>], vector<16xf32>,
        %mul3A_755 = arith.constant 16 : i32
        %mul3A_756 = arith.muli %scan3A_524, %mul3A_755 : i32
        %swap3A_757 = arith.constant 20 : i32
        %swap3A_758 = arith.index_cast %swap3A_757 : i32 to index
        %swap3A_759 = arith.index_cast %mul3A_756 : i32 to index
        %swap3A_760 = tpu.vector_load %arg13[%swap3A_758, %swap3A_759] {strides = array<i32>} : memref<64x256xf32, #tpu.memory_space<vmem>>, vector<16xf32>,
        tpu.vector_store %arg13[%swap3A_758, %swap3A_759], %gather3A_742 {strides = array<i32>} : memref<64x256xf32, #tpu.memory_space<vmem>>, vector<16xf32>,
        %mul3A_761 = arith.constant 16 : i32
        %mul3A_762 = arith.muli %scan3A_524, %mul3A_761 : i32
        %swap3A_763 = arith.constant 21 : i32
        %swap3A_764 = arith.index_cast %swap3A_763 : i32 to index
        %swap3A_765 = arith.index_cast %mul3A_762 : i32 to index
        %swap3A_766 = tpu.vector_load %arg13[%swap3A_764, %swap3A_765] {strides = array<i32>} : memref<64x256xf32, #tpu.memory_space<vmem>>, vector<16xf32>,
        tpu.vector_store %arg13[%swap3A_764, %swap3A_765], %gather3A_746 {strides = array<i32>} : memref<64x256xf32, #tpu.memory_space<vmem>>, vector<16xf32>,
        %mul3A_767 = arith.constant 16 : i32
        %mul3A_768 = arith.muli %scan3A_524, %mul3A_767 : i32
        %swap3A_769 = arith.constant 22 : i32
        %swap3A_770 = arith.index_cast %swap3A_769 : i32 to index
        %swap3A_771 = arith.index_cast %mul3A_768 : i32 to index
        %swap3A_772 = tpu.vector_load %arg13[%swap3A_770, %swap3A_771] {strides = array<i32>} : memref<64x256xf32, #tpu.memory_space<vmem>>, vector<16xf32>,
        tpu.vector_store %arg13[%swap3A_770, %swap3A_771], %gather3A_750 {strides = array<i32>} : memref<64x256xf32, #tpu.memory_space<vmem>>, vector<16xf32>,
        %mul3A_773 = arith.constant 16 : i32
        %mul3A_774 = arith.muli %scan3A_524, %mul3A_773 : i32
        %swap3A_775 = arith.constant 23 : i32
        %swap3A_776 = arith.index_cast %swap3A_775 : i32 to index
        %swap3A_777 = arith.index_cast %mul3A_774 : i32 to index
        %swap3A_778 = tpu.vector_load %arg13[%swap3A_776, %swap3A_777] {strides = array<i32>} : memref<64x256xf32, #tpu.memory_space<vmem>>, vector<16xf32>,
        tpu.vector_store %arg13[%swap3A_776, %swap3A_777], %gather3A_754 {strides = array<i32>} : memref<64x256xf32, #tpu.memory_space<vmem>>, vector<16xf32>,
        %add3A_779 = arith.constant 24 : i32
        %add3A_780 = vector.broadcast %add3A_779 : i32 to vector<16xi32>
        %add3A_781 = arith.addi %select_n3A_540, %add3A_780 : vector<16xi32>
        %gather3A_782 = tpu.vector_load_idx %arg11[%add3A_528, %add3A_781] : memref<256x128xf32, #tpu.memory_space<vmem>>[vector<16xi32>, vector<16xi32>], vector<16xf32>,
        %add3A_783 = arith.constant 25 : i32
        %add3A_784 = vector.broadcast %add3A_783 : i32 to vector<16xi32>
        %add3A_785 = arith.addi %select_n3A_540, %add3A_784 : vector<16xi32>
        %gather3A_786 = tpu.vector_load_idx %arg11[%add3A_528, %add3A_785] : memref<256x128xf32, #tpu.memory_space<vmem>>[vector<16xi32>, vector<16xi32>], vector<16xf32>,
        %add3A_787 = arith.constant 26 : i32
        %add3A_788 = vector.broadcast %add3A_787 : i32 to vector<16xi32>
        %add3A_789 = arith.addi %select_n3A_540, %add3A_788 : vector<16xi32>
        %gather3A_790 = tpu.vector_load_idx %arg11[%add3A_528, %add3A_789] : memref<256x128xf32, #tpu.memory_space<vmem>>[vector<16xi32>, vector<16xi32>], vector<16xf32>,
        %add3A_791 = arith.constant 27 : i32
        %add3A_792 = vector.broadcast %add3A_791 : i32 to vector<16xi32>
        %add3A_793 = arith.addi %select_n3A_540, %add3A_792 : vector<16xi32>
        %gather3A_794 = tpu.vector_load_idx %arg11[%add3A_528, %add3A_793] : memref<256x128xf32, #tpu.memory_space<vmem>>[vector<16xi32>, vector<16xi32>], vector<16xf32>,
        %mul3A_795 = arith.constant 16 : i32
        %mul3A_796 = arith.muli %scan3A_524, %mul3A_795 : i32
        %swap3A_797 = arith.constant 24 : i32
        %swap3A_798 = arith.index_cast %swap3A_797 : i32 to index
        %swap3A_799 = arith.index_cast %mul3A_796 : i32 to index
        %swap3A_800 = tpu.vector_load %arg13[%swap3A_798, %swap3A_799] {strides = array<i32>} : memref<64x256xf32, #tpu.memory_space<vmem>>, vector<16xf32>,
        tpu.vector_store %arg13[%swap3A_798, %swap3A_799], %gather3A_782 {strides = array<i32>} : memref<64x256xf32, #tpu.memory_space<vmem>>, vector<16xf32>,
        %mul3A_801 = arith.constant 16 : i32
        %mul3A_802 = arith.muli %scan3A_524, %mul3A_801 : i32
        %swap3A_803 = arith.constant 25 : i32
        %swap3A_804 = arith.index_cast %swap3A_803 : i32 to index
        %swap3A_805 = arith.index_cast %mul3A_802 : i32 to index
        %swap3A_806 = tpu.vector_load %arg13[%swap3A_804, %swap3A_805] {strides = array<i32>} : memref<64x256xf32, #tpu.memory_space<vmem>>, vector<16xf32>,
        tpu.vector_store %arg13[%swap3A_804, %swap3A_805], %gather3A_786 {strides = array<i32>} : memref<64x256xf32, #tpu.memory_space<vmem>>, vector<16xf32>,
        %mul3A_807 = arith.constant 16 : i32
        %mul3A_808 = arith.muli %scan3A_524, %mul3A_807 : i32
        %swap3A_809 = arith.constant 26 : i32
        %swap3A_810 = arith.index_cast %swap3A_809 : i32 to index
        %swap3A_811 = arith.index_cast %mul3A_808 : i32 to index
        %swap3A_812 = tpu.vector_load %arg13[%swap3A_810, %swap3A_811] {strides = array<i32>} : memref<64x256xf32, #tpu.memory_space<vmem>>, vector<16xf32>,
        tpu.vector_store %arg13[%swap3A_810, %swap3A_811], %gather3A_790 {strides = array<i32>} : memref<64x256xf32, #tpu.memory_space<vmem>>, vector<16xf32>,
        %mul3A_813 = arith.constant 16 : i32
        %mul3A_814 = arith.muli %scan3A_524, %mul3A_813 : i32
        %swap3A_815 = arith.constant 27 : i32
        %swap3A_816 = arith.index_cast %swap3A_815 : i32 to index
        %swap3A_817 = arith.index_cast %mul3A_814 : i32 to index
        %swap3A_818 = tpu.vector_load %arg13[%swap3A_816, %swap3A_817] {strides = array<i32>} : memref<64x256xf32, #tpu.memory_space<vmem>>, vector<16xf32>,
        tpu.vector_store %arg13[%swap3A_816, %swap3A_817], %gather3A_794 {strides = array<i32>} : memref<64x256xf32, #tpu.memory_space<vmem>>, vector<16xf32>,
        %add3A_819 = arith.constant 28 : i32
        %add3A_820 = vector.broadcast %add3A_819 : i32 to vector<16xi32>
        %add3A_821 = arith.addi %select_n3A_540, %add3A_820 : vector<16xi32>
        %gather3A_822 = tpu.vector_load_idx %arg11[%add3A_528, %add3A_821] : memref<256x128xf32, #tpu.memory_space<vmem>>[vector<16xi32>, vector<16xi32>], vector<16xf32>,
        %add3A_823 = arith.constant 29 : i32
        %add3A_824 = vector.broadcast %add3A_823 : i32 to vector<16xi32>
        %add3A_825 = arith.addi %select_n3A_540, %add3A_824 : vector<16xi32>
        %gather3A_826 = tpu.vector_load_idx %arg11[%add3A_528, %add3A_825] : memref<256x128xf32, #tpu.memory_space<vmem>>[vector<16xi32>, vector<16xi32>], vector<16xf32>,
        %add3A_827 = arith.constant 30 : i32
        %add3A_828 = vector.broadcast %add3A_827 : i32 to vector<16xi32>
        %add3A_829 = arith.addi %select_n3A_540, %add3A_828 : vector<16xi32>
        %gather3A_830 = tpu.vector_load_idx %arg11[%add3A_528, %add3A_829] : memref<256x128xf32, #tpu.memory_space<vmem>>[vector<16xi32>, vector<16xi32>], vector<16xf32>,
        %add3A_831 = arith.constant 31 : i32
        %add3A_832 = vector.broadcast %add3A_831 : i32 to vector<16xi32>
        %add3A_833 = arith.addi %select_n3A_540, %add3A_832 : vector<16xi32>
        %gather3A_834 = tpu.vector_load_idx %arg11[%add3A_528, %add3A_833] : memref<256x128xf32, #tpu.memory_space<vmem>>[vector<16xi32>, vector<16xi32>], vector<16xf32>,
        %mul3A_835 = arith.constant 16 : i32
        %mul3A_836 = arith.muli %scan3A_524, %mul3A_835 : i32
        %swap3A_837 = arith.constant 28 : i32
        %swap3A_838 = arith.index_cast %swap3A_837 : i32 to index
        %swap3A_839 = arith.index_cast %mul3A_836 : i32 to index
        %swap3A_840 = tpu.vector_load %arg13[%swap3A_838, %swap3A_839] {strides = array<i32>} : memref<64x256xf32, #tpu.memory_space<vmem>>, vector<16xf32>,
        tpu.vector_store %arg13[%swap3A_838, %swap3A_839], %gather3A_822 {strides = array<i32>} : memref<64x256xf32, #tpu.memory_space<vmem>>, vector<16xf32>,
        %mul3A_841 = arith.constant 16 : i32
        %mul3A_842 = arith.muli %scan3A_524, %mul3A_841 : i32
        %swap3A_843 = arith.constant 29 : i32
        %swap3A_844 = arith.index_cast %swap3A_843 : i32 to index
        %swap3A_845 = arith.index_cast %mul3A_842 : i32 to index
        %swap3A_846 = tpu.vector_load %arg13[%swap3A_844, %swap3A_845] {strides = array<i32>} : memref<64x256xf32, #tpu.memory_space<vmem>>, vector<16xf32>,
        tpu.vector_store %arg13[%swap3A_844, %swap3A_845], %gather3A_826 {strides = array<i32>} : memref<64x256xf32, #tpu.memory_space<vmem>>, vector<16xf32>,
        %mul3A_847 = arith.constant 16 : i32
        %mul3A_848 = arith.muli %scan3A_524, %mul3A_847 : i32
        %swap3A_849 = arith.constant 30 : i32
        %swap3A_850 = arith.index_cast %swap3A_849 : i32 to index
        %swap3A_851 = arith.index_cast %mul3A_848 : i32 to index
        %swap3A_852 = tpu.vector_load %arg13[%swap3A_850, %swap3A_851] {strides = array<i32>} : memref<64x256xf32, #tpu.memory_space<vmem>>, vector<16xf32>,
        tpu.vector_store %arg13[%swap3A_850, %swap3A_851], %gather3A_830 {strides = array<i32>} : memref<64x256xf32, #tpu.memory_space<vmem>>, vector<16xf32>,
        %mul3A_853 = arith.constant 16 : i32
        %mul3A_854 = arith.muli %scan3A_524, %mul3A_853 : i32
        %swap3A_855 = arith.constant 31 : i32
        %swap3A_856 = arith.index_cast %swap3A_855 : i32 to index
        %swap3A_857 = arith.index_cast %mul3A_854 : i32 to index
        %swap3A_858 = tpu.vector_load %arg13[%swap3A_856, %swap3A_857] {strides = array<i32>} : memref<64x256xf32, #tpu.memory_space<vmem>>, vector<16xf32>,
        tpu.vector_store %arg13[%swap3A_856, %swap3A_857], %gather3A_834 {strides = array<i32>} : memref<64x256xf32, #tpu.memory_space<vmem>>, vector<16xf32>,
        %add3A_859 = arith.constant 32 : i32
        %add3A_860 = vector.broadcast %add3A_859 : i32 to vector<16xi32>
        %add3A_861 = arith.addi %select_n3A_540, %add3A_860 : vector<16xi32>
        %gather3A_862 = tpu.vector_load_idx %arg11[%add3A_528, %add3A_861] : memref<256x128xf32, #tpu.memory_space<vmem>>[vector<16xi32>, vector<16xi32>], vector<16xf32>,
        %add3A_863 = arith.constant 33 : i32
        %add3A_864 = vector.broadcast %add3A_863 : i32 to vector<16xi32>
        %add3A_865 = arith.addi %select_n3A_540, %add3A_864 : vector<16xi32>
        %gather3A_866 = tpu.vector_load_idx %arg11[%add3A_528, %add3A_865] : memref<256x128xf32, #tpu.memory_space<vmem>>[vector<16xi32>, vector<16xi32>], vector<16xf32>,
        %add3A_867 = arith.constant 34 : i32
        %add3A_868 = vector.broadcast %add3A_867 : i32 to vector<16xi32>
        %add3A_869 = arith.addi %select_n3A_540, %add3A_868 : vector<16xi32>
        %gather3A_870 = tpu.vector_load_idx %arg11[%add3A_528, %add3A_869] : memref<256x128xf32, #tpu.memory_space<vmem>>[vector<16xi32>, vector<16xi32>], vector<16xf32>,
        %add3A_871 = arith.constant 35 : i32
        %add3A_872 = vector.broadcast %add3A_871 : i32 to vector<16xi32>
        %add3A_873 = arith.addi %select_n3A_540, %add3A_872 : vector<16xi32>
        %gather3A_874 = tpu.vector_load_idx %arg11[%add3A_528, %add3A_873] : memref<256x128xf32, #tpu.memory_space<vmem>>[vector<16xi32>, vector<16xi32>], vector<16xf32>,
        %mul3A_875 = arith.constant 16 : i32
        %mul3A_876 = arith.muli %scan3A_524, %mul3A_875 : i32
        %swap3A_877 = arith.constant 32 : i32
        %swap3A_878 = arith.index_cast %swap3A_877 : i32 to index
        %swap3A_879 = arith.index_cast %mul3A_876 : i32 to index
        %swap3A_880 = tpu.vector_load %arg13[%swap3A_878, %swap3A_879] {strides = array<i32>} : memref<64x256xf32, #tpu.memory_space<vmem>>, vector<16xf32>,
        tpu.vector_store %arg13[%swap3A_878, %swap3A_879], %gather3A_862 {strides = array<i32>} : memref<64x256xf32, #tpu.memory_space<vmem>>, vector<16xf32>,
        %mul3A_881 = arith.constant 16 : i32
        %mul3A_882 = arith.muli %scan3A_524, %mul3A_881 : i32
        %swap3A_883 = arith.constant 33 : i32
        %swap3A_884 = arith.index_cast %swap3A_883 : i32 to index
        %swap3A_885 = arith.index_cast %mul3A_882 : i32 to index
        %swap3A_886 = tpu.vector_load %arg13[%swap3A_884, %swap3A_885] {strides = array<i32>} : memref<64x256xf32, #tpu.memory_space<vmem>>, vector<16xf32>,
        tpu.vector_store %arg13[%swap3A_884, %swap3A_885], %gather3A_866 {strides = array<i32>} : memref<64x256xf32, #tpu.memory_space<vmem>>, vector<16xf32>,
        %mul3A_887 = arith.constant 16 : i32
        %mul3A_888 = arith.muli %scan3A_524, %mul3A_887 : i32
        %swap3A_889 = arith.constant 34 : i32
        %swap3A_890 = arith.index_cast %swap3A_889 : i32 to index
        %swap3A_891 = arith.index_cast %mul3A_888 : i32 to index
        %swap3A_892 = tpu.vector_load %arg13[%swap3A_890, %swap3A_891] {strides = array<i32>} : memref<64x256xf32, #tpu.memory_space<vmem>>, vector<16xf32>,
        tpu.vector_store %arg13[%swap3A_890, %swap3A_891], %gather3A_870 {strides = array<i32>} : memref<64x256xf32, #tpu.memory_space<vmem>>, vector<16xf32>,
        %mul3A_893 = arith.constant 16 : i32
        %mul3A_894 = arith.muli %scan3A_524, %mul3A_893 : i32
        %swap3A_895 = arith.constant 35 : i32
        %swap3A_896 = arith.index_cast %swap3A_895 : i32 to index
        %swap3A_897 = arith.index_cast %mul3A_894 : i32 to index
        %swap3A_898 = tpu.vector_load %arg13[%swap3A_896, %swap3A_897] {strides = array<i32>} : memref<64x256xf32, #tpu.memory_space<vmem>>, vector<16xf32>,
        tpu.vector_store %arg13[%swap3A_896, %swap3A_897], %gather3A_874 {strides = array<i32>} : memref<64x256xf32, #tpu.memory_space<vmem>>, vector<16xf32>,
        %add3A_899 = arith.constant 36 : i32
        %add3A_900 = vector.broadcast %add3A_899 : i32 to vector<16xi32>
        %add3A_901 = arith.addi %select_n3A_540, %add3A_900 : vector<16xi32>
        %gather3A_902 = tpu.vector_load_idx %arg11[%add3A_528, %add3A_901] : memref<256x128xf32, #tpu.memory_space<vmem>>[vector<16xi32>, vector<16xi32>], vector<16xf32>,
        %add3A_903 = arith.constant 37 : i32
        %add3A_904 = vector.broadcast %add3A_903 : i32 to vector<16xi32>
        %add3A_905 = arith.addi %select_n3A_540, %add3A_904 : vector<16xi32>
        %gather3A_906 = tpu.vector_load_idx %arg11[%add3A_528, %add3A_905] : memref<256x128xf32, #tpu.memory_space<vmem>>[vector<16xi32>, vector<16xi32>], vector<16xf32>,
        %add3A_907 = arith.constant 38 : i32
        %add3A_908 = vector.broadcast %add3A_907 : i32 to vector<16xi32>
        %add3A_909 = arith.addi %select_n3A_540, %add3A_908 : vector<16xi32>
        %gather3A_910 = tpu.vector_load_idx %arg11[%add3A_528, %add3A_909] : memref<256x128xf32, #tpu.memory_space<vmem>>[vector<16xi32>, vector<16xi32>], vector<16xf32>,
        %add3A_911 = arith.constant 39 : i32
        %add3A_912 = vector.broadcast %add3A_911 : i32 to vector<16xi32>
        %add3A_913 = arith.addi %select_n3A_540, %add3A_912 : vector<16xi32>
        %gather3A_914 = tpu.vector_load_idx %arg11[%add3A_528, %add3A_913] : memref<256x128xf32, #tpu.memory_space<vmem>>[vector<16xi32>, vector<16xi32>], vector<16xf32>,
        %mul3A_915 = arith.constant 16 : i32
        %mul3A_916 = arith.muli %scan3A_524, %mul3A_915 : i32
        %swap3A_917 = arith.constant 36 : i32
        %swap3A_918 = arith.index_cast %swap3A_917 : i32 to index
        %swap3A_919 = arith.index_cast %mul3A_916 : i32 to index
        %swap3A_920 = tpu.vector_load %arg13[%swap3A_918, %swap3A_919] {strides = array<i32>} : memref<64x256xf32, #tpu.memory_space<vmem>>, vector<16xf32>,
        tpu.vector_store %arg13[%swap3A_918, %swap3A_919], %gather3A_902 {strides = array<i32>} : memref<64x256xf32, #tpu.memory_space<vmem>>, vector<16xf32>,
        %mul3A_921 = arith.constant 16 : i32
        %mul3A_922 = arith.muli %scan3A_524, %mul3A_921 : i32
        %swap3A_923 = arith.constant 37 : i32
        %swap3A_924 = arith.index_cast %swap3A_923 : i32 to index
        %swap3A_925 = arith.index_cast %mul3A_922 : i32 to index
        %swap3A_926 = tpu.vector_load %arg13[%swap3A_924, %swap3A_925] {strides = array<i32>} : memref<64x256xf32, #tpu.memory_space<vmem>>, vector<16xf32>,
        tpu.vector_store %arg13[%swap3A_924, %swap3A_925], %gather3A_906 {strides = array<i32>} : memref<64x256xf32, #tpu.memory_space<vmem>>, vector<16xf32>,
        %mul3A_927 = arith.constant 16 : i32
        %mul3A_928 = arith.muli %scan3A_524, %mul3A_927 : i32
        %swap3A_929 = arith.constant 38 : i32
        %swap3A_930 = arith.index_cast %swap3A_929 : i32 to index
        %swap3A_931 = arith.index_cast %mul3A_928 : i32 to index
        %swap3A_932 = tpu.vector_load %arg13[%swap3A_930, %swap3A_931] {strides = array<i32>} : memref<64x256xf32, #tpu.memory_space<vmem>>, vector<16xf32>,
        tpu.vector_store %arg13[%swap3A_930, %swap3A_931], %gather3A_910 {strides = array<i32>} : memref<64x256xf32, #tpu.memory_space<vmem>>, vector<16xf32>,
        %mul3A_933 = arith.constant 16 : i32
        %mul3A_934 = arith.muli %scan3A_524, %mul3A_933 : i32
        %swap3A_935 = arith.constant 39 : i32
        %swap3A_936 = arith.index_cast %swap3A_935 : i32 to index
        %swap3A_937 = arith.index_cast %mul3A_934 : i32 to index
        %swap3A_938 = tpu.vector_load %arg13[%swap3A_936, %swap3A_937] {strides = array<i32>} : memref<64x256xf32, #tpu.memory_space<vmem>>, vector<16xf32>,
        tpu.vector_store %arg13[%swap3A_936, %swap3A_937], %gather3A_914 {strides = array<i32>} : memref<64x256xf32, #tpu.memory_space<vmem>>, vector<16xf32>,
        %add3A_939 = arith.constant 40 : i32
        %add3A_940 = vector.broadcast %add3A_939 : i32 to vector<16xi32>
        %add3A_941 = arith.addi %select_n3A_540, %add3A_940 : vector<16xi32>
        %gather3A_942 = tpu.vector_load_idx %arg11[%add3A_528, %add3A_941] : memref<256x128xf32, #tpu.memory_space<vmem>>[vector<16xi32>, vector<16xi32>], vector<16xf32>,
        %add3A_943 = arith.constant 41 : i32
        %add3A_944 = vector.broadcast %add3A_943 : i32 to vector<16xi32>
        %add3A_945 = arith.addi %select_n3A_540, %add3A_944 : vector<16xi32>
        %gather3A_946 = tpu.vector_load_idx %arg11[%add3A_528, %add3A_945] : memref<256x128xf32, #tpu.memory_space<vmem>>[vector<16xi32>, vector<16xi32>], vector<16xf32>,
        %add3A_947 = arith.constant 42 : i32
        %add3A_948 = vector.broadcast %add3A_947 : i32 to vector<16xi32>
        %add3A_949 = arith.addi %select_n3A_540, %add3A_948 : vector<16xi32>
        %gather3A_950 = tpu.vector_load_idx %arg11[%add3A_528, %add3A_949] : memref<256x128xf32, #tpu.memory_space<vmem>>[vector<16xi32>, vector<16xi32>], vector<16xf32>,
        %add3A_951 = arith.constant 43 : i32
        %add3A_952 = vector.broadcast %add3A_951 : i32 to vector<16xi32>
        %add3A_953 = arith.addi %select_n3A_540, %add3A_952 : vector<16xi32>
        %gather3A_954 = tpu.vector_load_idx %arg11[%add3A_528, %add3A_953] : memref<256x128xf32, #tpu.memory_space<vmem>>[vector<16xi32>, vector<16xi32>], vector<16xf32>,
        %mul3A_955 = arith.constant 16 : i32
        %mul3A_956 = arith.muli %scan3A_524, %mul3A_955 : i32
        %swap3A_957 = arith.constant 40 : i32
        %swap3A_958 = arith.index_cast %swap3A_957 : i32 to index
        %swap3A_959 = arith.index_cast %mul3A_956 : i32 to index
        %swap3A_960 = tpu.vector_load %arg13[%swap3A_958, %swap3A_959] {strides = array<i32>} : memref<64x256xf32, #tpu.memory_space<vmem>>, vector<16xf32>,
        tpu.vector_store %arg13[%swap3A_958, %swap3A_959], %gather3A_942 {strides = array<i32>} : memref<64x256xf32, #tpu.memory_space<vmem>>, vector<16xf32>,
        %mul3A_961 = arith.constant 16 : i32
        %mul3A_962 = arith.muli %scan3A_524, %mul3A_961 : i32
        %swap3A_963 = arith.constant 41 : i32
        %swap3A_964 = arith.index_cast %swap3A_963 : i32 to index
        %swap3A_965 = arith.index_cast %mul3A_962 : i32 to index
        %swap3A_966 = tpu.vector_load %arg13[%swap3A_964, %swap3A_965] {strides = array<i32>} : memref<64x256xf32, #tpu.memory_space<vmem>>, vector<16xf32>,
        tpu.vector_store %arg13[%swap3A_964, %swap3A_965], %gather3A_946 {strides = array<i32>} : memref<64x256xf32, #tpu.memory_space<vmem>>, vector<16xf32>,
        %mul3A_967 = arith.constant 16 : i32
        %mul3A_968 = arith.muli %scan3A_524, %mul3A_967 : i32
        %swap3A_969 = arith.constant 42 : i32
        %swap3A_970 = arith.index_cast %swap3A_969 : i32 to index
        %swap3A_971 = arith.index_cast %mul3A_968 : i32 to index
        %swap3A_972 = tpu.vector_load %arg13[%swap3A_970, %swap3A_971] {strides = array<i32>} : memref<64x256xf32, #tpu.memory_space<vmem>>, vector<16xf32>,
        tpu.vector_store %arg13[%swap3A_970, %swap3A_971], %gather3A_950 {strides = array<i32>} : memref<64x256xf32, #tpu.memory_space<vmem>>, vector<16xf32>,
        %mul3A_973 = arith.constant 16 : i32
        %mul3A_974 = arith.muli %scan3A_524, %mul3A_973 : i32
        %swap3A_975 = arith.constant 43 : i32
        %swap3A_976 = arith.index_cast %swap3A_975 : i32 to index
        %swap3A_977 = arith.index_cast %mul3A_974 : i32 to index
        %swap3A_978 = tpu.vector_load %arg13[%swap3A_976, %swap3A_977] {strides = array<i32>} : memref<64x256xf32, #tpu.memory_space<vmem>>, vector<16xf32>,
        tpu.vector_store %arg13[%swap3A_976, %swap3A_977], %gather3A_954 {strides = array<i32>} : memref<64x256xf32, #tpu.memory_space<vmem>>, vector<16xf32>,
        %add3A_979 = arith.constant 44 : i32
        %add3A_980 = vector.broadcast %add3A_979 : i32 to vector<16xi32>
        %add3A_981 = arith.addi %select_n3A_540, %add3A_980 : vector<16xi32>
        %gather3A_982 = tpu.vector_load_idx %arg11[%add3A_528, %add3A_981] : memref<256x128xf32, #tpu.memory_space<vmem>>[vector<16xi32>, vector<16xi32>], vector<16xf32>,
        %add3A_983 = arith.constant 45 : i32
        %add3A_984 = vector.broadcast %add3A_983 : i32 to vector<16xi32>
        %add3A_985 = arith.addi %select_n3A_540, %add3A_984 : vector<16xi32>
        %gather3A_986 = tpu.vector_load_idx %arg11[%add3A_528, %add3A_985] : memref<256x128xf32, #tpu.memory_space<vmem>>[vector<16xi32>, vector<16xi32>], vector<16xf32>,
        %add3A_987 = arith.constant 46 : i32
        %add3A_988 = vector.broadcast %add3A_987 : i32 to vector<16xi32>
        %add3A_989 = arith.addi %select_n3A_540, %add3A_988 : vector<16xi32>
        %gather3A_990 = tpu.vector_load_idx %arg11[%add3A_528, %add3A_989] : memref<256x128xf32, #tpu.memory_space<vmem>>[vector<16xi32>, vector<16xi32>], vector<16xf32>,
        %add3A_991 = arith.constant 47 : i32
        %add3A_992 = vector.broadcast %add3A_991 : i32 to vector<16xi32>
        %add3A_993 = arith.addi %select_n3A_540, %add3A_992 : vector<16xi32>
        %gather3A_994 = tpu.vector_load_idx %arg11[%add3A_528, %add3A_993] : memref<256x128xf32, #tpu.memory_space<vmem>>[vector<16xi32>, vector<16xi32>], vector<16xf32>,
        %mul3A_995 = arith.constant 16 : i32
        %mul3A_996 = arith.muli %scan3A_524, %mul3A_995 : i32
        %swap3A_997 = arith.constant 44 : i32
        %swap3A_998 = arith.index_cast %swap3A_997 : i32 to index
        %swap3A_999 = arith.index_cast %mul3A_996 : i32 to index
        %swap3A_1000 = tpu.vector_load %arg13[%swap3A_998, %swap3A_999] {strides = array<i32>} : memref<64x256xf32, #tpu.memory_space<vmem>>, vector<16xf32>,
        tpu.vector_store %arg13[%swap3A_998, %swap3A_999], %gather3A_982 {strides = array<i32>} : memref<64x256xf32, #tpu.memory_space<vmem>>, vector<16xf32>,
        %mul3A_1001 = arith.constant 16 : i32
        %mul3A_1002 = arith.muli %scan3A_524, %mul3A_1001 : i32
        %swap3A_1003 = arith.constant 45 : i32
        %swap3A_1004 = arith.index_cast %swap3A_1003 : i32 to index
        %swap3A_1005 = arith.index_cast %mul3A_1002 : i32 to index
        %swap3A_1006 = tpu.vector_load %arg13[%swap3A_1004, %swap3A_1005] {strides = array<i32>} : memref<64x256xf32, #tpu.memory_space<vmem>>, vector<16xf32>,
        tpu.vector_store %arg13[%swap3A_1004, %swap3A_1005], %gather3A_986 {strides = array<i32>} : memref<64x256xf32, #tpu.memory_space<vmem>>, vector<16xf32>,
        %mul3A_1007 = arith.constant 16 : i32
        %mul3A_1008 = arith.muli %scan3A_524, %mul3A_1007 : i32
        %swap3A_1009 = arith.constant 46 : i32
        %swap3A_1010 = arith.index_cast %swap3A_1009 : i32 to index
        %swap3A_1011 = arith.index_cast %mul3A_1008 : i32 to index
        %swap3A_1012 = tpu.vector_load %arg13[%swap3A_1010, %swap3A_1011] {strides = array<i32>} : memref<64x256xf32, #tpu.memory_space<vmem>>, vector<16xf32>,
        tpu.vector_store %arg13[%swap3A_1010, %swap3A_1011], %gather3A_990 {strides = array<i32>} : memref<64x256xf32, #tpu.memory_space<vmem>>, vector<16xf32>,
        %mul3A_1013 = arith.constant 16 : i32
        %mul3A_1014 = arith.muli %scan3A_524, %mul3A_1013 : i32
        %swap3A_1015 = arith.constant 47 : i32
        %swap3A_1016 = arith.index_cast %swap3A_1015 : i32 to index
        %swap3A_1017 = arith.index_cast %mul3A_1014 : i32 to index
        %swap3A_1018 = tpu.vector_load %arg13[%swap3A_1016, %swap3A_1017] {strides = array<i32>} : memref<64x256xf32, #tpu.memory_space<vmem>>, vector<16xf32>,
        tpu.vector_store %arg13[%swap3A_1016, %swap3A_1017], %gather3A_994 {strides = array<i32>} : memref<64x256xf32, #tpu.memory_space<vmem>>, vector<16xf32>,
        %add3A_1019 = arith.constant 48 : i32
        %add3A_1020 = vector.broadcast %add3A_1019 : i32 to vector<16xi32>
        %add3A_1021 = arith.addi %select_n3A_540, %add3A_1020 : vector<16xi32>
        %gather3A_1022 = tpu.vector_load_idx %arg11[%add3A_528, %add3A_1021] : memref<256x128xf32, #tpu.memory_space<vmem>>[vector<16xi32>, vector<16xi32>], vector<16xf32>,
        %add3A_1023 = arith.constant 49 : i32
        %add3A_1024 = vector.broadcast %add3A_1023 : i32 to vector<16xi32>
        %add3A_1025 = arith.addi %select_n3A_540, %add3A_1024 : vector<16xi32>
        %gather3A_1026 = tpu.vector_load_idx %arg11[%add3A_528, %add3A_1025] : memref<256x128xf32, #tpu.memory_space<vmem>>[vector<16xi32>, vector<16xi32>], vector<16xf32>,
        %add3A_1027 = arith.constant 50 : i32
        %add3A_1028 = vector.broadcast %add3A_1027 : i32 to vector<16xi32>
        %add3A_1029 = arith.addi %select_n3A_540, %add3A_1028 : vector<16xi32>
        %gather3A_1030 = tpu.vector_load_idx %arg11[%add3A_528, %add3A_1029] : memref<256x128xf32, #tpu.memory_space<vmem>>[vector<16xi32>, vector<16xi32>], vector<16xf32>,
        %add3A_1031 = arith.constant 51 : i32
        %add3A_1032 = vector.broadcast %add3A_1031 : i32 to vector<16xi32>
        %add3A_1033 = arith.addi %select_n3A_540, %add3A_1032 : vector<16xi32>
        %gather3A_1034 = tpu.vector_load_idx %arg11[%add3A_528, %add3A_1033] : memref<256x128xf32, #tpu.memory_space<vmem>>[vector<16xi32>, vector<16xi32>], vector<16xf32>,
        %mul3A_1035 = arith.constant 16 : i32
        %mul3A_1036 = arith.muli %scan3A_524, %mul3A_1035 : i32
        %swap3A_1037 = arith.constant 48 : i32
        %swap3A_1038 = arith.index_cast %swap3A_1037 : i32 to index
        %swap3A_1039 = arith.index_cast %mul3A_1036 : i32 to index
        %swap3A_1040 = tpu.vector_load %arg13[%swap3A_1038, %swap3A_1039] {strides = array<i32>} : memref<64x256xf32, #tpu.memory_space<vmem>>, vector<16xf32>,
        tpu.vector_store %arg13[%swap3A_1038, %swap3A_1039], %gather3A_1022 {strides = array<i32>} : memref<64x256xf32, #tpu.memory_space<vmem>>, vector<16xf32>,
        %mul3A_1041 = arith.constant 16 : i32
        %mul3A_1042 = arith.muli %scan3A_524, %mul3A_1041 : i32
        %swap3A_1043 = arith.constant 49 : i32
        %swap3A_1044 = arith.index_cast %swap3A_1043 : i32 to index
        %swap3A_1045 = arith.index_cast %mul3A_1042 : i32 to index
        %swap3A_1046 = tpu.vector_load %arg13[%swap3A_1044, %swap3A_1045] {strides = array<i32>} : memref<64x256xf32, #tpu.memory_space<vmem>>, vector<16xf32>,
        tpu.vector_store %arg13[%swap3A_1044, %swap3A_1045], %gather3A_1026 {strides = array<i32>} : memref<64x256xf32, #tpu.memory_space<vmem>>, vector<16xf32>,
        %mul3A_1047 = arith.constant 16 : i32
        %mul3A_1048 = arith.muli %scan3A_524, %mul3A_1047 : i32
        %swap3A_1049 = arith.constant 50 : i32
        %swap3A_1050 = arith.index_cast %swap3A_1049 : i32 to index
        %swap3A_1051 = arith.index_cast %mul3A_1048 : i32 to index
        %swap3A_1052 = tpu.vector_load %arg13[%swap3A_1050, %swap3A_1051] {strides = array<i32>} : memref<64x256xf32, #tpu.memory_space<vmem>>, vector<16xf32>,
        tpu.vector_store %arg13[%swap3A_1050, %swap3A_1051], %gather3A_1030 {strides = array<i32>} : memref<64x256xf32, #tpu.memory_space<vmem>>, vector<16xf32>,
        %mul3A_1053 = arith.constant 16 : i32
        %mul3A_1054 = arith.muli %scan3A_524, %mul3A_1053 : i32
        %swap3A_1055 = arith.constant 51 : i32
        %swap3A_1056 = arith.index_cast %swap3A_1055 : i32 to index
        %swap3A_1057 = arith.index_cast %mul3A_1054 : i32 to index
        %swap3A_1058 = tpu.vector_load %arg13[%swap3A_1056, %swap3A_1057] {strides = array<i32>} : memref<64x256xf32, #tpu.memory_space<vmem>>, vector<16xf32>,
        tpu.vector_store %arg13[%swap3A_1056, %swap3A_1057], %gather3A_1034 {strides = array<i32>} : memref<64x256xf32, #tpu.memory_space<vmem>>, vector<16xf32>,
        %add3A_1059 = arith.constant 52 : i32
        %add3A_1060 = vector.broadcast %add3A_1059 : i32 to vector<16xi32>
        %add3A_1061 = arith.addi %select_n3A_540, %add3A_1060 : vector<16xi32>
        %gather3A_1062 = tpu.vector_load_idx %arg11[%add3A_528, %add3A_1061] : memref<256x128xf32, #tpu.memory_space<vmem>>[vector<16xi32>, vector<16xi32>], vector<16xf32>,
        %add3A_1063 = arith.constant 53 : i32
        %add3A_1064 = vector.broadcast %add3A_1063 : i32 to vector<16xi32>
        %add3A_1065 = arith.addi %select_n3A_540, %add3A_1064 : vector<16xi32>
        %gather3A_1066 = tpu.vector_load_idx %arg11[%add3A_528, %add3A_1065] : memref<256x128xf32, #tpu.memory_space<vmem>>[vector<16xi32>, vector<16xi32>], vector<16xf32>,
        %add3A_1067 = arith.constant 54 : i32
        %add3A_1068 = vector.broadcast %add3A_1067 : i32 to vector<16xi32>
        %add3A_1069 = arith.addi %select_n3A_540, %add3A_1068 : vector<16xi32>
        %gather3A_1070 = tpu.vector_load_idx %arg11[%add3A_528, %add3A_1069] : memref<256x128xf32, #tpu.memory_space<vmem>>[vector<16xi32>, vector<16xi32>], vector<16xf32>,
        %add3A_1071 = arith.constant 55 : i32
        %add3A_1072 = vector.broadcast %add3A_1071 : i32 to vector<16xi32>
        %add3A_1073 = arith.addi %select_n3A_540, %add3A_1072 : vector<16xi32>
        %gather3A_1074 = tpu.vector_load_idx %arg11[%add3A_528, %add3A_1073] : memref<256x128xf32, #tpu.memory_space<vmem>>[vector<16xi32>, vector<16xi32>], vector<16xf32>,
        %mul3A_1075 = arith.constant 16 : i32
        %mul3A_1076 = arith.muli %scan3A_524, %mul3A_1075 : i32
        %swap3A_1077 = arith.constant 52 : i32
        %swap3A_1078 = arith.index_cast %swap3A_1077 : i32 to index
        %swap3A_1079 = arith.index_cast %mul3A_1076 : i32 to index
        %swap3A_1080 = tpu.vector_load %arg13[%swap3A_1078, %swap3A_1079] {strides = array<i32>} : memref<64x256xf32, #tpu.memory_space<vmem>>, vector<16xf32>,
        tpu.vector_store %arg13[%swap3A_1078, %swap3A_1079], %gather3A_1062 {strides = array<i32>} : memref<64x256xf32, #tpu.memory_space<vmem>>, vector<16xf32>,
        %mul3A_1081 = arith.constant 16 : i32
        %mul3A_1082 = arith.muli %scan3A_524, %mul3A_1081 : i32
        %swap3A_1083 = arith.constant 53 : i32
        %swap3A_1084 = arith.index_cast %swap3A_1083 : i32 to index
        %swap3A_1085 = arith.index_cast %mul3A_1082 : i32 to index
        %swap3A_1086 = tpu.vector_load %arg13[%swap3A_1084, %swap3A_1085] {strides = array<i32>} : memref<64x256xf32, #tpu.memory_space<vmem>>, vector<16xf32>,
        tpu.vector_store %arg13[%swap3A_1084, %swap3A_1085], %gather3A_1066 {strides = array<i32>} : memref<64x256xf32, #tpu.memory_space<vmem>>, vector<16xf32>,
        %mul3A_1087 = arith.constant 16 : i32
        %mul3A_1088 = arith.muli %scan3A_524, %mul3A_1087 : i32
        %swap3A_1089 = arith.constant 54 : i32
        %swap3A_1090 = arith.index_cast %swap3A_1089 : i32 to index
        %swap3A_1091 = arith.index_cast %mul3A_1088 : i32 to index
        %swap3A_1092 = tpu.vector_load %arg13[%swap3A_1090, %swap3A_1091] {strides = array<i32>} : memref<64x256xf32, #tpu.memory_space<vmem>>, vector<16xf32>,
        tpu.vector_store %arg13[%swap3A_1090, %swap3A_1091], %gather3A_1070 {strides = array<i32>} : memref<64x256xf32, #tpu.memory_space<vmem>>, vector<16xf32>,
        %mul3A_1093 = arith.constant 16 : i32
        %mul3A_1094 = arith.muli %scan3A_524, %mul3A_1093 : i32
        %swap3A_1095 = arith.constant 55 : i32
        %swap3A_1096 = arith.index_cast %swap3A_1095 : i32 to index
        %swap3A_1097 = arith.index_cast %mul3A_1094 : i32 to index
        %swap3A_1098 = tpu.vector_load %arg13[%swap3A_1096, %swap3A_1097] {strides = array<i32>} : memref<64x256xf32, #tpu.memory_space<vmem>>, vector<16xf32>,
        tpu.vector_store %arg13[%swap3A_1096, %swap3A_1097], %gather3A_1074 {strides = array<i32>} : memref<64x256xf32, #tpu.memory_space<vmem>>, vector<16xf32>,
        %add3A_1099 = arith.constant 56 : i32
        %add3A_1100 = vector.broadcast %add3A_1099 : i32 to vector<16xi32>
        %add3A_1101 = arith.addi %select_n3A_540, %add3A_1100 : vector<16xi32>
        %gather3A_1102 = tpu.vector_load_idx %arg11[%add3A_528, %add3A_1101] : memref<256x128xf32, #tpu.memory_space<vmem>>[vector<16xi32>, vector<16xi32>], vector<16xf32>,
        %add3A_1103 = arith.constant 57 : i32
        %add3A_1104 = vector.broadcast %add3A_1103 : i32 to vector<16xi32>
        %add3A_1105 = arith.addi %select_n3A_540, %add3A_1104 : vector<16xi32>
        %gather3A_1106 = tpu.vector_load_idx %arg11[%add3A_528, %add3A_1105] : memref<256x128xf32, #tpu.memory_space<vmem>>[vector<16xi32>, vector<16xi32>], vector<16xf32>,
        %add3A_1107 = arith.constant 58 : i32
        %add3A_1108 = vector.broadcast %add3A_1107 : i32 to vector<16xi32>
        %add3A_1109 = arith.addi %select_n3A_540, %add3A_1108 : vector<16xi32>
        %gather3A_1110 = tpu.vector_load_idx %arg11[%add3A_528, %add3A_1109] : memref<256x128xf32, #tpu.memory_space<vmem>>[vector<16xi32>, vector<16xi32>], vector<16xf32>,
        %add3A_1111 = arith.constant 59 : i32
        %add3A_1112 = vector.broadcast %add3A_1111 : i32 to vector<16xi32>
        %add3A_1113 = arith.addi %select_n3A_540, %add3A_1112 : vector<16xi32>
        %gather3A_1114 = tpu.vector_load_idx %arg11[%add3A_528, %add3A_1113] : memref<256x128xf32, #tpu.memory_space<vmem>>[vector<16xi32>, vector<16xi32>], vector<16xf32>,
        %mul3A_1115 = arith.constant 16 : i32
        %mul3A_1116 = arith.muli %scan3A_524, %mul3A_1115 : i32
        %swap3A_1117 = arith.constant 56 : i32
        %swap3A_1118 = arith.index_cast %swap3A_1117 : i32 to index
        %swap3A_1119 = arith.index_cast %mul3A_1116 : i32 to index
        %swap3A_1120 = tpu.vector_load %arg13[%swap3A_1118, %swap3A_1119] {strides = array<i32>} : memref<64x256xf32, #tpu.memory_space<vmem>>, vector<16xf32>,
        tpu.vector_store %arg13[%swap3A_1118, %swap3A_1119], %gather3A_1102 {strides = array<i32>} : memref<64x256xf32, #tpu.memory_space<vmem>>, vector<16xf32>,
        %mul3A_1121 = arith.constant 16 : i32
        %mul3A_1122 = arith.muli %scan3A_524, %mul3A_1121 : i32
        %swap3A_1123 = arith.constant 57 : i32
        %swap3A_1124 = arith.index_cast %swap3A_1123 : i32 to index
        %swap3A_1125 = arith.index_cast %mul3A_1122 : i32 to index
        %swap3A_1126 = tpu.vector_load %arg13[%swap3A_1124, %swap3A_1125] {strides = array<i32>} : memref<64x256xf32, #tpu.memory_space<vmem>>, vector<16xf32>,
        tpu.vector_store %arg13[%swap3A_1124, %swap3A_1125], %gather3A_1106 {strides = array<i32>} : memref<64x256xf32, #tpu.memory_space<vmem>>, vector<16xf32>,
        %mul3A_1127 = arith.constant 16 : i32
        %mul3A_1128 = arith.muli %scan3A_524, %mul3A_1127 : i32
        %swap3A_1129 = arith.constant 58 : i32
        %swap3A_1130 = arith.index_cast %swap3A_1129 : i32 to index
        %swap3A_1131 = arith.index_cast %mul3A_1128 : i32 to index
        %swap3A_1132 = tpu.vector_load %arg13[%swap3A_1130, %swap3A_1131] {strides = array<i32>} : memref<64x256xf32, #tpu.memory_space<vmem>>, vector<16xf32>,
        tpu.vector_store %arg13[%swap3A_1130, %swap3A_1131], %gather3A_1110 {strides = array<i32>} : memref<64x256xf32, #tpu.memory_space<vmem>>, vector<16xf32>,
        %mul3A_1133 = arith.constant 16 : i32
        %mul3A_1134 = arith.muli %scan3A_524, %mul3A_1133 : i32
        %swap3A_1135 = arith.constant 59 : i32
        %swap3A_1136 = arith.index_cast %swap3A_1135 : i32 to index
        %swap3A_1137 = arith.index_cast %mul3A_1134 : i32 to index
        %swap3A_1138 = tpu.vector_load %arg13[%swap3A_1136, %swap3A_1137] {strides = array<i32>} : memref<64x256xf32, #tpu.memory_space<vmem>>, vector<16xf32>,
        tpu.vector_store %arg13[%swap3A_1136, %swap3A_1137], %gather3A_1114 {strides = array<i32>} : memref<64x256xf32, #tpu.memory_space<vmem>>, vector<16xf32>,
        %add3A_1139 = arith.constant 60 : i32
        %add3A_1140 = vector.broadcast %add3A_1139 : i32 to vector<16xi32>
        %add3A_1141 = arith.addi %select_n3A_540, %add3A_1140 : vector<16xi32>
        %gather3A_1142 = tpu.vector_load_idx %arg11[%add3A_528, %add3A_1141] : memref<256x128xf32, #tpu.memory_space<vmem>>[vector<16xi32>, vector<16xi32>], vector<16xf32>,
        %add3A_1143 = arith.constant 61 : i32
        %add3A_1144 = vector.broadcast %add3A_1143 : i32 to vector<16xi32>
        %add3A_1145 = arith.addi %select_n3A_540, %add3A_1144 : vector<16xi32>
        %gather3A_1146 = tpu.vector_load_idx %arg11[%add3A_528, %add3A_1145] : memref<256x128xf32, #tpu.memory_space<vmem>>[vector<16xi32>, vector<16xi32>], vector<16xf32>,
        %add3A_1147 = arith.constant 62 : i32
        %add3A_1148 = vector.broadcast %add3A_1147 : i32 to vector<16xi32>
        %add3A_1149 = arith.addi %select_n3A_540, %add3A_1148 : vector<16xi32>
        %gather3A_1150 = tpu.vector_load_idx %arg11[%add3A_528, %add3A_1149] : memref<256x128xf32, #tpu.memory_space<vmem>>[vector<16xi32>, vector<16xi32>], vector<16xf32>,
        %add3A_1151 = arith.constant 63 : i32
        %add3A_1152 = vector.broadcast %add3A_1151 : i32 to vector<16xi32>
        %add3A_1153 = arith.addi %select_n3A_540, %add3A_1152 : vector<16xi32>
        %gather3A_1154 = tpu.vector_load_idx %arg11[%add3A_528, %add3A_1153] : memref<256x128xf32, #tpu.memory_space<vmem>>[vector<16xi32>, vector<16xi32>], vector<16xf32>,
        %mul3A_1155 = arith.constant 16 : i32
        %mul3A_1156 = arith.muli %scan3A_524, %mul3A_1155 : i32
        %swap3A_1157 = arith.constant 60 : i32
        %swap3A_1158 = arith.index_cast %swap3A_1157 : i32 to index
        %swap3A_1159 = arith.index_cast %mul3A_1156 : i32 to index
        %swap3A_1160 = tpu.vector_load %arg13[%swap3A_1158, %swap3A_1159] {strides = array<i32>} : memref<64x256xf32, #tpu.memory_space<vmem>>, vector<16xf32>,
        tpu.vector_store %arg13[%swap3A_1158, %swap3A_1159], %gather3A_1142 {strides = array<i32>} : memref<64x256xf32, #tpu.memory_space<vmem>>, vector<16xf32>,
        %mul3A_1161 = arith.constant 16 : i32
        %mul3A_1162 = arith.muli %scan3A_524, %mul3A_1161 : i32
        %swap3A_1163 = arith.constant 61 : i32
        %swap3A_1164 = arith.index_cast %swap3A_1163 : i32 to index
        %swap3A_1165 = arith.index_cast %mul3A_1162 : i32 to index
        %swap3A_1166 = tpu.vector_load %arg13[%swap3A_1164, %swap3A_1165] {strides = array<i32>} : memref<64x256xf32, #tpu.memory_space<vmem>>, vector<16xf32>,
        tpu.vector_store %arg13[%swap3A_1164, %swap3A_1165], %gather3A_1146 {strides = array<i32>} : memref<64x256xf32, #tpu.memory_space<vmem>>, vector<16xf32>,
        %mul3A_1167 = arith.constant 16 : i32
        %mul3A_1168 = arith.muli %scan3A_524, %mul3A_1167 : i32
        %swap3A_1169 = arith.constant 62 : i32
        %swap3A_1170 = arith.index_cast %swap3A_1169 : i32 to index
        %swap3A_1171 = arith.index_cast %mul3A_1168 : i32 to index
        %swap3A_1172 = tpu.vector_load %arg13[%swap3A_1170, %swap3A_1171] {strides = array<i32>} : memref<64x256xf32, #tpu.memory_space<vmem>>, vector<16xf32>,
        tpu.vector_store %arg13[%swap3A_1170, %swap3A_1171], %gather3A_1150 {strides = array<i32>} : memref<64x256xf32, #tpu.memory_space<vmem>>, vector<16xf32>,
        %mul3A_1173 = arith.constant 16 : i32
        %mul3A_1174 = arith.muli %scan3A_524, %mul3A_1173 : i32
        %swap3A_1175 = arith.constant 63 : i32
        %swap3A_1176 = arith.index_cast %swap3A_1175 : i32 to index
        %swap3A_1177 = arith.index_cast %mul3A_1174 : i32 to index
        %swap3A_1178 = tpu.vector_load %arg13[%swap3A_1176, %swap3A_1177] {strides = array<i32>} : memref<64x256xf32, #tpu.memory_space<vmem>>, vector<16xf32>,
        tpu.vector_store %arg13[%swap3A_1176, %swap3A_1177], %gather3A_1154 {strides = array<i32>} : memref<64x256xf32, #tpu.memory_space<vmem>>, vector<16xf32>,
      }
      %scan3A_267 = arith.constant 16 : i32
      %add3A_268 = arith.addi %mul3A_2, %add3A_253 : i32
      %jit3A_269 = arith.constant 16 : i32
      %div3A_270 = arith.divsi %add3A_268, %jit3A_269 : i32
      %sign3A_271 = arith.constant 0 : i32
      %sign3A_272 = arith.cmpi sgt, %add3A_268, %sign3A_271 : i32
      %sign3A_273 = arith.extui %sign3A_272 : i1 to i32
      %sign3A_274 = arith.constant 0 : i32
      %sign3A_275 = arith.cmpi slt, %add3A_268, %sign3A_274 : i32
      %sign3A_276 = arith.extui %sign3A_275 : i1 to i32
      %sign3A_277 = arith.subi %sign3A_273, %sign3A_276 : i32
      %sign3A_278 = arith.constant 0 : i32
      %sign3A_279 = arith.cmpi sgt, %jit3A_269, %sign3A_278 : i32
      %sign3A_280 = arith.extui %sign3A_279 : i1 to i32
      %sign3A_281 = arith.constant 0 : i32
      %sign3A_282 = arith.cmpi slt, %jit3A_269, %sign3A_281 : i32
      %sign3A_283 = arith.extui %sign3A_282 : i1 to i32
      %sign3A_284 = arith.subi %sign3A_280, %sign3A_283 : i32
      %ne3A_285 = arith.cmpi ne, %sign3A_277, %sign3A_284 : i32
      %rem3A_286 = arith.remsi %add3A_268, %jit3A_269 : i32
      %ne3A_287 = arith.constant 0 : i32
      %ne3A_288 = arith.cmpi ne, %rem3A_286, %ne3A_287 : i32
      %and3A_289 = arith.andi %ne3A_285, %ne3A_288 : i1
      %sub3A_290 = arith.constant 1 : i32
      %sub3A_291 = arith.subi %div3A_270, %sub3A_290 : i32
      %select_n3A_292 = arith.select %and3A_289, %sub3A_291, %div3A_270 : i32
      %jit3A_293 = arith.constant 16 : i32
      %eq3A_294 = arith.constant 0 : i32
      %eq3A_295 = arith.cmpi eq, %jit3A_293, %eq3A_294 : i32
      %jit3A_296 = arith.constant 1 : i32
      %select_n3A_297 = arith.select %eq3A_295, %jit3A_296, %jit3A_293 : i32
      %rem3A_298 = arith.remsi %add3A_268, %select_n3A_297 : i32
      %ne3A_299 = arith.constant 0 : i32
      %ne3A_300 = arith.cmpi ne, %rem3A_298, %ne3A_299 : i32
      %lt3A_301 = arith.constant 0 : i32
      %lt3A_302 = arith.cmpi slt, %rem3A_298, %lt3A_301 : i32
      %lt3A_303 = arith.constant 0 : i32
      %lt3A_304 = arith.cmpi slt, %select_n3A_297, %lt3A_303 : i32
      %ne3A_305 = arith.xori %lt3A_302, %lt3A_304 : i1
      %and3A_306 = arith.andi %ne3A_305, %ne3A_300 : i1
      %add3A_307 = arith.addi %rem3A_298, %select_n3A_297 : i32
      %select_n3A_308 = arith.select %and3A_306, %add3A_307, %rem3A_298 : i32
      %mul3A_309 = arith.constant 256 : i32
      %mul3A_310 = arith.muli %select_n3A_308, %mul3A_309 : i32
      %dma_start3A_311 = arith.constant 0 : i32
      %dma_start3A_312 = tpu.memref_slice %arg4[%select_n3A_292, %dma_start3A_311, %mul3A_310] : memref<200x64x4096xf32, #tpu.memory_space<hbm>> -> memref<1x64x256xf32, #tpu.memory_space<hbm>>
      %dma_start3A_313 = tpu.memref_squeeze %dma_start3A_312 : memref<1x64x256xf32, #tpu.memory_space<hbm>> -> memref<64x256xf32, #tpu.memory_space<hbm>>
      %dma_start3A_314 = arith.constant 0 : i32
      %dma_start3A_315 = tpu.memref_slice %arg4[%select_n3A_292, %dma_start3A_314, %mul3A_310] : memref<200x64x4096xf32, #tpu.memory_space<hbm>> -> memref<1x64x256xf32, #tpu.memory_space<hbm>>
      %dma_start3A_316 = tpu.memref_squeeze %dma_start3A_315 : memref<1x64x256xf32, #tpu.memory_space<hbm>> -> memref<64x256xf32, #tpu.memory_space<hbm>>
      tpu.enqueue_dma source(%arg13 : memref<64x256xf32, #tpu.memory_space<vmem>>) target(%dma_start3A_316 : memref<64x256xf32, #tpu.memory_space<hbm>>) target_semaphore(%arg21 : memref<!tpu.dma_semaphore, #tpu.memory_space<semaphore_mem>>)
      %mul3A_317 = arith.constant 4 : i32
      %mul3A_318 = arith.muli %scan3A_249, %mul3A_317 : i32
      %add3A_319 = arith.constant 1 : i32
      %add3A_320 = arith.addi %mul3A_318, %add3A_319 : i32
      %dma_wait3A_321 = arith.constant 0 : i32
      %dma_wait3A_322 = arith.constant 0 : i32
      %dma_wait3A_323 = tpu.memref_slice %arg3[%dma_wait3A_321, %dma_wait3A_322] : memref<501760x128xf32, #tpu.memory_space<hbm>> -> memref<501760x128xf32, #tpu.memory_space<hbm>>
      tpu.wait_indirect_dma semaphore(%arg20 : memref<!tpu.dma_semaphore, #tpu.memory_space<semaphore_mem>>) src(%dma_wait3A_323 : memref<501760x128xf32, #tpu.memory_space<hbm>>) dst(%arg12 : memref<256x128xf32, #tpu.memory_space<vmem>>)
      %add3A_324 = arith.constant 1 : i32
      %add3A_325 = arith.addi %add3A_320, %add3A_324 : i32
      %lt3A_326 = arith.constant 100 : i32
      %lt3A_327 = arith.cmpi slt, %add3A_325, %lt3A_326 : i32
      %convert_element_type3A_328 = arith.extui %lt3A_327 : i1 to i32
      %cond3A_329 = arith.constant 0 : i32
      %cond3A_330 = arith.cmpi ne, %convert_element_type3A_328, %cond3A_329 : i32
      scf.if %cond3A_330 {
        %add3A_524 = arith.constant 1 : i32
        %add3A_525 = arith.addi %add3A_320, %add3A_524 : i32
        %add3A_526 = arith.addi %mul3A_2, %add3A_525 : i32
        %jit3A_527 = arith.constant 16 : i32
        %div3A_528 = arith.divsi %add3A_526, %jit3A_527 : i32
        %sign3A_529 = arith.constant 0 : i32
        %sign3A_530 = arith.cmpi sgt, %add3A_526, %sign3A_529 : i32
        %sign3A_531 = arith.extui %sign3A_530 : i1 to i32
        %sign3A_532 = arith.constant 0 : i32
        %sign3A_533 = arith.cmpi slt, %add3A_526, %sign3A_532 : i32
        %sign3A_534 = arith.extui %sign3A_533 : i1 to i32
        %sign3A_535 = arith.subi %sign3A_531, %sign3A_534 : i32
        %sign3A_536 = arith.constant 0 : i32
        %sign3A_537 = arith.cmpi sgt, %jit3A_527, %sign3A_536 : i32
        %sign3A_538 = arith.extui %sign3A_537 : i1 to i32
        %sign3A_539 = arith.constant 0 : i32
        %sign3A_540 = arith.cmpi slt, %jit3A_527, %sign3A_539 : i32
        %sign3A_541 = arith.extui %sign3A_540 : i1 to i32
        %sign3A_542 = arith.subi %sign3A_538, %sign3A_541 : i32
        %ne3A_543 = arith.cmpi ne, %sign3A_535, %sign3A_542 : i32
        %rem3A_544 = arith.remsi %add3A_526, %jit3A_527 : i32
        %ne3A_545 = arith.constant 0 : i32
        %ne3A_546 = arith.cmpi ne, %rem3A_544, %ne3A_545 : i32
        %and3A_547 = arith.andi %ne3A_543, %ne3A_546 : i1
        %sub3A_548 = arith.constant 1 : i32
        %sub3A_549 = arith.subi %div3A_528, %sub3A_548 : i32
        %select_n3A_550 = arith.select %and3A_547, %sub3A_549, %div3A_528 : i32
        %jit3A_551 = arith.constant 16 : i32
        %eq3A_552 = arith.constant 0 : i32
        %eq3A_553 = arith.cmpi eq, %jit3A_551, %eq3A_552 : i32
        %jit3A_554 = arith.constant 1 : i32
        %select_n3A_555 = arith.select %eq3A_553, %jit3A_554, %jit3A_551 : i32
        %rem3A_556 = arith.remsi %add3A_526, %select_n3A_555 : i32
        %ne3A_557 = arith.constant 0 : i32
        %ne3A_558 = arith.cmpi ne, %rem3A_556, %ne3A_557 : i32
        %lt3A_559 = arith.constant 0 : i32
        %lt3A_560 = arith.cmpi slt, %rem3A_556, %lt3A_559 : i32
        %lt3A_561 = arith.constant 0 : i32
        %lt3A_562 = arith.cmpi slt, %select_n3A_555, %lt3A_561 : i32
        %ne3A_563 = arith.xori %lt3A_560, %lt3A_562 : i1
        %and3A_564 = arith.andi %ne3A_563, %ne3A_558 : i1
        %add3A_565 = arith.addi %rem3A_556, %select_n3A_555 : i32
        %select_n3A_566 = arith.select %and3A_564, %add3A_565, %rem3A_556 : i32
        %mul3A_567 = arith.constant 256 : i32
        %mul3A_568 = arith.muli %select_n3A_566, %mul3A_567 : i32
        %dma_wait3A_569 = tpu.memref_slice %arg2[%select_n3A_550, %mul3A_568] : memref<200x4096xi32, #tpu.memory_space<hbm>> -> memref<1x256xi32, #tpu.memory_space<hbm>>
        %dma_wait3A_570 = tpu.memref_squeeze %dma_wait3A_569 : memref<1x256xi32, #tpu.memory_space<hbm>> -> memref<256xi32, #tpu.memory_space<hbm>>
        %dma_wait3A_571 = tpu.memref_slice %arg2[%select_n3A_550, %mul3A_568] : memref<200x4096xi32, #tpu.memory_space<hbm>> -> memref<1x256xi32, #tpu.memory_space<hbm>>
        %dma_wait3A_572 = tpu.memref_squeeze %dma_wait3A_571 : memref<1x256xi32, #tpu.memory_space<hbm>> -> memref<256xi32, #tpu.memory_space<hbm>>
        tpu.wait_dma2 semaphore(%arg17 : memref<!tpu.dma_semaphore, #tpu.memory_space<semaphore_mem>>) src(%dma_wait3A_572 : memref<256xi32, #tpu.memory_space<hbm>>) dst(%arg7 : memref<256xi32, #tpu.memory_space<vmem>>)
        %scan3A_573 = arith.constant 0 : i32
        %scan3A_574 = arith.constant 0 : i32
        %scan3A_575 = arith.constant 16 : i32
        %scan3A_576 = arith.addi %scan3A_574, %scan3A_575 : i32
        %scan3A_577 = arith.constant 1 : i32
        scf.for %scan3A_595 = %scan3A_574 to %scan3A_576 step %scan3A_577  : i32 {
          %mul3A_596 = arith.constant 16 : i32
          %mul3A_597 = arith.muli %scan3A_595, %mul3A_596 : i32
          %get3A = arith.index_cast %mul3A_597 : i32 to index
          %get3A_598 = tpu.vector_load %arg7[%get3A] {strides = array<i32>} : memref<256xi32, #tpu.memory_space<vmem>>, vector<16xi32>,
          %shift_right_logical3A = arith.constant 12 : i32
          %shift_right_logical3A_599 = vector.broadcast %shift_right_logical3A : i32 to vector<16xi32>
          %shift_right_logical3A_600 = arith.shrui %get3A_598, %shift_right_logical3A_599 : vector<16xi32>
          %and3A_601 = arith.constant 4095 : i32
          %and3A_602 = vector.broadcast %and3A_601 : i32 to vector<16xi32>
          %and3A_603 = arith.andi %get3A_598, %and3A_602 : vector<16xi32>
          %shift_left3A = arith.constant 11 : i32
          %shift_left3A_604 = vector.broadcast %shift_left3A : i32 to vector<16xi32>
          %shift_left3A_605 = arith.shli %shift_right_logical3A_600, %shift_left3A_604 : vector<16xi32>
          %and3A_606 = arith.constant 2047 : i32
          %and3A_607 = vector.broadcast %and3A_606 : i32 to vector<16xi32>
          %and3A_608 = arith.andi %and3A_603, %and3A_607 : vector<16xi32>
          %add3A_609 = arith.addi %shift_left3A_605, %and3A_608 : vector<16xi32>
          %mul3A_610 = arith.constant 16 : i32
          %mul3A_611 = arith.muli %scan3A_595, %mul3A_610 : i32
          %swap3A = arith.index_cast %mul3A_611 : i32 to index
          %swap3A_612 = tpu.vector_load %arg9[%swap3A] {strides = array<i32>} : memref<256xi32, #tpu.memory_space<vmem>>, vector<16xi32>,
          tpu.vector_store %arg9[%swap3A], %add3A_609 {strides = array<i32>} : memref<256xi32, #tpu.memory_space<vmem>>, vector<16xi32>,
        }
        %scan3A_578 = arith.constant 16 : i32
        %add3A_579 = arith.constant 1 : i32
        %add3A_580 = arith.addi %add3A_320, %add3A_579 : i32
        %ge3A = arith.constant 2 : i32
        %ge3A_581 = arith.cmpi sge, %add3A_580, %ge3A : i32
        %convert_element_type3A_582 = arith.extui %ge3A_581 : i1 to i32
        %cond3A_583 = arith.constant 0 : i32
        %cond3A_584 = arith.cmpi ne, %convert_element_type3A_582, %cond3A_583 : i32
        scf.if %cond3A_584 {
          %sub3A_595 = arith.constant 1 : i32
          %sub3A_596 = arith.subi %add3A_320, %sub3A_595 : i32
          %add3A_597 = arith.addi %mul3A_2, %sub3A_596 : i32
          %jit3A_598 = arith.constant 16 : i32
          %div3A_599 = arith.divsi %add3A_597, %jit3A_598 : i32
          %sign3A_600 = arith.constant 0 : i32
          %sign3A_601 = arith.cmpi sgt, %add3A_597, %sign3A_600 : i32
          %sign3A_602 = arith.extui %sign3A_601 : i1 to i32
          %sign3A_603 = arith.constant 0 : i32
          %sign3A_604 = arith.cmpi slt, %add3A_597, %sign3A_603 : i32
          %sign3A_605 = arith.extui %sign3A_604 : i1 to i32
          %sign3A_606 = arith.subi %sign3A_602, %sign3A_605 : i32
          %sign3A_607 = arith.constant 0 : i32
          %sign3A_608 = arith.cmpi sgt, %jit3A_598, %sign3A_607 : i32
          %sign3A_609 = arith.extui %sign3A_608 : i1 to i32
          %sign3A_610 = arith.constant 0 : i32
          %sign3A_611 = arith.cmpi slt, %jit3A_598, %sign3A_610 : i32
          %sign3A_612 = arith.extui %sign3A_611 : i1 to i32
          %sign3A_613 = arith.subi %sign3A_609, %sign3A_612 : i32
          %ne3A_614 = arith.cmpi ne, %sign3A_606, %sign3A_613 : i32
          %rem3A_615 = arith.remsi %add3A_597, %jit3A_598 : i32
          %ne3A_616 = arith.constant 0 : i32
          %ne3A_617 = arith.cmpi ne, %rem3A_615, %ne3A_616 : i32
          %and3A_618 = arith.andi %ne3A_614, %ne3A_617 : i1
          %sub3A_619 = arith.constant 1 : i32
          %sub3A_620 = arith.subi %div3A_599, %sub3A_619 : i32
          %select_n3A_621 = arith.select %and3A_618, %sub3A_620, %div3A_599 : i32
          %jit3A_622 = arith.constant 16 : i32
          %eq3A_623 = arith.constant 0 : i32
          %eq3A_624 = arith.cmpi eq, %jit3A_622, %eq3A_623 : i32
          %jit3A_625 = arith.constant 1 : i32
          %select_n3A_626 = arith.select %eq3A_624, %jit3A_625, %jit3A_622 : i32
          %rem3A_627 = arith.remsi %add3A_597, %select_n3A_626 : i32
          %ne3A_628 = arith.constant 0 : i32
          %ne3A_629 = arith.cmpi ne, %rem3A_627, %ne3A_628 : i32
          %lt3A_630 = arith.constant 0 : i32
          %lt3A_631 = arith.cmpi slt, %rem3A_627, %lt3A_630 : i32
          %lt3A_632 = arith.constant 0 : i32
          %lt3A_633 = arith.cmpi slt, %select_n3A_626, %lt3A_632 : i32
          %ne3A_634 = arith.xori %lt3A_631, %lt3A_633 : i1
          %and3A_635 = arith.andi %ne3A_634, %ne3A_629 : i1
          %add3A_636 = arith.addi %rem3A_627, %select_n3A_626 : i32
          %select_n3A_637 = arith.select %and3A_635, %add3A_636, %rem3A_627 : i32
          %mul3A_638 = arith.constant 256 : i32
          %mul3A_639 = arith.muli %select_n3A_637, %mul3A_638 : i32
          %dma_wait3A_640 = arith.constant 0 : i32
          %dma_wait3A_641 = tpu.memref_slice %arg4[%select_n3A_621, %dma_wait3A_640, %mul3A_639] : memref<200x64x4096xf32, #tpu.memory_space<hbm>> -> memref<1x64x256xf32, #tpu.memory_space<hbm>>
          %dma_wait3A_642 = tpu.memref_squeeze %dma_wait3A_641 : memref<1x64x256xf32, #tpu.memory_space<hbm>> -> memref<64x256xf32, #tpu.memory_space<hbm>>
          %dma_wait3A_643 = arith.constant 0 : i32
          %dma_wait3A_644 = tpu.memref_slice %arg4[%select_n3A_621, %dma_wait3A_643, %mul3A_639] : memref<200x64x4096xf32, #tpu.memory_space<hbm>> -> memref<1x64x256xf32, #tpu.memory_space<hbm>>
          %dma_wait3A_645 = tpu.memref_squeeze %dma_wait3A_644 : memref<1x64x256xf32, #tpu.memory_space<hbm>> -> memref<64x256xf32, #tpu.memory_space<hbm>>
          tpu.wait_dma2 semaphore(%arg21 : memref<!tpu.dma_semaphore, #tpu.memory_space<semaphore_mem>>) src(%arg13 : memref<64x256xf32, #tpu.memory_space<vmem>>) dst(%dma_wait3A_645 : memref<64x256xf32, #tpu.memory_space<hbm>>)
        } else {
        }
        %dma_start3A_585 = arith.constant 0 : i32
        %dma_start3A_586 = arith.constant 0 : i32
        %dma_start3A_587 = tpu.memref_slice %arg3[%dma_start3A_585, %dma_start3A_586] : memref<501760x128xf32, #tpu.memory_space<hbm>> -> memref<501760x128xf32, #tpu.memory_space<hbm>>
        tpu.enqueue_indirect_dma source(%dma_start3A_587 : memref<501760x128xf32, #tpu.memory_space<hbm>>) target(%arg11 : memref<256x128xf32, #tpu.memory_space<vmem>>) offsets(%arg9 : memref<256xi32, #tpu.memory_space<vmem>>) semaphore(%arg19 : memref<!tpu.dma_semaphore, #tpu.memory_space<semaphore_mem>>)
        %add3A_588 = arith.constant 2 : i32
        %add3A_589 = arith.addi %add3A_320, %add3A_588 : i32
        %lt3A_590 = arith.constant 100 : i32
        %lt3A_591 = arith.cmpi slt, %add3A_589, %lt3A_590 : i32
        %convert_element_type3A_592 = arith.extui %lt3A_591 : i1 to i32
        %cond3A_593 = arith.constant 0 : i32
        %cond3A_594 = arith.cmpi ne, %convert_element_type3A_592, %cond3A_593 : i32
        scf.if %cond3A_594 {
          %add3A_595 = arith.constant 2 : i32
          %add3A_596 = arith.addi %add3A_320, %add3A_595 : i32
          %add3A_597 = arith.addi %mul3A_2, %add3A_596 : i32
          %jit3A_598 = arith.constant 16 : i32
          %div3A_599 = arith.divsi %add3A_597, %jit3A_598 : i32
          %sign3A_600 = arith.constant 0 : i32
          %sign3A_601 = arith.cmpi sgt, %add3A_597, %sign3A_600 : i32
          %sign3A_602 = arith.extui %sign3A_601 : i1 to i32
          %sign3A_603 = arith.constant 0 : i32
          %sign3A_604 = arith.cmpi slt, %add3A_597, %sign3A_603 : i32
          %sign3A_605 = arith.extui %sign3A_604 : i1 to i32
          %sign3A_606 = arith.subi %sign3A_602, %sign3A_605 : i32
          %sign3A_607 = arith.constant 0 : i32
          %sign3A_608 = arith.cmpi sgt, %jit3A_598, %sign3A_607 : i32
          %sign3A_609 = arith.extui %sign3A_608 : i1 to i32
          %sign3A_610 = arith.constant 0 : i32
          %sign3A_611 = arith.cmpi slt, %jit3A_598, %sign3A_610 : i32
          %sign3A_612 = arith.extui %sign3A_611 : i1 to i32
          %sign3A_613 = arith.subi %sign3A_609, %sign3A_612 : i32
          %ne3A_614 = arith.cmpi ne, %sign3A_606, %sign3A_613 : i32
          %rem3A_615 = arith.remsi %add3A_597, %jit3A_598 : i32
          %ne3A_616 = arith.constant 0 : i32
          %ne3A_617 = arith.cmpi ne, %rem3A_615, %ne3A_616 : i32
          %and3A_618 = arith.andi %ne3A_614, %ne3A_617 : i1
          %sub3A_619 = arith.constant 1 : i32
          %sub3A_620 = arith.subi %div3A_599, %sub3A_619 : i32
          %select_n3A_621 = arith.select %and3A_618, %sub3A_620, %div3A_599 : i32
          %jit3A_622 = arith.constant 16 : i32
          %eq3A_623 = arith.constant 0 : i32
          %eq3A_624 = arith.cmpi eq, %jit3A_622, %eq3A_623 : i32
          %jit3A_625 = arith.constant 1 : i32
          %select_n3A_626 = arith.select %eq3A_624, %jit3A_625, %jit3A_622 : i32
          %rem3A_627 = arith.remsi %add3A_597, %select_n3A_626 : i32
          %ne3A_628 = arith.constant 0 : i32
          %ne3A_629 = arith.cmpi ne, %rem3A_627, %ne3A_628 : i32
          %lt3A_630 = arith.constant 0 : i32
          %lt3A_631 = arith.cmpi slt, %rem3A_627, %lt3A_630 : i32
          %lt3A_632 = arith.constant 0 : i32
          %lt3A_633 = arith.cmpi slt, %select_n3A_626, %lt3A_632 : i32
          %ne3A_634 = arith.xori %lt3A_631, %lt3A_633 : i1
          %and3A_635 = arith.andi %ne3A_634, %ne3A_629 : i1
          %add3A_636 = arith.addi %rem3A_627, %select_n3A_626 : i32
          %select_n3A_637 = arith.select %and3A_635, %add3A_636, %rem3A_627 : i32
          %mul3A_638 = arith.constant 256 : i32
          %mul3A_639 = arith.muli %select_n3A_637, %mul3A_638 : i32
          %dma_start3A_640 = tpu.memref_slice %arg2[%select_n3A_621, %mul3A_639] : memref<200x4096xi32, #tpu.memory_space<hbm>> -> memref<1x256xi32, #tpu.memory_space<hbm>>
          %dma_start3A_641 = tpu.memref_squeeze %dma_start3A_640 : memref<1x256xi32, #tpu.memory_space<hbm>> -> memref<256xi32, #tpu.memory_space<hbm>>
          %dma_start3A_642 = tpu.memref_slice %arg2[%select_n3A_621, %mul3A_639] : memref<200x4096xi32, #tpu.memory_space<hbm>> -> memref<1x256xi32, #tpu.memory_space<hbm>>
          %dma_start3A_643 = tpu.memref_squeeze %dma_start3A_642 : memref<1x256xi32, #tpu.memory_space<hbm>> -> memref<256xi32, #tpu.memory_space<hbm>>
          tpu.enqueue_dma source(%dma_start3A_643 : memref<256xi32, #tpu.memory_space<hbm>>) target(%arg8 : memref<256xi32, #tpu.memory_space<vmem>>) target_semaphore(%arg18 : memref<!tpu.dma_semaphore, #tpu.memory_space<semaphore_mem>>)
        } else {
        }
      } else {
      }
      %scan3A_331 = arith.constant 0 : i32
      %scan3A_332 = arith.constant 0 : i32
      %scan3A_333 = arith.constant 16 : i32
      %scan3A_334 = arith.addi %scan3A_332, %scan3A_333 : i32
      %scan3A_335 = arith.constant 1 : i32
      scf.for %scan3A_524 = %scan3A_332 to %scan3A_334 step %scan3A_335  : i32 {
        %mul3A_525 = arith.constant 16 : i32
        %mul3A_526 = arith.muli %scan3A_524, %mul3A_525 : i32
        %iota3A = tpu.iota {dimensions = array<i32: 0>} : vector<16xi32>
        %add3A_527 = vector.broadcast %mul3A_526 : i32 to vector<16xi32>
        %add3A_528 = arith.addi %add3A_527, %iota3A : vector<16xi32>
        %mul3A_529 = arith.constant 16 : i32
        %mul3A_530 = arith.muli %scan3A_524, %mul3A_529 : i32
        %get3A = arith.index_cast %mul3A_530 : i32 to index
        %get3A_531 = tpu.vector_load %arg6[%get3A] {strides = array<i32>} : memref<256xi32, #tpu.memory_space<vmem>>, vector<16xi32>,
        %and3A_532 = arith.constant 4095 : i32
        %and3A_533 = vector.broadcast %and3A_532 : i32 to vector<16xi32>
        %and3A_534 = arith.andi %get3A_531, %and3A_533 : vector<16xi32>
        %ge3A = arith.constant 2048 : i32
        %ge3A_535 = vector.broadcast %ge3A : i32 to vector<16xi32>
        %ge3A_536 = arith.cmpi sge, %and3A_534, %ge3A_535 : vector<16xi32>
        %jit3A_537 = arith.constant 64 : i32
        %jit3A_538 = arith.constant 0 : i32
        %broadcast_in_dim3A = vector.broadcast %jit3A_537 : i32 to vector<16xi32>
        %broadcast_in_dim3A_539 = vector.broadcast %jit3A_538 : i32 to vector<16xi32>
        %select_n3A_540 = arith.select %ge3A_536, %broadcast_in_dim3A, %broadcast_in_dim3A_539 : vector<16xi1>, vector<16xi32>
        %add3A_541 = arith.constant 0 : i32
        %add3A_542 = vector.broadcast %add3A_541 : i32 to vector<16xi32>
        %add3A_543 = arith.addi %select_n3A_540, %add3A_542 : vector<16xi32>
        %gather3A = tpu.vector_load_idx %arg12[%add3A_528, %add3A_543] : memref<256x128xf32, #tpu.memory_space<vmem>>[vector<16xi32>, vector<16xi32>], vector<16xf32>,
        %add3A_544 = arith.constant 1 : i32
        %add3A_545 = vector.broadcast %add3A_544 : i32 to vector<16xi32>
        %add3A_546 = arith.addi %select_n3A_540, %add3A_545 : vector<16xi32>
        %gather3A_547 = tpu.vector_load_idx %arg12[%add3A_528, %add3A_546] : memref<256x128xf32, #tpu.memory_space<vmem>>[vector<16xi32>, vector<16xi32>], vector<16xf32>,
        %add3A_548 = arith.constant 2 : i32
        %add3A_549 = vector.broadcast %add3A_548 : i32 to vector<16xi32>
        %add3A_550 = arith.addi %select_n3A_540, %add3A_549 : vector<16xi32>
        %gather3A_551 = tpu.vector_load_idx %arg12[%add3A_528, %add3A_550] : memref<256x128xf32, #tpu.memory_space<vmem>>[vector<16xi32>, vector<16xi32>], vector<16xf32>,
        %add3A_552 = arith.constant 3 : i32
        %add3A_553 = vector.broadcast %add3A_552 : i32 to vector<16xi32>
        %add3A_554 = arith.addi %select_n3A_540, %add3A_553 : vector<16xi32>
        %gather3A_555 = tpu.vector_load_idx %arg12[%add3A_528, %add3A_554] : memref<256x128xf32, #tpu.memory_space<vmem>>[vector<16xi32>, vector<16xi32>], vector<16xf32>,
        %mul3A_556 = arith.constant 16 : i32
        %mul3A_557 = arith.muli %scan3A_524, %mul3A_556 : i32
        %swap3A = arith.constant 0 : i32
        %swap3A_558 = arith.index_cast %swap3A : i32 to index
        %swap3A_559 = arith.index_cast %mul3A_557 : i32 to index
        %swap3A_560 = tpu.vector_load %arg14[%swap3A_558, %swap3A_559] {strides = array<i32>} : memref<64x256xf32, #tpu.memory_space<vmem>>, vector<16xf32>,
        tpu.vector_store %arg14[%swap3A_558, %swap3A_559], %gather3A {strides = array<i32>} : memref<64x256xf32, #tpu.memory_space<vmem>>, vector<16xf32>,
        %mul3A_561 = arith.constant 16 : i32
        %mul3A_562 = arith.muli %scan3A_524, %mul3A_561 : i32
        %swap3A_563 = arith.constant 1 : i32
        %swap3A_564 = arith.index_cast %swap3A_563 : i32 to index
        %swap3A_565 = arith.index_cast %mul3A_562 : i32 to index
        %swap3A_566 = tpu.vector_load %arg14[%swap3A_564, %swap3A_565] {strides = array<i32>} : memref<64x256xf32, #tpu.memory_space<vmem>>, vector<16xf32>,
        tpu.vector_store %arg14[%swap3A_564, %swap3A_565], %gather3A_547 {strides = array<i32>} : memref<64x256xf32, #tpu.memory_space<vmem>>, vector<16xf32>,
        %mul3A_567 = arith.constant 16 : i32
        %mul3A_568 = arith.muli %scan3A_524, %mul3A_567 : i32
        %swap3A_569 = arith.constant 2 : i32
        %swap3A_570 = arith.index_cast %swap3A_569 : i32 to index
        %swap3A_571 = arith.index_cast %mul3A_568 : i32 to index
        %swap3A_572 = tpu.vector_load %arg14[%swap3A_570, %swap3A_571] {strides = array<i32>} : memref<64x256xf32, #tpu.memory_space<vmem>>, vector<16xf32>,
        tpu.vector_store %arg14[%swap3A_570, %swap3A_571], %gather3A_551 {strides = array<i32>} : memref<64x256xf32, #tpu.memory_space<vmem>>, vector<16xf32>,
        %mul3A_573 = arith.constant 16 : i32
        %mul3A_574 = arith.muli %scan3A_524, %mul3A_573 : i32
        %swap3A_575 = arith.constant 3 : i32
        %swap3A_576 = arith.index_cast %swap3A_575 : i32 to index
        %swap3A_577 = arith.index_cast %mul3A_574 : i32 to index
        %swap3A_578 = tpu.vector_load %arg14[%swap3A_576, %swap3A_577] {strides = array<i32>} : memref<64x256xf32, #tpu.memory_space<vmem>>, vector<16xf32>,
        tpu.vector_store %arg14[%swap3A_576, %swap3A_577], %gather3A_555 {strides = array<i32>} : memref<64x256xf32, #tpu.memory_space<vmem>>, vector<16xf32>,
        %add3A_579 = arith.constant 4 : i32
        %add3A_580 = vector.broadcast %add3A_579 : i32 to vector<16xi32>
        %add3A_581 = arith.addi %select_n3A_540, %add3A_580 : vector<16xi32>
        %gather3A_582 = tpu.vector_load_idx %arg12[%add3A_528, %add3A_581] : memref<256x128xf32, #tpu.memory_space<vmem>>[vector<16xi32>, vector<16xi32>], vector<16xf32>,
        %add3A_583 = arith.constant 5 : i32
        %add3A_584 = vector.broadcast %add3A_583 : i32 to vector<16xi32>
        %add3A_585 = arith.addi %select_n3A_540, %add3A_584 : vector<16xi32>
        %gather3A_586 = tpu.vector_load_idx %arg12[%add3A_528, %add3A_585] : memref<256x128xf32, #tpu.memory_space<vmem>>[vector<16xi32>, vector<16xi32>], vector<16xf32>,
        %add3A_587 = arith.constant 6 : i32
        %add3A_588 = vector.broadcast %add3A_587 : i32 to vector<16xi32>
        %add3A_589 = arith.addi %select_n3A_540, %add3A_588 : vector<16xi32>
        %gather3A_590 = tpu.vector_load_idx %arg12[%add3A_528, %add3A_589] : memref<256x128xf32, #tpu.memory_space<vmem>>[vector<16xi32>, vector<16xi32>], vector<16xf32>,
        %add3A_591 = arith.constant 7 : i32
        %add3A_592 = vector.broadcast %add3A_591 : i32 to vector<16xi32>
        %add3A_593 = arith.addi %select_n3A_540, %add3A_592 : vector<16xi32>
        %gather3A_594 = tpu.vector_load_idx %arg12[%add3A_528, %add3A_593] : memref<256x128xf32, #tpu.memory_space<vmem>>[vector<16xi32>, vector<16xi32>], vector<16xf32>,
        %mul3A_595 = arith.constant 16 : i32
        %mul3A_596 = arith.muli %scan3A_524, %mul3A_595 : i32
        %swap3A_597 = arith.constant 4 : i32
        %swap3A_598 = arith.index_cast %swap3A_597 : i32 to index
        %swap3A_599 = arith.index_cast %mul3A_596 : i32 to index
        %swap3A_600 = tpu.vector_load %arg14[%swap3A_598, %swap3A_599] {strides = array<i32>} : memref<64x256xf32, #tpu.memory_space<vmem>>, vector<16xf32>,
        tpu.vector_store %arg14[%swap3A_598, %swap3A_599], %gather3A_582 {strides = array<i32>} : memref<64x256xf32, #tpu.memory_space<vmem>>, vector<16xf32>,
        %mul3A_601 = arith.constant 16 : i32
        %mul3A_602 = arith.muli %scan3A_524, %mul3A_601 : i32
        %swap3A_603 = arith.constant 5 : i32
        %swap3A_604 = arith.index_cast %swap3A_603 : i32 to index
        %swap3A_605 = arith.index_cast %mul3A_602 : i32 to index
        %swap3A_606 = tpu.vector_load %arg14[%swap3A_604, %swap3A_605] {strides = array<i32>} : memref<64x256xf32, #tpu.memory_space<vmem>>, vector<16xf32>,
        tpu.vector_store %arg14[%swap3A_604, %swap3A_605], %gather3A_586 {strides = array<i32>} : memref<64x256xf32, #tpu.memory_space<vmem>>, vector<16xf32>,
        %mul3A_607 = arith.constant 16 : i32
        %mul3A_608 = arith.muli %scan3A_524, %mul3A_607 : i32
        %swap3A_609 = arith.constant 6 : i32
        %swap3A_610 = arith.index_cast %swap3A_609 : i32 to index
        %swap3A_611 = arith.index_cast %mul3A_608 : i32 to index
        %swap3A_612 = tpu.vector_load %arg14[%swap3A_610, %swap3A_611] {strides = array<i32>} : memref<64x256xf32, #tpu.memory_space<vmem>>, vector<16xf32>,
        tpu.vector_store %arg14[%swap3A_610, %swap3A_611], %gather3A_590 {strides = array<i32>} : memref<64x256xf32, #tpu.memory_space<vmem>>, vector<16xf32>,
        %mul3A_613 = arith.constant 16 : i32
        %mul3A_614 = arith.muli %scan3A_524, %mul3A_613 : i32
        %swap3A_615 = arith.constant 7 : i32
        %swap3A_616 = arith.index_cast %swap3A_615 : i32 to index
        %swap3A_617 = arith.index_cast %mul3A_614 : i32 to index
        %swap3A_618 = tpu.vector_load %arg14[%swap3A_616, %swap3A_617] {strides = array<i32>} : memref<64x256xf32, #tpu.memory_space<vmem>>, vector<16xf32>,
        tpu.vector_store %arg14[%swap3A_616, %swap3A_617], %gather3A_594 {strides = array<i32>} : memref<64x256xf32, #tpu.memory_space<vmem>>, vector<16xf32>,
        %add3A_619 = arith.constant 8 : i32
        %add3A_620 = vector.broadcast %add3A_619 : i32 to vector<16xi32>
        %add3A_621 = arith.addi %select_n3A_540, %add3A_620 : vector<16xi32>
        %gather3A_622 = tpu.vector_load_idx %arg12[%add3A_528, %add3A_621] : memref<256x128xf32, #tpu.memory_space<vmem>>[vector<16xi32>, vector<16xi32>], vector<16xf32>,
        %add3A_623 = arith.constant 9 : i32
        %add3A_624 = vector.broadcast %add3A_623 : i32 to vector<16xi32>
        %add3A_625 = arith.addi %select_n3A_540, %add3A_624 : vector<16xi32>
        %gather3A_626 = tpu.vector_load_idx %arg12[%add3A_528, %add3A_625] : memref<256x128xf32, #tpu.memory_space<vmem>>[vector<16xi32>, vector<16xi32>], vector<16xf32>,
        %add3A_627 = arith.constant 10 : i32
        %add3A_628 = vector.broadcast %add3A_627 : i32 to vector<16xi32>
        %add3A_629 = arith.addi %select_n3A_540, %add3A_628 : vector<16xi32>
        %gather3A_630 = tpu.vector_load_idx %arg12[%add3A_528, %add3A_629] : memref<256x128xf32, #tpu.memory_space<vmem>>[vector<16xi32>, vector<16xi32>], vector<16xf32>,
        %add3A_631 = arith.constant 11 : i32
        %add3A_632 = vector.broadcast %add3A_631 : i32 to vector<16xi32>
        %add3A_633 = arith.addi %select_n3A_540, %add3A_632 : vector<16xi32>
        %gather3A_634 = tpu.vector_load_idx %arg12[%add3A_528, %add3A_633] : memref<256x128xf32, #tpu.memory_space<vmem>>[vector<16xi32>, vector<16xi32>], vector<16xf32>,
        %mul3A_635 = arith.constant 16 : i32
        %mul3A_636 = arith.muli %scan3A_524, %mul3A_635 : i32
        %swap3A_637 = arith.constant 8 : i32
        %swap3A_638 = arith.index_cast %swap3A_637 : i32 to index
        %swap3A_639 = arith.index_cast %mul3A_636 : i32 to index
        %swap3A_640 = tpu.vector_load %arg14[%swap3A_638, %swap3A_639] {strides = array<i32>} : memref<64x256xf32, #tpu.memory_space<vmem>>, vector<16xf32>,
        tpu.vector_store %arg14[%swap3A_638, %swap3A_639], %gather3A_622 {strides = array<i32>} : memref<64x256xf32, #tpu.memory_space<vmem>>, vector<16xf32>,
        %mul3A_641 = arith.constant 16 : i32
        %mul3A_642 = arith.muli %scan3A_524, %mul3A_641 : i32
        %swap3A_643 = arith.constant 9 : i32
        %swap3A_644 = arith.index_cast %swap3A_643 : i32 to index
        %swap3A_645 = arith.index_cast %mul3A_642 : i32 to index
        %swap3A_646 = tpu.vector_load %arg14[%swap3A_644, %swap3A_645] {strides = array<i32>} : memref<64x256xf32, #tpu.memory_space<vmem>>, vector<16xf32>,
        tpu.vector_store %arg14[%swap3A_644, %swap3A_645], %gather3A_626 {strides = array<i32>} : memref<64x256xf32, #tpu.memory_space<vmem>>, vector<16xf32>,
        %mul3A_647 = arith.constant 16 : i32
        %mul3A_648 = arith.muli %scan3A_524, %mul3A_647 : i32
        %swap3A_649 = arith.constant 10 : i32
        %swap3A_650 = arith.index_cast %swap3A_649 : i32 to index
        %swap3A_651 = arith.index_cast %mul3A_648 : i32 to index
        %swap3A_652 = tpu.vector_load %arg14[%swap3A_650, %swap3A_651] {strides = array<i32>} : memref<64x256xf32, #tpu.memory_space<vmem>>, vector<16xf32>,
        tpu.vector_store %arg14[%swap3A_650, %swap3A_651], %gather3A_630 {strides = array<i32>} : memref<64x256xf32, #tpu.memory_space<vmem>>, vector<16xf32>,
        %mul3A_653 = arith.constant 16 : i32
        %mul3A_654 = arith.muli %scan3A_524, %mul3A_653 : i32
        %swap3A_655 = arith.constant 11 : i32
        %swap3A_656 = arith.index_cast %swap3A_655 : i32 to index
        %swap3A_657 = arith.index_cast %mul3A_654 : i32 to index
        %swap3A_658 = tpu.vector_load %arg14[%swap3A_656, %swap3A_657] {strides = array<i32>} : memref<64x256xf32, #tpu.memory_space<vmem>>, vector<16xf32>,
        tpu.vector_store %arg14[%swap3A_656, %swap3A_657], %gather3A_634 {strides = array<i32>} : memref<64x256xf32, #tpu.memory_space<vmem>>, vector<16xf32>,
        %add3A_659 = arith.constant 12 : i32
        %add3A_660 = vector.broadcast %add3A_659 : i32 to vector<16xi32>
        %add3A_661 = arith.addi %select_n3A_540, %add3A_660 : vector<16xi32>
        %gather3A_662 = tpu.vector_load_idx %arg12[%add3A_528, %add3A_661] : memref<256x128xf32, #tpu.memory_space<vmem>>[vector<16xi32>, vector<16xi32>], vector<16xf32>,
        %add3A_663 = arith.constant 13 : i32
        %add3A_664 = vector.broadcast %add3A_663 : i32 to vector<16xi32>
        %add3A_665 = arith.addi %select_n3A_540, %add3A_664 : vector<16xi32>
        %gather3A_666 = tpu.vector_load_idx %arg12[%add3A_528, %add3A_665] : memref<256x128xf32, #tpu.memory_space<vmem>>[vector<16xi32>, vector<16xi32>], vector<16xf32>,
        %add3A_667 = arith.constant 14 : i32
        %add3A_668 = vector.broadcast %add3A_667 : i32 to vector<16xi32>
        %add3A_669 = arith.addi %select_n3A_540, %add3A_668 : vector<16xi32>
        %gather3A_670 = tpu.vector_load_idx %arg12[%add3A_528, %add3A_669] : memref<256x128xf32, #tpu.memory_space<vmem>>[vector<16xi32>, vector<16xi32>], vector<16xf32>,
        %add3A_671 = arith.constant 15 : i32
        %add3A_672 = vector.broadcast %add3A_671 : i32 to vector<16xi32>
        %add3A_673 = arith.addi %select_n3A_540, %add3A_672 : vector<16xi32>
        %gather3A_674 = tpu.vector_load_idx %arg12[%add3A_528, %add3A_673] : memref<256x128xf32, #tpu.memory_space<vmem>>[vector<16xi32>, vector<16xi32>], vector<16xf32>,
        %mul3A_675 = arith.constant 16 : i32
        %mul3A_676 = arith.muli %scan3A_524, %mul3A_675 : i32
        %swap3A_677 = arith.constant 12 : i32
        %swap3A_678 = arith.index_cast %swap3A_677 : i32 to index
        %swap3A_679 = arith.index_cast %mul3A_676 : i32 to index
        %swap3A_680 = tpu.vector_load %arg14[%swap3A_678, %swap3A_679] {strides = array<i32>} : memref<64x256xf32, #tpu.memory_space<vmem>>, vector<16xf32>,
        tpu.vector_store %arg14[%swap3A_678, %swap3A_679], %gather3A_662 {strides = array<i32>} : memref<64x256xf32, #tpu.memory_space<vmem>>, vector<16xf32>,
        %mul3A_681 = arith.constant 16 : i32
        %mul3A_682 = arith.muli %scan3A_524, %mul3A_681 : i32
        %swap3A_683 = arith.constant 13 : i32
        %swap3A_684 = arith.index_cast %swap3A_683 : i32 to index
        %swap3A_685 = arith.index_cast %mul3A_682 : i32 to index
        %swap3A_686 = tpu.vector_load %arg14[%swap3A_684, %swap3A_685] {strides = array<i32>} : memref<64x256xf32, #tpu.memory_space<vmem>>, vector<16xf32>,
        tpu.vector_store %arg14[%swap3A_684, %swap3A_685], %gather3A_666 {strides = array<i32>} : memref<64x256xf32, #tpu.memory_space<vmem>>, vector<16xf32>,
        %mul3A_687 = arith.constant 16 : i32
        %mul3A_688 = arith.muli %scan3A_524, %mul3A_687 : i32
        %swap3A_689 = arith.constant 14 : i32
        %swap3A_690 = arith.index_cast %swap3A_689 : i32 to index
        %swap3A_691 = arith.index_cast %mul3A_688 : i32 to index
        %swap3A_692 = tpu.vector_load %arg14[%swap3A_690, %swap3A_691] {strides = array<i32>} : memref<64x256xf32, #tpu.memory_space<vmem>>, vector<16xf32>,
        tpu.vector_store %arg14[%swap3A_690, %swap3A_691], %gather3A_670 {strides = array<i32>} : memref<64x256xf32, #tpu.memory_space<vmem>>, vector<16xf32>,
        %mul3A_693 = arith.constant 16 : i32
        %mul3A_694 = arith.muli %scan3A_524, %mul3A_693 : i32
        %swap3A_695 = arith.constant 15 : i32
        %swap3A_696 = arith.index_cast %swap3A_695 : i32 to index
        %swap3A_697 = arith.index_cast %mul3A_694 : i32 to index
        %swap3A_698 = tpu.vector_load %arg14[%swap3A_696, %swap3A_697] {strides = array<i32>} : memref<64x256xf32, #tpu.memory_space<vmem>>, vector<16xf32>,
        tpu.vector_store %arg14[%swap3A_696, %swap3A_697], %gather3A_674 {strides = array<i32>} : memref<64x256xf32, #tpu.memory_space<vmem>>, vector<16xf32>,
        %add3A_699 = arith.constant 16 : i32
        %add3A_700 = vector.broadcast %add3A_699 : i32 to vector<16xi32>
        %add3A_701 = arith.addi %select_n3A_540, %add3A_700 : vector<16xi32>
        %gather3A_702 = tpu.vector_load_idx %arg12[%add3A_528, %add3A_701] : memref<256x128xf32, #tpu.memory_space<vmem>>[vector<16xi32>, vector<16xi32>], vector<16xf32>,
        %add3A_703 = arith.constant 17 : i32
        %add3A_704 = vector.broadcast %add3A_703 : i32 to vector<16xi32>
        %add3A_705 = arith.addi %select_n3A_540, %add3A_704 : vector<16xi32>
        %gather3A_706 = tpu.vector_load_idx %arg12[%add3A_528, %add3A_705] : memref<256x128xf32, #tpu.memory_space<vmem>>[vector<16xi32>, vector<16xi32>], vector<16xf32>,
        %add3A_707 = arith.constant 18 : i32
        %add3A_708 = vector.broadcast %add3A_707 : i32 to vector<16xi32>
        %add3A_709 = arith.addi %select_n3A_540, %add3A_708 : vector<16xi32>
        %gather3A_710 = tpu.vector_load_idx %arg12[%add3A_528, %add3A_709] : memref<256x128xf32, #tpu.memory_space<vmem>>[vector<16xi32>, vector<16xi32>], vector<16xf32>,
        %add3A_711 = arith.constant 19 : i32
        %add3A_712 = vector.broadcast %add3A_711 : i32 to vector<16xi32>
        %add3A_713 = arith.addi %select_n3A_540, %add3A_712 : vector<16xi32>
        %gather3A_714 = tpu.vector_load_idx %arg12[%add3A_528, %add3A_713] : memref<256x128xf32, #tpu.memory_space<vmem>>[vector<16xi32>, vector<16xi32>], vector<16xf32>,
        %mul3A_715 = arith.constant 16 : i32
        %mul3A_716 = arith.muli %scan3A_524, %mul3A_715 : i32
        %swap3A_717 = arith.constant 16 : i32
        %swap3A_718 = arith.index_cast %swap3A_717 : i32 to index
        %swap3A_719 = arith.index_cast %mul3A_716 : i32 to index
        %swap3A_720 = tpu.vector_load %arg14[%swap3A_718, %swap3A_719] {strides = array<i32>} : memref<64x256xf32, #tpu.memory_space<vmem>>, vector<16xf32>,
        tpu.vector_store %arg14[%swap3A_718, %swap3A_719], %gather3A_702 {strides = array<i32>} : memref<64x256xf32, #tpu.memory_space<vmem>>, vector<16xf32>,
        %mul3A_721 = arith.constant 16 : i32
        %mul3A_722 = arith.muli %scan3A_524, %mul3A_721 : i32
        %swap3A_723 = arith.constant 17 : i32
        %swap3A_724 = arith.index_cast %swap3A_723 : i32 to index
        %swap3A_725 = arith.index_cast %mul3A_722 : i32 to index
        %swap3A_726 = tpu.vector_load %arg14[%swap3A_724, %swap3A_725] {strides = array<i32>} : memref<64x256xf32, #tpu.memory_space<vmem>>, vector<16xf32>,
        tpu.vector_store %arg14[%swap3A_724, %swap3A_725], %gather3A_706 {strides = array<i32>} : memref<64x256xf32, #tpu.memory_space<vmem>>, vector<16xf32>,
        %mul3A_727 = arith.constant 16 : i32
        %mul3A_728 = arith.muli %scan3A_524, %mul3A_727 : i32
        %swap3A_729 = arith.constant 18 : i32
        %swap3A_730 = arith.index_cast %swap3A_729 : i32 to index
        %swap3A_731 = arith.index_cast %mul3A_728 : i32 to index
        %swap3A_732 = tpu.vector_load %arg14[%swap3A_730, %swap3A_731] {strides = array<i32>} : memref<64x256xf32, #tpu.memory_space<vmem>>, vector<16xf32>,
        tpu.vector_store %arg14[%swap3A_730, %swap3A_731], %gather3A_710 {strides = array<i32>} : memref<64x256xf32, #tpu.memory_space<vmem>>, vector<16xf32>,
        %mul3A_733 = arith.constant 16 : i32
        %mul3A_734 = arith.muli %scan3A_524, %mul3A_733 : i32
        %swap3A_735 = arith.constant 19 : i32
        %swap3A_736 = arith.index_cast %swap3A_735 : i32 to index
        %swap3A_737 = arith.index_cast %mul3A_734 : i32 to index
        %swap3A_738 = tpu.vector_load %arg14[%swap3A_736, %swap3A_737] {strides = array<i32>} : memref<64x256xf32, #tpu.memory_space<vmem>>, vector<16xf32>,
        tpu.vector_store %arg14[%swap3A_736, %swap3A_737], %gather3A_714 {strides = array<i32>} : memref<64x256xf32, #tpu.memory_space<vmem>>, vector<16xf32>,
        %add3A_739 = arith.constant 20 : i32
        %add3A_740 = vector.broadcast %add3A_739 : i32 to vector<16xi32>
        %add3A_741 = arith.addi %select_n3A_540, %add3A_740 : vector<16xi32>
        %gather3A_742 = tpu.vector_load_idx %arg12[%add3A_528, %add3A_741] : memref<256x128xf32, #tpu.memory_space<vmem>>[vector<16xi32>, vector<16xi32>], vector<16xf32>,
        %add3A_743 = arith.constant 21 : i32
        %add3A_744 = vector.broadcast %add3A_743 : i32 to vector<16xi32>
        %add3A_745 = arith.addi %select_n3A_540, %add3A_744 : vector<16xi32>
        %gather3A_746 = tpu.vector_load_idx %arg12[%add3A_528, %add3A_745] : memref<256x128xf32, #tpu.memory_space<vmem>>[vector<16xi32>, vector<16xi32>], vector<16xf32>,
        %add3A_747 = arith.constant 22 : i32
        %add3A_748 = vector.broadcast %add3A_747 : i32 to vector<16xi32>
        %add3A_749 = arith.addi %select_n3A_540, %add3A_748 : vector<16xi32>
        %gather3A_750 = tpu.vector_load_idx %arg12[%add3A_528, %add3A_749] : memref<256x128xf32, #tpu.memory_space<vmem>>[vector<16xi32>, vector<16xi32>], vector<16xf32>,
        %add3A_751 = arith.constant 23 : i32
        %add3A_752 = vector.broadcast %add3A_751 : i32 to vector<16xi32>
        %add3A_753 = arith.addi %select_n3A_540, %add3A_752 : vector<16xi32>
        %gather3A_754 = tpu.vector_load_idx %arg12[%add3A_528, %add3A_753] : memref<256x128xf32, #tpu.memory_space<vmem>>[vector<16xi32>, vector<16xi32>], vector<16xf32>,
        %mul3A_755 = arith.constant 16 : i32
        %mul3A_756 = arith.muli %scan3A_524, %mul3A_755 : i32
        %swap3A_757 = arith.constant 20 : i32
        %swap3A_758 = arith.index_cast %swap3A_757 : i32 to index
        %swap3A_759 = arith.index_cast %mul3A_756 : i32 to index
        %swap3A_760 = tpu.vector_load %arg14[%swap3A_758, %swap3A_759] {strides = array<i32>} : memref<64x256xf32, #tpu.memory_space<vmem>>, vector<16xf32>,
        tpu.vector_store %arg14[%swap3A_758, %swap3A_759], %gather3A_742 {strides = array<i32>} : memref<64x256xf32, #tpu.memory_space<vmem>>, vector<16xf32>,
        %mul3A_761 = arith.constant 16 : i32
        %mul3A_762 = arith.muli %scan3A_524, %mul3A_761 : i32
        %swap3A_763 = arith.constant 21 : i32
        %swap3A_764 = arith.index_cast %swap3A_763 : i32 to index
        %swap3A_765 = arith.index_cast %mul3A_762 : i32 to index
        %swap3A_766 = tpu.vector_load %arg14[%swap3A_764, %swap3A_765] {strides = array<i32>} : memref<64x256xf32, #tpu.memory_space<vmem>>, vector<16xf32>,
        tpu.vector_store %arg14[%swap3A_764, %swap3A_765], %gather3A_746 {strides = array<i32>} : memref<64x256xf32, #tpu.memory_space<vmem>>, vector<16xf32>,
        %mul3A_767 = arith.constant 16 : i32
        %mul3A_768 = arith.muli %scan3A_524, %mul3A_767 : i32
        %swap3A_769 = arith.constant 22 : i32
        %swap3A_770 = arith.index_cast %swap3A_769 : i32 to index
        %swap3A_771 = arith.index_cast %mul3A_768 : i32 to index
        %swap3A_772 = tpu.vector_load %arg14[%swap3A_770, %swap3A_771] {strides = array<i32>} : memref<64x256xf32, #tpu.memory_space<vmem>>, vector<16xf32>,
        tpu.vector_store %arg14[%swap3A_770, %swap3A_771], %gather3A_750 {strides = array<i32>} : memref<64x256xf32, #tpu.memory_space<vmem>>, vector<16xf32>,
        %mul3A_773 = arith.constant 16 : i32
        %mul3A_774 = arith.muli %scan3A_524, %mul3A_773 : i32
        %swap3A_775 = arith.constant 23 : i32
        %swap3A_776 = arith.index_cast %swap3A_775 : i32 to index
        %swap3A_777 = arith.index_cast %mul3A_774 : i32 to index
        %swap3A_778 = tpu.vector_load %arg14[%swap3A_776, %swap3A_777] {strides = array<i32>} : memref<64x256xf32, #tpu.memory_space<vmem>>, vector<16xf32>,
        tpu.vector_store %arg14[%swap3A_776, %swap3A_777], %gather3A_754 {strides = array<i32>} : memref<64x256xf32, #tpu.memory_space<vmem>>, vector<16xf32>,
        %add3A_779 = arith.constant 24 : i32
        %add3A_780 = vector.broadcast %add3A_779 : i32 to vector<16xi32>
        %add3A_781 = arith.addi %select_n3A_540, %add3A_780 : vector<16xi32>
        %gather3A_782 = tpu.vector_load_idx %arg12[%add3A_528, %add3A_781] : memref<256x128xf32, #tpu.memory_space<vmem>>[vector<16xi32>, vector<16xi32>], vector<16xf32>,
        %add3A_783 = arith.constant 25 : i32
        %add3A_784 = vector.broadcast %add3A_783 : i32 to vector<16xi32>
        %add3A_785 = arith.addi %select_n3A_540, %add3A_784 : vector<16xi32>
        %gather3A_786 = tpu.vector_load_idx %arg12[%add3A_528, %add3A_785] : memref<256x128xf32, #tpu.memory_space<vmem>>[vector<16xi32>, vector<16xi32>], vector<16xf32>,
        %add3A_787 = arith.constant 26 : i32
        %add3A_788 = vector.broadcast %add3A_787 : i32 to vector<16xi32>
        %add3A_789 = arith.addi %select_n3A_540, %add3A_788 : vector<16xi32>
        %gather3A_790 = tpu.vector_load_idx %arg12[%add3A_528, %add3A_789] : memref<256x128xf32, #tpu.memory_space<vmem>>[vector<16xi32>, vector<16xi32>], vector<16xf32>,
        %add3A_791 = arith.constant 27 : i32
        %add3A_792 = vector.broadcast %add3A_791 : i32 to vector<16xi32>
        %add3A_793 = arith.addi %select_n3A_540, %add3A_792 : vector<16xi32>
        %gather3A_794 = tpu.vector_load_idx %arg12[%add3A_528, %add3A_793] : memref<256x128xf32, #tpu.memory_space<vmem>>[vector<16xi32>, vector<16xi32>], vector<16xf32>,
        %mul3A_795 = arith.constant 16 : i32
        %mul3A_796 = arith.muli %scan3A_524, %mul3A_795 : i32
        %swap3A_797 = arith.constant 24 : i32
        %swap3A_798 = arith.index_cast %swap3A_797 : i32 to index
        %swap3A_799 = arith.index_cast %mul3A_796 : i32 to index
        %swap3A_800 = tpu.vector_load %arg14[%swap3A_798, %swap3A_799] {strides = array<i32>} : memref<64x256xf32, #tpu.memory_space<vmem>>, vector<16xf32>,
        tpu.vector_store %arg14[%swap3A_798, %swap3A_799], %gather3A_782 {strides = array<i32>} : memref<64x256xf32, #tpu.memory_space<vmem>>, vector<16xf32>,
        %mul3A_801 = arith.constant 16 : i32
        %mul3A_802 = arith.muli %scan3A_524, %mul3A_801 : i32
        %swap3A_803 = arith.constant 25 : i32
        %swap3A_804 = arith.index_cast %swap3A_803 : i32 to index
        %swap3A_805 = arith.index_cast %mul3A_802 : i32 to index
        %swap3A_806 = tpu.vector_load %arg14[%swap3A_804, %swap3A_805] {strides = array<i32>} : memref<64x256xf32, #tpu.memory_space<vmem>>, vector<16xf32>,
        tpu.vector_store %arg14[%swap3A_804, %swap3A_805], %gather3A_786 {strides = array<i32>} : memref<64x256xf32, #tpu.memory_space<vmem>>, vector<16xf32>,
        %mul3A_807 = arith.constant 16 : i32
        %mul3A_808 = arith.muli %scan3A_524, %mul3A_807 : i32
        %swap3A_809 = arith.constant 26 : i32
        %swap3A_810 = arith.index_cast %swap3A_809 : i32 to index
        %swap3A_811 = arith.index_cast %mul3A_808 : i32 to index
        %swap3A_812 = tpu.vector_load %arg14[%swap3A_810, %swap3A_811] {strides = array<i32>} : memref<64x256xf32, #tpu.memory_space<vmem>>, vector<16xf32>,
        tpu.vector_store %arg14[%swap3A_810, %swap3A_811], %gather3A_790 {strides = array<i32>} : memref<64x256xf32, #tpu.memory_space<vmem>>, vector<16xf32>,
        %mul3A_813 = arith.constant 16 : i32
        %mul3A_814 = arith.muli %scan3A_524, %mul3A_813 : i32
        %swap3A_815 = arith.constant 27 : i32
        %swap3A_816 = arith.index_cast %swap3A_815 : i32 to index
        %swap3A_817 = arith.index_cast %mul3A_814 : i32 to index
        %swap3A_818 = tpu.vector_load %arg14[%swap3A_816, %swap3A_817] {strides = array<i32>} : memref<64x256xf32, #tpu.memory_space<vmem>>, vector<16xf32>,
        tpu.vector_store %arg14[%swap3A_816, %swap3A_817], %gather3A_794 {strides = array<i32>} : memref<64x256xf32, #tpu.memory_space<vmem>>, vector<16xf32>,
        %add3A_819 = arith.constant 28 : i32
        %add3A_820 = vector.broadcast %add3A_819 : i32 to vector<16xi32>
        %add3A_821 = arith.addi %select_n3A_540, %add3A_820 : vector<16xi32>
        %gather3A_822 = tpu.vector_load_idx %arg12[%add3A_528, %add3A_821] : memref<256x128xf32, #tpu.memory_space<vmem>>[vector<16xi32>, vector<16xi32>], vector<16xf32>,
        %add3A_823 = arith.constant 29 : i32
        %add3A_824 = vector.broadcast %add3A_823 : i32 to vector<16xi32>
        %add3A_825 = arith.addi %select_n3A_540, %add3A_824 : vector<16xi32>
        %gather3A_826 = tpu.vector_load_idx %arg12[%add3A_528, %add3A_825] : memref<256x128xf32, #tpu.memory_space<vmem>>[vector<16xi32>, vector<16xi32>], vector<16xf32>,
        %add3A_827 = arith.constant 30 : i32
        %add3A_828 = vector.broadcast %add3A_827 : i32 to vector<16xi32>
        %add3A_829 = arith.addi %select_n3A_540, %add3A_828 : vector<16xi32>
        %gather3A_830 = tpu.vector_load_idx %arg12[%add3A_528, %add3A_829] : memref<256x128xf32, #tpu.memory_space<vmem>>[vector<16xi32>, vector<16xi32>], vector<16xf32>,
        %add3A_831 = arith.constant 31 : i32
        %add3A_832 = vector.broadcast %add3A_831 : i32 to vector<16xi32>
        %add3A_833 = arith.addi %select_n3A_540, %add3A_832 : vector<16xi32>
        %gather3A_834 = tpu.vector_load_idx %arg12[%add3A_528, %add3A_833] : memref<256x128xf32, #tpu.memory_space<vmem>>[vector<16xi32>, vector<16xi32>], vector<16xf32>,
        %mul3A_835 = arith.constant 16 : i32
        %mul3A_836 = arith.muli %scan3A_524, %mul3A_835 : i32
        %swap3A_837 = arith.constant 28 : i32
        %swap3A_838 = arith.index_cast %swap3A_837 : i32 to index
        %swap3A_839 = arith.index_cast %mul3A_836 : i32 to index
        %swap3A_840 = tpu.vector_load %arg14[%swap3A_838, %swap3A_839] {strides = array<i32>} : memref<64x256xf32, #tpu.memory_space<vmem>>, vector<16xf32>,
        tpu.vector_store %arg14[%swap3A_838, %swap3A_839], %gather3A_822 {strides = array<i32>} : memref<64x256xf32, #tpu.memory_space<vmem>>, vector<16xf32>,
        %mul3A_841 = arith.constant 16 : i32
        %mul3A_842 = arith.muli %scan3A_524, %mul3A_841 : i32
        %swap3A_843 = arith.constant 29 : i32
        %swap3A_844 = arith.index_cast %swap3A_843 : i32 to index
        %swap3A_845 = arith.index_cast %mul3A_842 : i32 to index
        %swap3A_846 = tpu.vector_load %arg14[%swap3A_844, %swap3A_845] {strides = array<i32>} : memref<64x256xf32, #tpu.memory_space<vmem>>, vector<16xf32>,
        tpu.vector_store %arg14[%swap3A_844, %swap3A_845], %gather3A_826 {strides = array<i32>} : memref<64x256xf32, #tpu.memory_space<vmem>>, vector<16xf32>,
        %mul3A_847 = arith.constant 16 : i32
        %mul3A_848 = arith.muli %scan3A_524, %mul3A_847 : i32
        %swap3A_849 = arith.constant 30 : i32
        %swap3A_850 = arith.index_cast %swap3A_849 : i32 to index
        %swap3A_851 = arith.index_cast %mul3A_848 : i32 to index
        %swap3A_852 = tpu.vector_load %arg14[%swap3A_850, %swap3A_851] {strides = array<i32>} : memref<64x256xf32, #tpu.memory_space<vmem>>, vector<16xf32>,
        tpu.vector_store %arg14[%swap3A_850, %swap3A_851], %gather3A_830 {strides = array<i32>} : memref<64x256xf32, #tpu.memory_space<vmem>>, vector<16xf32>,
        %mul3A_853 = arith.constant 16 : i32
        %mul3A_854 = arith.muli %scan3A_524, %mul3A_853 : i32
        %swap3A_855 = arith.constant 31 : i32
        %swap3A_856 = arith.index_cast %swap3A_855 : i32 to index
        %swap3A_857 = arith.index_cast %mul3A_854 : i32 to index
        %swap3A_858 = tpu.vector_load %arg14[%swap3A_856, %swap3A_857] {strides = array<i32>} : memref<64x256xf32, #tpu.memory_space<vmem>>, vector<16xf32>,
        tpu.vector_store %arg14[%swap3A_856, %swap3A_857], %gather3A_834 {strides = array<i32>} : memref<64x256xf32, #tpu.memory_space<vmem>>, vector<16xf32>,
        %add3A_859 = arith.constant 32 : i32
        %add3A_860 = vector.broadcast %add3A_859 : i32 to vector<16xi32>
        %add3A_861 = arith.addi %select_n3A_540, %add3A_860 : vector<16xi32>
        %gather3A_862 = tpu.vector_load_idx %arg12[%add3A_528, %add3A_861] : memref<256x128xf32, #tpu.memory_space<vmem>>[vector<16xi32>, vector<16xi32>], vector<16xf32>,
        %add3A_863 = arith.constant 33 : i32
        %add3A_864 = vector.broadcast %add3A_863 : i32 to vector<16xi32>
        %add3A_865 = arith.addi %select_n3A_540, %add3A_864 : vector<16xi32>
        %gather3A_866 = tpu.vector_load_idx %arg12[%add3A_528, %add3A_865] : memref<256x128xf32, #tpu.memory_space<vmem>>[vector<16xi32>, vector<16xi32>], vector<16xf32>,
        %add3A_867 = arith.constant 34 : i32
        %add3A_868 = vector.broadcast %add3A_867 : i32 to vector<16xi32>
        %add3A_869 = arith.addi %select_n3A_540, %add3A_868 : vector<16xi32>
        %gather3A_870 = tpu.vector_load_idx %arg12[%add3A_528, %add3A_869] : memref<256x128xf32, #tpu.memory_space<vmem>>[vector<16xi32>, vector<16xi32>], vector<16xf32>,
        %add3A_871 = arith.constant 35 : i32
        %add3A_872 = vector.broadcast %add3A_871 : i32 to vector<16xi32>
        %add3A_873 = arith.addi %select_n3A_540, %add3A_872 : vector<16xi32>
        %gather3A_874 = tpu.vector_load_idx %arg12[%add3A_528, %add3A_873] : memref<256x128xf32, #tpu.memory_space<vmem>>[vector<16xi32>, vector<16xi32>], vector<16xf32>,
        %mul3A_875 = arith.constant 16 : i32
        %mul3A_876 = arith.muli %scan3A_524, %mul3A_875 : i32
        %swap3A_877 = arith.constant 32 : i32
        %swap3A_878 = arith.index_cast %swap3A_877 : i32 to index
        %swap3A_879 = arith.index_cast %mul3A_876 : i32 to index
        %swap3A_880 = tpu.vector_load %arg14[%swap3A_878, %swap3A_879] {strides = array<i32>} : memref<64x256xf32, #tpu.memory_space<vmem>>, vector<16xf32>,
        tpu.vector_store %arg14[%swap3A_878, %swap3A_879], %gather3A_862 {strides = array<i32>} : memref<64x256xf32, #tpu.memory_space<vmem>>, vector<16xf32>,
        %mul3A_881 = arith.constant 16 : i32
        %mul3A_882 = arith.muli %scan3A_524, %mul3A_881 : i32
        %swap3A_883 = arith.constant 33 : i32
        %swap3A_884 = arith.index_cast %swap3A_883 : i32 to index
        %swap3A_885 = arith.index_cast %mul3A_882 : i32 to index
        %swap3A_886 = tpu.vector_load %arg14[%swap3A_884, %swap3A_885] {strides = array<i32>} : memref<64x256xf32, #tpu.memory_space<vmem>>, vector<16xf32>,
        tpu.vector_store %arg14[%swap3A_884, %swap3A_885], %gather3A_866 {strides = array<i32>} : memref<64x256xf32, #tpu.memory_space<vmem>>, vector<16xf32>,
        %mul3A_887 = arith.constant 16 : i32
        %mul3A_888 = arith.muli %scan3A_524, %mul3A_887 : i32
        %swap3A_889 = arith.constant 34 : i32
        %swap3A_890 = arith.index_cast %swap3A_889 : i32 to index
        %swap3A_891 = arith.index_cast %mul3A_888 : i32 to index
        %swap3A_892 = tpu.vector_load %arg14[%swap3A_890, %swap3A_891] {strides = array<i32>} : memref<64x256xf32, #tpu.memory_space<vmem>>, vector<16xf32>,
        tpu.vector_store %arg14[%swap3A_890, %swap3A_891], %gather3A_870 {strides = array<i32>} : memref<64x256xf32, #tpu.memory_space<vmem>>, vector<16xf32>,
        %mul3A_893 = arith.constant 16 : i32
        %mul3A_894 = arith.muli %scan3A_524, %mul3A_893 : i32
        %swap3A_895 = arith.constant 35 : i32
        %swap3A_896 = arith.index_cast %swap3A_895 : i32 to index
        %swap3A_897 = arith.index_cast %mul3A_894 : i32 to index
        %swap3A_898 = tpu.vector_load %arg14[%swap3A_896, %swap3A_897] {strides = array<i32>} : memref<64x256xf32, #tpu.memory_space<vmem>>, vector<16xf32>,
        tpu.vector_store %arg14[%swap3A_896, %swap3A_897], %gather3A_874 {strides = array<i32>} : memref<64x256xf32, #tpu.memory_space<vmem>>, vector<16xf32>,
        %add3A_899 = arith.constant 36 : i32
        %add3A_900 = vector.broadcast %add3A_899 : i32 to vector<16xi32>
        %add3A_901 = arith.addi %select_n3A_540, %add3A_900 : vector<16xi32>
        %gather3A_902 = tpu.vector_load_idx %arg12[%add3A_528, %add3A_901] : memref<256x128xf32, #tpu.memory_space<vmem>>[vector<16xi32>, vector<16xi32>], vector<16xf32>,
        %add3A_903 = arith.constant 37 : i32
        %add3A_904 = vector.broadcast %add3A_903 : i32 to vector<16xi32>
        %add3A_905 = arith.addi %select_n3A_540, %add3A_904 : vector<16xi32>
        %gather3A_906 = tpu.vector_load_idx %arg12[%add3A_528, %add3A_905] : memref<256x128xf32, #tpu.memory_space<vmem>>[vector<16xi32>, vector<16xi32>], vector<16xf32>,
        %add3A_907 = arith.constant 38 : i32
        %add3A_908 = vector.broadcast %add3A_907 : i32 to vector<16xi32>
        %add3A_909 = arith.addi %select_n3A_540, %add3A_908 : vector<16xi32>
        %gather3A_910 = tpu.vector_load_idx %arg12[%add3A_528, %add3A_909] : memref<256x128xf32, #tpu.memory_space<vmem>>[vector<16xi32>, vector<16xi32>], vector<16xf32>,
        %add3A_911 = arith.constant 39 : i32
        %add3A_912 = vector.broadcast %add3A_911 : i32 to vector<16xi32>
        %add3A_913 = arith.addi %select_n3A_540, %add3A_912 : vector<16xi32>
        %gather3A_914 = tpu.vector_load_idx %arg12[%add3A_528, %add3A_913] : memref<256x128xf32, #tpu.memory_space<vmem>>[vector<16xi32>, vector<16xi32>], vector<16xf32>,
        %mul3A_915 = arith.constant 16 : i32
        %mul3A_916 = arith.muli %scan3A_524, %mul3A_915 : i32
        %swap3A_917 = arith.constant 36 : i32
        %swap3A_918 = arith.index_cast %swap3A_917 : i32 to index
        %swap3A_919 = arith.index_cast %mul3A_916 : i32 to index
        %swap3A_920 = tpu.vector_load %arg14[%swap3A_918, %swap3A_919] {strides = array<i32>} : memref<64x256xf32, #tpu.memory_space<vmem>>, vector<16xf32>,
        tpu.vector_store %arg14[%swap3A_918, %swap3A_919], %gather3A_902 {strides = array<i32>} : memref<64x256xf32, #tpu.memory_space<vmem>>, vector<16xf32>,
        %mul3A_921 = arith.constant 16 : i32
        %mul3A_922 = arith.muli %scan3A_524, %mul3A_921 : i32
        %swap3A_923 = arith.constant 37 : i32
        %swap3A_924 = arith.index_cast %swap3A_923 : i32 to index
        %swap3A_925 = arith.index_cast %mul3A_922 : i32 to index
        %swap3A_926 = tpu.vector_load %arg14[%swap3A_924, %swap3A_925] {strides = array<i32>} : memref<64x256xf32, #tpu.memory_space<vmem>>, vector<16xf32>,
        tpu.vector_store %arg14[%swap3A_924, %swap3A_925], %gather3A_906 {strides = array<i32>} : memref<64x256xf32, #tpu.memory_space<vmem>>, vector<16xf32>,
        %mul3A_927 = arith.constant 16 : i32
        %mul3A_928 = arith.muli %scan3A_524, %mul3A_927 : i32
        %swap3A_929 = arith.constant 38 : i32
        %swap3A_930 = arith.index_cast %swap3A_929 : i32 to index
        %swap3A_931 = arith.index_cast %mul3A_928 : i32 to index
        %swap3A_932 = tpu.vector_load %arg14[%swap3A_930, %swap3A_931] {strides = array<i32>} : memref<64x256xf32, #tpu.memory_space<vmem>>, vector<16xf32>,
        tpu.vector_store %arg14[%swap3A_930, %swap3A_931], %gather3A_910 {strides = array<i32>} : memref<64x256xf32, #tpu.memory_space<vmem>>, vector<16xf32>,
        %mul3A_933 = arith.constant 16 : i32
        %mul3A_934 = arith.muli %scan3A_524, %mul3A_933 : i32
        %swap3A_935 = arith.constant 39 : i32
        %swap3A_936 = arith.index_cast %swap3A_935 : i32 to index
        %swap3A_937 = arith.index_cast %mul3A_934 : i32 to index
        %swap3A_938 = tpu.vector_load %arg14[%swap3A_936, %swap3A_937] {strides = array<i32>} : memref<64x256xf32, #tpu.memory_space<vmem>>, vector<16xf32>,
        tpu.vector_store %arg14[%swap3A_936, %swap3A_937], %gather3A_914 {strides = array<i32>} : memref<64x256xf32, #tpu.memory_space<vmem>>, vector<16xf32>,
        %add3A_939 = arith.constant 40 : i32
        %add3A_940 = vector.broadcast %add3A_939 : i32 to vector<16xi32>
        %add3A_941 = arith.addi %select_n3A_540, %add3A_940 : vector<16xi32>
        %gather3A_942 = tpu.vector_load_idx %arg12[%add3A_528, %add3A_941] : memref<256x128xf32, #tpu.memory_space<vmem>>[vector<16xi32>, vector<16xi32>], vector<16xf32>,
        %add3A_943 = arith.constant 41 : i32
        %add3A_944 = vector.broadcast %add3A_943 : i32 to vector<16xi32>
        %add3A_945 = arith.addi %select_n3A_540, %add3A_944 : vector<16xi32>
        %gather3A_946 = tpu.vector_load_idx %arg12[%add3A_528, %add3A_945] : memref<256x128xf32, #tpu.memory_space<vmem>>[vector<16xi32>, vector<16xi32>], vector<16xf32>,
        %add3A_947 = arith.constant 42 : i32
        %add3A_948 = vector.broadcast %add3A_947 : i32 to vector<16xi32>
        %add3A_949 = arith.addi %select_n3A_540, %add3A_948 : vector<16xi32>
        %gather3A_950 = tpu.vector_load_idx %arg12[%add3A_528, %add3A_949] : memref<256x128xf32, #tpu.memory_space<vmem>>[vector<16xi32>, vector<16xi32>], vector<16xf32>,
        %add3A_951 = arith.constant 43 : i32
        %add3A_952 = vector.broadcast %add3A_951 : i32 to vector<16xi32>
        %add3A_953 = arith.addi %select_n3A_540, %add3A_952 : vector<16xi32>
        %gather3A_954 = tpu.vector_load_idx %arg12[%add3A_528, %add3A_953] : memref<256x128xf32, #tpu.memory_space<vmem>>[vector<16xi32>, vector<16xi32>], vector<16xf32>,
        %mul3A_955 = arith.constant 16 : i32
        %mul3A_956 = arith.muli %scan3A_524, %mul3A_955 : i32
        %swap3A_957 = arith.constant 40 : i32
        %swap3A_958 = arith.index_cast %swap3A_957 : i32 to index
        %swap3A_959 = arith.index_cast %mul3A_956 : i32 to index
        %swap3A_960 = tpu.vector_load %arg14[%swap3A_958, %swap3A_959] {strides = array<i32>} : memref<64x256xf32, #tpu.memory_space<vmem>>, vector<16xf32>,
        tpu.vector_store %arg14[%swap3A_958, %swap3A_959], %gather3A_942 {strides = array<i32>} : memref<64x256xf32, #tpu.memory_space<vmem>>, vector<16xf32>,
        %mul3A_961 = arith.constant 16 : i32
        %mul3A_962 = arith.muli %scan3A_524, %mul3A_961 : i32
        %swap3A_963 = arith.constant 41 : i32
        %swap3A_964 = arith.index_cast %swap3A_963 : i32 to index
        %swap3A_965 = arith.index_cast %mul3A_962 : i32 to index
        %swap3A_966 = tpu.vector_load %arg14[%swap3A_964, %swap3A_965] {strides = array<i32>} : memref<64x256xf32, #tpu.memory_space<vmem>>, vector<16xf32>,
        tpu.vector_store %arg14[%swap3A_964, %swap3A_965], %gather3A_946 {strides = array<i32>} : memref<64x256xf32, #tpu.memory_space<vmem>>, vector<16xf32>,
        %mul3A_967 = arith.constant 16 : i32
        %mul3A_968 = arith.muli %scan3A_524, %mul3A_967 : i32
        %swap3A_969 = arith.constant 42 : i32
        %swap3A_970 = arith.index_cast %swap3A_969 : i32 to index
        %swap3A_971 = arith.index_cast %mul3A_968 : i32 to index
        %swap3A_972 = tpu.vector_load %arg14[%swap3A_970, %swap3A_971] {strides = array<i32>} : memref<64x256xf32, #tpu.memory_space<vmem>>, vector<16xf32>,
        tpu.vector_store %arg14[%swap3A_970, %swap3A_971], %gather3A_950 {strides = array<i32>} : memref<64x256xf32, #tpu.memory_space<vmem>>, vector<16xf32>,
        %mul3A_973 = arith.constant 16 : i32
        %mul3A_974 = arith.muli %scan3A_524, %mul3A_973 : i32
        %swap3A_975 = arith.constant 43 : i32
        %swap3A_976 = arith.index_cast %swap3A_975 : i32 to index
        %swap3A_977 = arith.index_cast %mul3A_974 : i32 to index
        %swap3A_978 = tpu.vector_load %arg14[%swap3A_976, %swap3A_977] {strides = array<i32>} : memref<64x256xf32, #tpu.memory_space<vmem>>, vector<16xf32>,
        tpu.vector_store %arg14[%swap3A_976, %swap3A_977], %gather3A_954 {strides = array<i32>} : memref<64x256xf32, #tpu.memory_space<vmem>>, vector<16xf32>,
        %add3A_979 = arith.constant 44 : i32
        %add3A_980 = vector.broadcast %add3A_979 : i32 to vector<16xi32>
        %add3A_981 = arith.addi %select_n3A_540, %add3A_980 : vector<16xi32>
        %gather3A_982 = tpu.vector_load_idx %arg12[%add3A_528, %add3A_981] : memref<256x128xf32, #tpu.memory_space<vmem>>[vector<16xi32>, vector<16xi32>], vector<16xf32>,
        %add3A_983 = arith.constant 45 : i32
        %add3A_984 = vector.broadcast %add3A_983 : i32 to vector<16xi32>
        %add3A_985 = arith.addi %select_n3A_540, %add3A_984 : vector<16xi32>
        %gather3A_986 = tpu.vector_load_idx %arg12[%add3A_528, %add3A_985] : memref<256x128xf32, #tpu.memory_space<vmem>>[vector<16xi32>, vector<16xi32>], vector<16xf32>,
        %add3A_987 = arith.constant 46 : i32
        %add3A_988 = vector.broadcast %add3A_987 : i32 to vector<16xi32>
        %add3A_989 = arith.addi %select_n3A_540, %add3A_988 : vector<16xi32>
        %gather3A_990 = tpu.vector_load_idx %arg12[%add3A_528, %add3A_989] : memref<256x128xf32, #tpu.memory_space<vmem>>[vector<16xi32>, vector<16xi32>], vector<16xf32>,
        %add3A_991 = arith.constant 47 : i32
        %add3A_992 = vector.broadcast %add3A_991 : i32 to vector<16xi32>
        %add3A_993 = arith.addi %select_n3A_540, %add3A_992 : vector<16xi32>
        %gather3A_994 = tpu.vector_load_idx %arg12[%add3A_528, %add3A_993] : memref<256x128xf32, #tpu.memory_space<vmem>>[vector<16xi32>, vector<16xi32>], vector<16xf32>,
        %mul3A_995 = arith.constant 16 : i32
        %mul3A_996 = arith.muli %scan3A_524, %mul3A_995 : i32
        %swap3A_997 = arith.constant 44 : i32
        %swap3A_998 = arith.index_cast %swap3A_997 : i32 to index
        %swap3A_999 = arith.index_cast %mul3A_996 : i32 to index
        %swap3A_1000 = tpu.vector_load %arg14[%swap3A_998, %swap3A_999] {strides = array<i32>} : memref<64x256xf32, #tpu.memory_space<vmem>>, vector<16xf32>,
        tpu.vector_store %arg14[%swap3A_998, %swap3A_999], %gather3A_982 {strides = array<i32>} : memref<64x256xf32, #tpu.memory_space<vmem>>, vector<16xf32>,
        %mul3A_1001 = arith.constant 16 : i32
        %mul3A_1002 = arith.muli %scan3A_524, %mul3A_1001 : i32
        %swap3A_1003 = arith.constant 45 : i32
        %swap3A_1004 = arith.index_cast %swap3A_1003 : i32 to index
        %swap3A_1005 = arith.index_cast %mul3A_1002 : i32 to index
        %swap3A_1006 = tpu.vector_load %arg14[%swap3A_1004, %swap3A_1005] {strides = array<i32>} : memref<64x256xf32, #tpu.memory_space<vmem>>, vector<16xf32>,
        tpu.vector_store %arg14[%swap3A_1004, %swap3A_1005], %gather3A_986 {strides = array<i32>} : memref<64x256xf32, #tpu.memory_space<vmem>>, vector<16xf32>,
        %mul3A_1007 = arith.constant 16 : i32
        %mul3A_1008 = arith.muli %scan3A_524, %mul3A_1007 : i32
        %swap3A_1009 = arith.constant 46 : i32
        %swap3A_1010 = arith.index_cast %swap3A_1009 : i32 to index
        %swap3A_1011 = arith.index_cast %mul3A_1008 : i32 to index
        %swap3A_1012 = tpu.vector_load %arg14[%swap3A_1010, %swap3A_1011] {strides = array<i32>} : memref<64x256xf32, #tpu.memory_space<vmem>>, vector<16xf32>,
        tpu.vector_store %arg14[%swap3A_1010, %swap3A_1011], %gather3A_990 {strides = array<i32>} : memref<64x256xf32, #tpu.memory_space<vmem>>, vector<16xf32>,
        %mul3A_1013 = arith.constant 16 : i32
        %mul3A_1014 = arith.muli %scan3A_524, %mul3A_1013 : i32
        %swap3A_1015 = arith.constant 47 : i32
        %swap3A_1016 = arith.index_cast %swap3A_1015 : i32 to index
        %swap3A_1017 = arith.index_cast %mul3A_1014 : i32 to index
        %swap3A_1018 = tpu.vector_load %arg14[%swap3A_1016, %swap3A_1017] {strides = array<i32>} : memref<64x256xf32, #tpu.memory_space<vmem>>, vector<16xf32>,
        tpu.vector_store %arg14[%swap3A_1016, %swap3A_1017], %gather3A_994 {strides = array<i32>} : memref<64x256xf32, #tpu.memory_space<vmem>>, vector<16xf32>,
        %add3A_1019 = arith.constant 48 : i32
        %add3A_1020 = vector.broadcast %add3A_1019 : i32 to vector<16xi32>
        %add3A_1021 = arith.addi %select_n3A_540, %add3A_1020 : vector<16xi32>
        %gather3A_1022 = tpu.vector_load_idx %arg12[%add3A_528, %add3A_1021] : memref<256x128xf32, #tpu.memory_space<vmem>>[vector<16xi32>, vector<16xi32>], vector<16xf32>,
        %add3A_1023 = arith.constant 49 : i32
        %add3A_1024 = vector.broadcast %add3A_1023 : i32 to vector<16xi32>
        %add3A_1025 = arith.addi %select_n3A_540, %add3A_1024 : vector<16xi32>
        %gather3A_1026 = tpu.vector_load_idx %arg12[%add3A_528, %add3A_1025] : memref<256x128xf32, #tpu.memory_space<vmem>>[vector<16xi32>, vector<16xi32>], vector<16xf32>,
        %add3A_1027 = arith.constant 50 : i32
        %add3A_1028 = vector.broadcast %add3A_1027 : i32 to vector<16xi32>
        %add3A_1029 = arith.addi %select_n3A_540, %add3A_1028 : vector<16xi32>
        %gather3A_1030 = tpu.vector_load_idx %arg12[%add3A_528, %add3A_1029] : memref<256x128xf32, #tpu.memory_space<vmem>>[vector<16xi32>, vector<16xi32>], vector<16xf32>,
        %add3A_1031 = arith.constant 51 : i32
        %add3A_1032 = vector.broadcast %add3A_1031 : i32 to vector<16xi32>
        %add3A_1033 = arith.addi %select_n3A_540, %add3A_1032 : vector<16xi32>
        %gather3A_1034 = tpu.vector_load_idx %arg12[%add3A_528, %add3A_1033] : memref<256x128xf32, #tpu.memory_space<vmem>>[vector<16xi32>, vector<16xi32>], vector<16xf32>,
        %mul3A_1035 = arith.constant 16 : i32
        %mul3A_1036 = arith.muli %scan3A_524, %mul3A_1035 : i32
        %swap3A_1037 = arith.constant 48 : i32
        %swap3A_1038 = arith.index_cast %swap3A_1037 : i32 to index
        %swap3A_1039 = arith.index_cast %mul3A_1036 : i32 to index
        %swap3A_1040 = tpu.vector_load %arg14[%swap3A_1038, %swap3A_1039] {strides = array<i32>} : memref<64x256xf32, #tpu.memory_space<vmem>>, vector<16xf32>,
        tpu.vector_store %arg14[%swap3A_1038, %swap3A_1039], %gather3A_1022 {strides = array<i32>} : memref<64x256xf32, #tpu.memory_space<vmem>>, vector<16xf32>,
        %mul3A_1041 = arith.constant 16 : i32
        %mul3A_1042 = arith.muli %scan3A_524, %mul3A_1041 : i32
        %swap3A_1043 = arith.constant 49 : i32
        %swap3A_1044 = arith.index_cast %swap3A_1043 : i32 to index
        %swap3A_1045 = arith.index_cast %mul3A_1042 : i32 to index
        %swap3A_1046 = tpu.vector_load %arg14[%swap3A_1044, %swap3A_1045] {strides = array<i32>} : memref<64x256xf32, #tpu.memory_space<vmem>>, vector<16xf32>,
        tpu.vector_store %arg14[%swap3A_1044, %swap3A_1045], %gather3A_1026 {strides = array<i32>} : memref<64x256xf32, #tpu.memory_space<vmem>>, vector<16xf32>,
        %mul3A_1047 = arith.constant 16 : i32
        %mul3A_1048 = arith.muli %scan3A_524, %mul3A_1047 : i32
        %swap3A_1049 = arith.constant 50 : i32
        %swap3A_1050 = arith.index_cast %swap3A_1049 : i32 to index
        %swap3A_1051 = arith.index_cast %mul3A_1048 : i32 to index
        %swap3A_1052 = tpu.vector_load %arg14[%swap3A_1050, %swap3A_1051] {strides = array<i32>} : memref<64x256xf32, #tpu.memory_space<vmem>>, vector<16xf32>,
        tpu.vector_store %arg14[%swap3A_1050, %swap3A_1051], %gather3A_1030 {strides = array<i32>} : memref<64x256xf32, #tpu.memory_space<vmem>>, vector<16xf32>,
        %mul3A_1053 = arith.constant 16 : i32
        %mul3A_1054 = arith.muli %scan3A_524, %mul3A_1053 : i32
        %swap3A_1055 = arith.constant 51 : i32
        %swap3A_1056 = arith.index_cast %swap3A_1055 : i32 to index
        %swap3A_1057 = arith.index_cast %mul3A_1054 : i32 to index
        %swap3A_1058 = tpu.vector_load %arg14[%swap3A_1056, %swap3A_1057] {strides = array<i32>} : memref<64x256xf32, #tpu.memory_space<vmem>>, vector<16xf32>,
        tpu.vector_store %arg14[%swap3A_1056, %swap3A_1057], %gather3A_1034 {strides = array<i32>} : memref<64x256xf32, #tpu.memory_space<vmem>>, vector<16xf32>,
        %add3A_1059 = arith.constant 52 : i32
        %add3A_1060 = vector.broadcast %add3A_1059 : i32 to vector<16xi32>
        %add3A_1061 = arith.addi %select_n3A_540, %add3A_1060 : vector<16xi32>
        %gather3A_1062 = tpu.vector_load_idx %arg12[%add3A_528, %add3A_1061] : memref<256x128xf32, #tpu.memory_space<vmem>>[vector<16xi32>, vector<16xi32>], vector<16xf32>,
        %add3A_1063 = arith.constant 53 : i32
        %add3A_1064 = vector.broadcast %add3A_1063 : i32 to vector<16xi32>
        %add3A_1065 = arith.addi %select_n3A_540, %add3A_1064 : vector<16xi32>
        %gather3A_1066 = tpu.vector_load_idx %arg12[%add3A_528, %add3A_1065] : memref<256x128xf32, #tpu.memory_space<vmem>>[vector<16xi32>, vector<16xi32>], vector<16xf32>,
        %add3A_1067 = arith.constant 54 : i32
        %add3A_1068 = vector.broadcast %add3A_1067 : i32 to vector<16xi32>
        %add3A_1069 = arith.addi %select_n3A_540, %add3A_1068 : vector<16xi32>
        %gather3A_1070 = tpu.vector_load_idx %arg12[%add3A_528, %add3A_1069] : memref<256x128xf32, #tpu.memory_space<vmem>>[vector<16xi32>, vector<16xi32>], vector<16xf32>,
        %add3A_1071 = arith.constant 55 : i32
        %add3A_1072 = vector.broadcast %add3A_1071 : i32 to vector<16xi32>
        %add3A_1073 = arith.addi %select_n3A_540, %add3A_1072 : vector<16xi32>
        %gather3A_1074 = tpu.vector_load_idx %arg12[%add3A_528, %add3A_1073] : memref<256x128xf32, #tpu.memory_space<vmem>>[vector<16xi32>, vector<16xi32>], vector<16xf32>,
        %mul3A_1075 = arith.constant 16 : i32
        %mul3A_1076 = arith.muli %scan3A_524, %mul3A_1075 : i32
        %swap3A_1077 = arith.constant 52 : i32
        %swap3A_1078 = arith.index_cast %swap3A_1077 : i32 to index
        %swap3A_1079 = arith.index_cast %mul3A_1076 : i32 to index
        %swap3A_1080 = tpu.vector_load %arg14[%swap3A_1078, %swap3A_1079] {strides = array<i32>} : memref<64x256xf32, #tpu.memory_space<vmem>>, vector<16xf32>,
        tpu.vector_store %arg14[%swap3A_1078, %swap3A_1079], %gather3A_1062 {strides = array<i32>} : memref<64x256xf32, #tpu.memory_space<vmem>>, vector<16xf32>,
        %mul3A_1081 = arith.constant 16 : i32
        %mul3A_1082 = arith.muli %scan3A_524, %mul3A_1081 : i32
        %swap3A_1083 = arith.constant 53 : i32
        %swap3A_1084 = arith.index_cast %swap3A_1083 : i32 to index
        %swap3A_1085 = arith.index_cast %mul3A_1082 : i32 to index
        %swap3A_1086 = tpu.vector_load %arg14[%swap3A_1084, %swap3A_1085] {strides = array<i32>} : memref<64x256xf32, #tpu.memory_space<vmem>>, vector<16xf32>,
        tpu.vector_store %arg14[%swap3A_1084, %swap3A_1085], %gather3A_1066 {strides = array<i32>} : memref<64x256xf32, #tpu.memory_space<vmem>>, vector<16xf32>,
        %mul3A_1087 = arith.constant 16 : i32
        %mul3A_1088 = arith.muli %scan3A_524, %mul3A_1087 : i32
        %swap3A_1089 = arith.constant 54 : i32
        %swap3A_1090 = arith.index_cast %swap3A_1089 : i32 to index
        %swap3A_1091 = arith.index_cast %mul3A_1088 : i32 to index
        %swap3A_1092 = tpu.vector_load %arg14[%swap3A_1090, %swap3A_1091] {strides = array<i32>} : memref<64x256xf32, #tpu.memory_space<vmem>>, vector<16xf32>,
        tpu.vector_store %arg14[%swap3A_1090, %swap3A_1091], %gather3A_1070 {strides = array<i32>} : memref<64x256xf32, #tpu.memory_space<vmem>>, vector<16xf32>,
        %mul3A_1093 = arith.constant 16 : i32
        %mul3A_1094 = arith.muli %scan3A_524, %mul3A_1093 : i32
        %swap3A_1095 = arith.constant 55 : i32
        %swap3A_1096 = arith.index_cast %swap3A_1095 : i32 to index
        %swap3A_1097 = arith.index_cast %mul3A_1094 : i32 to index
        %swap3A_1098 = tpu.vector_load %arg14[%swap3A_1096, %swap3A_1097] {strides = array<i32>} : memref<64x256xf32, #tpu.memory_space<vmem>>, vector<16xf32>,
        tpu.vector_store %arg14[%swap3A_1096, %swap3A_1097], %gather3A_1074 {strides = array<i32>} : memref<64x256xf32, #tpu.memory_space<vmem>>, vector<16xf32>,
        %add3A_1099 = arith.constant 56 : i32
        %add3A_1100 = vector.broadcast %add3A_1099 : i32 to vector<16xi32>
        %add3A_1101 = arith.addi %select_n3A_540, %add3A_1100 : vector<16xi32>
        %gather3A_1102 = tpu.vector_load_idx %arg12[%add3A_528, %add3A_1101] : memref<256x128xf32, #tpu.memory_space<vmem>>[vector<16xi32>, vector<16xi32>], vector<16xf32>,
        %add3A_1103 = arith.constant 57 : i32
        %add3A_1104 = vector.broadcast %add3A_1103 : i32 to vector<16xi32>
        %add3A_1105 = arith.addi %select_n3A_540, %add3A_1104 : vector<16xi32>
        %gather3A_1106 = tpu.vector_load_idx %arg12[%add3A_528, %add3A_1105] : memref<256x128xf32, #tpu.memory_space<vmem>>[vector<16xi32>, vector<16xi32>], vector<16xf32>,
        %add3A_1107 = arith.constant 58 : i32
        %add3A_1108 = vector.broadcast %add3A_1107 : i32 to vector<16xi32>
        %add3A_1109 = arith.addi %select_n3A_540, %add3A_1108 : vector<16xi32>
        %gather3A_1110 = tpu.vector_load_idx %arg12[%add3A_528, %add3A_1109] : memref<256x128xf32, #tpu.memory_space<vmem>>[vector<16xi32>, vector<16xi32>], vector<16xf32>,
        %add3A_1111 = arith.constant 59 : i32
        %add3A_1112 = vector.broadcast %add3A_1111 : i32 to vector<16xi32>
        %add3A_1113 = arith.addi %select_n3A_540, %add3A_1112 : vector<16xi32>
        %gather3A_1114 = tpu.vector_load_idx %arg12[%add3A_528, %add3A_1113] : memref<256x128xf32, #tpu.memory_space<vmem>>[vector<16xi32>, vector<16xi32>], vector<16xf32>,
        %mul3A_1115 = arith.constant 16 : i32
        %mul3A_1116 = arith.muli %scan3A_524, %mul3A_1115 : i32
        %swap3A_1117 = arith.constant 56 : i32
        %swap3A_1118 = arith.index_cast %swap3A_1117 : i32 to index
        %swap3A_1119 = arith.index_cast %mul3A_1116 : i32 to index
        %swap3A_1120 = tpu.vector_load %arg14[%swap3A_1118, %swap3A_1119] {strides = array<i32>} : memref<64x256xf32, #tpu.memory_space<vmem>>, vector<16xf32>,
        tpu.vector_store %arg14[%swap3A_1118, %swap3A_1119], %gather3A_1102 {strides = array<i32>} : memref<64x256xf32, #tpu.memory_space<vmem>>, vector<16xf32>,
        %mul3A_1121 = arith.constant 16 : i32
        %mul3A_1122 = arith.muli %scan3A_524, %mul3A_1121 : i32
        %swap3A_1123 = arith.constant 57 : i32
        %swap3A_1124 = arith.index_cast %swap3A_1123 : i32 to index
        %swap3A_1125 = arith.index_cast %mul3A_1122 : i32 to index
        %swap3A_1126 = tpu.vector_load %arg14[%swap3A_1124, %swap3A_1125] {strides = array<i32>} : memref<64x256xf32, #tpu.memory_space<vmem>>, vector<16xf32>,
        tpu.vector_store %arg14[%swap3A_1124, %swap3A_1125], %gather3A_1106 {strides = array<i32>} : memref<64x256xf32, #tpu.memory_space<vmem>>, vector<16xf32>,
        %mul3A_1127 = arith.constant 16 : i32
        %mul3A_1128 = arith.muli %scan3A_524, %mul3A_1127 : i32
        %swap3A_1129 = arith.constant 58 : i32
        %swap3A_1130 = arith.index_cast %swap3A_1129 : i32 to index
        %swap3A_1131 = arith.index_cast %mul3A_1128 : i32 to index
        %swap3A_1132 = tpu.vector_load %arg14[%swap3A_1130, %swap3A_1131] {strides = array<i32>} : memref<64x256xf32, #tpu.memory_space<vmem>>, vector<16xf32>,
        tpu.vector_store %arg14[%swap3A_1130, %swap3A_1131], %gather3A_1110 {strides = array<i32>} : memref<64x256xf32, #tpu.memory_space<vmem>>, vector<16xf32>,
        %mul3A_1133 = arith.constant 16 : i32
        %mul3A_1134 = arith.muli %scan3A_524, %mul3A_1133 : i32
        %swap3A_1135 = arith.constant 59 : i32
        %swap3A_1136 = arith.index_cast %swap3A_1135 : i32 to index
        %swap3A_1137 = arith.index_cast %mul3A_1134 : i32 to index
        %swap3A_1138 = tpu.vector_load %arg14[%swap3A_1136, %swap3A_1137] {strides = array<i32>} : memref<64x256xf32, #tpu.memory_space<vmem>>, vector<16xf32>,
        tpu.vector_store %arg14[%swap3A_1136, %swap3A_1137], %gather3A_1114 {strides = array<i32>} : memref<64x256xf32, #tpu.memory_space<vmem>>, vector<16xf32>,
        %add3A_1139 = arith.constant 60 : i32
        %add3A_1140 = vector.broadcast %add3A_1139 : i32 to vector<16xi32>
        %add3A_1141 = arith.addi %select_n3A_540, %add3A_1140 : vector<16xi32>
        %gather3A_1142 = tpu.vector_load_idx %arg12[%add3A_528, %add3A_1141] : memref<256x128xf32, #tpu.memory_space<vmem>>[vector<16xi32>, vector<16xi32>], vector<16xf32>,
        %add3A_1143 = arith.constant 61 : i32
        %add3A_1144 = vector.broadcast %add3A_1143 : i32 to vector<16xi32>
        %add3A_1145 = arith.addi %select_n3A_540, %add3A_1144 : vector<16xi32>
        %gather3A_1146 = tpu.vector_load_idx %arg12[%add3A_528, %add3A_1145] : memref<256x128xf32, #tpu.memory_space<vmem>>[vector<16xi32>, vector<16xi32>], vector<16xf32>,
        %add3A_1147 = arith.constant 62 : i32
        %add3A_1148 = vector.broadcast %add3A_1147 : i32 to vector<16xi32>
        %add3A_1149 = arith.addi %select_n3A_540, %add3A_1148 : vector<16xi32>
        %gather3A_1150 = tpu.vector_load_idx %arg12[%add3A_528, %add3A_1149] : memref<256x128xf32, #tpu.memory_space<vmem>>[vector<16xi32>, vector<16xi32>], vector<16xf32>,
        %add3A_1151 = arith.constant 63 : i32
        %add3A_1152 = vector.broadcast %add3A_1151 : i32 to vector<16xi32>
        %add3A_1153 = arith.addi %select_n3A_540, %add3A_1152 : vector<16xi32>
        %gather3A_1154 = tpu.vector_load_idx %arg12[%add3A_528, %add3A_1153] : memref<256x128xf32, #tpu.memory_space<vmem>>[vector<16xi32>, vector<16xi32>], vector<16xf32>,
        %mul3A_1155 = arith.constant 16 : i32
        %mul3A_1156 = arith.muli %scan3A_524, %mul3A_1155 : i32
        %swap3A_1157 = arith.constant 60 : i32
        %swap3A_1158 = arith.index_cast %swap3A_1157 : i32 to index
        %swap3A_1159 = arith.index_cast %mul3A_1156 : i32 to index
        %swap3A_1160 = tpu.vector_load %arg14[%swap3A_1158, %swap3A_1159] {strides = array<i32>} : memref<64x256xf32, #tpu.memory_space<vmem>>, vector<16xf32>,
        tpu.vector_store %arg14[%swap3A_1158, %swap3A_1159], %gather3A_1142 {strides = array<i32>} : memref<64x256xf32, #tpu.memory_space<vmem>>, vector<16xf32>,
        %mul3A_1161 = arith.constant 16 : i32
        %mul3A_1162 = arith.muli %scan3A_524, %mul3A_1161 : i32
        %swap3A_1163 = arith.constant 61 : i32
        %swap3A_1164 = arith.index_cast %swap3A_1163 : i32 to index
        %swap3A_1165 = arith.index_cast %mul3A_1162 : i32 to index
        %swap3A_1166 = tpu.vector_load %arg14[%swap3A_1164, %swap3A_1165] {strides = array<i32>} : memref<64x256xf32, #tpu.memory_space<vmem>>, vector<16xf32>,
        tpu.vector_store %arg14[%swap3A_1164, %swap3A_1165], %gather3A_1146 {strides = array<i32>} : memref<64x256xf32, #tpu.memory_space<vmem>>, vector<16xf32>,
        %mul3A_1167 = arith.constant 16 : i32
        %mul3A_1168 = arith.muli %scan3A_524, %mul3A_1167 : i32
        %swap3A_1169 = arith.constant 62 : i32
        %swap3A_1170 = arith.index_cast %swap3A_1169 : i32 to index
        %swap3A_1171 = arith.index_cast %mul3A_1168 : i32 to index
        %swap3A_1172 = tpu.vector_load %arg14[%swap3A_1170, %swap3A_1171] {strides = array<i32>} : memref<64x256xf32, #tpu.memory_space<vmem>>, vector<16xf32>,
        tpu.vector_store %arg14[%swap3A_1170, %swap3A_1171], %gather3A_1150 {strides = array<i32>} : memref<64x256xf32, #tpu.memory_space<vmem>>, vector<16xf32>,
        %mul3A_1173 = arith.constant 16 : i32
        %mul3A_1174 = arith.muli %scan3A_524, %mul3A_1173 : i32
        %swap3A_1175 = arith.constant 63 : i32
        %swap3A_1176 = arith.index_cast %swap3A_1175 : i32 to index
        %swap3A_1177 = arith.index_cast %mul3A_1174 : i32 to index
        %swap3A_1178 = tpu.vector_load %arg14[%swap3A_1176, %swap3A_1177] {strides = array<i32>} : memref<64x256xf32, #tpu.memory_space<vmem>>, vector<16xf32>,
        tpu.vector_store %arg14[%swap3A_1176, %swap3A_1177], %gather3A_1154 {strides = array<i32>} : memref<64x256xf32, #tpu.memory_space<vmem>>, vector<16xf32>,
      }
      %scan3A_336 = arith.constant 16 : i32
      %add3A_337 = arith.addi %mul3A_2, %add3A_320 : i32
      %jit3A_338 = arith.constant 16 : i32
      %div3A_339 = arith.divsi %add3A_337, %jit3A_338 : i32
      %sign3A_340 = arith.constant 0 : i32
      %sign3A_341 = arith.cmpi sgt, %add3A_337, %sign3A_340 : i32
      %sign3A_342 = arith.extui %sign3A_341 : i1 to i32
      %sign3A_343 = arith.constant 0 : i32
      %sign3A_344 = arith.cmpi slt, %add3A_337, %sign3A_343 : i32
      %sign3A_345 = arith.extui %sign3A_344 : i1 to i32
      %sign3A_346 = arith.subi %sign3A_342, %sign3A_345 : i32
      %sign3A_347 = arith.constant 0 : i32
      %sign3A_348 = arith.cmpi sgt, %jit3A_338, %sign3A_347 : i32
      %sign3A_349 = arith.extui %sign3A_348 : i1 to i32
      %sign3A_350 = arith.constant 0 : i32
      %sign3A_351 = arith.cmpi slt, %jit3A_338, %sign3A_350 : i32
      %sign3A_352 = arith.extui %sign3A_351 : i1 to i32
      %sign3A_353 = arith.subi %sign3A_349, %sign3A_352 : i32
      %ne3A_354 = arith.cmpi ne, %sign3A_346, %sign3A_353 : i32
      %rem3A_355 = arith.remsi %add3A_337, %jit3A_338 : i32
      %ne3A_356 = arith.constant 0 : i32
      %ne3A_357 = arith.cmpi ne, %rem3A_355, %ne3A_356 : i32
      %and3A_358 = arith.andi %ne3A_354, %ne3A_357 : i1
      %sub3A_359 = arith.constant 1 : i32
      %sub3A_360 = arith.subi %div3A_339, %sub3A_359 : i32
      %select_n3A_361 = arith.select %and3A_358, %sub3A_360, %div3A_339 : i32
      %jit3A_362 = arith.constant 16 : i32
      %eq3A_363 = arith.constant 0 : i32
      %eq3A_364 = arith.cmpi eq, %jit3A_362, %eq3A_363 : i32
      %jit3A_365 = arith.constant 1 : i32
      %select_n3A_366 = arith.select %eq3A_364, %jit3A_365, %jit3A_362 : i32
      %rem3A_367 = arith.remsi %add3A_337, %select_n3A_366 : i32
      %ne3A_368 = arith.constant 0 : i32
      %ne3A_369 = arith.cmpi ne, %rem3A_367, %ne3A_368 : i32
      %lt3A_370 = arith.constant 0 : i32
      %lt3A_371 = arith.cmpi slt, %rem3A_367, %lt3A_370 : i32
      %lt3A_372 = arith.constant 0 : i32
      %lt3A_373 = arith.cmpi slt, %select_n3A_366, %lt3A_372 : i32
      %ne3A_374 = arith.xori %lt3A_371, %lt3A_373 : i1
      %and3A_375 = arith.andi %ne3A_374, %ne3A_369 : i1
      %add3A_376 = arith.addi %rem3A_367, %select_n3A_366 : i32
      %select_n3A_377 = arith.select %and3A_375, %add3A_376, %rem3A_367 : i32
      %mul3A_378 = arith.constant 256 : i32
      %mul3A_379 = arith.muli %select_n3A_377, %mul3A_378 : i32
      %dma_start3A_380 = arith.constant 0 : i32
      %dma_start3A_381 = tpu.memref_slice %arg4[%select_n3A_361, %dma_start3A_380, %mul3A_379] : memref<200x64x4096xf32, #tpu.memory_space<hbm>> -> memref<1x64x256xf32, #tpu.memory_space<hbm>>
      %dma_start3A_382 = tpu.memref_squeeze %dma_start3A_381 : memref<1x64x256xf32, #tpu.memory_space<hbm>> -> memref<64x256xf32, #tpu.memory_space<hbm>>
      %dma_start3A_383 = arith.constant 0 : i32
      %dma_start3A_384 = tpu.memref_slice %arg4[%select_n3A_361, %dma_start3A_383, %mul3A_379] : memref<200x64x4096xf32, #tpu.memory_space<hbm>> -> memref<1x64x256xf32, #tpu.memory_space<hbm>>
      %dma_start3A_385 = tpu.memref_squeeze %dma_start3A_384 : memref<1x64x256xf32, #tpu.memory_space<hbm>> -> memref<64x256xf32, #tpu.memory_space<hbm>>
      tpu.enqueue_dma source(%arg14 : memref<64x256xf32, #tpu.memory_space<vmem>>) target(%dma_start3A_385 : memref<64x256xf32, #tpu.memory_space<hbm>>) target_semaphore(%arg22 : memref<!tpu.dma_semaphore, #tpu.memory_space<semaphore_mem>>)
      %mul3A_386 = arith.constant 4 : i32
      %mul3A_387 = arith.muli %scan3A_249, %mul3A_386 : i32
      %add3A_388 = arith.constant 2 : i32
      %add3A_389 = arith.addi %mul3A_387, %add3A_388 : i32
      %dma_wait3A_390 = arith.constant 0 : i32
      %dma_wait3A_391 = arith.constant 0 : i32
      %dma_wait3A_392 = tpu.memref_slice %arg3[%dma_wait3A_390, %dma_wait3A_391] : memref<501760x128xf32, #tpu.memory_space<hbm>> -> memref<501760x128xf32, #tpu.memory_space<hbm>>
      tpu.wait_indirect_dma semaphore(%arg19 : memref<!tpu.dma_semaphore, #tpu.memory_space<semaphore_mem>>) src(%dma_wait3A_392 : memref<501760x128xf32, #tpu.memory_space<hbm>>) dst(%arg11 : memref<256x128xf32, #tpu.memory_space<vmem>>)
      %add3A_393 = arith.constant 1 : i32
      %add3A_394 = arith.addi %add3A_389, %add3A_393 : i32
      %lt3A_395 = arith.constant 100 : i32
      %lt3A_396 = arith.cmpi slt, %add3A_394, %lt3A_395 : i32
      %convert_element_type3A_397 = arith.extui %lt3A_396 : i1 to i32
      %cond3A_398 = arith.constant 0 : i32
      %cond3A_399 = arith.cmpi ne, %convert_element_type3A_397, %cond3A_398 : i32
      scf.if %cond3A_399 {
        %add3A_524 = arith.constant 1 : i32
        %add3A_525 = arith.addi %add3A_389, %add3A_524 : i32
        %add3A_526 = arith.addi %mul3A_2, %add3A_525 : i32
        %jit3A_527 = arith.constant 16 : i32
        %div3A_528 = arith.divsi %add3A_526, %jit3A_527 : i32
        %sign3A_529 = arith.constant 0 : i32
        %sign3A_530 = arith.cmpi sgt, %add3A_526, %sign3A_529 : i32
        %sign3A_531 = arith.extui %sign3A_530 : i1 to i32
        %sign3A_532 = arith.constant 0 : i32
        %sign3A_533 = arith.cmpi slt, %add3A_526, %sign3A_532 : i32
        %sign3A_534 = arith.extui %sign3A_533 : i1 to i32
        %sign3A_535 = arith.subi %sign3A_531, %sign3A_534 : i32
        %sign3A_536 = arith.constant 0 : i32
        %sign3A_537 = arith.cmpi sgt, %jit3A_527, %sign3A_536 : i32
        %sign3A_538 = arith.extui %sign3A_537 : i1 to i32
        %sign3A_539 = arith.constant 0 : i32
        %sign3A_540 = arith.cmpi slt, %jit3A_527, %sign3A_539 : i32
        %sign3A_541 = arith.extui %sign3A_540 : i1 to i32
        %sign3A_542 = arith.subi %sign3A_538, %sign3A_541 : i32
        %ne3A_543 = arith.cmpi ne, %sign3A_535, %sign3A_542 : i32
        %rem3A_544 = arith.remsi %add3A_526, %jit3A_527 : i32
        %ne3A_545 = arith.constant 0 : i32
        %ne3A_546 = arith.cmpi ne, %rem3A_544, %ne3A_545 : i32
        %and3A_547 = arith.andi %ne3A_543, %ne3A_546 : i1
        %sub3A_548 = arith.constant 1 : i32
        %sub3A_549 = arith.subi %div3A_528, %sub3A_548 : i32
        %select_n3A_550 = arith.select %and3A_547, %sub3A_549, %div3A_528 : i32
        %jit3A_551 = arith.constant 16 : i32
        %eq3A_552 = arith.constant 0 : i32
        %eq3A_553 = arith.cmpi eq, %jit3A_551, %eq3A_552 : i32
        %jit3A_554 = arith.constant 1 : i32
        %select_n3A_555 = arith.select %eq3A_553, %jit3A_554, %jit3A_551 : i32
        %rem3A_556 = arith.remsi %add3A_526, %select_n3A_555 : i32
        %ne3A_557 = arith.constant 0 : i32
        %ne3A_558 = arith.cmpi ne, %rem3A_556, %ne3A_557 : i32
        %lt3A_559 = arith.constant 0 : i32
        %lt3A_560 = arith.cmpi slt, %rem3A_556, %lt3A_559 : i32
        %lt3A_561 = arith.constant 0 : i32
        %lt3A_562 = arith.cmpi slt, %select_n3A_555, %lt3A_561 : i32
        %ne3A_563 = arith.xori %lt3A_560, %lt3A_562 : i1
        %and3A_564 = arith.andi %ne3A_563, %ne3A_558 : i1
        %add3A_565 = arith.addi %rem3A_556, %select_n3A_555 : i32
        %select_n3A_566 = arith.select %and3A_564, %add3A_565, %rem3A_556 : i32
        %mul3A_567 = arith.constant 256 : i32
        %mul3A_568 = arith.muli %select_n3A_566, %mul3A_567 : i32
        %dma_wait3A_569 = tpu.memref_slice %arg2[%select_n3A_550, %mul3A_568] : memref<200x4096xi32, #tpu.memory_space<hbm>> -> memref<1x256xi32, #tpu.memory_space<hbm>>
        %dma_wait3A_570 = tpu.memref_squeeze %dma_wait3A_569 : memref<1x256xi32, #tpu.memory_space<hbm>> -> memref<256xi32, #tpu.memory_space<hbm>>
        %dma_wait3A_571 = tpu.memref_slice %arg2[%select_n3A_550, %mul3A_568] : memref<200x4096xi32, #tpu.memory_space<hbm>> -> memref<1x256xi32, #tpu.memory_space<hbm>>
        %dma_wait3A_572 = tpu.memref_squeeze %dma_wait3A_571 : memref<1x256xi32, #tpu.memory_space<hbm>> -> memref<256xi32, #tpu.memory_space<hbm>>
        tpu.wait_dma2 semaphore(%arg18 : memref<!tpu.dma_semaphore, #tpu.memory_space<semaphore_mem>>) src(%dma_wait3A_572 : memref<256xi32, #tpu.memory_space<hbm>>) dst(%arg8 : memref<256xi32, #tpu.memory_space<vmem>>)
        %scan3A_573 = arith.constant 0 : i32
        %scan3A_574 = arith.constant 0 : i32
        %scan3A_575 = arith.constant 16 : i32
        %scan3A_576 = arith.addi %scan3A_574, %scan3A_575 : i32
        %scan3A_577 = arith.constant 1 : i32
        scf.for %scan3A_595 = %scan3A_574 to %scan3A_576 step %scan3A_577  : i32 {
          %mul3A_596 = arith.constant 16 : i32
          %mul3A_597 = arith.muli %scan3A_595, %mul3A_596 : i32
          %get3A = arith.index_cast %mul3A_597 : i32 to index
          %get3A_598 = tpu.vector_load %arg8[%get3A] {strides = array<i32>} : memref<256xi32, #tpu.memory_space<vmem>>, vector<16xi32>,
          %shift_right_logical3A = arith.constant 12 : i32
          %shift_right_logical3A_599 = vector.broadcast %shift_right_logical3A : i32 to vector<16xi32>
          %shift_right_logical3A_600 = arith.shrui %get3A_598, %shift_right_logical3A_599 : vector<16xi32>
          %and3A_601 = arith.constant 4095 : i32
          %and3A_602 = vector.broadcast %and3A_601 : i32 to vector<16xi32>
          %and3A_603 = arith.andi %get3A_598, %and3A_602 : vector<16xi32>
          %shift_left3A = arith.constant 11 : i32
          %shift_left3A_604 = vector.broadcast %shift_left3A : i32 to vector<16xi32>
          %shift_left3A_605 = arith.shli %shift_right_logical3A_600, %shift_left3A_604 : vector<16xi32>
          %and3A_606 = arith.constant 2047 : i32
          %and3A_607 = vector.broadcast %and3A_606 : i32 to vector<16xi32>
          %and3A_608 = arith.andi %and3A_603, %and3A_607 : vector<16xi32>
          %add3A_609 = arith.addi %shift_left3A_605, %and3A_608 : vector<16xi32>
          %mul3A_610 = arith.constant 16 : i32
          %mul3A_611 = arith.muli %scan3A_595, %mul3A_610 : i32
          %swap3A = arith.index_cast %mul3A_611 : i32 to index
          %swap3A_612 = tpu.vector_load %arg10[%swap3A] {strides = array<i32>} : memref<256xi32, #tpu.memory_space<vmem>>, vector<16xi32>,
          tpu.vector_store %arg10[%swap3A], %add3A_609 {strides = array<i32>} : memref<256xi32, #tpu.memory_space<vmem>>, vector<16xi32>,
        }
        %scan3A_578 = arith.constant 16 : i32
        %add3A_579 = arith.constant 1 : i32
        %add3A_580 = arith.addi %add3A_389, %add3A_579 : i32
        %ge3A = arith.constant 2 : i32
        %ge3A_581 = arith.cmpi sge, %add3A_580, %ge3A : i32
        %convert_element_type3A_582 = arith.extui %ge3A_581 : i1 to i32
        %cond3A_583 = arith.constant 0 : i32
        %cond3A_584 = arith.cmpi ne, %convert_element_type3A_582, %cond3A_583 : i32
        scf.if %cond3A_584 {
          %sub3A_595 = arith.constant 1 : i32
          %sub3A_596 = arith.subi %add3A_389, %sub3A_595 : i32
          %add3A_597 = arith.addi %mul3A_2, %sub3A_596 : i32
          %jit3A_598 = arith.constant 16 : i32
          %div3A_599 = arith.divsi %add3A_597, %jit3A_598 : i32
          %sign3A_600 = arith.constant 0 : i32
          %sign3A_601 = arith.cmpi sgt, %add3A_597, %sign3A_600 : i32
          %sign3A_602 = arith.extui %sign3A_601 : i1 to i32
          %sign3A_603 = arith.constant 0 : i32
          %sign3A_604 = arith.cmpi slt, %add3A_597, %sign3A_603 : i32
          %sign3A_605 = arith.extui %sign3A_604 : i1 to i32
          %sign3A_606 = arith.subi %sign3A_602, %sign3A_605 : i32
          %sign3A_607 = arith.constant 0 : i32
          %sign3A_608 = arith.cmpi sgt, %jit3A_598, %sign3A_607 : i32
          %sign3A_609 = arith.extui %sign3A_608 : i1 to i32
          %sign3A_610 = arith.constant 0 : i32
          %sign3A_611 = arith.cmpi slt, %jit3A_598, %sign3A_610 : i32
          %sign3A_612 = arith.extui %sign3A_611 : i1 to i32
          %sign3A_613 = arith.subi %sign3A_609, %sign3A_612 : i32
          %ne3A_614 = arith.cmpi ne, %sign3A_606, %sign3A_613 : i32
          %rem3A_615 = arith.remsi %add3A_597, %jit3A_598 : i32
          %ne3A_616 = arith.constant 0 : i32
          %ne3A_617 = arith.cmpi ne, %rem3A_615, %ne3A_616 : i32
          %and3A_618 = arith.andi %ne3A_614, %ne3A_617 : i1
          %sub3A_619 = arith.constant 1 : i32
          %sub3A_620 = arith.subi %div3A_599, %sub3A_619 : i32
          %select_n3A_621 = arith.select %and3A_618, %sub3A_620, %div3A_599 : i32
          %jit3A_622 = arith.constant 16 : i32
          %eq3A_623 = arith.constant 0 : i32
          %eq3A_624 = arith.cmpi eq, %jit3A_622, %eq3A_623 : i32
          %jit3A_625 = arith.constant 1 : i32
          %select_n3A_626 = arith.select %eq3A_624, %jit3A_625, %jit3A_622 : i32
          %rem3A_627 = arith.remsi %add3A_597, %select_n3A_626 : i32
          %ne3A_628 = arith.constant 0 : i32
          %ne3A_629 = arith.cmpi ne, %rem3A_627, %ne3A_628 : i32
          %lt3A_630 = arith.constant 0 : i32
          %lt3A_631 = arith.cmpi slt, %rem3A_627, %lt3A_630 : i32
          %lt3A_632 = arith.constant 0 : i32
          %lt3A_633 = arith.cmpi slt, %select_n3A_626, %lt3A_632 : i32
          %ne3A_634 = arith.xori %lt3A_631, %lt3A_633 : i1
          %and3A_635 = arith.andi %ne3A_634, %ne3A_629 : i1
          %add3A_636 = arith.addi %rem3A_627, %select_n3A_626 : i32
          %select_n3A_637 = arith.select %and3A_635, %add3A_636, %rem3A_627 : i32
          %mul3A_638 = arith.constant 256 : i32
          %mul3A_639 = arith.muli %select_n3A_637, %mul3A_638 : i32
          %dma_wait3A_640 = arith.constant 0 : i32
          %dma_wait3A_641 = tpu.memref_slice %arg4[%select_n3A_621, %dma_wait3A_640, %mul3A_639] : memref<200x64x4096xf32, #tpu.memory_space<hbm>> -> memref<1x64x256xf32, #tpu.memory_space<hbm>>
          %dma_wait3A_642 = tpu.memref_squeeze %dma_wait3A_641 : memref<1x64x256xf32, #tpu.memory_space<hbm>> -> memref<64x256xf32, #tpu.memory_space<hbm>>
          %dma_wait3A_643 = arith.constant 0 : i32
          %dma_wait3A_644 = tpu.memref_slice %arg4[%select_n3A_621, %dma_wait3A_643, %mul3A_639] : memref<200x64x4096xf32, #tpu.memory_space<hbm>> -> memref<1x64x256xf32, #tpu.memory_space<hbm>>
          %dma_wait3A_645 = tpu.memref_squeeze %dma_wait3A_644 : memref<1x64x256xf32, #tpu.memory_space<hbm>> -> memref<64x256xf32, #tpu.memory_space<hbm>>
          tpu.wait_dma2 semaphore(%arg22 : memref<!tpu.dma_semaphore, #tpu.memory_space<semaphore_mem>>) src(%arg14 : memref<64x256xf32, #tpu.memory_space<vmem>>) dst(%dma_wait3A_645 : memref<64x256xf32, #tpu.memory_space<hbm>>)
        } else {
        }
        %dma_start3A_585 = arith.constant 0 : i32
        %dma_start3A_586 = arith.constant 0 : i32
        %dma_start3A_587 = tpu.memref_slice %arg3[%dma_start3A_585, %dma_start3A_586] : memref<501760x128xf32, #tpu.memory_space<hbm>> -> memref<501760x128xf32, #tpu.memory_space<hbm>>
        tpu.enqueue_indirect_dma source(%dma_start3A_587 : memref<501760x128xf32, #tpu.memory_space<hbm>>) target(%arg12 : memref<256x128xf32, #tpu.memory_space<vmem>>) offsets(%arg10 : memref<256xi32, #tpu.memory_space<vmem>>) semaphore(%arg20 : memref<!tpu.dma_semaphore, #tpu.memory_space<semaphore_mem>>)
        %add3A_588 = arith.constant 2 : i32
        %add3A_589 = arith.addi %add3A_389, %add3A_588 : i32
        %lt3A_590 = arith.constant 100 : i32
        %lt3A_591 = arith.cmpi slt, %add3A_589, %lt3A_590 : i32
        %convert_element_type3A_592 = arith.extui %lt3A_591 : i1 to i32
        %cond3A_593 = arith.constant 0 : i32
        %cond3A_594 = arith.cmpi ne, %convert_element_type3A_592, %cond3A_593 : i32
        scf.if %cond3A_594 {
          %add3A_595 = arith.constant 2 : i32
          %add3A_596 = arith.addi %add3A_389, %add3A_595 : i32
          %add3A_597 = arith.addi %mul3A_2, %add3A_596 : i32
          %jit3A_598 = arith.constant 16 : i32
          %div3A_599 = arith.divsi %add3A_597, %jit3A_598 : i32
          %sign3A_600 = arith.constant 0 : i32
          %sign3A_601 = arith.cmpi sgt, %add3A_597, %sign3A_600 : i32
          %sign3A_602 = arith.extui %sign3A_601 : i1 to i32
          %sign3A_603 = arith.constant 0 : i32
          %sign3A_604 = arith.cmpi slt, %add3A_597, %sign3A_603 : i32
          %sign3A_605 = arith.extui %sign3A_604 : i1 to i32
          %sign3A_606 = arith.subi %sign3A_602, %sign3A_605 : i32
          %sign3A_607 = arith.constant 0 : i32
          %sign3A_608 = arith.cmpi sgt, %jit3A_598, %sign3A_607 : i32
          %sign3A_609 = arith.extui %sign3A_608 : i1 to i32
          %sign3A_610 = arith.constant 0 : i32
          %sign3A_611 = arith.cmpi slt, %jit3A_598, %sign3A_610 : i32
          %sign3A_612 = arith.extui %sign3A_611 : i1 to i32
          %sign3A_613 = arith.subi %sign3A_609, %sign3A_612 : i32
          %ne3A_614 = arith.cmpi ne, %sign3A_606, %sign3A_613 : i32
          %rem3A_615 = arith.remsi %add3A_597, %jit3A_598 : i32
          %ne3A_616 = arith.constant 0 : i32
          %ne3A_617 = arith.cmpi ne, %rem3A_615, %ne3A_616 : i32
          %and3A_618 = arith.andi %ne3A_614, %ne3A_617 : i1
          %sub3A_619 = arith.constant 1 : i32
          %sub3A_620 = arith.subi %div3A_599, %sub3A_619 : i32
          %select_n3A_621 = arith.select %and3A_618, %sub3A_620, %div3A_599 : i32
          %jit3A_622 = arith.constant 16 : i32
          %eq3A_623 = arith.constant 0 : i32
          %eq3A_624 = arith.cmpi eq, %jit3A_622, %eq3A_623 : i32
          %jit3A_625 = arith.constant 1 : i32
          %select_n3A_626 = arith.select %eq3A_624, %jit3A_625, %jit3A_622 : i32
          %rem3A_627 = arith.remsi %add3A_597, %select_n3A_626 : i32
          %ne3A_628 = arith.constant 0 : i32
          %ne3A_629 = arith.cmpi ne, %rem3A_627, %ne3A_628 : i32
          %lt3A_630 = arith.constant 0 : i32
          %lt3A_631 = arith.cmpi slt, %rem3A_627, %lt3A_630 : i32
          %lt3A_632 = arith.constant 0 : i32
          %lt3A_633 = arith.cmpi slt, %select_n3A_626, %lt3A_632 : i32
          %ne3A_634 = arith.xori %lt3A_631, %lt3A_633 : i1
          %and3A_635 = arith.andi %ne3A_634, %ne3A_629 : i1
          %add3A_636 = arith.addi %rem3A_627, %select_n3A_626 : i32
          %select_n3A_637 = arith.select %and3A_635, %add3A_636, %rem3A_627 : i32
          %mul3A_638 = arith.constant 256 : i32
          %mul3A_639 = arith.muli %select_n3A_637, %mul3A_638 : i32
          %dma_start3A_640 = tpu.memref_slice %arg2[%select_n3A_621, %mul3A_639] : memref<200x4096xi32, #tpu.memory_space<hbm>> -> memref<1x256xi32, #tpu.memory_space<hbm>>
          %dma_start3A_641 = tpu.memref_squeeze %dma_start3A_640 : memref<1x256xi32, #tpu.memory_space<hbm>> -> memref<256xi32, #tpu.memory_space<hbm>>
          %dma_start3A_642 = tpu.memref_slice %arg2[%select_n3A_621, %mul3A_639] : memref<200x4096xi32, #tpu.memory_space<hbm>> -> memref<1x256xi32, #tpu.memory_space<hbm>>
          %dma_start3A_643 = tpu.memref_squeeze %dma_start3A_642 : memref<1x256xi32, #tpu.memory_space<hbm>> -> memref<256xi32, #tpu.memory_space<hbm>>
          tpu.enqueue_dma source(%dma_start3A_643 : memref<256xi32, #tpu.memory_space<hbm>>) target(%arg5 : memref<256xi32, #tpu.memory_space<vmem>>) target_semaphore(%arg15 : memref<!tpu.dma_semaphore, #tpu.memory_space<semaphore_mem>>)
        } else {
        }
      } else {
      }
      %scan3A_400 = arith.constant 0 : i32
      %scan3A_401 = arith.constant 0 : i32
      %scan3A_402 = arith.constant 16 : i32
      %scan3A_403 = arith.addi %scan3A_401, %scan3A_402 : i32
      %scan3A_404 = arith.constant 1 : i32
      scf.for %scan3A_524 = %scan3A_401 to %scan3A_403 step %scan3A_404  : i32 {
        %mul3A_525 = arith.constant 16 : i32
        %mul3A_526 = arith.muli %scan3A_524, %mul3A_525 : i32
        %iota3A = tpu.iota {dimensions = array<i32: 0>} : vector<16xi32>
        %add3A_527 = vector.broadcast %mul3A_526 : i32 to vector<16xi32>
        %add3A_528 = arith.addi %add3A_527, %iota3A : vector<16xi32>
        %mul3A_529 = arith.constant 16 : i32
        %mul3A_530 = arith.muli %scan3A_524, %mul3A_529 : i32
        %get3A = arith.index_cast %mul3A_530 : i32 to index
        %get3A_531 = tpu.vector_load %arg7[%get3A] {strides = array<i32>} : memref<256xi32, #tpu.memory_space<vmem>>, vector<16xi32>,
        %and3A_532 = arith.constant 4095 : i32
        %and3A_533 = vector.broadcast %and3A_532 : i32 to vector<16xi32>
        %and3A_534 = arith.andi %get3A_531, %and3A_533 : vector<16xi32>
        %ge3A = arith.constant 2048 : i32
        %ge3A_535 = vector.broadcast %ge3A : i32 to vector<16xi32>
        %ge3A_536 = arith.cmpi sge, %and3A_534, %ge3A_535 : vector<16xi32>
        %jit3A_537 = arith.constant 64 : i32
        %jit3A_538 = arith.constant 0 : i32
        %broadcast_in_dim3A = vector.broadcast %jit3A_537 : i32 to vector<16xi32>
        %broadcast_in_dim3A_539 = vector.broadcast %jit3A_538 : i32 to vector<16xi32>
        %select_n3A_540 = arith.select %ge3A_536, %broadcast_in_dim3A, %broadcast_in_dim3A_539 : vector<16xi1>, vector<16xi32>
        %add3A_541 = arith.constant 0 : i32
        %add3A_542 = vector.broadcast %add3A_541 : i32 to vector<16xi32>
        %add3A_543 = arith.addi %select_n3A_540, %add3A_542 : vector<16xi32>
        %gather3A = tpu.vector_load_idx %arg11[%add3A_528, %add3A_543] : memref<256x128xf32, #tpu.memory_space<vmem>>[vector<16xi32>, vector<16xi32>], vector<16xf32>,
        %add3A_544 = arith.constant 1 : i32
        %add3A_545 = vector.broadcast %add3A_544 : i32 to vector<16xi32>
        %add3A_546 = arith.addi %select_n3A_540, %add3A_545 : vector<16xi32>
        %gather3A_547 = tpu.vector_load_idx %arg11[%add3A_528, %add3A_546] : memref<256x128xf32, #tpu.memory_space<vmem>>[vector<16xi32>, vector<16xi32>], vector<16xf32>,
        %add3A_548 = arith.constant 2 : i32
        %add3A_549 = vector.broadcast %add3A_548 : i32 to vector<16xi32>
        %add3A_550 = arith.addi %select_n3A_540, %add3A_549 : vector<16xi32>
        %gather3A_551 = tpu.vector_load_idx %arg11[%add3A_528, %add3A_550] : memref<256x128xf32, #tpu.memory_space<vmem>>[vector<16xi32>, vector<16xi32>], vector<16xf32>,
        %add3A_552 = arith.constant 3 : i32
        %add3A_553 = vector.broadcast %add3A_552 : i32 to vector<16xi32>
        %add3A_554 = arith.addi %select_n3A_540, %add3A_553 : vector<16xi32>
        %gather3A_555 = tpu.vector_load_idx %arg11[%add3A_528, %add3A_554] : memref<256x128xf32, #tpu.memory_space<vmem>>[vector<16xi32>, vector<16xi32>], vector<16xf32>,
        %mul3A_556 = arith.constant 16 : i32
        %mul3A_557 = arith.muli %scan3A_524, %mul3A_556 : i32
        %swap3A = arith.constant 0 : i32
        %swap3A_558 = arith.index_cast %swap3A : i32 to index
        %swap3A_559 = arith.index_cast %mul3A_557 : i32 to index
        %swap3A_560 = tpu.vector_load %arg13[%swap3A_558, %swap3A_559] {strides = array<i32>} : memref<64x256xf32, #tpu.memory_space<vmem>>, vector<16xf32>,
        tpu.vector_store %arg13[%swap3A_558, %swap3A_559], %gather3A {strides = array<i32>} : memref<64x256xf32, #tpu.memory_space<vmem>>, vector<16xf32>,
        %mul3A_561 = arith.constant 16 : i32
        %mul3A_562 = arith.muli %scan3A_524, %mul3A_561 : i32
        %swap3A_563 = arith.constant 1 : i32
        %swap3A_564 = arith.index_cast %swap3A_563 : i32 to index
        %swap3A_565 = arith.index_cast %mul3A_562 : i32 to index
        %swap3A_566 = tpu.vector_load %arg13[%swap3A_564, %swap3A_565] {strides = array<i32>} : memref<64x256xf32, #tpu.memory_space<vmem>>, vector<16xf32>,
        tpu.vector_store %arg13[%swap3A_564, %swap3A_565], %gather3A_547 {strides = array<i32>} : memref<64x256xf32, #tpu.memory_space<vmem>>, vector<16xf32>,
        %mul3A_567 = arith.constant 16 : i32
        %mul3A_568 = arith.muli %scan3A_524, %mul3A_567 : i32
        %swap3A_569 = arith.constant 2 : i32
        %swap3A_570 = arith.index_cast %swap3A_569 : i32 to index
        %swap3A_571 = arith.index_cast %mul3A_568 : i32 to index
        %swap3A_572 = tpu.vector_load %arg13[%swap3A_570, %swap3A_571] {strides = array<i32>} : memref<64x256xf32, #tpu.memory_space<vmem>>, vector<16xf32>,
        tpu.vector_store %arg13[%swap3A_570, %swap3A_571], %gather3A_551 {strides = array<i32>} : memref<64x256xf32, #tpu.memory_space<vmem>>, vector<16xf32>,
        %mul3A_573 = arith.constant 16 : i32
        %mul3A_574 = arith.muli %scan3A_524, %mul3A_573 : i32
        %swap3A_575 = arith.constant 3 : i32
        %swap3A_576 = arith.index_cast %swap3A_575 : i32 to index
        %swap3A_577 = arith.index_cast %mul3A_574 : i32 to index
        %swap3A_578 = tpu.vector_load %arg13[%swap3A_576, %swap3A_577] {strides = array<i32>} : memref<64x256xf32, #tpu.memory_space<vmem>>, vector<16xf32>,
        tpu.vector_store %arg13[%swap3A_576, %swap3A_577], %gather3A_555 {strides = array<i32>} : memref<64x256xf32, #tpu.memory_space<vmem>>, vector<16xf32>,
        %add3A_579 = arith.constant 4 : i32
        %add3A_580 = vector.broadcast %add3A_579 : i32 to vector<16xi32>
        %add3A_581 = arith.addi %select_n3A_540, %add3A_580 : vector<16xi32>
        %gather3A_582 = tpu.vector_load_idx %arg11[%add3A_528, %add3A_581] : memref<256x128xf32, #tpu.memory_space<vmem>>[vector<16xi32>, vector<16xi32>], vector<16xf32>,
        %add3A_583 = arith.constant 5 : i32
        %add3A_584 = vector.broadcast %add3A_583 : i32 to vector<16xi32>
        %add3A_585 = arith.addi %select_n3A_540, %add3A_584 : vector<16xi32>
        %gather3A_586 = tpu.vector_load_idx %arg11[%add3A_528, %add3A_585] : memref<256x128xf32, #tpu.memory_space<vmem>>[vector<16xi32>, vector<16xi32>], vector<16xf32>,
        %add3A_587 = arith.constant 6 : i32
        %add3A_588 = vector.broadcast %add3A_587 : i32 to vector<16xi32>
        %add3A_589 = arith.addi %select_n3A_540, %add3A_588 : vector<16xi32>
        %gather3A_590 = tpu.vector_load_idx %arg11[%add3A_528, %add3A_589] : memref<256x128xf32, #tpu.memory_space<vmem>>[vector<16xi32>, vector<16xi32>], vector<16xf32>,
        %add3A_591 = arith.constant 7 : i32
        %add3A_592 = vector.broadcast %add3A_591 : i32 to vector<16xi32>
        %add3A_593 = arith.addi %select_n3A_540, %add3A_592 : vector<16xi32>
        %gather3A_594 = tpu.vector_load_idx %arg11[%add3A_528, %add3A_593] : memref<256x128xf32, #tpu.memory_space<vmem>>[vector<16xi32>, vector<16xi32>], vector<16xf32>,
        %mul3A_595 = arith.constant 16 : i32
        %mul3A_596 = arith.muli %scan3A_524, %mul3A_595 : i32
        %swap3A_597 = arith.constant 4 : i32
        %swap3A_598 = arith.index_cast %swap3A_597 : i32 to index
        %swap3A_599 = arith.index_cast %mul3A_596 : i32 to index
        %swap3A_600 = tpu.vector_load %arg13[%swap3A_598, %swap3A_599] {strides = array<i32>} : memref<64x256xf32, #tpu.memory_space<vmem>>, vector<16xf32>,
        tpu.vector_store %arg13[%swap3A_598, %swap3A_599], %gather3A_582 {strides = array<i32>} : memref<64x256xf32, #tpu.memory_space<vmem>>, vector<16xf32>,
        %mul3A_601 = arith.constant 16 : i32
        %mul3A_602 = arith.muli %scan3A_524, %mul3A_601 : i32
        %swap3A_603 = arith.constant 5 : i32
        %swap3A_604 = arith.index_cast %swap3A_603 : i32 to index
        %swap3A_605 = arith.index_cast %mul3A_602 : i32 to index
        %swap3A_606 = tpu.vector_load %arg13[%swap3A_604, %swap3A_605] {strides = array<i32>} : memref<64x256xf32, #tpu.memory_space<vmem>>, vector<16xf32>,
        tpu.vector_store %arg13[%swap3A_604, %swap3A_605], %gather3A_586 {strides = array<i32>} : memref<64x256xf32, #tpu.memory_space<vmem>>, vector<16xf32>,
        %mul3A_607 = arith.constant 16 : i32
        %mul3A_608 = arith.muli %scan3A_524, %mul3A_607 : i32
        %swap3A_609 = arith.constant 6 : i32
        %swap3A_610 = arith.index_cast %swap3A_609 : i32 to index
        %swap3A_611 = arith.index_cast %mul3A_608 : i32 to index
        %swap3A_612 = tpu.vector_load %arg13[%swap3A_610, %swap3A_611] {strides = array<i32>} : memref<64x256xf32, #tpu.memory_space<vmem>>, vector<16xf32>,
        tpu.vector_store %arg13[%swap3A_610, %swap3A_611], %gather3A_590 {strides = array<i32>} : memref<64x256xf32, #tpu.memory_space<vmem>>, vector<16xf32>,
        %mul3A_613 = arith.constant 16 : i32
        %mul3A_614 = arith.muli %scan3A_524, %mul3A_613 : i32
        %swap3A_615 = arith.constant 7 : i32
        %swap3A_616 = arith.index_cast %swap3A_615 : i32 to index
        %swap3A_617 = arith.index_cast %mul3A_614 : i32 to index
        %swap3A_618 = tpu.vector_load %arg13[%swap3A_616, %swap3A_617] {strides = array<i32>} : memref<64x256xf32, #tpu.memory_space<vmem>>, vector<16xf32>,
        tpu.vector_store %arg13[%swap3A_616, %swap3A_617], %gather3A_594 {strides = array<i32>} : memref<64x256xf32, #tpu.memory_space<vmem>>, vector<16xf32>,
        %add3A_619 = arith.constant 8 : i32
        %add3A_620 = vector.broadcast %add3A_619 : i32 to vector<16xi32>
        %add3A_621 = arith.addi %select_n3A_540, %add3A_620 : vector<16xi32>
        %gather3A_622 = tpu.vector_load_idx %arg11[%add3A_528, %add3A_621] : memref<256x128xf32, #tpu.memory_space<vmem>>[vector<16xi32>, vector<16xi32>], vector<16xf32>,
        %add3A_623 = arith.constant 9 : i32
        %add3A_624 = vector.broadcast %add3A_623 : i32 to vector<16xi32>
        %add3A_625 = arith.addi %select_n3A_540, %add3A_624 : vector<16xi32>
        %gather3A_626 = tpu.vector_load_idx %arg11[%add3A_528, %add3A_625] : memref<256x128xf32, #tpu.memory_space<vmem>>[vector<16xi32>, vector<16xi32>], vector<16xf32>,
        %add3A_627 = arith.constant 10 : i32
        %add3A_628 = vector.broadcast %add3A_627 : i32 to vector<16xi32>
        %add3A_629 = arith.addi %select_n3A_540, %add3A_628 : vector<16xi32>
        %gather3A_630 = tpu.vector_load_idx %arg11[%add3A_528, %add3A_629] : memref<256x128xf32, #tpu.memory_space<vmem>>[vector<16xi32>, vector<16xi32>], vector<16xf32>,
        %add3A_631 = arith.constant 11 : i32
        %add3A_632 = vector.broadcast %add3A_631 : i32 to vector<16xi32>
        %add3A_633 = arith.addi %select_n3A_540, %add3A_632 : vector<16xi32>
        %gather3A_634 = tpu.vector_load_idx %arg11[%add3A_528, %add3A_633] : memref<256x128xf32, #tpu.memory_space<vmem>>[vector<16xi32>, vector<16xi32>], vector<16xf32>,
        %mul3A_635 = arith.constant 16 : i32
        %mul3A_636 = arith.muli %scan3A_524, %mul3A_635 : i32
        %swap3A_637 = arith.constant 8 : i32
        %swap3A_638 = arith.index_cast %swap3A_637 : i32 to index
        %swap3A_639 = arith.index_cast %mul3A_636 : i32 to index
        %swap3A_640 = tpu.vector_load %arg13[%swap3A_638, %swap3A_639] {strides = array<i32>} : memref<64x256xf32, #tpu.memory_space<vmem>>, vector<16xf32>,
        tpu.vector_store %arg13[%swap3A_638, %swap3A_639], %gather3A_622 {strides = array<i32>} : memref<64x256xf32, #tpu.memory_space<vmem>>, vector<16xf32>,
        %mul3A_641 = arith.constant 16 : i32
        %mul3A_642 = arith.muli %scan3A_524, %mul3A_641 : i32
        %swap3A_643 = arith.constant 9 : i32
        %swap3A_644 = arith.index_cast %swap3A_643 : i32 to index
        %swap3A_645 = arith.index_cast %mul3A_642 : i32 to index
        %swap3A_646 = tpu.vector_load %arg13[%swap3A_644, %swap3A_645] {strides = array<i32>} : memref<64x256xf32, #tpu.memory_space<vmem>>, vector<16xf32>,
        tpu.vector_store %arg13[%swap3A_644, %swap3A_645], %gather3A_626 {strides = array<i32>} : memref<64x256xf32, #tpu.memory_space<vmem>>, vector<16xf32>,
        %mul3A_647 = arith.constant 16 : i32
        %mul3A_648 = arith.muli %scan3A_524, %mul3A_647 : i32
        %swap3A_649 = arith.constant 10 : i32
        %swap3A_650 = arith.index_cast %swap3A_649 : i32 to index
        %swap3A_651 = arith.index_cast %mul3A_648 : i32 to index
        %swap3A_652 = tpu.vector_load %arg13[%swap3A_650, %swap3A_651] {strides = array<i32>} : memref<64x256xf32, #tpu.memory_space<vmem>>, vector<16xf32>,
        tpu.vector_store %arg13[%swap3A_650, %swap3A_651], %gather3A_630 {strides = array<i32>} : memref<64x256xf32, #tpu.memory_space<vmem>>, vector<16xf32>,
        %mul3A_653 = arith.constant 16 : i32
        %mul3A_654 = arith.muli %scan3A_524, %mul3A_653 : i32
        %swap3A_655 = arith.constant 11 : i32
        %swap3A_656 = arith.index_cast %swap3A_655 : i32 to index
        %swap3A_657 = arith.index_cast %mul3A_654 : i32 to index
        %swap3A_658 = tpu.vector_load %arg13[%swap3A_656, %swap3A_657] {strides = array<i32>} : memref<64x256xf32, #tpu.memory_space<vmem>>, vector<16xf32>,
        tpu.vector_store %arg13[%swap3A_656, %swap3A_657], %gather3A_634 {strides = array<i32>} : memref<64x256xf32, #tpu.memory_space<vmem>>, vector<16xf32>,
        %add3A_659 = arith.constant 12 : i32
        %add3A_660 = vector.broadcast %add3A_659 : i32 to vector<16xi32>
        %add3A_661 = arith.addi %select_n3A_540, %add3A_660 : vector<16xi32>
        %gather3A_662 = tpu.vector_load_idx %arg11[%add3A_528, %add3A_661] : memref<256x128xf32, #tpu.memory_space<vmem>>[vector<16xi32>, vector<16xi32>], vector<16xf32>,
        %add3A_663 = arith.constant 13 : i32
        %add3A_664 = vector.broadcast %add3A_663 : i32 to vector<16xi32>
        %add3A_665 = arith.addi %select_n3A_540, %add3A_664 : vector<16xi32>
        %gather3A_666 = tpu.vector_load_idx %arg11[%add3A_528, %add3A_665] : memref<256x128xf32, #tpu.memory_space<vmem>>[vector<16xi32>, vector<16xi32>], vector<16xf32>,
        %add3A_667 = arith.constant 14 : i32
        %add3A_668 = vector.broadcast %add3A_667 : i32 to vector<16xi32>
        %add3A_669 = arith.addi %select_n3A_540, %add3A_668 : vector<16xi32>
        %gather3A_670 = tpu.vector_load_idx %arg11[%add3A_528, %add3A_669] : memref<256x128xf32, #tpu.memory_space<vmem>>[vector<16xi32>, vector<16xi32>], vector<16xf32>,
        %add3A_671 = arith.constant 15 : i32
        %add3A_672 = vector.broadcast %add3A_671 : i32 to vector<16xi32>
        %add3A_673 = arith.addi %select_n3A_540, %add3A_672 : vector<16xi32>
        %gather3A_674 = tpu.vector_load_idx %arg11[%add3A_528, %add3A_673] : memref<256x128xf32, #tpu.memory_space<vmem>>[vector<16xi32>, vector<16xi32>], vector<16xf32>,
        %mul3A_675 = arith.constant 16 : i32
        %mul3A_676 = arith.muli %scan3A_524, %mul3A_675 : i32
        %swap3A_677 = arith.constant 12 : i32
        %swap3A_678 = arith.index_cast %swap3A_677 : i32 to index
        %swap3A_679 = arith.index_cast %mul3A_676 : i32 to index
        %swap3A_680 = tpu.vector_load %arg13[%swap3A_678, %swap3A_679] {strides = array<i32>} : memref<64x256xf32, #tpu.memory_space<vmem>>, vector<16xf32>,
        tpu.vector_store %arg13[%swap3A_678, %swap3A_679], %gather3A_662 {strides = array<i32>} : memref<64x256xf32, #tpu.memory_space<vmem>>, vector<16xf32>,
        %mul3A_681 = arith.constant 16 : i32
        %mul3A_682 = arith.muli %scan3A_524, %mul3A_681 : i32
        %swap3A_683 = arith.constant 13 : i32
        %swap3A_684 = arith.index_cast %swap3A_683 : i32 to index
        %swap3A_685 = arith.index_cast %mul3A_682 : i32 to index
        %swap3A_686 = tpu.vector_load %arg13[%swap3A_684, %swap3A_685] {strides = array<i32>} : memref<64x256xf32, #tpu.memory_space<vmem>>, vector<16xf32>,
        tpu.vector_store %arg13[%swap3A_684, %swap3A_685], %gather3A_666 {strides = array<i32>} : memref<64x256xf32, #tpu.memory_space<vmem>>, vector<16xf32>,
        %mul3A_687 = arith.constant 16 : i32
        %mul3A_688 = arith.muli %scan3A_524, %mul3A_687 : i32
        %swap3A_689 = arith.constant 14 : i32
        %swap3A_690 = arith.index_cast %swap3A_689 : i32 to index
        %swap3A_691 = arith.index_cast %mul3A_688 : i32 to index
        %swap3A_692 = tpu.vector_load %arg13[%swap3A_690, %swap3A_691] {strides = array<i32>} : memref<64x256xf32, #tpu.memory_space<vmem>>, vector<16xf32>,
        tpu.vector_store %arg13[%swap3A_690, %swap3A_691], %gather3A_670 {strides = array<i32>} : memref<64x256xf32, #tpu.memory_space<vmem>>, vector<16xf32>,
        %mul3A_693 = arith.constant 16 : i32
        %mul3A_694 = arith.muli %scan3A_524, %mul3A_693 : i32
        %swap3A_695 = arith.constant 15 : i32
        %swap3A_696 = arith.index_cast %swap3A_695 : i32 to index
        %swap3A_697 = arith.index_cast %mul3A_694 : i32 to index
        %swap3A_698 = tpu.vector_load %arg13[%swap3A_696, %swap3A_697] {strides = array<i32>} : memref<64x256xf32, #tpu.memory_space<vmem>>, vector<16xf32>,
        tpu.vector_store %arg13[%swap3A_696, %swap3A_697], %gather3A_674 {strides = array<i32>} : memref<64x256xf32, #tpu.memory_space<vmem>>, vector<16xf32>,
        %add3A_699 = arith.constant 16 : i32
        %add3A_700 = vector.broadcast %add3A_699 : i32 to vector<16xi32>
        %add3A_701 = arith.addi %select_n3A_540, %add3A_700 : vector<16xi32>
        %gather3A_702 = tpu.vector_load_idx %arg11[%add3A_528, %add3A_701] : memref<256x128xf32, #tpu.memory_space<vmem>>[vector<16xi32>, vector<16xi32>], vector<16xf32>,
        %add3A_703 = arith.constant 17 : i32
        %add3A_704 = vector.broadcast %add3A_703 : i32 to vector<16xi32>
        %add3A_705 = arith.addi %select_n3A_540, %add3A_704 : vector<16xi32>
        %gather3A_706 = tpu.vector_load_idx %arg11[%add3A_528, %add3A_705] : memref<256x128xf32, #tpu.memory_space<vmem>>[vector<16xi32>, vector<16xi32>], vector<16xf32>,
        %add3A_707 = arith.constant 18 : i32
        %add3A_708 = vector.broadcast %add3A_707 : i32 to vector<16xi32>
        %add3A_709 = arith.addi %select_n3A_540, %add3A_708 : vector<16xi32>
        %gather3A_710 = tpu.vector_load_idx %arg11[%add3A_528, %add3A_709] : memref<256x128xf32, #tpu.memory_space<vmem>>[vector<16xi32>, vector<16xi32>], vector<16xf32>,
        %add3A_711 = arith.constant 19 : i32
        %add3A_712 = vector.broadcast %add3A_711 : i32 to vector<16xi32>
        %add3A_713 = arith.addi %select_n3A_540, %add3A_712 : vector<16xi32>
        %gather3A_714 = tpu.vector_load_idx %arg11[%add3A_528, %add3A_713] : memref<256x128xf32, #tpu.memory_space<vmem>>[vector<16xi32>, vector<16xi32>], vector<16xf32>,
        %mul3A_715 = arith.constant 16 : i32
        %mul3A_716 = arith.muli %scan3A_524, %mul3A_715 : i32
        %swap3A_717 = arith.constant 16 : i32
        %swap3A_718 = arith.index_cast %swap3A_717 : i32 to index
        %swap3A_719 = arith.index_cast %mul3A_716 : i32 to index
        %swap3A_720 = tpu.vector_load %arg13[%swap3A_718, %swap3A_719] {strides = array<i32>} : memref<64x256xf32, #tpu.memory_space<vmem>>, vector<16xf32>,
        tpu.vector_store %arg13[%swap3A_718, %swap3A_719], %gather3A_702 {strides = array<i32>} : memref<64x256xf32, #tpu.memory_space<vmem>>, vector<16xf32>,
        %mul3A_721 = arith.constant 16 : i32
        %mul3A_722 = arith.muli %scan3A_524, %mul3A_721 : i32
        %swap3A_723 = arith.constant 17 : i32
        %swap3A_724 = arith.index_cast %swap3A_723 : i32 to index
        %swap3A_725 = arith.index_cast %mul3A_722 : i32 to index
        %swap3A_726 = tpu.vector_load %arg13[%swap3A_724, %swap3A_725] {strides = array<i32>} : memref<64x256xf32, #tpu.memory_space<vmem>>, vector<16xf32>,
        tpu.vector_store %arg13[%swap3A_724, %swap3A_725], %gather3A_706 {strides = array<i32>} : memref<64x256xf32, #tpu.memory_space<vmem>>, vector<16xf32>,
        %mul3A_727 = arith.constant 16 : i32
        %mul3A_728 = arith.muli %scan3A_524, %mul3A_727 : i32
        %swap3A_729 = arith.constant 18 : i32
        %swap3A_730 = arith.index_cast %swap3A_729 : i32 to index
        %swap3A_731 = arith.index_cast %mul3A_728 : i32 to index
        %swap3A_732 = tpu.vector_load %arg13[%swap3A_730, %swap3A_731] {strides = array<i32>} : memref<64x256xf32, #tpu.memory_space<vmem>>, vector<16xf32>,
        tpu.vector_store %arg13[%swap3A_730, %swap3A_731], %gather3A_710 {strides = array<i32>} : memref<64x256xf32, #tpu.memory_space<vmem>>, vector<16xf32>,
        %mul3A_733 = arith.constant 16 : i32
        %mul3A_734 = arith.muli %scan3A_524, %mul3A_733 : i32
        %swap3A_735 = arith.constant 19 : i32
        %swap3A_736 = arith.index_cast %swap3A_735 : i32 to index
        %swap3A_737 = arith.index_cast %mul3A_734 : i32 to index
        %swap3A_738 = tpu.vector_load %arg13[%swap3A_736, %swap3A_737] {strides = array<i32>} : memref<64x256xf32, #tpu.memory_space<vmem>>, vector<16xf32>,
        tpu.vector_store %arg13[%swap3A_736, %swap3A_737], %gather3A_714 {strides = array<i32>} : memref<64x256xf32, #tpu.memory_space<vmem>>, vector<16xf32>,
        %add3A_739 = arith.constant 20 : i32
        %add3A_740 = vector.broadcast %add3A_739 : i32 to vector<16xi32>
        %add3A_741 = arith.addi %select_n3A_540, %add3A_740 : vector<16xi32>
        %gather3A_742 = tpu.vector_load_idx %arg11[%add3A_528, %add3A_741] : memref<256x128xf32, #tpu.memory_space<vmem>>[vector<16xi32>, vector<16xi32>], vector<16xf32>,
        %add3A_743 = arith.constant 21 : i32
        %add3A_744 = vector.broadcast %add3A_743 : i32 to vector<16xi32>
        %add3A_745 = arith.addi %select_n3A_540, %add3A_744 : vector<16xi32>
        %gather3A_746 = tpu.vector_load_idx %arg11[%add3A_528, %add3A_745] : memref<256x128xf32, #tpu.memory_space<vmem>>[vector<16xi32>, vector<16xi32>], vector<16xf32>,
        %add3A_747 = arith.constant 22 : i32
        %add3A_748 = vector.broadcast %add3A_747 : i32 to vector<16xi32>
        %add3A_749 = arith.addi %select_n3A_540, %add3A_748 : vector<16xi32>
        %gather3A_750 = tpu.vector_load_idx %arg11[%add3A_528, %add3A_749] : memref<256x128xf32, #tpu.memory_space<vmem>>[vector<16xi32>, vector<16xi32>], vector<16xf32>,
        %add3A_751 = arith.constant 23 : i32
        %add3A_752 = vector.broadcast %add3A_751 : i32 to vector<16xi32>
        %add3A_753 = arith.addi %select_n3A_540, %add3A_752 : vector<16xi32>
        %gather3A_754 = tpu.vector_load_idx %arg11[%add3A_528, %add3A_753] : memref<256x128xf32, #tpu.memory_space<vmem>>[vector<16xi32>, vector<16xi32>], vector<16xf32>,
        %mul3A_755 = arith.constant 16 : i32
        %mul3A_756 = arith.muli %scan3A_524, %mul3A_755 : i32
        %swap3A_757 = arith.constant 20 : i32
        %swap3A_758 = arith.index_cast %swap3A_757 : i32 to index
        %swap3A_759 = arith.index_cast %mul3A_756 : i32 to index
        %swap3A_760 = tpu.vector_load %arg13[%swap3A_758, %swap3A_759] {strides = array<i32>} : memref<64x256xf32, #tpu.memory_space<vmem>>, vector<16xf32>,
        tpu.vector_store %arg13[%swap3A_758, %swap3A_759], %gather3A_742 {strides = array<i32>} : memref<64x256xf32, #tpu.memory_space<vmem>>, vector<16xf32>,
        %mul3A_761 = arith.constant 16 : i32
        %mul3A_762 = arith.muli %scan3A_524, %mul3A_761 : i32
        %swap3A_763 = arith.constant 21 : i32
        %swap3A_764 = arith.index_cast %swap3A_763 : i32 to index
        %swap3A_765 = arith.index_cast %mul3A_762 : i32 to index
        %swap3A_766 = tpu.vector_load %arg13[%swap3A_764, %swap3A_765] {strides = array<i32>} : memref<64x256xf32, #tpu.memory_space<vmem>>, vector<16xf32>,
        tpu.vector_store %arg13[%swap3A_764, %swap3A_765], %gather3A_746 {strides = array<i32>} : memref<64x256xf32, #tpu.memory_space<vmem>>, vector<16xf32>,
        %mul3A_767 = arith.constant 16 : i32
        %mul3A_768 = arith.muli %scan3A_524, %mul3A_767 : i32
        %swap3A_769 = arith.constant 22 : i32
        %swap3A_770 = arith.index_cast %swap3A_769 : i32 to index
        %swap3A_771 = arith.index_cast %mul3A_768 : i32 to index
        %swap3A_772 = tpu.vector_load %arg13[%swap3A_770, %swap3A_771] {strides = array<i32>} : memref<64x256xf32, #tpu.memory_space<vmem>>, vector<16xf32>,
        tpu.vector_store %arg13[%swap3A_770, %swap3A_771], %gather3A_750 {strides = array<i32>} : memref<64x256xf32, #tpu.memory_space<vmem>>, vector<16xf32>,
        %mul3A_773 = arith.constant 16 : i32
        %mul3A_774 = arith.muli %scan3A_524, %mul3A_773 : i32
        %swap3A_775 = arith.constant 23 : i32
        %swap3A_776 = arith.index_cast %swap3A_775 : i32 to index
        %swap3A_777 = arith.index_cast %mul3A_774 : i32 to index
        %swap3A_778 = tpu.vector_load %arg13[%swap3A_776, %swap3A_777] {strides = array<i32>} : memref<64x256xf32, #tpu.memory_space<vmem>>, vector<16xf32>,
        tpu.vector_store %arg13[%swap3A_776, %swap3A_777], %gather3A_754 {strides = array<i32>} : memref<64x256xf32, #tpu.memory_space<vmem>>, vector<16xf32>,
        %add3A_779 = arith.constant 24 : i32
        %add3A_780 = vector.broadcast %add3A_779 : i32 to vector<16xi32>
        %add3A_781 = arith.addi %select_n3A_540, %add3A_780 : vector<16xi32>
        %gather3A_782 = tpu.vector_load_idx %arg11[%add3A_528, %add3A_781] : memref<256x128xf32, #tpu.memory_space<vmem>>[vector<16xi32>, vector<16xi32>], vector<16xf32>,
        %add3A_783 = arith.constant 25 : i32
        %add3A_784 = vector.broadcast %add3A_783 : i32 to vector<16xi32>
        %add3A_785 = arith.addi %select_n3A_540, %add3A_784 : vector<16xi32>
        %gather3A_786 = tpu.vector_load_idx %arg11[%add3A_528, %add3A_785] : memref<256x128xf32, #tpu.memory_space<vmem>>[vector<16xi32>, vector<16xi32>], vector<16xf32>,
        %add3A_787 = arith.constant 26 : i32
        %add3A_788 = vector.broadcast %add3A_787 : i32 to vector<16xi32>
        %add3A_789 = arith.addi %select_n3A_540, %add3A_788 : vector<16xi32>
        %gather3A_790 = tpu.vector_load_idx %arg11[%add3A_528, %add3A_789] : memref<256x128xf32, #tpu.memory_space<vmem>>[vector<16xi32>, vector<16xi32>], vector<16xf32>,
        %add3A_791 = arith.constant 27 : i32
        %add3A_792 = vector.broadcast %add3A_791 : i32 to vector<16xi32>
        %add3A_793 = arith.addi %select_n3A_540, %add3A_792 : vector<16xi32>
        %gather3A_794 = tpu.vector_load_idx %arg11[%add3A_528, %add3A_793] : memref<256x128xf32, #tpu.memory_space<vmem>>[vector<16xi32>, vector<16xi32>], vector<16xf32>,
        %mul3A_795 = arith.constant 16 : i32
        %mul3A_796 = arith.muli %scan3A_524, %mul3A_795 : i32
        %swap3A_797 = arith.constant 24 : i32
        %swap3A_798 = arith.index_cast %swap3A_797 : i32 to index
        %swap3A_799 = arith.index_cast %mul3A_796 : i32 to index
        %swap3A_800 = tpu.vector_load %arg13[%swap3A_798, %swap3A_799] {strides = array<i32>} : memref<64x256xf32, #tpu.memory_space<vmem>>, vector<16xf32>,
        tpu.vector_store %arg13[%swap3A_798, %swap3A_799], %gather3A_782 {strides = array<i32>} : memref<64x256xf32, #tpu.memory_space<vmem>>, vector<16xf32>,
        %mul3A_801 = arith.constant 16 : i32
        %mul3A_802 = arith.muli %scan3A_524, %mul3A_801 : i32
        %swap3A_803 = arith.constant 25 : i32
        %swap3A_804 = arith.index_cast %swap3A_803 : i32 to index
        %swap3A_805 = arith.index_cast %mul3A_802 : i32 to index
        %swap3A_806 = tpu.vector_load %arg13[%swap3A_804, %swap3A_805] {strides = array<i32>} : memref<64x256xf32, #tpu.memory_space<vmem>>, vector<16xf32>,
        tpu.vector_store %arg13[%swap3A_804, %swap3A_805], %gather3A_786 {strides = array<i32>} : memref<64x256xf32, #tpu.memory_space<vmem>>, vector<16xf32>,
        %mul3A_807 = arith.constant 16 : i32
        %mul3A_808 = arith.muli %scan3A_524, %mul3A_807 : i32
        %swap3A_809 = arith.constant 26 : i32
        %swap3A_810 = arith.index_cast %swap3A_809 : i32 to index
        %swap3A_811 = arith.index_cast %mul3A_808 : i32 to index
        %swap3A_812 = tpu.vector_load %arg13[%swap3A_810, %swap3A_811] {strides = array<i32>} : memref<64x256xf32, #tpu.memory_space<vmem>>, vector<16xf32>,
        tpu.vector_store %arg13[%swap3A_810, %swap3A_811], %gather3A_790 {strides = array<i32>} : memref<64x256xf32, #tpu.memory_space<vmem>>, vector<16xf32>,
        %mul3A_813 = arith.constant 16 : i32
        %mul3A_814 = arith.muli %scan3A_524, %mul3A_813 : i32
        %swap3A_815 = arith.constant 27 : i32
        %swap3A_816 = arith.index_cast %swap3A_815 : i32 to index
        %swap3A_817 = arith.index_cast %mul3A_814 : i32 to index
        %swap3A_818 = tpu.vector_load %arg13[%swap3A_816, %swap3A_817] {strides = array<i32>} : memref<64x256xf32, #tpu.memory_space<vmem>>, vector<16xf32>,
        tpu.vector_store %arg13[%swap3A_816, %swap3A_817], %gather3A_794 {strides = array<i32>} : memref<64x256xf32, #tpu.memory_space<vmem>>, vector<16xf32>,
        %add3A_819 = arith.constant 28 : i32
        %add3A_820 = vector.broadcast %add3A_819 : i32 to vector<16xi32>
        %add3A_821 = arith.addi %select_n3A_540, %add3A_820 : vector<16xi32>
        %gather3A_822 = tpu.vector_load_idx %arg11[%add3A_528, %add3A_821] : memref<256x128xf32, #tpu.memory_space<vmem>>[vector<16xi32>, vector<16xi32>], vector<16xf32>,
        %add3A_823 = arith.constant 29 : i32
        %add3A_824 = vector.broadcast %add3A_823 : i32 to vector<16xi32>
        %add3A_825 = arith.addi %select_n3A_540, %add3A_824 : vector<16xi32>
        %gather3A_826 = tpu.vector_load_idx %arg11[%add3A_528, %add3A_825] : memref<256x128xf32, #tpu.memory_space<vmem>>[vector<16xi32>, vector<16xi32>], vector<16xf32>,
        %add3A_827 = arith.constant 30 : i32
        %add3A_828 = vector.broadcast %add3A_827 : i32 to vector<16xi32>
        %add3A_829 = arith.addi %select_n3A_540, %add3A_828 : vector<16xi32>
        %gather3A_830 = tpu.vector_load_idx %arg11[%add3A_528, %add3A_829] : memref<256x128xf32, #tpu.memory_space<vmem>>[vector<16xi32>, vector<16xi32>], vector<16xf32>,
        %add3A_831 = arith.constant 31 : i32
        %add3A_832 = vector.broadcast %add3A_831 : i32 to vector<16xi32>
        %add3A_833 = arith.addi %select_n3A_540, %add3A_832 : vector<16xi32>
        %gather3A_834 = tpu.vector_load_idx %arg11[%add3A_528, %add3A_833] : memref<256x128xf32, #tpu.memory_space<vmem>>[vector<16xi32>, vector<16xi32>], vector<16xf32>,
        %mul3A_835 = arith.constant 16 : i32
        %mul3A_836 = arith.muli %scan3A_524, %mul3A_835 : i32
        %swap3A_837 = arith.constant 28 : i32
        %swap3A_838 = arith.index_cast %swap3A_837 : i32 to index
        %swap3A_839 = arith.index_cast %mul3A_836 : i32 to index
        %swap3A_840 = tpu.vector_load %arg13[%swap3A_838, %swap3A_839] {strides = array<i32>} : memref<64x256xf32, #tpu.memory_space<vmem>>, vector<16xf32>,
        tpu.vector_store %arg13[%swap3A_838, %swap3A_839], %gather3A_822 {strides = array<i32>} : memref<64x256xf32, #tpu.memory_space<vmem>>, vector<16xf32>,
        %mul3A_841 = arith.constant 16 : i32
        %mul3A_842 = arith.muli %scan3A_524, %mul3A_841 : i32
        %swap3A_843 = arith.constant 29 : i32
        %swap3A_844 = arith.index_cast %swap3A_843 : i32 to index
        %swap3A_845 = arith.index_cast %mul3A_842 : i32 to index
        %swap3A_846 = tpu.vector_load %arg13[%swap3A_844, %swap3A_845] {strides = array<i32>} : memref<64x256xf32, #tpu.memory_space<vmem>>, vector<16xf32>,
        tpu.vector_store %arg13[%swap3A_844, %swap3A_845], %gather3A_826 {strides = array<i32>} : memref<64x256xf32, #tpu.memory_space<vmem>>, vector<16xf32>,
        %mul3A_847 = arith.constant 16 : i32
        %mul3A_848 = arith.muli %scan3A_524, %mul3A_847 : i32
        %swap3A_849 = arith.constant 30 : i32
        %swap3A_850 = arith.index_cast %swap3A_849 : i32 to index
        %swap3A_851 = arith.index_cast %mul3A_848 : i32 to index
        %swap3A_852 = tpu.vector_load %arg13[%swap3A_850, %swap3A_851] {strides = array<i32>} : memref<64x256xf32, #tpu.memory_space<vmem>>, vector<16xf32>,
        tpu.vector_store %arg13[%swap3A_850, %swap3A_851], %gather3A_830 {strides = array<i32>} : memref<64x256xf32, #tpu.memory_space<vmem>>, vector<16xf32>,
        %mul3A_853 = arith.constant 16 : i32
        %mul3A_854 = arith.muli %scan3A_524, %mul3A_853 : i32
        %swap3A_855 = arith.constant 31 : i32
        %swap3A_856 = arith.index_cast %swap3A_855 : i32 to index
        %swap3A_857 = arith.index_cast %mul3A_854 : i32 to index
        %swap3A_858 = tpu.vector_load %arg13[%swap3A_856, %swap3A_857] {strides = array<i32>} : memref<64x256xf32, #tpu.memory_space<vmem>>, vector<16xf32>,
        tpu.vector_store %arg13[%swap3A_856, %swap3A_857], %gather3A_834 {strides = array<i32>} : memref<64x256xf32, #tpu.memory_space<vmem>>, vector<16xf32>,
        %add3A_859 = arith.constant 32 : i32
        %add3A_860 = vector.broadcast %add3A_859 : i32 to vector<16xi32>
        %add3A_861 = arith.addi %select_n3A_540, %add3A_860 : vector<16xi32>
        %gather3A_862 = tpu.vector_load_idx %arg11[%add3A_528, %add3A_861] : memref<256x128xf32, #tpu.memory_space<vmem>>[vector<16xi32>, vector<16xi32>], vector<16xf32>,
        %add3A_863 = arith.constant 33 : i32
        %add3A_864 = vector.broadcast %add3A_863 : i32 to vector<16xi32>
        %add3A_865 = arith.addi %select_n3A_540, %add3A_864 : vector<16xi32>
        %gather3A_866 = tpu.vector_load_idx %arg11[%add3A_528, %add3A_865] : memref<256x128xf32, #tpu.memory_space<vmem>>[vector<16xi32>, vector<16xi32>], vector<16xf32>,
        %add3A_867 = arith.constant 34 : i32
        %add3A_868 = vector.broadcast %add3A_867 : i32 to vector<16xi32>
        %add3A_869 = arith.addi %select_n3A_540, %add3A_868 : vector<16xi32>
        %gather3A_870 = tpu.vector_load_idx %arg11[%add3A_528, %add3A_869] : memref<256x128xf32, #tpu.memory_space<vmem>>[vector<16xi32>, vector<16xi32>], vector<16xf32>,
        %add3A_871 = arith.constant 35 : i32
        %add3A_872 = vector.broadcast %add3A_871 : i32 to vector<16xi32>
        %add3A_873 = arith.addi %select_n3A_540, %add3A_872 : vector<16xi32>
        %gather3A_874 = tpu.vector_load_idx %arg11[%add3A_528, %add3A_873] : memref<256x128xf32, #tpu.memory_space<vmem>>[vector<16xi32>, vector<16xi32>], vector<16xf32>,
        %mul3A_875 = arith.constant 16 : i32
        %mul3A_876 = arith.muli %scan3A_524, %mul3A_875 : i32
        %swap3A_877 = arith.constant 32 : i32
        %swap3A_878 = arith.index_cast %swap3A_877 : i32 to index
        %swap3A_879 = arith.index_cast %mul3A_876 : i32 to index
        %swap3A_880 = tpu.vector_load %arg13[%swap3A_878, %swap3A_879] {strides = array<i32>} : memref<64x256xf32, #tpu.memory_space<vmem>>, vector<16xf32>,
        tpu.vector_store %arg13[%swap3A_878, %swap3A_879], %gather3A_862 {strides = array<i32>} : memref<64x256xf32, #tpu.memory_space<vmem>>, vector<16xf32>,
        %mul3A_881 = arith.constant 16 : i32
        %mul3A_882 = arith.muli %scan3A_524, %mul3A_881 : i32
        %swap3A_883 = arith.constant 33 : i32
        %swap3A_884 = arith.index_cast %swap3A_883 : i32 to index
        %swap3A_885 = arith.index_cast %mul3A_882 : i32 to index
        %swap3A_886 = tpu.vector_load %arg13[%swap3A_884, %swap3A_885] {strides = array<i32>} : memref<64x256xf32, #tpu.memory_space<vmem>>, vector<16xf32>,
        tpu.vector_store %arg13[%swap3A_884, %swap3A_885], %gather3A_866 {strides = array<i32>} : memref<64x256xf32, #tpu.memory_space<vmem>>, vector<16xf32>,
        %mul3A_887 = arith.constant 16 : i32
        %mul3A_888 = arith.muli %scan3A_524, %mul3A_887 : i32
        %swap3A_889 = arith.constant 34 : i32
        %swap3A_890 = arith.index_cast %swap3A_889 : i32 to index
        %swap3A_891 = arith.index_cast %mul3A_888 : i32 to index
        %swap3A_892 = tpu.vector_load %arg13[%swap3A_890, %swap3A_891] {strides = array<i32>} : memref<64x256xf32, #tpu.memory_space<vmem>>, vector<16xf32>,
        tpu.vector_store %arg13[%swap3A_890, %swap3A_891], %gather3A_870 {strides = array<i32>} : memref<64x256xf32, #tpu.memory_space<vmem>>, vector<16xf32>,
        %mul3A_893 = arith.constant 16 : i32
        %mul3A_894 = arith.muli %scan3A_524, %mul3A_893 : i32
        %swap3A_895 = arith.constant 35 : i32
        %swap3A_896 = arith.index_cast %swap3A_895 : i32 to index
        %swap3A_897 = arith.index_cast %mul3A_894 : i32 to index
        %swap3A_898 = tpu.vector_load %arg13[%swap3A_896, %swap3A_897] {strides = array<i32>} : memref<64x256xf32, #tpu.memory_space<vmem>>, vector<16xf32>,
        tpu.vector_store %arg13[%swap3A_896, %swap3A_897], %gather3A_874 {strides = array<i32>} : memref<64x256xf32, #tpu.memory_space<vmem>>, vector<16xf32>,
        %add3A_899 = arith.constant 36 : i32
        %add3A_900 = vector.broadcast %add3A_899 : i32 to vector<16xi32>
        %add3A_901 = arith.addi %select_n3A_540, %add3A_900 : vector<16xi32>
        %gather3A_902 = tpu.vector_load_idx %arg11[%add3A_528, %add3A_901] : memref<256x128xf32, #tpu.memory_space<vmem>>[vector<16xi32>, vector<16xi32>], vector<16xf32>,
        %add3A_903 = arith.constant 37 : i32
        %add3A_904 = vector.broadcast %add3A_903 : i32 to vector<16xi32>
        %add3A_905 = arith.addi %select_n3A_540, %add3A_904 : vector<16xi32>
        %gather3A_906 = tpu.vector_load_idx %arg11[%add3A_528, %add3A_905] : memref<256x128xf32, #tpu.memory_space<vmem>>[vector<16xi32>, vector<16xi32>], vector<16xf32>,
        %add3A_907 = arith.constant 38 : i32
        %add3A_908 = vector.broadcast %add3A_907 : i32 to vector<16xi32>
        %add3A_909 = arith.addi %select_n3A_540, %add3A_908 : vector<16xi32>
        %gather3A_910 = tpu.vector_load_idx %arg11[%add3A_528, %add3A_909] : memref<256x128xf32, #tpu.memory_space<vmem>>[vector<16xi32>, vector<16xi32>], vector<16xf32>,
        %add3A_911 = arith.constant 39 : i32
        %add3A_912 = vector.broadcast %add3A_911 : i32 to vector<16xi32>
        %add3A_913 = arith.addi %select_n3A_540, %add3A_912 : vector<16xi32>
        %gather3A_914 = tpu.vector_load_idx %arg11[%add3A_528, %add3A_913] : memref<256x128xf32, #tpu.memory_space<vmem>>[vector<16xi32>, vector<16xi32>], vector<16xf32>,
        %mul3A_915 = arith.constant 16 : i32
        %mul3A_916 = arith.muli %scan3A_524, %mul3A_915 : i32
        %swap3A_917 = arith.constant 36 : i32
        %swap3A_918 = arith.index_cast %swap3A_917 : i32 to index
        %swap3A_919 = arith.index_cast %mul3A_916 : i32 to index
        %swap3A_920 = tpu.vector_load %arg13[%swap3A_918, %swap3A_919] {strides = array<i32>} : memref<64x256xf32, #tpu.memory_space<vmem>>, vector<16xf32>,
        tpu.vector_store %arg13[%swap3A_918, %swap3A_919], %gather3A_902 {strides = array<i32>} : memref<64x256xf32, #tpu.memory_space<vmem>>, vector<16xf32>,
        %mul3A_921 = arith.constant 16 : i32
        %mul3A_922 = arith.muli %scan3A_524, %mul3A_921 : i32
        %swap3A_923 = arith.constant 37 : i32
        %swap3A_924 = arith.index_cast %swap3A_923 : i32 to index
        %swap3A_925 = arith.index_cast %mul3A_922 : i32 to index
        %swap3A_926 = tpu.vector_load %arg13[%swap3A_924, %swap3A_925] {strides = array<i32>} : memref<64x256xf32, #tpu.memory_space<vmem>>, vector<16xf32>,
        tpu.vector_store %arg13[%swap3A_924, %swap3A_925], %gather3A_906 {strides = array<i32>} : memref<64x256xf32, #tpu.memory_space<vmem>>, vector<16xf32>,
        %mul3A_927 = arith.constant 16 : i32
        %mul3A_928 = arith.muli %scan3A_524, %mul3A_927 : i32
        %swap3A_929 = arith.constant 38 : i32
        %swap3A_930 = arith.index_cast %swap3A_929 : i32 to index
        %swap3A_931 = arith.index_cast %mul3A_928 : i32 to index
        %swap3A_932 = tpu.vector_load %arg13[%swap3A_930, %swap3A_931] {strides = array<i32>} : memref<64x256xf32, #tpu.memory_space<vmem>>, vector<16xf32>,
        tpu.vector_store %arg13[%swap3A_930, %swap3A_931], %gather3A_910 {strides = array<i32>} : memref<64x256xf32, #tpu.memory_space<vmem>>, vector<16xf32>,
        %mul3A_933 = arith.constant 16 : i32
        %mul3A_934 = arith.muli %scan3A_524, %mul3A_933 : i32
        %swap3A_935 = arith.constant 39 : i32
        %swap3A_936 = arith.index_cast %swap3A_935 : i32 to index
        %swap3A_937 = arith.index_cast %mul3A_934 : i32 to index
        %swap3A_938 = tpu.vector_load %arg13[%swap3A_936, %swap3A_937] {strides = array<i32>} : memref<64x256xf32, #tpu.memory_space<vmem>>, vector<16xf32>,
        tpu.vector_store %arg13[%swap3A_936, %swap3A_937], %gather3A_914 {strides = array<i32>} : memref<64x256xf32, #tpu.memory_space<vmem>>, vector<16xf32>,
        %add3A_939 = arith.constant 40 : i32
        %add3A_940 = vector.broadcast %add3A_939 : i32 to vector<16xi32>
        %add3A_941 = arith.addi %select_n3A_540, %add3A_940 : vector<16xi32>
        %gather3A_942 = tpu.vector_load_idx %arg11[%add3A_528, %add3A_941] : memref<256x128xf32, #tpu.memory_space<vmem>>[vector<16xi32>, vector<16xi32>], vector<16xf32>,
        %add3A_943 = arith.constant 41 : i32
        %add3A_944 = vector.broadcast %add3A_943 : i32 to vector<16xi32>
        %add3A_945 = arith.addi %select_n3A_540, %add3A_944 : vector<16xi32>
        %gather3A_946 = tpu.vector_load_idx %arg11[%add3A_528, %add3A_945] : memref<256x128xf32, #tpu.memory_space<vmem>>[vector<16xi32>, vector<16xi32>], vector<16xf32>,
        %add3A_947 = arith.constant 42 : i32
        %add3A_948 = vector.broadcast %add3A_947 : i32 to vector<16xi32>
        %add3A_949 = arith.addi %select_n3A_540, %add3A_948 : vector<16xi32>
        %gather3A_950 = tpu.vector_load_idx %arg11[%add3A_528, %add3A_949] : memref<256x128xf32, #tpu.memory_space<vmem>>[vector<16xi32>, vector<16xi32>], vector<16xf32>,
        %add3A_951 = arith.constant 43 : i32
        %add3A_952 = vector.broadcast %add3A_951 : i32 to vector<16xi32>
        %add3A_953 = arith.addi %select_n3A_540, %add3A_952 : vector<16xi32>
        %gather3A_954 = tpu.vector_load_idx %arg11[%add3A_528, %add3A_953] : memref<256x128xf32, #tpu.memory_space<vmem>>[vector<16xi32>, vector<16xi32>], vector<16xf32>,
        %mul3A_955 = arith.constant 16 : i32
        %mul3A_956 = arith.muli %scan3A_524, %mul3A_955 : i32
        %swap3A_957 = arith.constant 40 : i32
        %swap3A_958 = arith.index_cast %swap3A_957 : i32 to index
        %swap3A_959 = arith.index_cast %mul3A_956 : i32 to index
        %swap3A_960 = tpu.vector_load %arg13[%swap3A_958, %swap3A_959] {strides = array<i32>} : memref<64x256xf32, #tpu.memory_space<vmem>>, vector<16xf32>,
        tpu.vector_store %arg13[%swap3A_958, %swap3A_959], %gather3A_942 {strides = array<i32>} : memref<64x256xf32, #tpu.memory_space<vmem>>, vector<16xf32>,
        %mul3A_961 = arith.constant 16 : i32
        %mul3A_962 = arith.muli %scan3A_524, %mul3A_961 : i32
        %swap3A_963 = arith.constant 41 : i32
        %swap3A_964 = arith.index_cast %swap3A_963 : i32 to index
        %swap3A_965 = arith.index_cast %mul3A_962 : i32 to index
        %swap3A_966 = tpu.vector_load %arg13[%swap3A_964, %swap3A_965] {strides = array<i32>} : memref<64x256xf32, #tpu.memory_space<vmem>>, vector<16xf32>,
        tpu.vector_store %arg13[%swap3A_964, %swap3A_965], %gather3A_946 {strides = array<i32>} : memref<64x256xf32, #tpu.memory_space<vmem>>, vector<16xf32>,
        %mul3A_967 = arith.constant 16 : i32
        %mul3A_968 = arith.muli %scan3A_524, %mul3A_967 : i32
        %swap3A_969 = arith.constant 42 : i32
        %swap3A_970 = arith.index_cast %swap3A_969 : i32 to index
        %swap3A_971 = arith.index_cast %mul3A_968 : i32 to index
        %swap3A_972 = tpu.vector_load %arg13[%swap3A_970, %swap3A_971] {strides = array<i32>} : memref<64x256xf32, #tpu.memory_space<vmem>>, vector<16xf32>,
        tpu.vector_store %arg13[%swap3A_970, %swap3A_971], %gather3A_950 {strides = array<i32>} : memref<64x256xf32, #tpu.memory_space<vmem>>, vector<16xf32>,
        %mul3A_973 = arith.constant 16 : i32
        %mul3A_974 = arith.muli %scan3A_524, %mul3A_973 : i32
        %swap3A_975 = arith.constant 43 : i32
        %swap3A_976 = arith.index_cast %swap3A_975 : i32 to index
        %swap3A_977 = arith.index_cast %mul3A_974 : i32 to index
        %swap3A_978 = tpu.vector_load %arg13[%swap3A_976, %swap3A_977] {strides = array<i32>} : memref<64x256xf32, #tpu.memory_space<vmem>>, vector<16xf32>,
        tpu.vector_store %arg13[%swap3A_976, %swap3A_977], %gather3A_954 {strides = array<i32>} : memref<64x256xf32, #tpu.memory_space<vmem>>, vector<16xf32>,
        %add3A_979 = arith.constant 44 : i32
        %add3A_980 = vector.broadcast %add3A_979 : i32 to vector<16xi32>
        %add3A_981 = arith.addi %select_n3A_540, %add3A_980 : vector<16xi32>
        %gather3A_982 = tpu.vector_load_idx %arg11[%add3A_528, %add3A_981] : memref<256x128xf32, #tpu.memory_space<vmem>>[vector<16xi32>, vector<16xi32>], vector<16xf32>,
        %add3A_983 = arith.constant 45 : i32
        %add3A_984 = vector.broadcast %add3A_983 : i32 to vector<16xi32>
        %add3A_985 = arith.addi %select_n3A_540, %add3A_984 : vector<16xi32>
        %gather3A_986 = tpu.vector_load_idx %arg11[%add3A_528, %add3A_985] : memref<256x128xf32, #tpu.memory_space<vmem>>[vector<16xi32>, vector<16xi32>], vector<16xf32>,
        %add3A_987 = arith.constant 46 : i32
        %add3A_988 = vector.broadcast %add3A_987 : i32 to vector<16xi32>
        %add3A_989 = arith.addi %select_n3A_540, %add3A_988 : vector<16xi32>
        %gather3A_990 = tpu.vector_load_idx %arg11[%add3A_528, %add3A_989] : memref<256x128xf32, #tpu.memory_space<vmem>>[vector<16xi32>, vector<16xi32>], vector<16xf32>,
        %add3A_991 = arith.constant 47 : i32
        %add3A_992 = vector.broadcast %add3A_991 : i32 to vector<16xi32>
        %add3A_993 = arith.addi %select_n3A_540, %add3A_992 : vector<16xi32>
        %gather3A_994 = tpu.vector_load_idx %arg11[%add3A_528, %add3A_993] : memref<256x128xf32, #tpu.memory_space<vmem>>[vector<16xi32>, vector<16xi32>], vector<16xf32>,
        %mul3A_995 = arith.constant 16 : i32
        %mul3A_996 = arith.muli %scan3A_524, %mul3A_995 : i32
        %swap3A_997 = arith.constant 44 : i32
        %swap3A_998 = arith.index_cast %swap3A_997 : i32 to index
        %swap3A_999 = arith.index_cast %mul3A_996 : i32 to index
        %swap3A_1000 = tpu.vector_load %arg13[%swap3A_998, %swap3A_999] {strides = array<i32>} : memref<64x256xf32, #tpu.memory_space<vmem>>, vector<16xf32>,
        tpu.vector_store %arg13[%swap3A_998, %swap3A_999], %gather3A_982 {strides = array<i32>} : memref<64x256xf32, #tpu.memory_space<vmem>>, vector<16xf32>,
        %mul3A_1001 = arith.constant 16 : i32
        %mul3A_1002 = arith.muli %scan3A_524, %mul3A_1001 : i32
        %swap3A_1003 = arith.constant 45 : i32
        %swap3A_1004 = arith.index_cast %swap3A_1003 : i32 to index
        %swap3A_1005 = arith.index_cast %mul3A_1002 : i32 to index
        %swap3A_1006 = tpu.vector_load %arg13[%swap3A_1004, %swap3A_1005] {strides = array<i32>} : memref<64x256xf32, #tpu.memory_space<vmem>>, vector<16xf32>,
        tpu.vector_store %arg13[%swap3A_1004, %swap3A_1005], %gather3A_986 {strides = array<i32>} : memref<64x256xf32, #tpu.memory_space<vmem>>, vector<16xf32>,
        %mul3A_1007 = arith.constant 16 : i32
        %mul3A_1008 = arith.muli %scan3A_524, %mul3A_1007 : i32
        %swap3A_1009 = arith.constant 46 : i32
        %swap3A_1010 = arith.index_cast %swap3A_1009 : i32 to index
        %swap3A_1011 = arith.index_cast %mul3A_1008 : i32 to index
        %swap3A_1012 = tpu.vector_load %arg13[%swap3A_1010, %swap3A_1011] {strides = array<i32>} : memref<64x256xf32, #tpu.memory_space<vmem>>, vector<16xf32>,
        tpu.vector_store %arg13[%swap3A_1010, %swap3A_1011], %gather3A_990 {strides = array<i32>} : memref<64x256xf32, #tpu.memory_space<vmem>>, vector<16xf32>,
        %mul3A_1013 = arith.constant 16 : i32
        %mul3A_1014 = arith.muli %scan3A_524, %mul3A_1013 : i32
        %swap3A_1015 = arith.constant 47 : i32
        %swap3A_1016 = arith.index_cast %swap3A_1015 : i32 to index
        %swap3A_1017 = arith.index_cast %mul3A_1014 : i32 to index
        %swap3A_1018 = tpu.vector_load %arg13[%swap3A_1016, %swap3A_1017] {strides = array<i32>} : memref<64x256xf32, #tpu.memory_space<vmem>>, vector<16xf32>,
        tpu.vector_store %arg13[%swap3A_1016, %swap3A_1017], %gather3A_994 {strides = array<i32>} : memref<64x256xf32, #tpu.memory_space<vmem>>, vector<16xf32>,
        %add3A_1019 = arith.constant 48 : i32
        %add3A_1020 = vector.broadcast %add3A_1019 : i32 to vector<16xi32>
        %add3A_1021 = arith.addi %select_n3A_540, %add3A_1020 : vector<16xi32>
        %gather3A_1022 = tpu.vector_load_idx %arg11[%add3A_528, %add3A_1021] : memref<256x128xf32, #tpu.memory_space<vmem>>[vector<16xi32>, vector<16xi32>], vector<16xf32>,
        %add3A_1023 = arith.constant 49 : i32
        %add3A_1024 = vector.broadcast %add3A_1023 : i32 to vector<16xi32>
        %add3A_1025 = arith.addi %select_n3A_540, %add3A_1024 : vector<16xi32>
        %gather3A_1026 = tpu.vector_load_idx %arg11[%add3A_528, %add3A_1025] : memref<256x128xf32, #tpu.memory_space<vmem>>[vector<16xi32>, vector<16xi32>], vector<16xf32>,
        %add3A_1027 = arith.constant 50 : i32
        %add3A_1028 = vector.broadcast %add3A_1027 : i32 to vector<16xi32>
        %add3A_1029 = arith.addi %select_n3A_540, %add3A_1028 : vector<16xi32>
        %gather3A_1030 = tpu.vector_load_idx %arg11[%add3A_528, %add3A_1029] : memref<256x128xf32, #tpu.memory_space<vmem>>[vector<16xi32>, vector<16xi32>], vector<16xf32>,
        %add3A_1031 = arith.constant 51 : i32
        %add3A_1032 = vector.broadcast %add3A_1031 : i32 to vector<16xi32>
        %add3A_1033 = arith.addi %select_n3A_540, %add3A_1032 : vector<16xi32>
        %gather3A_1034 = tpu.vector_load_idx %arg11[%add3A_528, %add3A_1033] : memref<256x128xf32, #tpu.memory_space<vmem>>[vector<16xi32>, vector<16xi32>], vector<16xf32>,
        %mul3A_1035 = arith.constant 16 : i32
        %mul3A_1036 = arith.muli %scan3A_524, %mul3A_1035 : i32
        %swap3A_1037 = arith.constant 48 : i32
        %swap3A_1038 = arith.index_cast %swap3A_1037 : i32 to index
        %swap3A_1039 = arith.index_cast %mul3A_1036 : i32 to index
        %swap3A_1040 = tpu.vector_load %arg13[%swap3A_1038, %swap3A_1039] {strides = array<i32>} : memref<64x256xf32, #tpu.memory_space<vmem>>, vector<16xf32>,
        tpu.vector_store %arg13[%swap3A_1038, %swap3A_1039], %gather3A_1022 {strides = array<i32>} : memref<64x256xf32, #tpu.memory_space<vmem>>, vector<16xf32>,
        %mul3A_1041 = arith.constant 16 : i32
        %mul3A_1042 = arith.muli %scan3A_524, %mul3A_1041 : i32
        %swap3A_1043 = arith.constant 49 : i32
        %swap3A_1044 = arith.index_cast %swap3A_1043 : i32 to index
        %swap3A_1045 = arith.index_cast %mul3A_1042 : i32 to index
        %swap3A_1046 = tpu.vector_load %arg13[%swap3A_1044, %swap3A_1045] {strides = array<i32>} : memref<64x256xf32, #tpu.memory_space<vmem>>, vector<16xf32>,
        tpu.vector_store %arg13[%swap3A_1044, %swap3A_1045], %gather3A_1026 {strides = array<i32>} : memref<64x256xf32, #tpu.memory_space<vmem>>, vector<16xf32>,
        %mul3A_1047 = arith.constant 16 : i32
        %mul3A_1048 = arith.muli %scan3A_524, %mul3A_1047 : i32
        %swap3A_1049 = arith.constant 50 : i32
        %swap3A_1050 = arith.index_cast %swap3A_1049 : i32 to index
        %swap3A_1051 = arith.index_cast %mul3A_1048 : i32 to index
        %swap3A_1052 = tpu.vector_load %arg13[%swap3A_1050, %swap3A_1051] {strides = array<i32>} : memref<64x256xf32, #tpu.memory_space<vmem>>, vector<16xf32>,
        tpu.vector_store %arg13[%swap3A_1050, %swap3A_1051], %gather3A_1030 {strides = array<i32>} : memref<64x256xf32, #tpu.memory_space<vmem>>, vector<16xf32>,
        %mul3A_1053 = arith.constant 16 : i32
        %mul3A_1054 = arith.muli %scan3A_524, %mul3A_1053 : i32
        %swap3A_1055 = arith.constant 51 : i32
        %swap3A_1056 = arith.index_cast %swap3A_1055 : i32 to index
        %swap3A_1057 = arith.index_cast %mul3A_1054 : i32 to index
        %swap3A_1058 = tpu.vector_load %arg13[%swap3A_1056, %swap3A_1057] {strides = array<i32>} : memref<64x256xf32, #tpu.memory_space<vmem>>, vector<16xf32>,
        tpu.vector_store %arg13[%swap3A_1056, %swap3A_1057], %gather3A_1034 {strides = array<i32>} : memref<64x256xf32, #tpu.memory_space<vmem>>, vector<16xf32>,
        %add3A_1059 = arith.constant 52 : i32
        %add3A_1060 = vector.broadcast %add3A_1059 : i32 to vector<16xi32>
        %add3A_1061 = arith.addi %select_n3A_540, %add3A_1060 : vector<16xi32>
        %gather3A_1062 = tpu.vector_load_idx %arg11[%add3A_528, %add3A_1061] : memref<256x128xf32, #tpu.memory_space<vmem>>[vector<16xi32>, vector<16xi32>], vector<16xf32>,
        %add3A_1063 = arith.constant 53 : i32
        %add3A_1064 = vector.broadcast %add3A_1063 : i32 to vector<16xi32>
        %add3A_1065 = arith.addi %select_n3A_540, %add3A_1064 : vector<16xi32>
        %gather3A_1066 = tpu.vector_load_idx %arg11[%add3A_528, %add3A_1065] : memref<256x128xf32, #tpu.memory_space<vmem>>[vector<16xi32>, vector<16xi32>], vector<16xf32>,
        %add3A_1067 = arith.constant 54 : i32
        %add3A_1068 = vector.broadcast %add3A_1067 : i32 to vector<16xi32>
        %add3A_1069 = arith.addi %select_n3A_540, %add3A_1068 : vector<16xi32>
        %gather3A_1070 = tpu.vector_load_idx %arg11[%add3A_528, %add3A_1069] : memref<256x128xf32, #tpu.memory_space<vmem>>[vector<16xi32>, vector<16xi32>], vector<16xf32>,
        %add3A_1071 = arith.constant 55 : i32
        %add3A_1072 = vector.broadcast %add3A_1071 : i32 to vector<16xi32>
        %add3A_1073 = arith.addi %select_n3A_540, %add3A_1072 : vector<16xi32>
        %gather3A_1074 = tpu.vector_load_idx %arg11[%add3A_528, %add3A_1073] : memref<256x128xf32, #tpu.memory_space<vmem>>[vector<16xi32>, vector<16xi32>], vector<16xf32>,
        %mul3A_1075 = arith.constant 16 : i32
        %mul3A_1076 = arith.muli %scan3A_524, %mul3A_1075 : i32
        %swap3A_1077 = arith.constant 52 : i32
        %swap3A_1078 = arith.index_cast %swap3A_1077 : i32 to index
        %swap3A_1079 = arith.index_cast %mul3A_1076 : i32 to index
        %swap3A_1080 = tpu.vector_load %arg13[%swap3A_1078, %swap3A_1079] {strides = array<i32>} : memref<64x256xf32, #tpu.memory_space<vmem>>, vector<16xf32>,
        tpu.vector_store %arg13[%swap3A_1078, %swap3A_1079], %gather3A_1062 {strides = array<i32>} : memref<64x256xf32, #tpu.memory_space<vmem>>, vector<16xf32>,
        %mul3A_1081 = arith.constant 16 : i32
        %mul3A_1082 = arith.muli %scan3A_524, %mul3A_1081 : i32
        %swap3A_1083 = arith.constant 53 : i32
        %swap3A_1084 = arith.index_cast %swap3A_1083 : i32 to index
        %swap3A_1085 = arith.index_cast %mul3A_1082 : i32 to index
        %swap3A_1086 = tpu.vector_load %arg13[%swap3A_1084, %swap3A_1085] {strides = array<i32>} : memref<64x256xf32, #tpu.memory_space<vmem>>, vector<16xf32>,
        tpu.vector_store %arg13[%swap3A_1084, %swap3A_1085], %gather3A_1066 {strides = array<i32>} : memref<64x256xf32, #tpu.memory_space<vmem>>, vector<16xf32>,
        %mul3A_1087 = arith.constant 16 : i32
        %mul3A_1088 = arith.muli %scan3A_524, %mul3A_1087 : i32
        %swap3A_1089 = arith.constant 54 : i32
        %swap3A_1090 = arith.index_cast %swap3A_1089 : i32 to index
        %swap3A_1091 = arith.index_cast %mul3A_1088 : i32 to index
        %swap3A_1092 = tpu.vector_load %arg13[%swap3A_1090, %swap3A_1091] {strides = array<i32>} : memref<64x256xf32, #tpu.memory_space<vmem>>, vector<16xf32>,
        tpu.vector_store %arg13[%swap3A_1090, %swap3A_1091], %gather3A_1070 {strides = array<i32>} : memref<64x256xf32, #tpu.memory_space<vmem>>, vector<16xf32>,
        %mul3A_1093 = arith.constant 16 : i32
        %mul3A_1094 = arith.muli %scan3A_524, %mul3A_1093 : i32
        %swap3A_1095 = arith.constant 55 : i32
        %swap3A_1096 = arith.index_cast %swap3A_1095 : i32 to index
        %swap3A_1097 = arith.index_cast %mul3A_1094 : i32 to index
        %swap3A_1098 = tpu.vector_load %arg13[%swap3A_1096, %swap3A_1097] {strides = array<i32>} : memref<64x256xf32, #tpu.memory_space<vmem>>, vector<16xf32>,
        tpu.vector_store %arg13[%swap3A_1096, %swap3A_1097], %gather3A_1074 {strides = array<i32>} : memref<64x256xf32, #tpu.memory_space<vmem>>, vector<16xf32>,
        %add3A_1099 = arith.constant 56 : i32
        %add3A_1100 = vector.broadcast %add3A_1099 : i32 to vector<16xi32>
        %add3A_1101 = arith.addi %select_n3A_540, %add3A_1100 : vector<16xi32>
        %gather3A_1102 = tpu.vector_load_idx %arg11[%add3A_528, %add3A_1101] : memref<256x128xf32, #tpu.memory_space<vmem>>[vector<16xi32>, vector<16xi32>], vector<16xf32>,
        %add3A_1103 = arith.constant 57 : i32
        %add3A_1104 = vector.broadcast %add3A_1103 : i32 to vector<16xi32>
        %add3A_1105 = arith.addi %select_n3A_540, %add3A_1104 : vector<16xi32>
        %gather3A_1106 = tpu.vector_load_idx %arg11[%add3A_528, %add3A_1105] : memref<256x128xf32, #tpu.memory_space<vmem>>[vector<16xi32>, vector<16xi32>], vector<16xf32>,
        %add3A_1107 = arith.constant 58 : i32
        %add3A_1108 = vector.broadcast %add3A_1107 : i32 to vector<16xi32>
        %add3A_1109 = arith.addi %select_n3A_540, %add3A_1108 : vector<16xi32>
        %gather3A_1110 = tpu.vector_load_idx %arg11[%add3A_528, %add3A_1109] : memref<256x128xf32, #tpu.memory_space<vmem>>[vector<16xi32>, vector<16xi32>], vector<16xf32>,
        %add3A_1111 = arith.constant 59 : i32
        %add3A_1112 = vector.broadcast %add3A_1111 : i32 to vector<16xi32>
        %add3A_1113 = arith.addi %select_n3A_540, %add3A_1112 : vector<16xi32>
        %gather3A_1114 = tpu.vector_load_idx %arg11[%add3A_528, %add3A_1113] : memref<256x128xf32, #tpu.memory_space<vmem>>[vector<16xi32>, vector<16xi32>], vector<16xf32>,
        %mul3A_1115 = arith.constant 16 : i32
        %mul3A_1116 = arith.muli %scan3A_524, %mul3A_1115 : i32
        %swap3A_1117 = arith.constant 56 : i32
        %swap3A_1118 = arith.index_cast %swap3A_1117 : i32 to index
        %swap3A_1119 = arith.index_cast %mul3A_1116 : i32 to index
        %swap3A_1120 = tpu.vector_load %arg13[%swap3A_1118, %swap3A_1119] {strides = array<i32>} : memref<64x256xf32, #tpu.memory_space<vmem>>, vector<16xf32>,
        tpu.vector_store %arg13[%swap3A_1118, %swap3A_1119], %gather3A_1102 {strides = array<i32>} : memref<64x256xf32, #tpu.memory_space<vmem>>, vector<16xf32>,
        %mul3A_1121 = arith.constant 16 : i32
        %mul3A_1122 = arith.muli %scan3A_524, %mul3A_1121 : i32
        %swap3A_1123 = arith.constant 57 : i32
        %swap3A_1124 = arith.index_cast %swap3A_1123 : i32 to index
        %swap3A_1125 = arith.index_cast %mul3A_1122 : i32 to index
        %swap3A_1126 = tpu.vector_load %arg13[%swap3A_1124, %swap3A_1125] {strides = array<i32>} : memref<64x256xf32, #tpu.memory_space<vmem>>, vector<16xf32>,
        tpu.vector_store %arg13[%swap3A_1124, %swap3A_1125], %gather3A_1106 {strides = array<i32>} : memref<64x256xf32, #tpu.memory_space<vmem>>, vector<16xf32>,
        %mul3A_1127 = arith.constant 16 : i32
        %mul3A_1128 = arith.muli %scan3A_524, %mul3A_1127 : i32
        %swap3A_1129 = arith.constant 58 : i32
        %swap3A_1130 = arith.index_cast %swap3A_1129 : i32 to index
        %swap3A_1131 = arith.index_cast %mul3A_1128 : i32 to index
        %swap3A_1132 = tpu.vector_load %arg13[%swap3A_1130, %swap3A_1131] {strides = array<i32>} : memref<64x256xf32, #tpu.memory_space<vmem>>, vector<16xf32>,
        tpu.vector_store %arg13[%swap3A_1130, %swap3A_1131], %gather3A_1110 {strides = array<i32>} : memref<64x256xf32, #tpu.memory_space<vmem>>, vector<16xf32>,
        %mul3A_1133 = arith.constant 16 : i32
        %mul3A_1134 = arith.muli %scan3A_524, %mul3A_1133 : i32
        %swap3A_1135 = arith.constant 59 : i32
        %swap3A_1136 = arith.index_cast %swap3A_1135 : i32 to index
        %swap3A_1137 = arith.index_cast %mul3A_1134 : i32 to index
        %swap3A_1138 = tpu.vector_load %arg13[%swap3A_1136, %swap3A_1137] {strides = array<i32>} : memref<64x256xf32, #tpu.memory_space<vmem>>, vector<16xf32>,
        tpu.vector_store %arg13[%swap3A_1136, %swap3A_1137], %gather3A_1114 {strides = array<i32>} : memref<64x256xf32, #tpu.memory_space<vmem>>, vector<16xf32>,
        %add3A_1139 = arith.constant 60 : i32
        %add3A_1140 = vector.broadcast %add3A_1139 : i32 to vector<16xi32>
        %add3A_1141 = arith.addi %select_n3A_540, %add3A_1140 : vector<16xi32>
        %gather3A_1142 = tpu.vector_load_idx %arg11[%add3A_528, %add3A_1141] : memref<256x128xf32, #tpu.memory_space<vmem>>[vector<16xi32>, vector<16xi32>], vector<16xf32>,
        %add3A_1143 = arith.constant 61 : i32
        %add3A_1144 = vector.broadcast %add3A_1143 : i32 to vector<16xi32>
        %add3A_1145 = arith.addi %select_n3A_540, %add3A_1144 : vector<16xi32>
        %gather3A_1146 = tpu.vector_load_idx %arg11[%add3A_528, %add3A_1145] : memref<256x128xf32, #tpu.memory_space<vmem>>[vector<16xi32>, vector<16xi32>], vector<16xf32>,
        %add3A_1147 = arith.constant 62 : i32
        %add3A_1148 = vector.broadcast %add3A_1147 : i32 to vector<16xi32>
        %add3A_1149 = arith.addi %select_n3A_540, %add3A_1148 : vector<16xi32>
        %gather3A_1150 = tpu.vector_load_idx %arg11[%add3A_528, %add3A_1149] : memref<256x128xf32, #tpu.memory_space<vmem>>[vector<16xi32>, vector<16xi32>], vector<16xf32>,
        %add3A_1151 = arith.constant 63 : i32
        %add3A_1152 = vector.broadcast %add3A_1151 : i32 to vector<16xi32>
        %add3A_1153 = arith.addi %select_n3A_540, %add3A_1152 : vector<16xi32>
        %gather3A_1154 = tpu.vector_load_idx %arg11[%add3A_528, %add3A_1153] : memref<256x128xf32, #tpu.memory_space<vmem>>[vector<16xi32>, vector<16xi32>], vector<16xf32>,
        %mul3A_1155 = arith.constant 16 : i32
        %mul3A_1156 = arith.muli %scan3A_524, %mul3A_1155 : i32
        %swap3A_1157 = arith.constant 60 : i32
        %swap3A_1158 = arith.index_cast %swap3A_1157 : i32 to index
        %swap3A_1159 = arith.index_cast %mul3A_1156 : i32 to index
        %swap3A_1160 = tpu.vector_load %arg13[%swap3A_1158, %swap3A_1159] {strides = array<i32>} : memref<64x256xf32, #tpu.memory_space<vmem>>, vector<16xf32>,
        tpu.vector_store %arg13[%swap3A_1158, %swap3A_1159], %gather3A_1142 {strides = array<i32>} : memref<64x256xf32, #tpu.memory_space<vmem>>, vector<16xf32>,
        %mul3A_1161 = arith.constant 16 : i32
        %mul3A_1162 = arith.muli %scan3A_524, %mul3A_1161 : i32
        %swap3A_1163 = arith.constant 61 : i32
        %swap3A_1164 = arith.index_cast %swap3A_1163 : i32 to index
        %swap3A_1165 = arith.index_cast %mul3A_1162 : i32 to index
        %swap3A_1166 = tpu.vector_load %arg13[%swap3A_1164, %swap3A_1165] {strides = array<i32>} : memref<64x256xf32, #tpu.memory_space<vmem>>, vector<16xf32>,
        tpu.vector_store %arg13[%swap3A_1164, %swap3A_1165], %gather3A_1146 {strides = array<i32>} : memref<64x256xf32, #tpu.memory_space<vmem>>, vector<16xf32>,
        %mul3A_1167 = arith.constant 16 : i32
        %mul3A_1168 = arith.muli %scan3A_524, %mul3A_1167 : i32
        %swap3A_1169 = arith.constant 62 : i32
        %swap3A_1170 = arith.index_cast %swap3A_1169 : i32 to index
        %swap3A_1171 = arith.index_cast %mul3A_1168 : i32 to index
        %swap3A_1172 = tpu.vector_load %arg13[%swap3A_1170, %swap3A_1171] {strides = array<i32>} : memref<64x256xf32, #tpu.memory_space<vmem>>, vector<16xf32>,
        tpu.vector_store %arg13[%swap3A_1170, %swap3A_1171], %gather3A_1150 {strides = array<i32>} : memref<64x256xf32, #tpu.memory_space<vmem>>, vector<16xf32>,
        %mul3A_1173 = arith.constant 16 : i32
        %mul3A_1174 = arith.muli %scan3A_524, %mul3A_1173 : i32
        %swap3A_1175 = arith.constant 63 : i32
        %swap3A_1176 = arith.index_cast %swap3A_1175 : i32 to index
        %swap3A_1177 = arith.index_cast %mul3A_1174 : i32 to index
        %swap3A_1178 = tpu.vector_load %arg13[%swap3A_1176, %swap3A_1177] {strides = array<i32>} : memref<64x256xf32, #tpu.memory_space<vmem>>, vector<16xf32>,
        tpu.vector_store %arg13[%swap3A_1176, %swap3A_1177], %gather3A_1154 {strides = array<i32>} : memref<64x256xf32, #tpu.memory_space<vmem>>, vector<16xf32>,
      }
      %scan3A_405 = arith.constant 16 : i32
      %add3A_406 = arith.addi %mul3A_2, %add3A_389 : i32
      %jit3A_407 = arith.constant 16 : i32
      %div3A_408 = arith.divsi %add3A_406, %jit3A_407 : i32
      %sign3A_409 = arith.constant 0 : i32
      %sign3A_410 = arith.cmpi sgt, %add3A_406, %sign3A_409 : i32
      %sign3A_411 = arith.extui %sign3A_410 : i1 to i32
      %sign3A_412 = arith.constant 0 : i32
      %sign3A_413 = arith.cmpi slt, %add3A_406, %sign3A_412 : i32
      %sign3A_414 = arith.extui %sign3A_413 : i1 to i32
      %sign3A_415 = arith.subi %sign3A_411, %sign3A_414 : i32
      %sign3A_416 = arith.constant 0 : i32
      %sign3A_417 = arith.cmpi sgt, %jit3A_407, %sign3A_416 : i32
      %sign3A_418 = arith.extui %sign3A_417 : i1 to i32
      %sign3A_419 = arith.constant 0 : i32
      %sign3A_420 = arith.cmpi slt, %jit3A_407, %sign3A_419 : i32
      %sign3A_421 = arith.extui %sign3A_420 : i1 to i32
      %sign3A_422 = arith.subi %sign3A_418, %sign3A_421 : i32
      %ne3A_423 = arith.cmpi ne, %sign3A_415, %sign3A_422 : i32
      %rem3A_424 = arith.remsi %add3A_406, %jit3A_407 : i32
      %ne3A_425 = arith.constant 0 : i32
      %ne3A_426 = arith.cmpi ne, %rem3A_424, %ne3A_425 : i32
      %and3A_427 = arith.andi %ne3A_423, %ne3A_426 : i1
      %sub3A_428 = arith.constant 1 : i32
      %sub3A_429 = arith.subi %div3A_408, %sub3A_428 : i32
      %select_n3A_430 = arith.select %and3A_427, %sub3A_429, %div3A_408 : i32
      %jit3A_431 = arith.constant 16 : i32
      %eq3A_432 = arith.constant 0 : i32
      %eq3A_433 = arith.cmpi eq, %jit3A_431, %eq3A_432 : i32
      %jit3A_434 = arith.constant 1 : i32
      %select_n3A_435 = arith.select %eq3A_433, %jit3A_434, %jit3A_431 : i32
      %rem3A_436 = arith.remsi %add3A_406, %select_n3A_435 : i32
      %ne3A_437 = arith.constant 0 : i32
      %ne3A_438 = arith.cmpi ne, %rem3A_436, %ne3A_437 : i32
      %lt3A_439 = arith.constant 0 : i32
      %lt3A_440 = arith.cmpi slt, %rem3A_436, %lt3A_439 : i32
      %lt3A_441 = arith.constant 0 : i32
      %lt3A_442 = arith.cmpi slt, %select_n3A_435, %lt3A_441 : i32
      %ne3A_443 = arith.xori %lt3A_440, %lt3A_442 : i1
      %and3A_444 = arith.andi %ne3A_443, %ne3A_438 : i1
      %add3A_445 = arith.addi %rem3A_436, %select_n3A_435 : i32
      %select_n3A_446 = arith.select %and3A_444, %add3A_445, %rem3A_436 : i32
      %mul3A_447 = arith.constant 256 : i32
      %mul3A_448 = arith.muli %select_n3A_446, %mul3A_447 : i32
      %dma_start3A_449 = arith.constant 0 : i32
      %dma_start3A_450 = tpu.memref_slice %arg4[%select_n3A_430, %dma_start3A_449, %mul3A_448] : memref<200x64x4096xf32, #tpu.memory_space<hbm>> -> memref<1x64x256xf32, #tpu.memory_space<hbm>>
      %dma_start3A_451 = tpu.memref_squeeze %dma_start3A_450 : memref<1x64x256xf32, #tpu.memory_space<hbm>> -> memref<64x256xf32, #tpu.memory_space<hbm>>
      %dma_start3A_452 = arith.constant 0 : i32
      %dma_start3A_453 = tpu.memref_slice %arg4[%select_n3A_430, %dma_start3A_452, %mul3A_448] : memref<200x64x4096xf32, #tpu.memory_space<hbm>> -> memref<1x64x256xf32, #tpu.memory_space<hbm>>
      %dma_start3A_454 = tpu.memref_squeeze %dma_start3A_453 : memref<1x64x256xf32, #tpu.memory_space<hbm>> -> memref<64x256xf32, #tpu.memory_space<hbm>>
      tpu.enqueue_dma source(%arg13 : memref<64x256xf32, #tpu.memory_space<vmem>>) target(%dma_start3A_454 : memref<64x256xf32, #tpu.memory_space<hbm>>) target_semaphore(%arg21 : memref<!tpu.dma_semaphore, #tpu.memory_space<semaphore_mem>>)
      %mul3A_455 = arith.constant 4 : i32
      %mul3A_456 = arith.muli %scan3A_249, %mul3A_455 : i32
      %add3A_457 = arith.constant 3 : i32
      %add3A_458 = arith.addi %mul3A_456, %add3A_457 : i32
      %dma_wait3A_459 = arith.constant 0 : i32
      %dma_wait3A_460 = arith.constant 0 : i32
      %dma_wait3A_461 = tpu.memref_slice %arg3[%dma_wait3A_459, %dma_wait3A_460] : memref<501760x128xf32, #tpu.memory_space<hbm>> -> memref<501760x128xf32, #tpu.memory_space<hbm>>
      tpu.wait_indirect_dma semaphore(%arg20 : memref<!tpu.dma_semaphore, #tpu.memory_space<semaphore_mem>>) src(%dma_wait3A_461 : memref<501760x128xf32, #tpu.memory_space<hbm>>) dst(%arg12 : memref<256x128xf32, #tpu.memory_space<vmem>>)
      %add3A_462 = arith.constant 1 : i32
      %add3A_463 = arith.addi %add3A_458, %add3A_462 : i32
      %lt3A_464 = arith.constant 100 : i32
      %lt3A_465 = arith.cmpi slt, %add3A_463, %lt3A_464 : i32
      %convert_element_type3A_466 = arith.extui %lt3A_465 : i1 to i32
      %cond3A_467 = arith.constant 0 : i32
      %cond3A_468 = arith.cmpi ne, %convert_element_type3A_466, %cond3A_467 : i32
      scf.if %cond3A_468 {
        %add3A_524 = arith.constant 1 : i32
        %add3A_525 = arith.addi %add3A_458, %add3A_524 : i32
        %add3A_526 = arith.addi %mul3A_2, %add3A_525 : i32
        %jit3A_527 = arith.constant 16 : i32
        %div3A_528 = arith.divsi %add3A_526, %jit3A_527 : i32
        %sign3A_529 = arith.constant 0 : i32
        %sign3A_530 = arith.cmpi sgt, %add3A_526, %sign3A_529 : i32
        %sign3A_531 = arith.extui %sign3A_530 : i1 to i32
        %sign3A_532 = arith.constant 0 : i32
        %sign3A_533 = arith.cmpi slt, %add3A_526, %sign3A_532 : i32
        %sign3A_534 = arith.extui %sign3A_533 : i1 to i32
        %sign3A_535 = arith.subi %sign3A_531, %sign3A_534 : i32
        %sign3A_536 = arith.constant 0 : i32
        %sign3A_537 = arith.cmpi sgt, %jit3A_527, %sign3A_536 : i32
        %sign3A_538 = arith.extui %sign3A_537 : i1 to i32
        %sign3A_539 = arith.constant 0 : i32
        %sign3A_540 = arith.cmpi slt, %jit3A_527, %sign3A_539 : i32
        %sign3A_541 = arith.extui %sign3A_540 : i1 to i32
        %sign3A_542 = arith.subi %sign3A_538, %sign3A_541 : i32
        %ne3A_543 = arith.cmpi ne, %sign3A_535, %sign3A_542 : i32
        %rem3A_544 = arith.remsi %add3A_526, %jit3A_527 : i32
        %ne3A_545 = arith.constant 0 : i32
        %ne3A_546 = arith.cmpi ne, %rem3A_544, %ne3A_545 : i32
        %and3A_547 = arith.andi %ne3A_543, %ne3A_546 : i1
        %sub3A_548 = arith.constant 1 : i32
        %sub3A_549 = arith.subi %div3A_528, %sub3A_548 : i32
        %select_n3A_550 = arith.select %and3A_547, %sub3A_549, %div3A_528 : i32
        %jit3A_551 = arith.constant 16 : i32
        %eq3A_552 = arith.constant 0 : i32
        %eq3A_553 = arith.cmpi eq, %jit3A_551, %eq3A_552 : i32
        %jit3A_554 = arith.constant 1 : i32
        %select_n3A_555 = arith.select %eq3A_553, %jit3A_554, %jit3A_551 : i32
        %rem3A_556 = arith.remsi %add3A_526, %select_n3A_555 : i32
        %ne3A_557 = arith.constant 0 : i32
        %ne3A_558 = arith.cmpi ne, %rem3A_556, %ne3A_557 : i32
        %lt3A_559 = arith.constant 0 : i32
        %lt3A_560 = arith.cmpi slt, %rem3A_556, %lt3A_559 : i32
        %lt3A_561 = arith.constant 0 : i32
        %lt3A_562 = arith.cmpi slt, %select_n3A_555, %lt3A_561 : i32
        %ne3A_563 = arith.xori %lt3A_560, %lt3A_562 : i1
        %and3A_564 = arith.andi %ne3A_563, %ne3A_558 : i1
        %add3A_565 = arith.addi %rem3A_556, %select_n3A_555 : i32
        %select_n3A_566 = arith.select %and3A_564, %add3A_565, %rem3A_556 : i32
        %mul3A_567 = arith.constant 256 : i32
        %mul3A_568 = arith.muli %select_n3A_566, %mul3A_567 : i32
        %dma_wait3A_569 = tpu.memref_slice %arg2[%select_n3A_550, %mul3A_568] : memref<200x4096xi32, #tpu.memory_space<hbm>> -> memref<1x256xi32, #tpu.memory_space<hbm>>
        %dma_wait3A_570 = tpu.memref_squeeze %dma_wait3A_569 : memref<1x256xi32, #tpu.memory_space<hbm>> -> memref<256xi32, #tpu.memory_space<hbm>>
        %dma_wait3A_571 = tpu.memref_slice %arg2[%select_n3A_550, %mul3A_568] : memref<200x4096xi32, #tpu.memory_space<hbm>> -> memref<1x256xi32, #tpu.memory_space<hbm>>
        %dma_wait3A_572 = tpu.memref_squeeze %dma_wait3A_571 : memref<1x256xi32, #tpu.memory_space<hbm>> -> memref<256xi32, #tpu.memory_space<hbm>>
        tpu.wait_dma2 semaphore(%arg15 : memref<!tpu.dma_semaphore, #tpu.memory_space<semaphore_mem>>) src(%dma_wait3A_572 : memref<256xi32, #tpu.memory_space<hbm>>) dst(%arg5 : memref<256xi32, #tpu.memory_space<vmem>>)
        %scan3A_573 = arith.constant 0 : i32
        %scan3A_574 = arith.constant 0 : i32
        %scan3A_575 = arith.constant 16 : i32
        %scan3A_576 = arith.addi %scan3A_574, %scan3A_575 : i32
        %scan3A_577 = arith.constant 1 : i32
        scf.for %scan3A_595 = %scan3A_574 to %scan3A_576 step %scan3A_577  : i32 {
          %mul3A_596 = arith.constant 16 : i32
          %mul3A_597 = arith.muli %scan3A_595, %mul3A_596 : i32
          %get3A = arith.index_cast %mul3A_597 : i32 to index
          %get3A_598 = tpu.vector_load %arg5[%get3A] {strides = array<i32>} : memref<256xi32, #tpu.memory_space<vmem>>, vector<16xi32>,
          %shift_right_logical3A = arith.constant 12 : i32
          %shift_right_logical3A_599 = vector.broadcast %shift_right_logical3A : i32 to vector<16xi32>
          %shift_right_logical3A_600 = arith.shrui %get3A_598, %shift_right_logical3A_599 : vector<16xi32>
          %and3A_601 = arith.constant 4095 : i32
          %and3A_602 = vector.broadcast %and3A_601 : i32 to vector<16xi32>
          %and3A_603 = arith.andi %get3A_598, %and3A_602 : vector<16xi32>
          %shift_left3A = arith.constant 11 : i32
          %shift_left3A_604 = vector.broadcast %shift_left3A : i32 to vector<16xi32>
          %shift_left3A_605 = arith.shli %shift_right_logical3A_600, %shift_left3A_604 : vector<16xi32>
          %and3A_606 = arith.constant 2047 : i32
          %and3A_607 = vector.broadcast %and3A_606 : i32 to vector<16xi32>
          %and3A_608 = arith.andi %and3A_603, %and3A_607 : vector<16xi32>
          %add3A_609 = arith.addi %shift_left3A_605, %and3A_608 : vector<16xi32>
          %mul3A_610 = arith.constant 16 : i32
          %mul3A_611 = arith.muli %scan3A_595, %mul3A_610 : i32
          %swap3A = arith.index_cast %mul3A_611 : i32 to index
          %swap3A_612 = tpu.vector_load %arg9[%swap3A] {strides = array<i32>} : memref<256xi32, #tpu.memory_space<vmem>>, vector<16xi32>,
          tpu.vector_store %arg9[%swap3A], %add3A_609 {strides = array<i32>} : memref<256xi32, #tpu.memory_space<vmem>>, vector<16xi32>,
        }
        %scan3A_578 = arith.constant 16 : i32
        %add3A_579 = arith.constant 1 : i32
        %add3A_580 = arith.addi %add3A_458, %add3A_579 : i32
        %ge3A = arith.constant 2 : i32
        %ge3A_581 = arith.cmpi sge, %add3A_580, %ge3A : i32
        %convert_element_type3A_582 = arith.extui %ge3A_581 : i1 to i32
        %cond3A_583 = arith.constant 0 : i32
        %cond3A_584 = arith.cmpi ne, %convert_element_type3A_582, %cond3A_583 : i32
        scf.if %cond3A_584 {
          %sub3A_595 = arith.constant 1 : i32
          %sub3A_596 = arith.subi %add3A_458, %sub3A_595 : i32
          %add3A_597 = arith.addi %mul3A_2, %sub3A_596 : i32
          %jit3A_598 = arith.constant 16 : i32
          %div3A_599 = arith.divsi %add3A_597, %jit3A_598 : i32
          %sign3A_600 = arith.constant 0 : i32
          %sign3A_601 = arith.cmpi sgt, %add3A_597, %sign3A_600 : i32
          %sign3A_602 = arith.extui %sign3A_601 : i1 to i32
          %sign3A_603 = arith.constant 0 : i32
          %sign3A_604 = arith.cmpi slt, %add3A_597, %sign3A_603 : i32
          %sign3A_605 = arith.extui %sign3A_604 : i1 to i32
          %sign3A_606 = arith.subi %sign3A_602, %sign3A_605 : i32
          %sign3A_607 = arith.constant 0 : i32
          %sign3A_608 = arith.cmpi sgt, %jit3A_598, %sign3A_607 : i32
          %sign3A_609 = arith.extui %sign3A_608 : i1 to i32
          %sign3A_610 = arith.constant 0 : i32
          %sign3A_611 = arith.cmpi slt, %jit3A_598, %sign3A_610 : i32
          %sign3A_612 = arith.extui %sign3A_611 : i1 to i32
          %sign3A_613 = arith.subi %sign3A_609, %sign3A_612 : i32
          %ne3A_614 = arith.cmpi ne, %sign3A_606, %sign3A_613 : i32
          %rem3A_615 = arith.remsi %add3A_597, %jit3A_598 : i32
          %ne3A_616 = arith.constant 0 : i32
          %ne3A_617 = arith.cmpi ne, %rem3A_615, %ne3A_616 : i32
          %and3A_618 = arith.andi %ne3A_614, %ne3A_617 : i1
          %sub3A_619 = arith.constant 1 : i32
          %sub3A_620 = arith.subi %div3A_599, %sub3A_619 : i32
          %select_n3A_621 = arith.select %and3A_618, %sub3A_620, %div3A_599 : i32
          %jit3A_622 = arith.constant 16 : i32
          %eq3A_623 = arith.constant 0 : i32
          %eq3A_624 = arith.cmpi eq, %jit3A_622, %eq3A_623 : i32
          %jit3A_625 = arith.constant 1 : i32
          %select_n3A_626 = arith.select %eq3A_624, %jit3A_625, %jit3A_622 : i32
          %rem3A_627 = arith.remsi %add3A_597, %select_n3A_626 : i32
          %ne3A_628 = arith.constant 0 : i32
          %ne3A_629 = arith.cmpi ne, %rem3A_627, %ne3A_628 : i32
          %lt3A_630 = arith.constant 0 : i32
          %lt3A_631 = arith.cmpi slt, %rem3A_627, %lt3A_630 : i32
          %lt3A_632 = arith.constant 0 : i32
          %lt3A_633 = arith.cmpi slt, %select_n3A_626, %lt3A_632 : i32
          %ne3A_634 = arith.xori %lt3A_631, %lt3A_633 : i1
          %and3A_635 = arith.andi %ne3A_634, %ne3A_629 : i1
          %add3A_636 = arith.addi %rem3A_627, %select_n3A_626 : i32
          %select_n3A_637 = arith.select %and3A_635, %add3A_636, %rem3A_627 : i32
          %mul3A_638 = arith.constant 256 : i32
          %mul3A_639 = arith.muli %select_n3A_637, %mul3A_638 : i32
          %dma_wait3A_640 = arith.constant 0 : i32
          %dma_wait3A_641 = tpu.memref_slice %arg4[%select_n3A_621, %dma_wait3A_640, %mul3A_639] : memref<200x64x4096xf32, #tpu.memory_space<hbm>> -> memref<1x64x256xf32, #tpu.memory_space<hbm>>
          %dma_wait3A_642 = tpu.memref_squeeze %dma_wait3A_641 : memref<1x64x256xf32, #tpu.memory_space<hbm>> -> memref<64x256xf32, #tpu.memory_space<hbm>>
          %dma_wait3A_643 = arith.constant 0 : i32
          %dma_wait3A_644 = tpu.memref_slice %arg4[%select_n3A_621, %dma_wait3A_643, %mul3A_639] : memref<200x64x4096xf32, #tpu.memory_space<hbm>> -> memref<1x64x256xf32, #tpu.memory_space<hbm>>
          %dma_wait3A_645 = tpu.memref_squeeze %dma_wait3A_644 : memref<1x64x256xf32, #tpu.memory_space<hbm>> -> memref<64x256xf32, #tpu.memory_space<hbm>>
          tpu.wait_dma2 semaphore(%arg21 : memref<!tpu.dma_semaphore, #tpu.memory_space<semaphore_mem>>) src(%arg13 : memref<64x256xf32, #tpu.memory_space<vmem>>) dst(%dma_wait3A_645 : memref<64x256xf32, #tpu.memory_space<hbm>>)
        } else {
        }
        %dma_start3A_585 = arith.constant 0 : i32
        %dma_start3A_586 = arith.constant 0 : i32
        %dma_start3A_587 = tpu.memref_slice %arg3[%dma_start3A_585, %dma_start3A_586] : memref<501760x128xf32, #tpu.memory_space<hbm>> -> memref<501760x128xf32, #tpu.memory_space<hbm>>
        tpu.enqueue_indirect_dma source(%dma_start3A_587 : memref<501760x128xf32, #tpu.memory_space<hbm>>) target(%arg11 : memref<256x128xf32, #tpu.memory_space<vmem>>) offsets(%arg9 : memref<256xi32, #tpu.memory_space<vmem>>) semaphore(%arg19 : memref<!tpu.dma_semaphore, #tpu.memory_space<semaphore_mem>>)
        %add3A_588 = arith.constant 2 : i32
        %add3A_589 = arith.addi %add3A_458, %add3A_588 : i32
        %lt3A_590 = arith.constant 100 : i32
        %lt3A_591 = arith.cmpi slt, %add3A_589, %lt3A_590 : i32
        %convert_element_type3A_592 = arith.extui %lt3A_591 : i1 to i32
        %cond3A_593 = arith.constant 0 : i32
        %cond3A_594 = arith.cmpi ne, %convert_element_type3A_592, %cond3A_593 : i32
        scf.if %cond3A_594 {
          %add3A_595 = arith.constant 2 : i32
          %add3A_596 = arith.addi %add3A_458, %add3A_595 : i32
          %add3A_597 = arith.addi %mul3A_2, %add3A_596 : i32
          %jit3A_598 = arith.constant 16 : i32
          %div3A_599 = arith.divsi %add3A_597, %jit3A_598 : i32
          %sign3A_600 = arith.constant 0 : i32
          %sign3A_601 = arith.cmpi sgt, %add3A_597, %sign3A_600 : i32
          %sign3A_602 = arith.extui %sign3A_601 : i1 to i32
          %sign3A_603 = arith.constant 0 : i32
          %sign3A_604 = arith.cmpi slt, %add3A_597, %sign3A_603 : i32
          %sign3A_605 = arith.extui %sign3A_604 : i1 to i32
          %sign3A_606 = arith.subi %sign3A_602, %sign3A_605 : i32
          %sign3A_607 = arith.constant 0 : i32
          %sign3A_608 = arith.cmpi sgt, %jit3A_598, %sign3A_607 : i32
          %sign3A_609 = arith.extui %sign3A_608 : i1 to i32
          %sign3A_610 = arith.constant 0 : i32
          %sign3A_611 = arith.cmpi slt, %jit3A_598, %sign3A_610 : i32
          %sign3A_612 = arith.extui %sign3A_611 : i1 to i32
          %sign3A_613 = arith.subi %sign3A_609, %sign3A_612 : i32
          %ne3A_614 = arith.cmpi ne, %sign3A_606, %sign3A_613 : i32
          %rem3A_615 = arith.remsi %add3A_597, %jit3A_598 : i32
          %ne3A_616 = arith.constant 0 : i32
          %ne3A_617 = arith.cmpi ne, %rem3A_615, %ne3A_616 : i32
          %and3A_618 = arith.andi %ne3A_614, %ne3A_617 : i1
          %sub3A_619 = arith.constant 1 : i32
          %sub3A_620 = arith.subi %div3A_599, %sub3A_619 : i32
          %select_n3A_621 = arith.select %and3A_618, %sub3A_620, %div3A_599 : i32
          %jit3A_622 = arith.constant 16 : i32
          %eq3A_623 = arith.constant 0 : i32
          %eq3A_624 = arith.cmpi eq, %jit3A_622, %eq3A_623 : i32
          %jit3A_625 = arith.constant 1 : i32
          %select_n3A_626 = arith.select %eq3A_624, %jit3A_625, %jit3A_622 : i32
          %rem3A_627 = arith.remsi %add3A_597, %select_n3A_626 : i32
          %ne3A_628 = arith.constant 0 : i32
          %ne3A_629 = arith.cmpi ne, %rem3A_627, %ne3A_628 : i32
          %lt3A_630 = arith.constant 0 : i32
          %lt3A_631 = arith.cmpi slt, %rem3A_627, %lt3A_630 : i32
          %lt3A_632 = arith.constant 0 : i32
          %lt3A_633 = arith.cmpi slt, %select_n3A_626, %lt3A_632 : i32
          %ne3A_634 = arith.xori %lt3A_631, %lt3A_633 : i1
          %and3A_635 = arith.andi %ne3A_634, %ne3A_629 : i1
          %add3A_636 = arith.addi %rem3A_627, %select_n3A_626 : i32
          %select_n3A_637 = arith.select %and3A_635, %add3A_636, %rem3A_627 : i32
          %mul3A_638 = arith.constant 256 : i32
          %mul3A_639 = arith.muli %select_n3A_637, %mul3A_638 : i32
          %dma_start3A_640 = tpu.memref_slice %arg2[%select_n3A_621, %mul3A_639] : memref<200x4096xi32, #tpu.memory_space<hbm>> -> memref<1x256xi32, #tpu.memory_space<hbm>>
          %dma_start3A_641 = tpu.memref_squeeze %dma_start3A_640 : memref<1x256xi32, #tpu.memory_space<hbm>> -> memref<256xi32, #tpu.memory_space<hbm>>
          %dma_start3A_642 = tpu.memref_slice %arg2[%select_n3A_621, %mul3A_639] : memref<200x4096xi32, #tpu.memory_space<hbm>> -> memref<1x256xi32, #tpu.memory_space<hbm>>
          %dma_start3A_643 = tpu.memref_squeeze %dma_start3A_642 : memref<1x256xi32, #tpu.memory_space<hbm>> -> memref<256xi32, #tpu.memory_space<hbm>>
          tpu.enqueue_dma source(%dma_start3A_643 : memref<256xi32, #tpu.memory_space<hbm>>) target(%arg6 : memref<256xi32, #tpu.memory_space<vmem>>) target_semaphore(%arg16 : memref<!tpu.dma_semaphore, #tpu.memory_space<semaphore_mem>>)
        } else {
        }
      } else {
      }
      %scan3A_469 = arith.constant 0 : i32
      %scan3A_470 = arith.constant 0 : i32
      %scan3A_471 = arith.constant 16 : i32
      %scan3A_472 = arith.addi %scan3A_470, %scan3A_471 : i32
      %scan3A_473 = arith.constant 1 : i32
      scf.for %scan3A_524 = %scan3A_470 to %scan3A_472 step %scan3A_473  : i32 {
        %mul3A_525 = arith.constant 16 : i32
        %mul3A_526 = arith.muli %scan3A_524, %mul3A_525 : i32
        %iota3A = tpu.iota {dimensions = array<i32: 0>} : vector<16xi32>
        %add3A_527 = vector.broadcast %mul3A_526 : i32 to vector<16xi32>
        %add3A_528 = arith.addi %add3A_527, %iota3A : vector<16xi32>
        %mul3A_529 = arith.constant 16 : i32
        %mul3A_530 = arith.muli %scan3A_524, %mul3A_529 : i32
        %get3A = arith.index_cast %mul3A_530 : i32 to index
        %get3A_531 = tpu.vector_load %arg8[%get3A] {strides = array<i32>} : memref<256xi32, #tpu.memory_space<vmem>>, vector<16xi32>,
        %and3A_532 = arith.constant 4095 : i32
        %and3A_533 = vector.broadcast %and3A_532 : i32 to vector<16xi32>
        %and3A_534 = arith.andi %get3A_531, %and3A_533 : vector<16xi32>
        %ge3A = arith.constant 2048 : i32
        %ge3A_535 = vector.broadcast %ge3A : i32 to vector<16xi32>
        %ge3A_536 = arith.cmpi sge, %and3A_534, %ge3A_535 : vector<16xi32>
        %jit3A_537 = arith.constant 64 : i32
        %jit3A_538 = arith.constant 0 : i32
        %broadcast_in_dim3A = vector.broadcast %jit3A_537 : i32 to vector<16xi32>
        %broadcast_in_dim3A_539 = vector.broadcast %jit3A_538 : i32 to vector<16xi32>
        %select_n3A_540 = arith.select %ge3A_536, %broadcast_in_dim3A, %broadcast_in_dim3A_539 : vector<16xi1>, vector<16xi32>
        %add3A_541 = arith.constant 0 : i32
        %add3A_542 = vector.broadcast %add3A_541 : i32 to vector<16xi32>
        %add3A_543 = arith.addi %select_n3A_540, %add3A_542 : vector<16xi32>
        %gather3A = tpu.vector_load_idx %arg12[%add3A_528, %add3A_543] : memref<256x128xf32, #tpu.memory_space<vmem>>[vector<16xi32>, vector<16xi32>], vector<16xf32>,
        %add3A_544 = arith.constant 1 : i32
        %add3A_545 = vector.broadcast %add3A_544 : i32 to vector<16xi32>
        %add3A_546 = arith.addi %select_n3A_540, %add3A_545 : vector<16xi32>
        %gather3A_547 = tpu.vector_load_idx %arg12[%add3A_528, %add3A_546] : memref<256x128xf32, #tpu.memory_space<vmem>>[vector<16xi32>, vector<16xi32>], vector<16xf32>,
        %add3A_548 = arith.constant 2 : i32
        %add3A_549 = vector.broadcast %add3A_548 : i32 to vector<16xi32>
        %add3A_550 = arith.addi %select_n3A_540, %add3A_549 : vector<16xi32>
        %gather3A_551 = tpu.vector_load_idx %arg12[%add3A_528, %add3A_550] : memref<256x128xf32, #tpu.memory_space<vmem>>[vector<16xi32>, vector<16xi32>], vector<16xf32>,
        %add3A_552 = arith.constant 3 : i32
        %add3A_553 = vector.broadcast %add3A_552 : i32 to vector<16xi32>
        %add3A_554 = arith.addi %select_n3A_540, %add3A_553 : vector<16xi32>
        %gather3A_555 = tpu.vector_load_idx %arg12[%add3A_528, %add3A_554] : memref<256x128xf32, #tpu.memory_space<vmem>>[vector<16xi32>, vector<16xi32>], vector<16xf32>,
        %mul3A_556 = arith.constant 16 : i32
        %mul3A_557 = arith.muli %scan3A_524, %mul3A_556 : i32
        %swap3A = arith.constant 0 : i32
        %swap3A_558 = arith.index_cast %swap3A : i32 to index
        %swap3A_559 = arith.index_cast %mul3A_557 : i32 to index
        %swap3A_560 = tpu.vector_load %arg14[%swap3A_558, %swap3A_559] {strides = array<i32>} : memref<64x256xf32, #tpu.memory_space<vmem>>, vector<16xf32>,
        tpu.vector_store %arg14[%swap3A_558, %swap3A_559], %gather3A {strides = array<i32>} : memref<64x256xf32, #tpu.memory_space<vmem>>, vector<16xf32>,
        %mul3A_561 = arith.constant 16 : i32
        %mul3A_562 = arith.muli %scan3A_524, %mul3A_561 : i32
        %swap3A_563 = arith.constant 1 : i32
        %swap3A_564 = arith.index_cast %swap3A_563 : i32 to index
        %swap3A_565 = arith.index_cast %mul3A_562 : i32 to index
        %swap3A_566 = tpu.vector_load %arg14[%swap3A_564, %swap3A_565] {strides = array<i32>} : memref<64x256xf32, #tpu.memory_space<vmem>>, vector<16xf32>,
        tpu.vector_store %arg14[%swap3A_564, %swap3A_565], %gather3A_547 {strides = array<i32>} : memref<64x256xf32, #tpu.memory_space<vmem>>, vector<16xf32>,
        %mul3A_567 = arith.constant 16 : i32
        %mul3A_568 = arith.muli %scan3A_524, %mul3A_567 : i32
        %swap3A_569 = arith.constant 2 : i32
        %swap3A_570 = arith.index_cast %swap3A_569 : i32 to index
        %swap3A_571 = arith.index_cast %mul3A_568 : i32 to index
        %swap3A_572 = tpu.vector_load %arg14[%swap3A_570, %swap3A_571] {strides = array<i32>} : memref<64x256xf32, #tpu.memory_space<vmem>>, vector<16xf32>,
        tpu.vector_store %arg14[%swap3A_570, %swap3A_571], %gather3A_551 {strides = array<i32>} : memref<64x256xf32, #tpu.memory_space<vmem>>, vector<16xf32>,
        %mul3A_573 = arith.constant 16 : i32
        %mul3A_574 = arith.muli %scan3A_524, %mul3A_573 : i32
        %swap3A_575 = arith.constant 3 : i32
        %swap3A_576 = arith.index_cast %swap3A_575 : i32 to index
        %swap3A_577 = arith.index_cast %mul3A_574 : i32 to index
        %swap3A_578 = tpu.vector_load %arg14[%swap3A_576, %swap3A_577] {strides = array<i32>} : memref<64x256xf32, #tpu.memory_space<vmem>>, vector<16xf32>,
        tpu.vector_store %arg14[%swap3A_576, %swap3A_577], %gather3A_555 {strides = array<i32>} : memref<64x256xf32, #tpu.memory_space<vmem>>, vector<16xf32>,
        %add3A_579 = arith.constant 4 : i32
        %add3A_580 = vector.broadcast %add3A_579 : i32 to vector<16xi32>
        %add3A_581 = arith.addi %select_n3A_540, %add3A_580 : vector<16xi32>
        %gather3A_582 = tpu.vector_load_idx %arg12[%add3A_528, %add3A_581] : memref<256x128xf32, #tpu.memory_space<vmem>>[vector<16xi32>, vector<16xi32>], vector<16xf32>,
        %add3A_583 = arith.constant 5 : i32
        %add3A_584 = vector.broadcast %add3A_583 : i32 to vector<16xi32>
        %add3A_585 = arith.addi %select_n3A_540, %add3A_584 : vector<16xi32>
        %gather3A_586 = tpu.vector_load_idx %arg12[%add3A_528, %add3A_585] : memref<256x128xf32, #tpu.memory_space<vmem>>[vector<16xi32>, vector<16xi32>], vector<16xf32>,
        %add3A_587 = arith.constant 6 : i32
        %add3A_588 = vector.broadcast %add3A_587 : i32 to vector<16xi32>
        %add3A_589 = arith.addi %select_n3A_540, %add3A_588 : vector<16xi32>
        %gather3A_590 = tpu.vector_load_idx %arg12[%add3A_528, %add3A_589] : memref<256x128xf32, #tpu.memory_space<vmem>>[vector<16xi32>, vector<16xi32>], vector<16xf32>,
        %add3A_591 = arith.constant 7 : i32
        %add3A_592 = vector.broadcast %add3A_591 : i32 to vector<16xi32>
        %add3A_593 = arith.addi %select_n3A_540, %add3A_592 : vector<16xi32>
        %gather3A_594 = tpu.vector_load_idx %arg12[%add3A_528, %add3A_593] : memref<256x128xf32, #tpu.memory_space<vmem>>[vector<16xi32>, vector<16xi32>], vector<16xf32>,
        %mul3A_595 = arith.constant 16 : i32
        %mul3A_596 = arith.muli %scan3A_524, %mul3A_595 : i32
        %swap3A_597 = arith.constant 4 : i32
        %swap3A_598 = arith.index_cast %swap3A_597 : i32 to index
        %swap3A_599 = arith.index_cast %mul3A_596 : i32 to index
        %swap3A_600 = tpu.vector_load %arg14[%swap3A_598, %swap3A_599] {strides = array<i32>} : memref<64x256xf32, #tpu.memory_space<vmem>>, vector<16xf32>,
        tpu.vector_store %arg14[%swap3A_598, %swap3A_599], %gather3A_582 {strides = array<i32>} : memref<64x256xf32, #tpu.memory_space<vmem>>, vector<16xf32>,
        %mul3A_601 = arith.constant 16 : i32
        %mul3A_602 = arith.muli %scan3A_524, %mul3A_601 : i32
        %swap3A_603 = arith.constant 5 : i32
        %swap3A_604 = arith.index_cast %swap3A_603 : i32 to index
        %swap3A_605 = arith.index_cast %mul3A_602 : i32 to index
        %swap3A_606 = tpu.vector_load %arg14[%swap3A_604, %swap3A_605] {strides = array<i32>} : memref<64x256xf32, #tpu.memory_space<vmem>>, vector<16xf32>,
        tpu.vector_store %arg14[%swap3A_604, %swap3A_605], %gather3A_586 {strides = array<i32>} : memref<64x256xf32, #tpu.memory_space<vmem>>, vector<16xf32>,
        %mul3A_607 = arith.constant 16 : i32
        %mul3A_608 = arith.muli %scan3A_524, %mul3A_607 : i32
        %swap3A_609 = arith.constant 6 : i32
        %swap3A_610 = arith.index_cast %swap3A_609 : i32 to index
        %swap3A_611 = arith.index_cast %mul3A_608 : i32 to index
        %swap3A_612 = tpu.vector_load %arg14[%swap3A_610, %swap3A_611] {strides = array<i32>} : memref<64x256xf32, #tpu.memory_space<vmem>>, vector<16xf32>,
        tpu.vector_store %arg14[%swap3A_610, %swap3A_611], %gather3A_590 {strides = array<i32>} : memref<64x256xf32, #tpu.memory_space<vmem>>, vector<16xf32>,
        %mul3A_613 = arith.constant 16 : i32
        %mul3A_614 = arith.muli %scan3A_524, %mul3A_613 : i32
        %swap3A_615 = arith.constant 7 : i32
        %swap3A_616 = arith.index_cast %swap3A_615 : i32 to index
        %swap3A_617 = arith.index_cast %mul3A_614 : i32 to index
        %swap3A_618 = tpu.vector_load %arg14[%swap3A_616, %swap3A_617] {strides = array<i32>} : memref<64x256xf32, #tpu.memory_space<vmem>>, vector<16xf32>,
        tpu.vector_store %arg14[%swap3A_616, %swap3A_617], %gather3A_594 {strides = array<i32>} : memref<64x256xf32, #tpu.memory_space<vmem>>, vector<16xf32>,
        %add3A_619 = arith.constant 8 : i32
        %add3A_620 = vector.broadcast %add3A_619 : i32 to vector<16xi32>
        %add3A_621 = arith.addi %select_n3A_540, %add3A_620 : vector<16xi32>
        %gather3A_622 = tpu.vector_load_idx %arg12[%add3A_528, %add3A_621] : memref<256x128xf32, #tpu.memory_space<vmem>>[vector<16xi32>, vector<16xi32>], vector<16xf32>,
        %add3A_623 = arith.constant 9 : i32
        %add3A_624 = vector.broadcast %add3A_623 : i32 to vector<16xi32>
        %add3A_625 = arith.addi %select_n3A_540, %add3A_624 : vector<16xi32>
        %gather3A_626 = tpu.vector_load_idx %arg12[%add3A_528, %add3A_625] : memref<256x128xf32, #tpu.memory_space<vmem>>[vector<16xi32>, vector<16xi32>], vector<16xf32>,
        %add3A_627 = arith.constant 10 : i32
        %add3A_628 = vector.broadcast %add3A_627 : i32 to vector<16xi32>
        %add3A_629 = arith.addi %select_n3A_540, %add3A_628 : vector<16xi32>
        %gather3A_630 = tpu.vector_load_idx %arg12[%add3A_528, %add3A_629] : memref<256x128xf32, #tpu.memory_space<vmem>>[vector<16xi32>, vector<16xi32>], vector<16xf32>,
        %add3A_631 = arith.constant 11 : i32
        %add3A_632 = vector.broadcast %add3A_631 : i32 to vector<16xi32>
        %add3A_633 = arith.addi %select_n3A_540, %add3A_632 : vector<16xi32>
        %gather3A_634 = tpu.vector_load_idx %arg12[%add3A_528, %add3A_633] : memref<256x128xf32, #tpu.memory_space<vmem>>[vector<16xi32>, vector<16xi32>], vector<16xf32>,
        %mul3A_635 = arith.constant 16 : i32
        %mul3A_636 = arith.muli %scan3A_524, %mul3A_635 : i32
        %swap3A_637 = arith.constant 8 : i32
        %swap3A_638 = arith.index_cast %swap3A_637 : i32 to index
        %swap3A_639 = arith.index_cast %mul3A_636 : i32 to index
        %swap3A_640 = tpu.vector_load %arg14[%swap3A_638, %swap3A_639] {strides = array<i32>} : memref<64x256xf32, #tpu.memory_space<vmem>>, vector<16xf32>,
        tpu.vector_store %arg14[%swap3A_638, %swap3A_639], %gather3A_622 {strides = array<i32>} : memref<64x256xf32, #tpu.memory_space<vmem>>, vector<16xf32>,
        %mul3A_641 = arith.constant 16 : i32
        %mul3A_642 = arith.muli %scan3A_524, %mul3A_641 : i32
        %swap3A_643 = arith.constant 9 : i32
        %swap3A_644 = arith.index_cast %swap3A_643 : i32 to index
        %swap3A_645 = arith.index_cast %mul3A_642 : i32 to index
        %swap3A_646 = tpu.vector_load %arg14[%swap3A_644, %swap3A_645] {strides = array<i32>} : memref<64x256xf32, #tpu.memory_space<vmem>>, vector<16xf32>,
        tpu.vector_store %arg14[%swap3A_644, %swap3A_645], %gather3A_626 {strides = array<i32>} : memref<64x256xf32, #tpu.memory_space<vmem>>, vector<16xf32>,
        %mul3A_647 = arith.constant 16 : i32
        %mul3A_648 = arith.muli %scan3A_524, %mul3A_647 : i32
        %swap3A_649 = arith.constant 10 : i32
        %swap3A_650 = arith.index_cast %swap3A_649 : i32 to index
        %swap3A_651 = arith.index_cast %mul3A_648 : i32 to index
        %swap3A_652 = tpu.vector_load %arg14[%swap3A_650, %swap3A_651] {strides = array<i32>} : memref<64x256xf32, #tpu.memory_space<vmem>>, vector<16xf32>,
        tpu.vector_store %arg14[%swap3A_650, %swap3A_651], %gather3A_630 {strides = array<i32>} : memref<64x256xf32, #tpu.memory_space<vmem>>, vector<16xf32>,
        %mul3A_653 = arith.constant 16 : i32
        %mul3A_654 = arith.muli %scan3A_524, %mul3A_653 : i32
        %swap3A_655 = arith.constant 11 : i32
        %swap3A_656 = arith.index_cast %swap3A_655 : i32 to index
        %swap3A_657 = arith.index_cast %mul3A_654 : i32 to index
        %swap3A_658 = tpu.vector_load %arg14[%swap3A_656, %swap3A_657] {strides = array<i32>} : memref<64x256xf32, #tpu.memory_space<vmem>>, vector<16xf32>,
        tpu.vector_store %arg14[%swap3A_656, %swap3A_657], %gather3A_634 {strides = array<i32>} : memref<64x256xf32, #tpu.memory_space<vmem>>, vector<16xf32>,
        %add3A_659 = arith.constant 12 : i32
        %add3A_660 = vector.broadcast %add3A_659 : i32 to vector<16xi32>
        %add3A_661 = arith.addi %select_n3A_540, %add3A_660 : vector<16xi32>
        %gather3A_662 = tpu.vector_load_idx %arg12[%add3A_528, %add3A_661] : memref<256x128xf32, #tpu.memory_space<vmem>>[vector<16xi32>, vector<16xi32>], vector<16xf32>,
        %add3A_663 = arith.constant 13 : i32
        %add3A_664 = vector.broadcast %add3A_663 : i32 to vector<16xi32>
        %add3A_665 = arith.addi %select_n3A_540, %add3A_664 : vector<16xi32>
        %gather3A_666 = tpu.vector_load_idx %arg12[%add3A_528, %add3A_665] : memref<256x128xf32, #tpu.memory_space<vmem>>[vector<16xi32>, vector<16xi32>], vector<16xf32>,
        %add3A_667 = arith.constant 14 : i32
        %add3A_668 = vector.broadcast %add3A_667 : i32 to vector<16xi32>
        %add3A_669 = arith.addi %select_n3A_540, %add3A_668 : vector<16xi32>
        %gather3A_670 = tpu.vector_load_idx %arg12[%add3A_528, %add3A_669] : memref<256x128xf32, #tpu.memory_space<vmem>>[vector<16xi32>, vector<16xi32>], vector<16xf32>,
        %add3A_671 = arith.constant 15 : i32
        %add3A_672 = vector.broadcast %add3A_671 : i32 to vector<16xi32>
        %add3A_673 = arith.addi %select_n3A_540, %add3A_672 : vector<16xi32>
        %gather3A_674 = tpu.vector_load_idx %arg12[%add3A_528, %add3A_673] : memref<256x128xf32, #tpu.memory_space<vmem>>[vector<16xi32>, vector<16xi32>], vector<16xf32>,
        %mul3A_675 = arith.constant 16 : i32
        %mul3A_676 = arith.muli %scan3A_524, %mul3A_675 : i32
        %swap3A_677 = arith.constant 12 : i32
        %swap3A_678 = arith.index_cast %swap3A_677 : i32 to index
        %swap3A_679 = arith.index_cast %mul3A_676 : i32 to index
        %swap3A_680 = tpu.vector_load %arg14[%swap3A_678, %swap3A_679] {strides = array<i32>} : memref<64x256xf32, #tpu.memory_space<vmem>>, vector<16xf32>,
        tpu.vector_store %arg14[%swap3A_678, %swap3A_679], %gather3A_662 {strides = array<i32>} : memref<64x256xf32, #tpu.memory_space<vmem>>, vector<16xf32>,
        %mul3A_681 = arith.constant 16 : i32
        %mul3A_682 = arith.muli %scan3A_524, %mul3A_681 : i32
        %swap3A_683 = arith.constant 13 : i32
        %swap3A_684 = arith.index_cast %swap3A_683 : i32 to index
        %swap3A_685 = arith.index_cast %mul3A_682 : i32 to index
        %swap3A_686 = tpu.vector_load %arg14[%swap3A_684, %swap3A_685] {strides = array<i32>} : memref<64x256xf32, #tpu.memory_space<vmem>>, vector<16xf32>,
        tpu.vector_store %arg14[%swap3A_684, %swap3A_685], %gather3A_666 {strides = array<i32>} : memref<64x256xf32, #tpu.memory_space<vmem>>, vector<16xf32>,
        %mul3A_687 = arith.constant 16 : i32
        %mul3A_688 = arith.muli %scan3A_524, %mul3A_687 : i32
        %swap3A_689 = arith.constant 14 : i32
        %swap3A_690 = arith.index_cast %swap3A_689 : i32 to index
        %swap3A_691 = arith.index_cast %mul3A_688 : i32 to index
        %swap3A_692 = tpu.vector_load %arg14[%swap3A_690, %swap3A_691] {strides = array<i32>} : memref<64x256xf32, #tpu.memory_space<vmem>>, vector<16xf32>,
        tpu.vector_store %arg14[%swap3A_690, %swap3A_691], %gather3A_670 {strides = array<i32>} : memref<64x256xf32, #tpu.memory_space<vmem>>, vector<16xf32>,
        %mul3A_693 = arith.constant 16 : i32
        %mul3A_694 = arith.muli %scan3A_524, %mul3A_693 : i32
        %swap3A_695 = arith.constant 15 : i32
        %swap3A_696 = arith.index_cast %swap3A_695 : i32 to index
        %swap3A_697 = arith.index_cast %mul3A_694 : i32 to index
        %swap3A_698 = tpu.vector_load %arg14[%swap3A_696, %swap3A_697] {strides = array<i32>} : memref<64x256xf32, #tpu.memory_space<vmem>>, vector<16xf32>,
        tpu.vector_store %arg14[%swap3A_696, %swap3A_697], %gather3A_674 {strides = array<i32>} : memref<64x256xf32, #tpu.memory_space<vmem>>, vector<16xf32>,
        %add3A_699 = arith.constant 16 : i32
        %add3A_700 = vector.broadcast %add3A_699 : i32 to vector<16xi32>
        %add3A_701 = arith.addi %select_n3A_540, %add3A_700 : vector<16xi32>
        %gather3A_702 = tpu.vector_load_idx %arg12[%add3A_528, %add3A_701] : memref<256x128xf32, #tpu.memory_space<vmem>>[vector<16xi32>, vector<16xi32>], vector<16xf32>,
        %add3A_703 = arith.constant 17 : i32
        %add3A_704 = vector.broadcast %add3A_703 : i32 to vector<16xi32>
        %add3A_705 = arith.addi %select_n3A_540, %add3A_704 : vector<16xi32>
        %gather3A_706 = tpu.vector_load_idx %arg12[%add3A_528, %add3A_705] : memref<256x128xf32, #tpu.memory_space<vmem>>[vector<16xi32>, vector<16xi32>], vector<16xf32>,
        %add3A_707 = arith.constant 18 : i32
        %add3A_708 = vector.broadcast %add3A_707 : i32 to vector<16xi32>
        %add3A_709 = arith.addi %select_n3A_540, %add3A_708 : vector<16xi32>
        %gather3A_710 = tpu.vector_load_idx %arg12[%add3A_528, %add3A_709] : memref<256x128xf32, #tpu.memory_space<vmem>>[vector<16xi32>, vector<16xi32>], vector<16xf32>,
        %add3A_711 = arith.constant 19 : i32
        %add3A_712 = vector.broadcast %add3A_711 : i32 to vector<16xi32>
        %add3A_713 = arith.addi %select_n3A_540, %add3A_712 : vector<16xi32>
        %gather3A_714 = tpu.vector_load_idx %arg12[%add3A_528, %add3A_713] : memref<256x128xf32, #tpu.memory_space<vmem>>[vector<16xi32>, vector<16xi32>], vector<16xf32>,
        %mul3A_715 = arith.constant 16 : i32
        %mul3A_716 = arith.muli %scan3A_524, %mul3A_715 : i32
        %swap3A_717 = arith.constant 16 : i32
        %swap3A_718 = arith.index_cast %swap3A_717 : i32 to index
        %swap3A_719 = arith.index_cast %mul3A_716 : i32 to index
        %swap3A_720 = tpu.vector_load %arg14[%swap3A_718, %swap3A_719] {strides = array<i32>} : memref<64x256xf32, #tpu.memory_space<vmem>>, vector<16xf32>,
        tpu.vector_store %arg14[%swap3A_718, %swap3A_719], %gather3A_702 {strides = array<i32>} : memref<64x256xf32, #tpu.memory_space<vmem>>, vector<16xf32>,
        %mul3A_721 = arith.constant 16 : i32
        %mul3A_722 = arith.muli %scan3A_524, %mul3A_721 : i32
        %swap3A_723 = arith.constant 17 : i32
        %swap3A_724 = arith.index_cast %swap3A_723 : i32 to index
        %swap3A_725 = arith.index_cast %mul3A_722 : i32 to index
        %swap3A_726 = tpu.vector_load %arg14[%swap3A_724, %swap3A_725] {strides = array<i32>} : memref<64x256xf32, #tpu.memory_space<vmem>>, vector<16xf32>,
        tpu.vector_store %arg14[%swap3A_724, %swap3A_725], %gather3A_706 {strides = array<i32>} : memref<64x256xf32, #tpu.memory_space<vmem>>, vector<16xf32>,
        %mul3A_727 = arith.constant 16 : i32
        %mul3A_728 = arith.muli %scan3A_524, %mul3A_727 : i32
        %swap3A_729 = arith.constant 18 : i32
        %swap3A_730 = arith.index_cast %swap3A_729 : i32 to index
        %swap3A_731 = arith.index_cast %mul3A_728 : i32 to index
        %swap3A_732 = tpu.vector_load %arg14[%swap3A_730, %swap3A_731] {strides = array<i32>} : memref<64x256xf32, #tpu.memory_space<vmem>>, vector<16xf32>,
        tpu.vector_store %arg14[%swap3A_730, %swap3A_731], %gather3A_710 {strides = array<i32>} : memref<64x256xf32, #tpu.memory_space<vmem>>, vector<16xf32>,
        %mul3A_733 = arith.constant 16 : i32
        %mul3A_734 = arith.muli %scan3A_524, %mul3A_733 : i32
        %swap3A_735 = arith.constant 19 : i32
        %swap3A_736 = arith.index_cast %swap3A_735 : i32 to index
        %swap3A_737 = arith.index_cast %mul3A_734 : i32 to index
        %swap3A_738 = tpu.vector_load %arg14[%swap3A_736, %swap3A_737] {strides = array<i32>} : memref<64x256xf32, #tpu.memory_space<vmem>>, vector<16xf32>,
        tpu.vector_store %arg14[%swap3A_736, %swap3A_737], %gather3A_714 {strides = array<i32>} : memref<64x256xf32, #tpu.memory_space<vmem>>, vector<16xf32>,
        %add3A_739 = arith.constant 20 : i32
        %add3A_740 = vector.broadcast %add3A_739 : i32 to vector<16xi32>
        %add3A_741 = arith.addi %select_n3A_540, %add3A_740 : vector<16xi32>
        %gather3A_742 = tpu.vector_load_idx %arg12[%add3A_528, %add3A_741] : memref<256x128xf32, #tpu.memory_space<vmem>>[vector<16xi32>, vector<16xi32>], vector<16xf32>,
        %add3A_743 = arith.constant 21 : i32
        %add3A_744 = vector.broadcast %add3A_743 : i32 to vector<16xi32>
        %add3A_745 = arith.addi %select_n3A_540, %add3A_744 : vector<16xi32>
        %gather3A_746 = tpu.vector_load_idx %arg12[%add3A_528, %add3A_745] : memref<256x128xf32, #tpu.memory_space<vmem>>[vector<16xi32>, vector<16xi32>], vector<16xf32>,
        %add3A_747 = arith.constant 22 : i32
        %add3A_748 = vector.broadcast %add3A_747 : i32 to vector<16xi32>
        %add3A_749 = arith.addi %select_n3A_540, %add3A_748 : vector<16xi32>
        %gather3A_750 = tpu.vector_load_idx %arg12[%add3A_528, %add3A_749] : memref<256x128xf32, #tpu.memory_space<vmem>>[vector<16xi32>, vector<16xi32>], vector<16xf32>,
        %add3A_751 = arith.constant 23 : i32
        %add3A_752 = vector.broadcast %add3A_751 : i32 to vector<16xi32>
        %add3A_753 = arith.addi %select_n3A_540, %add3A_752 : vector<16xi32>
        %gather3A_754 = tpu.vector_load_idx %arg12[%add3A_528, %add3A_753] : memref<256x128xf32, #tpu.memory_space<vmem>>[vector<16xi32>, vector<16xi32>], vector<16xf32>,
        %mul3A_755 = arith.constant 16 : i32
        %mul3A_756 = arith.muli %scan3A_524, %mul3A_755 : i32
        %swap3A_757 = arith.constant 20 : i32
        %swap3A_758 = arith.index_cast %swap3A_757 : i32 to index
        %swap3A_759 = arith.index_cast %mul3A_756 : i32 to index
        %swap3A_760 = tpu.vector_load %arg14[%swap3A_758, %swap3A_759] {strides = array<i32>} : memref<64x256xf32, #tpu.memory_space<vmem>>, vector<16xf32>,
        tpu.vector_store %arg14[%swap3A_758, %swap3A_759], %gather3A_742 {strides = array<i32>} : memref<64x256xf32, #tpu.memory_space<vmem>>, vector<16xf32>,
        %mul3A_761 = arith.constant 16 : i32
        %mul3A_762 = arith.muli %scan3A_524, %mul3A_761 : i32
        %swap3A_763 = arith.constant 21 : i32
        %swap3A_764 = arith.index_cast %swap3A_763 : i32 to index
        %swap3A_765 = arith.index_cast %mul3A_762 : i32 to index
        %swap3A_766 = tpu.vector_load %arg14[%swap3A_764, %swap3A_765] {strides = array<i32>} : memref<64x256xf32, #tpu.memory_space<vmem>>, vector<16xf32>,
        tpu.vector_store %arg14[%swap3A_764, %swap3A_765], %gather3A_746 {strides = array<i32>} : memref<64x256xf32, #tpu.memory_space<vmem>>, vector<16xf32>,
        %mul3A_767 = arith.constant 16 : i32
        %mul3A_768 = arith.muli %scan3A_524, %mul3A_767 : i32
        %swap3A_769 = arith.constant 22 : i32
        %swap3A_770 = arith.index_cast %swap3A_769 : i32 to index
        %swap3A_771 = arith.index_cast %mul3A_768 : i32 to index
        %swap3A_772 = tpu.vector_load %arg14[%swap3A_770, %swap3A_771] {strides = array<i32>} : memref<64x256xf32, #tpu.memory_space<vmem>>, vector<16xf32>,
        tpu.vector_store %arg14[%swap3A_770, %swap3A_771], %gather3A_750 {strides = array<i32>} : memref<64x256xf32, #tpu.memory_space<vmem>>, vector<16xf32>,
        %mul3A_773 = arith.constant 16 : i32
        %mul3A_774 = arith.muli %scan3A_524, %mul3A_773 : i32
        %swap3A_775 = arith.constant 23 : i32
        %swap3A_776 = arith.index_cast %swap3A_775 : i32 to index
        %swap3A_777 = arith.index_cast %mul3A_774 : i32 to index
        %swap3A_778 = tpu.vector_load %arg14[%swap3A_776, %swap3A_777] {strides = array<i32>} : memref<64x256xf32, #tpu.memory_space<vmem>>, vector<16xf32>,
        tpu.vector_store %arg14[%swap3A_776, %swap3A_777], %gather3A_754 {strides = array<i32>} : memref<64x256xf32, #tpu.memory_space<vmem>>, vector<16xf32>,
        %add3A_779 = arith.constant 24 : i32
        %add3A_780 = vector.broadcast %add3A_779 : i32 to vector<16xi32>
        %add3A_781 = arith.addi %select_n3A_540, %add3A_780 : vector<16xi32>
        %gather3A_782 = tpu.vector_load_idx %arg12[%add3A_528, %add3A_781] : memref<256x128xf32, #tpu.memory_space<vmem>>[vector<16xi32>, vector<16xi32>], vector<16xf32>,
        %add3A_783 = arith.constant 25 : i32
        %add3A_784 = vector.broadcast %add3A_783 : i32 to vector<16xi32>
        %add3A_785 = arith.addi %select_n3A_540, %add3A_784 : vector<16xi32>
        %gather3A_786 = tpu.vector_load_idx %arg12[%add3A_528, %add3A_785] : memref<256x128xf32, #tpu.memory_space<vmem>>[vector<16xi32>, vector<16xi32>], vector<16xf32>,
        %add3A_787 = arith.constant 26 : i32
        %add3A_788 = vector.broadcast %add3A_787 : i32 to vector<16xi32>
        %add3A_789 = arith.addi %select_n3A_540, %add3A_788 : vector<16xi32>
        %gather3A_790 = tpu.vector_load_idx %arg12[%add3A_528, %add3A_789] : memref<256x128xf32, #tpu.memory_space<vmem>>[vector<16xi32>, vector<16xi32>], vector<16xf32>,
        %add3A_791 = arith.constant 27 : i32
        %add3A_792 = vector.broadcast %add3A_791 : i32 to vector<16xi32>
        %add3A_793 = arith.addi %select_n3A_540, %add3A_792 : vector<16xi32>
        %gather3A_794 = tpu.vector_load_idx %arg12[%add3A_528, %add3A_793] : memref<256x128xf32, #tpu.memory_space<vmem>>[vector<16xi32>, vector<16xi32>], vector<16xf32>,
        %mul3A_795 = arith.constant 16 : i32
        %mul3A_796 = arith.muli %scan3A_524, %mul3A_795 : i32
        %swap3A_797 = arith.constant 24 : i32
        %swap3A_798 = arith.index_cast %swap3A_797 : i32 to index
        %swap3A_799 = arith.index_cast %mul3A_796 : i32 to index
        %swap3A_800 = tpu.vector_load %arg14[%swap3A_798, %swap3A_799] {strides = array<i32>} : memref<64x256xf32, #tpu.memory_space<vmem>>, vector<16xf32>,
        tpu.vector_store %arg14[%swap3A_798, %swap3A_799], %gather3A_782 {strides = array<i32>} : memref<64x256xf32, #tpu.memory_space<vmem>>, vector<16xf32>,
        %mul3A_801 = arith.constant 16 : i32
        %mul3A_802 = arith.muli %scan3A_524, %mul3A_801 : i32
        %swap3A_803 = arith.constant 25 : i32
        %swap3A_804 = arith.index_cast %swap3A_803 : i32 to index
        %swap3A_805 = arith.index_cast %mul3A_802 : i32 to index
        %swap3A_806 = tpu.vector_load %arg14[%swap3A_804, %swap3A_805] {strides = array<i32>} : memref<64x256xf32, #tpu.memory_space<vmem>>, vector<16xf32>,
        tpu.vector_store %arg14[%swap3A_804, %swap3A_805], %gather3A_786 {strides = array<i32>} : memref<64x256xf32, #tpu.memory_space<vmem>>, vector<16xf32>,
        %mul3A_807 = arith.constant 16 : i32
        %mul3A_808 = arith.muli %scan3A_524, %mul3A_807 : i32
        %swap3A_809 = arith.constant 26 : i32
        %swap3A_810 = arith.index_cast %swap3A_809 : i32 to index
        %swap3A_811 = arith.index_cast %mul3A_808 : i32 to index
        %swap3A_812 = tpu.vector_load %arg14[%swap3A_810, %swap3A_811] {strides = array<i32>} : memref<64x256xf32, #tpu.memory_space<vmem>>, vector<16xf32>,
        tpu.vector_store %arg14[%swap3A_810, %swap3A_811], %gather3A_790 {strides = array<i32>} : memref<64x256xf32, #tpu.memory_space<vmem>>, vector<16xf32>,
        %mul3A_813 = arith.constant 16 : i32
        %mul3A_814 = arith.muli %scan3A_524, %mul3A_813 : i32
        %swap3A_815 = arith.constant 27 : i32
        %swap3A_816 = arith.index_cast %swap3A_815 : i32 to index
        %swap3A_817 = arith.index_cast %mul3A_814 : i32 to index
        %swap3A_818 = tpu.vector_load %arg14[%swap3A_816, %swap3A_817] {strides = array<i32>} : memref<64x256xf32, #tpu.memory_space<vmem>>, vector<16xf32>,
        tpu.vector_store %arg14[%swap3A_816, %swap3A_817], %gather3A_794 {strides = array<i32>} : memref<64x256xf32, #tpu.memory_space<vmem>>, vector<16xf32>,
        %add3A_819 = arith.constant 28 : i32
        %add3A_820 = vector.broadcast %add3A_819 : i32 to vector<16xi32>
        %add3A_821 = arith.addi %select_n3A_540, %add3A_820 : vector<16xi32>
        %gather3A_822 = tpu.vector_load_idx %arg12[%add3A_528, %add3A_821] : memref<256x128xf32, #tpu.memory_space<vmem>>[vector<16xi32>, vector<16xi32>], vector<16xf32>,
        %add3A_823 = arith.constant 29 : i32
        %add3A_824 = vector.broadcast %add3A_823 : i32 to vector<16xi32>
        %add3A_825 = arith.addi %select_n3A_540, %add3A_824 : vector<16xi32>
        %gather3A_826 = tpu.vector_load_idx %arg12[%add3A_528, %add3A_825] : memref<256x128xf32, #tpu.memory_space<vmem>>[vector<16xi32>, vector<16xi32>], vector<16xf32>,
        %add3A_827 = arith.constant 30 : i32
        %add3A_828 = vector.broadcast %add3A_827 : i32 to vector<16xi32>
        %add3A_829 = arith.addi %select_n3A_540, %add3A_828 : vector<16xi32>
        %gather3A_830 = tpu.vector_load_idx %arg12[%add3A_528, %add3A_829] : memref<256x128xf32, #tpu.memory_space<vmem>>[vector<16xi32>, vector<16xi32>], vector<16xf32>,
        %add3A_831 = arith.constant 31 : i32
        %add3A_832 = vector.broadcast %add3A_831 : i32 to vector<16xi32>
        %add3A_833 = arith.addi %select_n3A_540, %add3A_832 : vector<16xi32>
        %gather3A_834 = tpu.vector_load_idx %arg12[%add3A_528, %add3A_833] : memref<256x128xf32, #tpu.memory_space<vmem>>[vector<16xi32>, vector<16xi32>], vector<16xf32>,
        %mul3A_835 = arith.constant 16 : i32
        %mul3A_836 = arith.muli %scan3A_524, %mul3A_835 : i32
        %swap3A_837 = arith.constant 28 : i32
        %swap3A_838 = arith.index_cast %swap3A_837 : i32 to index
        %swap3A_839 = arith.index_cast %mul3A_836 : i32 to index
        %swap3A_840 = tpu.vector_load %arg14[%swap3A_838, %swap3A_839] {strides = array<i32>} : memref<64x256xf32, #tpu.memory_space<vmem>>, vector<16xf32>,
        tpu.vector_store %arg14[%swap3A_838, %swap3A_839], %gather3A_822 {strides = array<i32>} : memref<64x256xf32, #tpu.memory_space<vmem>>, vector<16xf32>,
        %mul3A_841 = arith.constant 16 : i32
        %mul3A_842 = arith.muli %scan3A_524, %mul3A_841 : i32
        %swap3A_843 = arith.constant 29 : i32
        %swap3A_844 = arith.index_cast %swap3A_843 : i32 to index
        %swap3A_845 = arith.index_cast %mul3A_842 : i32 to index
        %swap3A_846 = tpu.vector_load %arg14[%swap3A_844, %swap3A_845] {strides = array<i32>} : memref<64x256xf32, #tpu.memory_space<vmem>>, vector<16xf32>,
        tpu.vector_store %arg14[%swap3A_844, %swap3A_845], %gather3A_826 {strides = array<i32>} : memref<64x256xf32, #tpu.memory_space<vmem>>, vector<16xf32>,
        %mul3A_847 = arith.constant 16 : i32
        %mul3A_848 = arith.muli %scan3A_524, %mul3A_847 : i32
        %swap3A_849 = arith.constant 30 : i32
        %swap3A_850 = arith.index_cast %swap3A_849 : i32 to index
        %swap3A_851 = arith.index_cast %mul3A_848 : i32 to index
        %swap3A_852 = tpu.vector_load %arg14[%swap3A_850, %swap3A_851] {strides = array<i32>} : memref<64x256xf32, #tpu.memory_space<vmem>>, vector<16xf32>,
        tpu.vector_store %arg14[%swap3A_850, %swap3A_851], %gather3A_830 {strides = array<i32>} : memref<64x256xf32, #tpu.memory_space<vmem>>, vector<16xf32>,
        %mul3A_853 = arith.constant 16 : i32
        %mul3A_854 = arith.muli %scan3A_524, %mul3A_853 : i32
        %swap3A_855 = arith.constant 31 : i32
        %swap3A_856 = arith.index_cast %swap3A_855 : i32 to index
        %swap3A_857 = arith.index_cast %mul3A_854 : i32 to index
        %swap3A_858 = tpu.vector_load %arg14[%swap3A_856, %swap3A_857] {strides = array<i32>} : memref<64x256xf32, #tpu.memory_space<vmem>>, vector<16xf32>,
        tpu.vector_store %arg14[%swap3A_856, %swap3A_857], %gather3A_834 {strides = array<i32>} : memref<64x256xf32, #tpu.memory_space<vmem>>, vector<16xf32>,
        %add3A_859 = arith.constant 32 : i32
        %add3A_860 = vector.broadcast %add3A_859 : i32 to vector<16xi32>
        %add3A_861 = arith.addi %select_n3A_540, %add3A_860 : vector<16xi32>
        %gather3A_862 = tpu.vector_load_idx %arg12[%add3A_528, %add3A_861] : memref<256x128xf32, #tpu.memory_space<vmem>>[vector<16xi32>, vector<16xi32>], vector<16xf32>,
        %add3A_863 = arith.constant 33 : i32
        %add3A_864 = vector.broadcast %add3A_863 : i32 to vector<16xi32>
        %add3A_865 = arith.addi %select_n3A_540, %add3A_864 : vector<16xi32>
        %gather3A_866 = tpu.vector_load_idx %arg12[%add3A_528, %add3A_865] : memref<256x128xf32, #tpu.memory_space<vmem>>[vector<16xi32>, vector<16xi32>], vector<16xf32>,
        %add3A_867 = arith.constant 34 : i32
        %add3A_868 = vector.broadcast %add3A_867 : i32 to vector<16xi32>
        %add3A_869 = arith.addi %select_n3A_540, %add3A_868 : vector<16xi32>
        %gather3A_870 = tpu.vector_load_idx %arg12[%add3A_528, %add3A_869] : memref<256x128xf32, #tpu.memory_space<vmem>>[vector<16xi32>, vector<16xi32>], vector<16xf32>,
        %add3A_871 = arith.constant 35 : i32
        %add3A_872 = vector.broadcast %add3A_871 : i32 to vector<16xi32>
        %add3A_873 = arith.addi %select_n3A_540, %add3A_872 : vector<16xi32>
        %gather3A_874 = tpu.vector_load_idx %arg12[%add3A_528, %add3A_873] : memref<256x128xf32, #tpu.memory_space<vmem>>[vector<16xi32>, vector<16xi32>], vector<16xf32>,
        %mul3A_875 = arith.constant 16 : i32
        %mul3A_876 = arith.muli %scan3A_524, %mul3A_875 : i32
        %swap3A_877 = arith.constant 32 : i32
        %swap3A_878 = arith.index_cast %swap3A_877 : i32 to index
        %swap3A_879 = arith.index_cast %mul3A_876 : i32 to index
        %swap3A_880 = tpu.vector_load %arg14[%swap3A_878, %swap3A_879] {strides = array<i32>} : memref<64x256xf32, #tpu.memory_space<vmem>>, vector<16xf32>,
        tpu.vector_store %arg14[%swap3A_878, %swap3A_879], %gather3A_862 {strides = array<i32>} : memref<64x256xf32, #tpu.memory_space<vmem>>, vector<16xf32>,
        %mul3A_881 = arith.constant 16 : i32
        %mul3A_882 = arith.muli %scan3A_524, %mul3A_881 : i32
        %swap3A_883 = arith.constant 33 : i32
        %swap3A_884 = arith.index_cast %swap3A_883 : i32 to index
        %swap3A_885 = arith.index_cast %mul3A_882 : i32 to index
        %swap3A_886 = tpu.vector_load %arg14[%swap3A_884, %swap3A_885] {strides = array<i32>} : memref<64x256xf32, #tpu.memory_space<vmem>>, vector<16xf32>,
        tpu.vector_store %arg14[%swap3A_884, %swap3A_885], %gather3A_866 {strides = array<i32>} : memref<64x256xf32, #tpu.memory_space<vmem>>, vector<16xf32>,
        %mul3A_887 = arith.constant 16 : i32
        %mul3A_888 = arith.muli %scan3A_524, %mul3A_887 : i32
        %swap3A_889 = arith.constant 34 : i32
        %swap3A_890 = arith.index_cast %swap3A_889 : i32 to index
        %swap3A_891 = arith.index_cast %mul3A_888 : i32 to index
        %swap3A_892 = tpu.vector_load %arg14[%swap3A_890, %swap3A_891] {strides = array<i32>} : memref<64x256xf32, #tpu.memory_space<vmem>>, vector<16xf32>,
        tpu.vector_store %arg14[%swap3A_890, %swap3A_891], %gather3A_870 {strides = array<i32>} : memref<64x256xf32, #tpu.memory_space<vmem>>, vector<16xf32>,
        %mul3A_893 = arith.constant 16 : i32
        %mul3A_894 = arith.muli %scan3A_524, %mul3A_893 : i32
        %swap3A_895 = arith.constant 35 : i32
        %swap3A_896 = arith.index_cast %swap3A_895 : i32 to index
        %swap3A_897 = arith.index_cast %mul3A_894 : i32 to index
        %swap3A_898 = tpu.vector_load %arg14[%swap3A_896, %swap3A_897] {strides = array<i32>} : memref<64x256xf32, #tpu.memory_space<vmem>>, vector<16xf32>,
        tpu.vector_store %arg14[%swap3A_896, %swap3A_897], %gather3A_874 {strides = array<i32>} : memref<64x256xf32, #tpu.memory_space<vmem>>, vector<16xf32>,
        %add3A_899 = arith.constant 36 : i32
        %add3A_900 = vector.broadcast %add3A_899 : i32 to vector<16xi32>
        %add3A_901 = arith.addi %select_n3A_540, %add3A_900 : vector<16xi32>
        %gather3A_902 = tpu.vector_load_idx %arg12[%add3A_528, %add3A_901] : memref<256x128xf32, #tpu.memory_space<vmem>>[vector<16xi32>, vector<16xi32>], vector<16xf32>,
        %add3A_903 = arith.constant 37 : i32
        %add3A_904 = vector.broadcast %add3A_903 : i32 to vector<16xi32>
        %add3A_905 = arith.addi %select_n3A_540, %add3A_904 : vector<16xi32>
        %gather3A_906 = tpu.vector_load_idx %arg12[%add3A_528, %add3A_905] : memref<256x128xf32, #tpu.memory_space<vmem>>[vector<16xi32>, vector<16xi32>], vector<16xf32>,
        %add3A_907 = arith.constant 38 : i32
        %add3A_908 = vector.broadcast %add3A_907 : i32 to vector<16xi32>
        %add3A_909 = arith.addi %select_n3A_540, %add3A_908 : vector<16xi32>
        %gather3A_910 = tpu.vector_load_idx %arg12[%add3A_528, %add3A_909] : memref<256x128xf32, #tpu.memory_space<vmem>>[vector<16xi32>, vector<16xi32>], vector<16xf32>,
        %add3A_911 = arith.constant 39 : i32
        %add3A_912 = vector.broadcast %add3A_911 : i32 to vector<16xi32>
        %add3A_913 = arith.addi %select_n3A_540, %add3A_912 : vector<16xi32>
        %gather3A_914 = tpu.vector_load_idx %arg12[%add3A_528, %add3A_913] : memref<256x128xf32, #tpu.memory_space<vmem>>[vector<16xi32>, vector<16xi32>], vector<16xf32>,
        %mul3A_915 = arith.constant 16 : i32
        %mul3A_916 = arith.muli %scan3A_524, %mul3A_915 : i32
        %swap3A_917 = arith.constant 36 : i32
        %swap3A_918 = arith.index_cast %swap3A_917 : i32 to index
        %swap3A_919 = arith.index_cast %mul3A_916 : i32 to index
        %swap3A_920 = tpu.vector_load %arg14[%swap3A_918, %swap3A_919] {strides = array<i32>} : memref<64x256xf32, #tpu.memory_space<vmem>>, vector<16xf32>,
        tpu.vector_store %arg14[%swap3A_918, %swap3A_919], %gather3A_902 {strides = array<i32>} : memref<64x256xf32, #tpu.memory_space<vmem>>, vector<16xf32>,
        %mul3A_921 = arith.constant 16 : i32
        %mul3A_922 = arith.muli %scan3A_524, %mul3A_921 : i32
        %swap3A_923 = arith.constant 37 : i32
        %swap3A_924 = arith.index_cast %swap3A_923 : i32 to index
        %swap3A_925 = arith.index_cast %mul3A_922 : i32 to index
        %swap3A_926 = tpu.vector_load %arg14[%swap3A_924, %swap3A_925] {strides = array<i32>} : memref<64x256xf32, #tpu.memory_space<vmem>>, vector<16xf32>,
        tpu.vector_store %arg14[%swap3A_924, %swap3A_925], %gather3A_906 {strides = array<i32>} : memref<64x256xf32, #tpu.memory_space<vmem>>, vector<16xf32>,
        %mul3A_927 = arith.constant 16 : i32
        %mul3A_928 = arith.muli %scan3A_524, %mul3A_927 : i32
        %swap3A_929 = arith.constant 38 : i32
        %swap3A_930 = arith.index_cast %swap3A_929 : i32 to index
        %swap3A_931 = arith.index_cast %mul3A_928 : i32 to index
        %swap3A_932 = tpu.vector_load %arg14[%swap3A_930, %swap3A_931] {strides = array<i32>} : memref<64x256xf32, #tpu.memory_space<vmem>>, vector<16xf32>,
        tpu.vector_store %arg14[%swap3A_930, %swap3A_931], %gather3A_910 {strides = array<i32>} : memref<64x256xf32, #tpu.memory_space<vmem>>, vector<16xf32>,
        %mul3A_933 = arith.constant 16 : i32
        %mul3A_934 = arith.muli %scan3A_524, %mul3A_933 : i32
        %swap3A_935 = arith.constant 39 : i32
        %swap3A_936 = arith.index_cast %swap3A_935 : i32 to index
        %swap3A_937 = arith.index_cast %mul3A_934 : i32 to index
        %swap3A_938 = tpu.vector_load %arg14[%swap3A_936, %swap3A_937] {strides = array<i32>} : memref<64x256xf32, #tpu.memory_space<vmem>>, vector<16xf32>,
        tpu.vector_store %arg14[%swap3A_936, %swap3A_937], %gather3A_914 {strides = array<i32>} : memref<64x256xf32, #tpu.memory_space<vmem>>, vector<16xf32>,
        %add3A_939 = arith.constant 40 : i32
        %add3A_940 = vector.broadcast %add3A_939 : i32 to vector<16xi32>
        %add3A_941 = arith.addi %select_n3A_540, %add3A_940 : vector<16xi32>
        %gather3A_942 = tpu.vector_load_idx %arg12[%add3A_528, %add3A_941] : memref<256x128xf32, #tpu.memory_space<vmem>>[vector<16xi32>, vector<16xi32>], vector<16xf32>,
        %add3A_943 = arith.constant 41 : i32
        %add3A_944 = vector.broadcast %add3A_943 : i32 to vector<16xi32>
        %add3A_945 = arith.addi %select_n3A_540, %add3A_944 : vector<16xi32>
        %gather3A_946 = tpu.vector_load_idx %arg12[%add3A_528, %add3A_945] : memref<256x128xf32, #tpu.memory_space<vmem>>[vector<16xi32>, vector<16xi32>], vector<16xf32>,
        %add3A_947 = arith.constant 42 : i32
        %add3A_948 = vector.broadcast %add3A_947 : i32 to vector<16xi32>
        %add3A_949 = arith.addi %select_n3A_540, %add3A_948 : vector<16xi32>
        %gather3A_950 = tpu.vector_load_idx %arg12[%add3A_528, %add3A_949] : memref<256x128xf32, #tpu.memory_space<vmem>>[vector<16xi32>, vector<16xi32>], vector<16xf32>,
        %add3A_951 = arith.constant 43 : i32
        %add3A_952 = vector.broadcast %add3A_951 : i32 to vector<16xi32>
        %add3A_953 = arith.addi %select_n3A_540, %add3A_952 : vector<16xi32>
        %gather3A_954 = tpu.vector_load_idx %arg12[%add3A_528, %add3A_953] : memref<256x128xf32, #tpu.memory_space<vmem>>[vector<16xi32>, vector<16xi32>], vector<16xf32>,
        %mul3A_955 = arith.constant 16 : i32
        %mul3A_956 = arith.muli %scan3A_524, %mul3A_955 : i32
        %swap3A_957 = arith.constant 40 : i32
        %swap3A_958 = arith.index_cast %swap3A_957 : i32 to index
        %swap3A_959 = arith.index_cast %mul3A_956 : i32 to index
        %swap3A_960 = tpu.vector_load %arg14[%swap3A_958, %swap3A_959] {strides = array<i32>} : memref<64x256xf32, #tpu.memory_space<vmem>>, vector<16xf32>,
        tpu.vector_store %arg14[%swap3A_958, %swap3A_959], %gather3A_942 {strides = array<i32>} : memref<64x256xf32, #tpu.memory_space<vmem>>, vector<16xf32>,
        %mul3A_961 = arith.constant 16 : i32
        %mul3A_962 = arith.muli %scan3A_524, %mul3A_961 : i32
        %swap3A_963 = arith.constant 41 : i32
        %swap3A_964 = arith.index_cast %swap3A_963 : i32 to index
        %swap3A_965 = arith.index_cast %mul3A_962 : i32 to index
        %swap3A_966 = tpu.vector_load %arg14[%swap3A_964, %swap3A_965] {strides = array<i32>} : memref<64x256xf32, #tpu.memory_space<vmem>>, vector<16xf32>,
        tpu.vector_store %arg14[%swap3A_964, %swap3A_965], %gather3A_946 {strides = array<i32>} : memref<64x256xf32, #tpu.memory_space<vmem>>, vector<16xf32>,
        %mul3A_967 = arith.constant 16 : i32
        %mul3A_968 = arith.muli %scan3A_524, %mul3A_967 : i32
        %swap3A_969 = arith.constant 42 : i32
        %swap3A_970 = arith.index_cast %swap3A_969 : i32 to index
        %swap3A_971 = arith.index_cast %mul3A_968 : i32 to index
        %swap3A_972 = tpu.vector_load %arg14[%swap3A_970, %swap3A_971] {strides = array<i32>} : memref<64x256xf32, #tpu.memory_space<vmem>>, vector<16xf32>,
        tpu.vector_store %arg14[%swap3A_970, %swap3A_971], %gather3A_950 {strides = array<i32>} : memref<64x256xf32, #tpu.memory_space<vmem>>, vector<16xf32>,
        %mul3A_973 = arith.constant 16 : i32
        %mul3A_974 = arith.muli %scan3A_524, %mul3A_973 : i32
        %swap3A_975 = arith.constant 43 : i32
        %swap3A_976 = arith.index_cast %swap3A_975 : i32 to index
        %swap3A_977 = arith.index_cast %mul3A_974 : i32 to index
        %swap3A_978 = tpu.vector_load %arg14[%swap3A_976, %swap3A_977] {strides = array<i32>} : memref<64x256xf32, #tpu.memory_space<vmem>>, vector<16xf32>,
        tpu.vector_store %arg14[%swap3A_976, %swap3A_977], %gather3A_954 {strides = array<i32>} : memref<64x256xf32, #tpu.memory_space<vmem>>, vector<16xf32>,
        %add3A_979 = arith.constant 44 : i32
        %add3A_980 = vector.broadcast %add3A_979 : i32 to vector<16xi32>
        %add3A_981 = arith.addi %select_n3A_540, %add3A_980 : vector<16xi32>
        %gather3A_982 = tpu.vector_load_idx %arg12[%add3A_528, %add3A_981] : memref<256x128xf32, #tpu.memory_space<vmem>>[vector<16xi32>, vector<16xi32>], vector<16xf32>,
        %add3A_983 = arith.constant 45 : i32
        %add3A_984 = vector.broadcast %add3A_983 : i32 to vector<16xi32>
        %add3A_985 = arith.addi %select_n3A_540, %add3A_984 : vector<16xi32>
        %gather3A_986 = tpu.vector_load_idx %arg12[%add3A_528, %add3A_985] : memref<256x128xf32, #tpu.memory_space<vmem>>[vector<16xi32>, vector<16xi32>], vector<16xf32>,
        %add3A_987 = arith.constant 46 : i32
        %add3A_988 = vector.broadcast %add3A_987 : i32 to vector<16xi32>
        %add3A_989 = arith.addi %select_n3A_540, %add3A_988 : vector<16xi32>
        %gather3A_990 = tpu.vector_load_idx %arg12[%add3A_528, %add3A_989] : memref<256x128xf32, #tpu.memory_space<vmem>>[vector<16xi32>, vector<16xi32>], vector<16xf32>,
        %add3A_991 = arith.constant 47 : i32
        %add3A_992 = vector.broadcast %add3A_991 : i32 to vector<16xi32>
        %add3A_993 = arith.addi %select_n3A_540, %add3A_992 : vector<16xi32>
        %gather3A_994 = tpu.vector_load_idx %arg12[%add3A_528, %add3A_993] : memref<256x128xf32, #tpu.memory_space<vmem>>[vector<16xi32>, vector<16xi32>], vector<16xf32>,
        %mul3A_995 = arith.constant 16 : i32
        %mul3A_996 = arith.muli %scan3A_524, %mul3A_995 : i32
        %swap3A_997 = arith.constant 44 : i32
        %swap3A_998 = arith.index_cast %swap3A_997 : i32 to index
        %swap3A_999 = arith.index_cast %mul3A_996 : i32 to index
        %swap3A_1000 = tpu.vector_load %arg14[%swap3A_998, %swap3A_999] {strides = array<i32>} : memref<64x256xf32, #tpu.memory_space<vmem>>, vector<16xf32>,
        tpu.vector_store %arg14[%swap3A_998, %swap3A_999], %gather3A_982 {strides = array<i32>} : memref<64x256xf32, #tpu.memory_space<vmem>>, vector<16xf32>,
        %mul3A_1001 = arith.constant 16 : i32
        %mul3A_1002 = arith.muli %scan3A_524, %mul3A_1001 : i32
        %swap3A_1003 = arith.constant 45 : i32
        %swap3A_1004 = arith.index_cast %swap3A_1003 : i32 to index
        %swap3A_1005 = arith.index_cast %mul3A_1002 : i32 to index
        %swap3A_1006 = tpu.vector_load %arg14[%swap3A_1004, %swap3A_1005] {strides = array<i32>} : memref<64x256xf32, #tpu.memory_space<vmem>>, vector<16xf32>,
        tpu.vector_store %arg14[%swap3A_1004, %swap3A_1005], %gather3A_986 {strides = array<i32>} : memref<64x256xf32, #tpu.memory_space<vmem>>, vector<16xf32>,
        %mul3A_1007 = arith.constant 16 : i32
        %mul3A_1008 = arith.muli %scan3A_524, %mul3A_1007 : i32
        %swap3A_1009 = arith.constant 46 : i32
        %swap3A_1010 = arith.index_cast %swap3A_1009 : i32 to index
        %swap3A_1011 = arith.index_cast %mul3A_1008 : i32 to index
        %swap3A_1012 = tpu.vector_load %arg14[%swap3A_1010, %swap3A_1011] {strides = array<i32>} : memref<64x256xf32, #tpu.memory_space<vmem>>, vector<16xf32>,
        tpu.vector_store %arg14[%swap3A_1010, %swap3A_1011], %gather3A_990 {strides = array<i32>} : memref<64x256xf32, #tpu.memory_space<vmem>>, vector<16xf32>,
        %mul3A_1013 = arith.constant 16 : i32
        %mul3A_1014 = arith.muli %scan3A_524, %mul3A_1013 : i32
        %swap3A_1015 = arith.constant 47 : i32
        %swap3A_1016 = arith.index_cast %swap3A_1015 : i32 to index
        %swap3A_1017 = arith.index_cast %mul3A_1014 : i32 to index
        %swap3A_1018 = tpu.vector_load %arg14[%swap3A_1016, %swap3A_1017] {strides = array<i32>} : memref<64x256xf32, #tpu.memory_space<vmem>>, vector<16xf32>,
        tpu.vector_store %arg14[%swap3A_1016, %swap3A_1017], %gather3A_994 {strides = array<i32>} : memref<64x256xf32, #tpu.memory_space<vmem>>, vector<16xf32>,
        %add3A_1019 = arith.constant 48 : i32
        %add3A_1020 = vector.broadcast %add3A_1019 : i32 to vector<16xi32>
        %add3A_1021 = arith.addi %select_n3A_540, %add3A_1020 : vector<16xi32>
        %gather3A_1022 = tpu.vector_load_idx %arg12[%add3A_528, %add3A_1021] : memref<256x128xf32, #tpu.memory_space<vmem>>[vector<16xi32>, vector<16xi32>], vector<16xf32>,
        %add3A_1023 = arith.constant 49 : i32
        %add3A_1024 = vector.broadcast %add3A_1023 : i32 to vector<16xi32>
        %add3A_1025 = arith.addi %select_n3A_540, %add3A_1024 : vector<16xi32>
        %gather3A_1026 = tpu.vector_load_idx %arg12[%add3A_528, %add3A_1025] : memref<256x128xf32, #tpu.memory_space<vmem>>[vector<16xi32>, vector<16xi32>], vector<16xf32>,
        %add3A_1027 = arith.constant 50 : i32
        %add3A_1028 = vector.broadcast %add3A_1027 : i32 to vector<16xi32>
        %add3A_1029 = arith.addi %select_n3A_540, %add3A_1028 : vector<16xi32>
        %gather3A_1030 = tpu.vector_load_idx %arg12[%add3A_528, %add3A_1029] : memref<256x128xf32, #tpu.memory_space<vmem>>[vector<16xi32>, vector<16xi32>], vector<16xf32>,
        %add3A_1031 = arith.constant 51 : i32
        %add3A_1032 = vector.broadcast %add3A_1031 : i32 to vector<16xi32>
        %add3A_1033 = arith.addi %select_n3A_540, %add3A_1032 : vector<16xi32>
        %gather3A_1034 = tpu.vector_load_idx %arg12[%add3A_528, %add3A_1033] : memref<256x128xf32, #tpu.memory_space<vmem>>[vector<16xi32>, vector<16xi32>], vector<16xf32>,
        %mul3A_1035 = arith.constant 16 : i32
        %mul3A_1036 = arith.muli %scan3A_524, %mul3A_1035 : i32
        %swap3A_1037 = arith.constant 48 : i32
        %swap3A_1038 = arith.index_cast %swap3A_1037 : i32 to index
        %swap3A_1039 = arith.index_cast %mul3A_1036 : i32 to index
        %swap3A_1040 = tpu.vector_load %arg14[%swap3A_1038, %swap3A_1039] {strides = array<i32>} : memref<64x256xf32, #tpu.memory_space<vmem>>, vector<16xf32>,
        tpu.vector_store %arg14[%swap3A_1038, %swap3A_1039], %gather3A_1022 {strides = array<i32>} : memref<64x256xf32, #tpu.memory_space<vmem>>, vector<16xf32>,
        %mul3A_1041 = arith.constant 16 : i32
        %mul3A_1042 = arith.muli %scan3A_524, %mul3A_1041 : i32
        %swap3A_1043 = arith.constant 49 : i32
        %swap3A_1044 = arith.index_cast %swap3A_1043 : i32 to index
        %swap3A_1045 = arith.index_cast %mul3A_1042 : i32 to index
        %swap3A_1046 = tpu.vector_load %arg14[%swap3A_1044, %swap3A_1045] {strides = array<i32>} : memref<64x256xf32, #tpu.memory_space<vmem>>, vector<16xf32>,
        tpu.vector_store %arg14[%swap3A_1044, %swap3A_1045], %gather3A_1026 {strides = array<i32>} : memref<64x256xf32, #tpu.memory_space<vmem>>, vector<16xf32>,
        %mul3A_1047 = arith.constant 16 : i32
        %mul3A_1048 = arith.muli %scan3A_524, %mul3A_1047 : i32
        %swap3A_1049 = arith.constant 50 : i32
        %swap3A_1050 = arith.index_cast %swap3A_1049 : i32 to index
        %swap3A_1051 = arith.index_cast %mul3A_1048 : i32 to index
        %swap3A_1052 = tpu.vector_load %arg14[%swap3A_1050, %swap3A_1051] {strides = array<i32>} : memref<64x256xf32, #tpu.memory_space<vmem>>, vector<16xf32>,
        tpu.vector_store %arg14[%swap3A_1050, %swap3A_1051], %gather3A_1030 {strides = array<i32>} : memref<64x256xf32, #tpu.memory_space<vmem>>, vector<16xf32>,
        %mul3A_1053 = arith.constant 16 : i32
        %mul3A_1054 = arith.muli %scan3A_524, %mul3A_1053 : i32
        %swap3A_1055 = arith.constant 51 : i32
        %swap3A_1056 = arith.index_cast %swap3A_1055 : i32 to index
        %swap3A_1057 = arith.index_cast %mul3A_1054 : i32 to index
        %swap3A_1058 = tpu.vector_load %arg14[%swap3A_1056, %swap3A_1057] {strides = array<i32>} : memref<64x256xf32, #tpu.memory_space<vmem>>, vector<16xf32>,
        tpu.vector_store %arg14[%swap3A_1056, %swap3A_1057], %gather3A_1034 {strides = array<i32>} : memref<64x256xf32, #tpu.memory_space<vmem>>, vector<16xf32>,
        %add3A_1059 = arith.constant 52 : i32
        %add3A_1060 = vector.broadcast %add3A_1059 : i32 to vector<16xi32>
        %add3A_1061 = arith.addi %select_n3A_540, %add3A_1060 : vector<16xi32>
        %gather3A_1062 = tpu.vector_load_idx %arg12[%add3A_528, %add3A_1061] : memref<256x128xf32, #tpu.memory_space<vmem>>[vector<16xi32>, vector<16xi32>], vector<16xf32>,
        %add3A_1063 = arith.constant 53 : i32
        %add3A_1064 = vector.broadcast %add3A_1063 : i32 to vector<16xi32>
        %add3A_1065 = arith.addi %select_n3A_540, %add3A_1064 : vector<16xi32>
        %gather3A_1066 = tpu.vector_load_idx %arg12[%add3A_528, %add3A_1065] : memref<256x128xf32, #tpu.memory_space<vmem>>[vector<16xi32>, vector<16xi32>], vector<16xf32>,
        %add3A_1067 = arith.constant 54 : i32
        %add3A_1068 = vector.broadcast %add3A_1067 : i32 to vector<16xi32>
        %add3A_1069 = arith.addi %select_n3A_540, %add3A_1068 : vector<16xi32>
        %gather3A_1070 = tpu.vector_load_idx %arg12[%add3A_528, %add3A_1069] : memref<256x128xf32, #tpu.memory_space<vmem>>[vector<16xi32>, vector<16xi32>], vector<16xf32>,
        %add3A_1071 = arith.constant 55 : i32
        %add3A_1072 = vector.broadcast %add3A_1071 : i32 to vector<16xi32>
        %add3A_1073 = arith.addi %select_n3A_540, %add3A_1072 : vector<16xi32>
        %gather3A_1074 = tpu.vector_load_idx %arg12[%add3A_528, %add3A_1073] : memref<256x128xf32, #tpu.memory_space<vmem>>[vector<16xi32>, vector<16xi32>], vector<16xf32>,
        %mul3A_1075 = arith.constant 16 : i32
        %mul3A_1076 = arith.muli %scan3A_524, %mul3A_1075 : i32
        %swap3A_1077 = arith.constant 52 : i32
        %swap3A_1078 = arith.index_cast %swap3A_1077 : i32 to index
        %swap3A_1079 = arith.index_cast %mul3A_1076 : i32 to index
        %swap3A_1080 = tpu.vector_load %arg14[%swap3A_1078, %swap3A_1079] {strides = array<i32>} : memref<64x256xf32, #tpu.memory_space<vmem>>, vector<16xf32>,
        tpu.vector_store %arg14[%swap3A_1078, %swap3A_1079], %gather3A_1062 {strides = array<i32>} : memref<64x256xf32, #tpu.memory_space<vmem>>, vector<16xf32>,
        %mul3A_1081 = arith.constant 16 : i32
        %mul3A_1082 = arith.muli %scan3A_524, %mul3A_1081 : i32
        %swap3A_1083 = arith.constant 53 : i32
        %swap3A_1084 = arith.index_cast %swap3A_1083 : i32 to index
        %swap3A_1085 = arith.index_cast %mul3A_1082 : i32 to index
        %swap3A_1086 = tpu.vector_load %arg14[%swap3A_1084, %swap3A_1085] {strides = array<i32>} : memref<64x256xf32, #tpu.memory_space<vmem>>, vector<16xf32>,
        tpu.vector_store %arg14[%swap3A_1084, %swap3A_1085], %gather3A_1066 {strides = array<i32>} : memref<64x256xf32, #tpu.memory_space<vmem>>, vector<16xf32>,
        %mul3A_1087 = arith.constant 16 : i32
        %mul3A_1088 = arith.muli %scan3A_524, %mul3A_1087 : i32
        %swap3A_1089 = arith.constant 54 : i32
        %swap3A_1090 = arith.index_cast %swap3A_1089 : i32 to index
        %swap3A_1091 = arith.index_cast %mul3A_1088 : i32 to index
        %swap3A_1092 = tpu.vector_load %arg14[%swap3A_1090, %swap3A_1091] {strides = array<i32>} : memref<64x256xf32, #tpu.memory_space<vmem>>, vector<16xf32>,
        tpu.vector_store %arg14[%swap3A_1090, %swap3A_1091], %gather3A_1070 {strides = array<i32>} : memref<64x256xf32, #tpu.memory_space<vmem>>, vector<16xf32>,
        %mul3A_1093 = arith.constant 16 : i32
        %mul3A_1094 = arith.muli %scan3A_524, %mul3A_1093 : i32
        %swap3A_1095 = arith.constant 55 : i32
        %swap3A_1096 = arith.index_cast %swap3A_1095 : i32 to index
        %swap3A_1097 = arith.index_cast %mul3A_1094 : i32 to index
        %swap3A_1098 = tpu.vector_load %arg14[%swap3A_1096, %swap3A_1097] {strides = array<i32>} : memref<64x256xf32, #tpu.memory_space<vmem>>, vector<16xf32>,
        tpu.vector_store %arg14[%swap3A_1096, %swap3A_1097], %gather3A_1074 {strides = array<i32>} : memref<64x256xf32, #tpu.memory_space<vmem>>, vector<16xf32>,
        %add3A_1099 = arith.constant 56 : i32
        %add3A_1100 = vector.broadcast %add3A_1099 : i32 to vector<16xi32>
        %add3A_1101 = arith.addi %select_n3A_540, %add3A_1100 : vector<16xi32>
        %gather3A_1102 = tpu.vector_load_idx %arg12[%add3A_528, %add3A_1101] : memref<256x128xf32, #tpu.memory_space<vmem>>[vector<16xi32>, vector<16xi32>], vector<16xf32>,
        %add3A_1103 = arith.constant 57 : i32
        %add3A_1104 = vector.broadcast %add3A_1103 : i32 to vector<16xi32>
        %add3A_1105 = arith.addi %select_n3A_540, %add3A_1104 : vector<16xi32>
        %gather3A_1106 = tpu.vector_load_idx %arg12[%add3A_528, %add3A_1105] : memref<256x128xf32, #tpu.memory_space<vmem>>[vector<16xi32>, vector<16xi32>], vector<16xf32>,
        %add3A_1107 = arith.constant 58 : i32
        %add3A_1108 = vector.broadcast %add3A_1107 : i32 to vector<16xi32>
        %add3A_1109 = arith.addi %select_n3A_540, %add3A_1108 : vector<16xi32>
        %gather3A_1110 = tpu.vector_load_idx %arg12[%add3A_528, %add3A_1109] : memref<256x128xf32, #tpu.memory_space<vmem>>[vector<16xi32>, vector<16xi32>], vector<16xf32>,
        %add3A_1111 = arith.constant 59 : i32
        %add3A_1112 = vector.broadcast %add3A_1111 : i32 to vector<16xi32>
        %add3A_1113 = arith.addi %select_n3A_540, %add3A_1112 : vector<16xi32>
        %gather3A_1114 = tpu.vector_load_idx %arg12[%add3A_528, %add3A_1113] : memref<256x128xf32, #tpu.memory_space<vmem>>[vector<16xi32>, vector<16xi32>], vector<16xf32>,
        %mul3A_1115 = arith.constant 16 : i32
        %mul3A_1116 = arith.muli %scan3A_524, %mul3A_1115 : i32
        %swap3A_1117 = arith.constant 56 : i32
        %swap3A_1118 = arith.index_cast %swap3A_1117 : i32 to index
        %swap3A_1119 = arith.index_cast %mul3A_1116 : i32 to index
        %swap3A_1120 = tpu.vector_load %arg14[%swap3A_1118, %swap3A_1119] {strides = array<i32>} : memref<64x256xf32, #tpu.memory_space<vmem>>, vector<16xf32>,
        tpu.vector_store %arg14[%swap3A_1118, %swap3A_1119], %gather3A_1102 {strides = array<i32>} : memref<64x256xf32, #tpu.memory_space<vmem>>, vector<16xf32>,
        %mul3A_1121 = arith.constant 16 : i32
        %mul3A_1122 = arith.muli %scan3A_524, %mul3A_1121 : i32
        %swap3A_1123 = arith.constant 57 : i32
        %swap3A_1124 = arith.index_cast %swap3A_1123 : i32 to index
        %swap3A_1125 = arith.index_cast %mul3A_1122 : i32 to index
        %swap3A_1126 = tpu.vector_load %arg14[%swap3A_1124, %swap3A_1125] {strides = array<i32>} : memref<64x256xf32, #tpu.memory_space<vmem>>, vector<16xf32>,
        tpu.vector_store %arg14[%swap3A_1124, %swap3A_1125], %gather3A_1106 {strides = array<i32>} : memref<64x256xf32, #tpu.memory_space<vmem>>, vector<16xf32>,
        %mul3A_1127 = arith.constant 16 : i32
        %mul3A_1128 = arith.muli %scan3A_524, %mul3A_1127 : i32
        %swap3A_1129 = arith.constant 58 : i32
        %swap3A_1130 = arith.index_cast %swap3A_1129 : i32 to index
        %swap3A_1131 = arith.index_cast %mul3A_1128 : i32 to index
        %swap3A_1132 = tpu.vector_load %arg14[%swap3A_1130, %swap3A_1131] {strides = array<i32>} : memref<64x256xf32, #tpu.memory_space<vmem>>, vector<16xf32>,
        tpu.vector_store %arg14[%swap3A_1130, %swap3A_1131], %gather3A_1110 {strides = array<i32>} : memref<64x256xf32, #tpu.memory_space<vmem>>, vector<16xf32>,
        %mul3A_1133 = arith.constant 16 : i32
        %mul3A_1134 = arith.muli %scan3A_524, %mul3A_1133 : i32
        %swap3A_1135 = arith.constant 59 : i32
        %swap3A_1136 = arith.index_cast %swap3A_1135 : i32 to index
        %swap3A_1137 = arith.index_cast %mul3A_1134 : i32 to index
        %swap3A_1138 = tpu.vector_load %arg14[%swap3A_1136, %swap3A_1137] {strides = array<i32>} : memref<64x256xf32, #tpu.memory_space<vmem>>, vector<16xf32>,
        tpu.vector_store %arg14[%swap3A_1136, %swap3A_1137], %gather3A_1114 {strides = array<i32>} : memref<64x256xf32, #tpu.memory_space<vmem>>, vector<16xf32>,
        %add3A_1139 = arith.constant 60 : i32
        %add3A_1140 = vector.broadcast %add3A_1139 : i32 to vector<16xi32>
        %add3A_1141 = arith.addi %select_n3A_540, %add3A_1140 : vector<16xi32>
        %gather3A_1142 = tpu.vector_load_idx %arg12[%add3A_528, %add3A_1141] : memref<256x128xf32, #tpu.memory_space<vmem>>[vector<16xi32>, vector<16xi32>], vector<16xf32>,
        %add3A_1143 = arith.constant 61 : i32
        %add3A_1144 = vector.broadcast %add3A_1143 : i32 to vector<16xi32>
        %add3A_1145 = arith.addi %select_n3A_540, %add3A_1144 : vector<16xi32>
        %gather3A_1146 = tpu.vector_load_idx %arg12[%add3A_528, %add3A_1145] : memref<256x128xf32, #tpu.memory_space<vmem>>[vector<16xi32>, vector<16xi32>], vector<16xf32>,
        %add3A_1147 = arith.constant 62 : i32
        %add3A_1148 = vector.broadcast %add3A_1147 : i32 to vector<16xi32>
        %add3A_1149 = arith.addi %select_n3A_540, %add3A_1148 : vector<16xi32>
        %gather3A_1150 = tpu.vector_load_idx %arg12[%add3A_528, %add3A_1149] : memref<256x128xf32, #tpu.memory_space<vmem>>[vector<16xi32>, vector<16xi32>], vector<16xf32>,
        %add3A_1151 = arith.constant 63 : i32
        %add3A_1152 = vector.broadcast %add3A_1151 : i32 to vector<16xi32>
        %add3A_1153 = arith.addi %select_n3A_540, %add3A_1152 : vector<16xi32>
        %gather3A_1154 = tpu.vector_load_idx %arg12[%add3A_528, %add3A_1153] : memref<256x128xf32, #tpu.memory_space<vmem>>[vector<16xi32>, vector<16xi32>], vector<16xf32>,
        %mul3A_1155 = arith.constant 16 : i32
        %mul3A_1156 = arith.muli %scan3A_524, %mul3A_1155 : i32
        %swap3A_1157 = arith.constant 60 : i32
        %swap3A_1158 = arith.index_cast %swap3A_1157 : i32 to index
        %swap3A_1159 = arith.index_cast %mul3A_1156 : i32 to index
        %swap3A_1160 = tpu.vector_load %arg14[%swap3A_1158, %swap3A_1159] {strides = array<i32>} : memref<64x256xf32, #tpu.memory_space<vmem>>, vector<16xf32>,
        tpu.vector_store %arg14[%swap3A_1158, %swap3A_1159], %gather3A_1142 {strides = array<i32>} : memref<64x256xf32, #tpu.memory_space<vmem>>, vector<16xf32>,
        %mul3A_1161 = arith.constant 16 : i32
        %mul3A_1162 = arith.muli %scan3A_524, %mul3A_1161 : i32
        %swap3A_1163 = arith.constant 61 : i32
        %swap3A_1164 = arith.index_cast %swap3A_1163 : i32 to index
        %swap3A_1165 = arith.index_cast %mul3A_1162 : i32 to index
        %swap3A_1166 = tpu.vector_load %arg14[%swap3A_1164, %swap3A_1165] {strides = array<i32>} : memref<64x256xf32, #tpu.memory_space<vmem>>, vector<16xf32>,
        tpu.vector_store %arg14[%swap3A_1164, %swap3A_1165], %gather3A_1146 {strides = array<i32>} : memref<64x256xf32, #tpu.memory_space<vmem>>, vector<16xf32>,
        %mul3A_1167 = arith.constant 16 : i32
        %mul3A_1168 = arith.muli %scan3A_524, %mul3A_1167 : i32
        %swap3A_1169 = arith.constant 62 : i32
        %swap3A_1170 = arith.index_cast %swap3A_1169 : i32 to index
        %swap3A_1171 = arith.index_cast %mul3A_1168 : i32 to index
        %swap3A_1172 = tpu.vector_load %arg14[%swap3A_1170, %swap3A_1171] {strides = array<i32>} : memref<64x256xf32, #tpu.memory_space<vmem>>, vector<16xf32>,
        tpu.vector_store %arg14[%swap3A_1170, %swap3A_1171], %gather3A_1150 {strides = array<i32>} : memref<64x256xf32, #tpu.memory_space<vmem>>, vector<16xf32>,
        %mul3A_1173 = arith.constant 16 : i32
        %mul3A_1174 = arith.muli %scan3A_524, %mul3A_1173 : i32
        %swap3A_1175 = arith.constant 63 : i32
        %swap3A_1176 = arith.index_cast %swap3A_1175 : i32 to index
        %swap3A_1177 = arith.index_cast %mul3A_1174 : i32 to index
        %swap3A_1178 = tpu.vector_load %arg14[%swap3A_1176, %swap3A_1177] {strides = array<i32>} : memref<64x256xf32, #tpu.memory_space<vmem>>, vector<16xf32>,
        tpu.vector_store %arg14[%swap3A_1176, %swap3A_1177], %gather3A_1154 {strides = array<i32>} : memref<64x256xf32, #tpu.memory_space<vmem>>, vector<16xf32>,
      }
      %scan3A_474 = arith.constant 16 : i32
      %add3A_475 = arith.addi %mul3A_2, %add3A_458 : i32
      %jit3A_476 = arith.constant 16 : i32
      %div3A_477 = arith.divsi %add3A_475, %jit3A_476 : i32
      %sign3A_478 = arith.constant 0 : i32
      %sign3A_479 = arith.cmpi sgt, %add3A_475, %sign3A_478 : i32
      %sign3A_480 = arith.extui %sign3A_479 : i1 to i32
      %sign3A_481 = arith.constant 0 : i32
      %sign3A_482 = arith.cmpi slt, %add3A_475, %sign3A_481 : i32
      %sign3A_483 = arith.extui %sign3A_482 : i1 to i32
      %sign3A_484 = arith.subi %sign3A_480, %sign3A_483 : i32
      %sign3A_485 = arith.constant 0 : i32
      %sign3A_486 = arith.cmpi sgt, %jit3A_476, %sign3A_485 : i32
      %sign3A_487 = arith.extui %sign3A_486 : i1 to i32
      %sign3A_488 = arith.constant 0 : i32
      %sign3A_489 = arith.cmpi slt, %jit3A_476, %sign3A_488 : i32
      %sign3A_490 = arith.extui %sign3A_489 : i1 to i32
      %sign3A_491 = arith.subi %sign3A_487, %sign3A_490 : i32
      %ne3A_492 = arith.cmpi ne, %sign3A_484, %sign3A_491 : i32
      %rem3A_493 = arith.remsi %add3A_475, %jit3A_476 : i32
      %ne3A_494 = arith.constant 0 : i32
      %ne3A_495 = arith.cmpi ne, %rem3A_493, %ne3A_494 : i32
      %and3A_496 = arith.andi %ne3A_492, %ne3A_495 : i1
      %sub3A_497 = arith.constant 1 : i32
      %sub3A_498 = arith.subi %div3A_477, %sub3A_497 : i32
      %select_n3A_499 = arith.select %and3A_496, %sub3A_498, %div3A_477 : i32
      %jit3A_500 = arith.constant 16 : i32
      %eq3A_501 = arith.constant 0 : i32
      %eq3A_502 = arith.cmpi eq, %jit3A_500, %eq3A_501 : i32
      %jit3A_503 = arith.constant 1 : i32
      %select_n3A_504 = arith.select %eq3A_502, %jit3A_503, %jit3A_500 : i32
      %rem3A_505 = arith.remsi %add3A_475, %select_n3A_504 : i32
      %ne3A_506 = arith.constant 0 : i32
      %ne3A_507 = arith.cmpi ne, %rem3A_505, %ne3A_506 : i32
      %lt3A_508 = arith.constant 0 : i32
      %lt3A_509 = arith.cmpi slt, %rem3A_505, %lt3A_508 : i32
      %lt3A_510 = arith.constant 0 : i32
      %lt3A_511 = arith.cmpi slt, %select_n3A_504, %lt3A_510 : i32
      %ne3A_512 = arith.xori %lt3A_509, %lt3A_511 : i1
      %and3A_513 = arith.andi %ne3A_512, %ne3A_507 : i1
      %add3A_514 = arith.addi %rem3A_505, %select_n3A_504 : i32
      %select_n3A_515 = arith.select %and3A_513, %add3A_514, %rem3A_505 : i32
      %mul3A_516 = arith.constant 256 : i32
      %mul3A_517 = arith.muli %select_n3A_515, %mul3A_516 : i32
      %dma_start3A_518 = arith.constant 0 : i32
      %dma_start3A_519 = tpu.memref_slice %arg4[%select_n3A_499, %dma_start3A_518, %mul3A_517] : memref<200x64x4096xf32, #tpu.memory_space<hbm>> -> memref<1x64x256xf32, #tpu.memory_space<hbm>>
      %dma_start3A_520 = tpu.memref_squeeze %dma_start3A_519 : memref<1x64x256xf32, #tpu.memory_space<hbm>> -> memref<64x256xf32, #tpu.memory_space<hbm>>
      %dma_start3A_521 = arith.constant 0 : i32
      %dma_start3A_522 = tpu.memref_slice %arg4[%select_n3A_499, %dma_start3A_521, %mul3A_517] : memref<200x64x4096xf32, #tpu.memory_space<hbm>> -> memref<1x64x256xf32, #tpu.memory_space<hbm>>
      %dma_start3A_523 = tpu.memref_squeeze %dma_start3A_522 : memref<1x64x256xf32, #tpu.memory_space<hbm>> -> memref<64x256xf32, #tpu.memory_space<hbm>>
      tpu.enqueue_dma source(%arg14 : memref<64x256xf32, #tpu.memory_space<vmem>>) target(%dma_start3A_523 : memref<64x256xf32, #tpu.memory_space<hbm>>) target_semaphore(%arg22 : memref<!tpu.dma_semaphore, #tpu.memory_space<semaphore_mem>>)
    }
    %scan3A_148 = arith.constant 25 : i32
    %add3A_149 = arith.constant 98 : i32
    %add3A_150 = arith.addi %mul3A_2, %add3A_149 : i32
    %jit3A_151 = arith.constant 16 : i32
    %div3A_152 = arith.divsi %add3A_150, %jit3A_151 : i32
    %sign3A_153 = arith.constant 0 : i32
    %sign3A_154 = arith.cmpi sgt, %add3A_150, %sign3A_153 : i32
    %sign3A_155 = arith.extui %sign3A_154 : i1 to i32
    %sign3A_156 = arith.constant 0 : i32
    %sign3A_157 = arith.cmpi slt, %add3A_150, %sign3A_156 : i32
    %sign3A_158 = arith.extui %sign3A_157 : i1 to i32
    %sign3A_159 = arith.subi %sign3A_155, %sign3A_158 : i32
    %sign3A_160 = arith.constant 0 : i32
    %sign3A_161 = arith.cmpi sgt, %jit3A_151, %sign3A_160 : i32
    %sign3A_162 = arith.extui %sign3A_161 : i1 to i32
    %sign3A_163 = arith.constant 0 : i32
    %sign3A_164 = arith.cmpi slt, %jit3A_151, %sign3A_163 : i32
    %sign3A_165 = arith.extui %sign3A_164 : i1 to i32
    %sign3A_166 = arith.subi %sign3A_162, %sign3A_165 : i32
    %ne3A_167 = arith.cmpi ne, %sign3A_159, %sign3A_166 : i32
    %rem3A_168 = arith.remsi %add3A_150, %jit3A_151 : i32
    %ne3A_169 = arith.constant 0 : i32
    %ne3A_170 = arith.cmpi ne, %rem3A_168, %ne3A_169 : i32
    %and3A_171 = arith.andi %ne3A_167, %ne3A_170 : i1
    %sub3A_172 = arith.constant 1 : i32
    %sub3A_173 = arith.subi %div3A_152, %sub3A_172 : i32
    %select_n3A_174 = arith.select %and3A_171, %sub3A_173, %div3A_152 : i32
    %jit3A_175 = arith.constant 16 : i32
    %eq3A_176 = arith.constant 0 : i32
    %eq3A_177 = arith.cmpi eq, %jit3A_175, %eq3A_176 : i32
    %jit3A_178 = arith.constant 1 : i32
    %select_n3A_179 = arith.select %eq3A_177, %jit3A_178, %jit3A_175 : i32
    %rem3A_180 = arith.remsi %add3A_150, %select_n3A_179 : i32
    %ne3A_181 = arith.constant 0 : i32
    %ne3A_182 = arith.cmpi ne, %rem3A_180, %ne3A_181 : i32
    %lt3A_183 = arith.constant 0 : i32
    %lt3A_184 = arith.cmpi slt, %rem3A_180, %lt3A_183 : i32
    %lt3A_185 = arith.constant 0 : i32
    %lt3A_186 = arith.cmpi slt, %select_n3A_179, %lt3A_185 : i32
    %ne3A_187 = arith.xori %lt3A_184, %lt3A_186 : i1
    %and3A_188 = arith.andi %ne3A_187, %ne3A_182 : i1
    %add3A_189 = arith.addi %rem3A_180, %select_n3A_179 : i32
    %select_n3A_190 = arith.select %and3A_188, %add3A_189, %rem3A_180 : i32
    %mul3A_191 = arith.constant 256 : i32
    %mul3A_192 = arith.muli %select_n3A_190, %mul3A_191 : i32
    %dma_wait3A_193 = arith.constant 0 : i32
    %dma_wait3A_194 = tpu.memref_slice %arg4[%select_n3A_174, %dma_wait3A_193, %mul3A_192] : memref<200x64x4096xf32, #tpu.memory_space<hbm>> -> memref<1x64x256xf32, #tpu.memory_space<hbm>>
    %dma_wait3A_195 = tpu.memref_squeeze %dma_wait3A_194 : memref<1x64x256xf32, #tpu.memory_space<hbm>> -> memref<64x256xf32, #tpu.memory_space<hbm>>
    %dma_wait3A_196 = arith.constant 0 : i32
    %dma_wait3A_197 = tpu.memref_slice %arg4[%select_n3A_174, %dma_wait3A_196, %mul3A_192] : memref<200x64x4096xf32, #tpu.memory_space<hbm>> -> memref<1x64x256xf32, #tpu.memory_space<hbm>>
    %dma_wait3A_198 = tpu.memref_squeeze %dma_wait3A_197 : memref<1x64x256xf32, #tpu.memory_space<hbm>> -> memref<64x256xf32, #tpu.memory_space<hbm>>
    tpu.wait_dma2 semaphore(%arg21 : memref<!tpu.dma_semaphore, #tpu.memory_space<semaphore_mem>>) src(%arg13 : memref<64x256xf32, #tpu.memory_space<vmem>>) dst(%dma_wait3A_198 : memref<64x256xf32, #tpu.memory_space<hbm>>)
    %add3A_199 = arith.constant 99 : i32
    %add3A_200 = arith.addi %mul3A_2, %add3A_199 : i32
    %jit3A_201 = arith.constant 16 : i32
    %div3A_202 = arith.divsi %add3A_200, %jit3A_201 : i32
    %sign3A_203 = arith.constant 0 : i32
    %sign3A_204 = arith.cmpi sgt, %add3A_200, %sign3A_203 : i32
    %sign3A_205 = arith.extui %sign3A_204 : i1 to i32
    %sign3A_206 = arith.constant 0 : i32
    %sign3A_207 = arith.cmpi slt, %add3A_200, %sign3A_206 : i32
    %sign3A_208 = arith.extui %sign3A_207 : i1 to i32
    %sign3A_209 = arith.subi %sign3A_205, %sign3A_208 : i32
    %sign3A_210 = arith.constant 0 : i32
    %sign3A_211 = arith.cmpi sgt, %jit3A_201, %sign3A_210 : i32
    %sign3A_212 = arith.extui %sign3A_211 : i1 to i32
    %sign3A_213 = arith.constant 0 : i32
    %sign3A_214 = arith.cmpi slt, %jit3A_201, %sign3A_213 : i32
    %sign3A_215 = arith.extui %sign3A_214 : i1 to i32
    %sign3A_216 = arith.subi %sign3A_212, %sign3A_215 : i32
    %ne3A_217 = arith.cmpi ne, %sign3A_209, %sign3A_216 : i32
    %rem3A_218 = arith.remsi %add3A_200, %jit3A_201 : i32
    %ne3A_219 = arith.constant 0 : i32
    %ne3A_220 = arith.cmpi ne, %rem3A_218, %ne3A_219 : i32
    %and3A_221 = arith.andi %ne3A_217, %ne3A_220 : i1
    %sub3A_222 = arith.constant 1 : i32
    %sub3A_223 = arith.subi %div3A_202, %sub3A_222 : i32
    %select_n3A_224 = arith.select %and3A_221, %sub3A_223, %div3A_202 : i32
    %jit3A_225 = arith.constant 16 : i32
    %eq3A_226 = arith.constant 0 : i32
    %eq3A_227 = arith.cmpi eq, %jit3A_225, %eq3A_226 : i32
    %jit3A_228 = arith.constant 1 : i32
    %select_n3A_229 = arith.select %eq3A_227, %jit3A_228, %jit3A_225 : i32
    %rem3A_230 = arith.remsi %add3A_200, %select_n3A_229 : i32
    %ne3A_231 = arith.constant 0 : i32
    %ne3A_232 = arith.cmpi ne, %rem3A_230, %ne3A_231 : i32
    %lt3A_233 = arith.constant 0 : i32
    %lt3A_234 = arith.cmpi slt, %rem3A_230, %lt3A_233 : i32
    %lt3A_235 = arith.constant 0 : i32
    %lt3A_236 = arith.cmpi slt, %select_n3A_229, %lt3A_235 : i32
    %ne3A_237 = arith.xori %lt3A_234, %lt3A_236 : i1
    %and3A_238 = arith.andi %ne3A_237, %ne3A_232 : i1
    %add3A_239 = arith.addi %rem3A_230, %select_n3A_229 : i32
    %select_n3A_240 = arith.select %and3A_238, %add3A_239, %rem3A_230 : i32
    %mul3A_241 = arith.constant 256 : i32
    %mul3A_242 = arith.muli %select_n3A_240, %mul3A_241 : i32
    %dma_wait3A_243 = arith.constant 0 : i32
    %dma_wait3A_244 = tpu.memref_slice %arg4[%select_n3A_224, %dma_wait3A_243, %mul3A_242] : memref<200x64x4096xf32, #tpu.memory_space<hbm>> -> memref<1x64x256xf32, #tpu.memory_space<hbm>>
    %dma_wait3A_245 = tpu.memref_squeeze %dma_wait3A_244 : memref<1x64x256xf32, #tpu.memory_space<hbm>> -> memref<64x256xf32, #tpu.memory_space<hbm>>
    %dma_wait3A_246 = arith.constant 0 : i32
    %dma_wait3A_247 = tpu.memref_slice %arg4[%select_n3A_224, %dma_wait3A_246, %mul3A_242] : memref<200x64x4096xf32, #tpu.memory_space<hbm>> -> memref<1x64x256xf32, #tpu.memory_space<hbm>>
    %dma_wait3A_248 = tpu.memref_squeeze %dma_wait3A_247 : memref<1x64x256xf32, #tpu.memory_space<hbm>> -> memref<64x256xf32, #tpu.memory_space<hbm>>
    tpu.wait_dma2 semaphore(%arg22 : memref<!tpu.dma_semaphore, #tpu.memory_space<semaphore_mem>>) src(%arg14 : memref<64x256xf32, #tpu.memory_space<vmem>>) dst(%dma_wait3A_248 : memref<64x256xf32, #tpu.memory_space<hbm>>)
    return
  }
}

module attributes {stable_mosaic.version = 14 : i64} {
  func.func @_pack_body(%arg0: i32, %arg1: memref<64x4096xf32, #tpu.memory_space<vmem>>, %arg2: memref<2048x128xf32, #tpu.memory_space<vmem>>) attributes {dimension_semantics = [#tpu.dimension_semantics<arbitrary>], iteration_bounds = array<i64: 245>, scalar_prefetch = 0 : i64, scratch_operands = 0 : i64, tpu.core_type = #tpu.core_type<tc>, window_params = [{transform_indices = @transform_0, window_bounds = array<i64: 64, 4096>}, {transform_indices = @transform_1, window_bounds = array<i64: 2048, 128>}]} {
    %get3A = arith.constant 0 : index
    %get3A_0 = arith.constant 0 : index
    %get3A_1 = vector.load %arg1[%get3A, %get3A_0] : memref<64x4096xf32, #tpu.memory_space<vmem>>, vector<64x2048xf32>
    %transpose3A = tpu.transpose %get3A_1, [1, 0] : vector<64x2048xf32> -> vector<2048x64xf32>
    %swap3A = arith.constant 0 : index
    %swap3A_2 = arith.constant 0 : index
    %swap3A_3 = vector.load %arg2[%swap3A, %swap3A_2] : memref<2048x128xf32, #tpu.memory_space<vmem>>, vector<2048x64xf32>
    tpu.vector_store %arg2[%swap3A, %swap3A_2], %transpose3A {strides = array<i32>} : memref<2048x128xf32, #tpu.memory_space<vmem>>, vector<2048x64xf32>,
    %get3A_4 = arith.constant 0 : index
    %get3A_5 = arith.constant 2048 : index
    %get3A_6 = vector.load %arg1[%get3A_4, %get3A_5] : memref<64x4096xf32, #tpu.memory_space<vmem>>, vector<64x2048xf32>
    %transpose3A_7 = tpu.transpose %get3A_6, [1, 0] : vector<64x2048xf32> -> vector<2048x64xf32>
    %swap3A_8 = arith.constant 0 : index
    %swap3A_9 = arith.constant 64 : index
    %swap3A_10 = vector.load %arg2[%swap3A_8, %swap3A_9] : memref<2048x128xf32, #tpu.memory_space<vmem>>, vector<2048x64xf32>
    tpu.vector_store %arg2[%swap3A_8, %swap3A_9], %transpose3A_7 {strides = array<i32>} : memref<2048x128xf32, #tpu.memory_space<vmem>>, vector<2048x64xf32>,
    return
  }
  func.func @transform_0(%arg0: i32) -> (i32, i32) {
    %c0_i32 = arith.constant 0 : i32
    %c0_i32_0 = arith.constant 0 : i32
    return %c0_i32, %arg0 : i32, i32
  }
  func.func @transform_1(%arg0: i32) -> (i32, i32) {
    %c0_i32 = arith.constant 0 : i32
    %c0_i32_0 = arith.constant 0 : i32
    return %arg0, %c0_i32 : i32, i32
  }
}

</mosaic_0001>

<sc_bundles>
// kernel: kernel.4.cloned.1.call-start
scs
__scs_entry_jumppad:
0x0: {  	(pc) =	sbr.rel $0x88, $3  }
0x1: {  	(tag) =	ssettag $0x0;
	lr =	simm.s32 $0x1  }
0x2: {  	[smem:$0x3F9F] =	sst lr;
	_ =	strace $0xD0000000  }
0x3: {  	_ = 	snop  }
0x4: {  	_ = 	snop  }
0x5: {  	_ = 	snop  }
0x6: {  	_ = 	snop  }
0x7: {  	_ = 	snop  }
__scs_overlays_trampoline_lowered:
0x8: {  	[smem:$0x3FAE] =	sst s0  }
0x9: {  	[smem:$0x3FAF] =	sst s1  }
0xa: {  	[smem:$0x3FB0] =	sst s2  }
0xb: {  	[smem:$0x3FB1] =	sst s3  }
0xc: {  	[smem:$0x3FB2] =	sst s4  }
0xd: {  	[smem:$0x3FB3] =	sst s5  }
0xe: {  	[smem:$0x3FB4] =	sst s6  }
0xf: {  	[smem:$0x3FB5] =	sst s7  }
0x10: {  	[smem:$0x3FB6] =	sst s8  }
0x11: {  	[smem:$0x3FB7] =	sst s9;
	s0 =	simm.s32 @!p0 $0x0  }
0x12: {  	s1 =	sld [smem:$0x3F9D];
	s0 =	simm.s32 @p0 $0x1  }
0x13: {  	[smem:$0x3FB8] =	sst s0;
	s0 =	simm.s32 @!p1 $0x0  }
0x14: {  	s2 =	sld [smem:$0x3F9C];
	s0 =	simm.s32 @p1 $0x1  }
0x15: {  	[smem:$0x3FB9] =	sst s0;
	s0 =	simm.s32 @!p2 $0x0  }
0x16: {  	s3 =	sld [smem:$0x3FDB];
	s0 =	simm.s32 @p2 $0x1  }
0x17: {  	s4 =	simm.s32 $0x1BF5;
	[smem:$0x3FBB] =	sst s0  }
0x18: {  	s0 =	sld [smem:$0x3F9E];
	_ =	swait.ge [sflag:s4], $0x0  }
0x19: {  	s7 =	sld [smem:$0x3F9F]  }
0x1a: {  	s8 =	sadd.s32 $0xFFFFE003, lr  }
0x1b: {  	s9 =	sadd.s32 $0xFFFFFEF7, lr;
	s5 =	simm.s32 $0xFFFFFFFF;
	p2 =	slt.u32 s8, $0xFFFFF086  }
0x1c: {  	p1 =	slt.u32 s9, $0xF7A;
	s5 =	simm.s32 @!p2 $0x0  }
0x1d: {  	s5 =	simm.s32 @p1 $0x1;
	p0 =	seq.s32 s7, s2  }
0x1e: {  	s7 =	smul.u32 @!p0 $0xF7A, s2;
	p2 =	seq.s32 @!p0 s5, $0x0  }
0x1f: {  	s9 =	smul.u32 $0xF7A, s1;
	s8 =	simm.s32 @!p0 $0x1BF5;
	p2 =	por !p2, p0  }
0x20: {  	[sflag:s8] =	ssyncset.s32 @!p0 $0xFFFFF086;
	s6 =	sadd.s32 @!p0 s3, s7;
	s7 =	simm.s32 @!p0 $0x108  }
0x21: {  	s3 =	sadd.s32 s3, s9;
	s6 =	sadd.s32 @!p0 $0x88, s6;
	s7 =	simm.s32 @p2 $0x1082  }
0x22: {  	[simem:s7], [sflag:s8] =	dma.local @!p0 [hbm:s6], $0xF7A  }
0x23: {  	s9 =	sor.u32 $0xD0000000, s2;
	s6 =	simm.s32 $0x108;
	_ =	swait.ge @!p0 [sflag:s8], $0x0  }
0x24: {  	s3 =	sadd.s32 $0x88, s3;
	s6 =	simm.s32 @!p1 $0x1082;
	[sflag:s4] =	ssyncset.s32 $0xFFFFF086  }
0x25: {  	[simem:s6], [sflag:s4] =	dma.local [hbm:s3], $0xF7A  }
0x26: {  	[smem:$0x3F9F] =	sst s1;
	(tag) =	ssettag s2;
	_ =	strace s9  }
0x27: {  	s1 =	sld [smem:$0x3FAF]  }
0x28: {  	s2 =	sld [smem:$0x3FB0]  }
0x29: {  	s4 =	sld [smem:$0x3FB2]  }
0x2a: {  	p0 =	seq.s32 s5, $0x0;
	s5 =	sld [smem:$0x3FB3]  }
0x2b: {  	s6 =	sld [smem:$0x3FB4]  }
0x2c: {  	s7 =	sld [smem:$0x3FB5]  }
0x2d: {  	s3 =	simm.s32 $0x108;
	s8 =	sld [smem:$0x3FB6]  }
0x2e: {  	s3 =	simm.s32 @!p0 $0x1082;
	s9 =	sld [smem:$0x3FB7]  }
0x2f: {  	lr =	sadd.s32 s0, s3;
	s0 =	sld [smem:$0x3FAE]  }
0x30: {  	s3 =	sld [smem:$0x3FB1]  }
0x31: {  	[smem:$0x3FBA] =	sst s10  }
0x32: {  	s10 =	sld [smem:$0x3FB8];
	_ =	sdelay $0x3  }
0x33: {  	p0 =	seq.s32 s10, $0x1;
	s10 =	sld [smem:$0x3FBA];
	_ =	sdelay $0x3  }
0x34: {  	[smem:$0x3FBA] =	sst s10  }
0x35: {  	s10 =	sld [smem:$0x3FB9];
	_ =	sdelay $0x3  }
0x36: {  	p1 =	seq.s32 s10, $0x1;
	s10 =	sld [smem:$0x3FBA];
	_ =	sdelay $0x3  }
0x37: {  	[smem:$0x3FBA] =	sst s10  }
0x38: {  	s10 =	sld [smem:$0x3FBB]  }
0x39: {  	_ = 	snop;
	(pc) =	sbr.ind lr, $3  }
0x3a: {  	_ = 	snop  }
0x3b: {  	_ = 	snop  }
0x3c: {  	p2 =	seq.s32 s10, $0x1;
	s10 =	sld [smem:$0x3FBA]  }
0x3d: {  	_ =	shalt  }
0x3e: {  	_ =	shalt  }
0x3f: {  	_ =	shalt  }
0x40: {  	_ =	shalt  }
0x41: {  	_ =	shalt  }
0x42: {  	_ =	shalt  }
0x43: {  	_ =	shalt  }
0x44: {  	_ =	shalt  }
0x45: {  	_ =	shalt  }
0x46: {  	_ =	shalt  }
0x47: {  	_ =	shalt  }
0x48: {  	_ =	shalt  }
0x49: {  	_ =	shalt  }
0x4a: {  	_ =	shalt  }
0x4b: {  	_ =	shalt  }
0x4c: {  	_ =	shalt  }
0x4d: {  	_ =	shalt  }
0x4e: {  	_ =	shalt  }
0x4f: {  	_ =	shalt  }
0x50: {  	_ =	shalt  }
0x51: {  	_ =	shalt  }
0x52: {  	_ =	shalt  }
0x53: {  	_ =	shalt  }
0x54: {  	_ =	shalt  }
0x55: {  	_ =	shalt  }
0x56: {  	_ =	shalt  }
0x57: {  	_ =	shalt  }
0x58: {  	_ =	shalt  }
0x59: {  	_ =	shalt  }
0x5a: {  	_ =	shalt  }
0x5b: {  	_ =	shalt  }
0x5c: {  	_ =	shalt  }
0x5d: {  	_ =	shalt  }
0x5e: {  	_ =	shalt  }
0x5f: {  	_ =	shalt  }
0x60: {  	_ =	shalt  }
0x61: {  	_ =	shalt  }
0x62: {  	_ =	shalt  }
0x63: {  	_ =	shalt  }
0x64: {  	_ =	shalt  }
0x65: {  	_ =	shalt  }
0x66: {  	_ =	shalt  }
0x67: {  	_ =	shalt  }
0x68: {  	_ =	shalt  }
0x69: {  	_ =	shalt  }
0x6a: {  	_ =	shalt  }
0x6b: {  	_ =	shalt  }
0x6c: {  	_ =	shalt  }
0x6d: {  	_ =	shalt  }
0x6e: {  	_ =	shalt  }
0x6f: {  	_ =	shalt  }
0x70: {  	_ =	shalt  }
0x71: {  	_ =	shalt  }
0x72: {  	_ =	shalt  }
0x73: {  	_ =	shalt  }
0x74: {  	_ =	shalt  }
0x75: {  	_ =	shalt  }
0x76: {  	_ =	shalt  }
0x77: {  	_ =	shalt  }
0x78: {  	_ =	shalt  }
0x79: {  	_ =	shalt  }
0x7a: {  	_ =	shalt  }
0x7b: {  	_ =	shalt  }
0x7c: {  	_ =	shalt  }
0x7d: {  	_ =	shalt  }
0x7e: {  	_ =	shalt  }
0x7f: {  	_ =	shalt  }
0x80: {  	_ =	shalt  }
0x81: {  	_ =	shalt  }
0x82: {  	_ =	shalt  }
0x83: {  	_ =	shalt  }
0x84: {  	_ =	shalt  }
0x85: {  	_ =	shalt  }
0x86: {  	_ =	shalt  }
0x87: {  	_ =	shalt  }
.Lfunc_end0:
.L_simem_size_0:
called_computation_lowered:
.L_overlay_start_0:
0x88: {  	s2 =	sld [smem:$0x3FD9]  }
0x89: {  	s3 =	sld [smem:$0x3FFE];
	_ =	sdelay $0x1  }
0x8a: {  	s1 =	srdreg.scid  }
0x8b: {  	s0 =	sand.u32 $0x1, s1  }
0x8c: {  	s17 =	sshll.u32 s0, $0xA;
	s2 =	sadd.s32 s3, s2  }
0x8d: {  	s2 =	sadd.s32 s2, s17  }
0x8e: {  	[smem:$0x3FC6] =	sst s2  }
0x8f: {  	_ = 	snop  }
0x90: {  	s2 =	sld [smem:$0x3FC9]  }
0x91: {  	s18 =	sld [smem:$0x3FD0];
	(tm) =	ssettm $0x1  }
0x92: {  	s4 =	sld [smem:$0x3FFB];
	_ =	sdelay $0x3  }
0x93: {  	_ =	strace s4  }
0x94: {  	s4 =	sld [smem:$0x3FFC];
	_ =	sdelay $0x3  }
0x95: {  	_ =	strace s4  }
0x96: {  	s4 =	sld [smem:$0x3FFD];
	_ =	sdelay $0x3  }
0x97: {  	_ =	strace s4  }
0x98: {  	_ =	strace $0x8FFFFFFF  }
0x99: {  	s19 =	sld [smem:$0x3FDB];
	_ =	sdelay $0x1  }
0x9a: {  	s5 =	simm.s32 $_scs_section_size  }
0x9b: {  	s6 =	simm.s32 $_size__tile_overlayer_lowered;
	s7 =	simm.s32 $_tile_overlayer_lowered  }
0x9c: {  	s22 =	simm.s32 $0x1BFF;
	s21 =	sshll.u32 s7, $0x1;
	s4 =	sadd.s32 s5, s19  }
0x9d: {  	s8 =	simm.s32 $0x0;
	s20 =	sshll.u32 s6, $0x1;
	s6 =	sadd.s32 s21, s4  }
0x9e: {  	[timem:s8], [sflag:s22] =	dma.local [hbm:s6], s20  }
0x9f: {  	_ =	swait.ge [sflag:s22], s20  }
0xa0: {  	s5 =	ssub.s32 $0x0, s20;
	[sflag:s22] =	ssyncset.done $0x0  }
0xa1: {  	[sflag:s22] =	ssyncadd.s32 s5;
	_ =	sdelay $0x1  }
0xa2: {  	s23 =	simm.s32 $0x1B8B  }
0xa3: {  	_ =	swait.ge [sflag:s23], $0x1  }
0xa4: {  	[sflag:s23] =	ssyncset.done $0x0  }
0xa5: {  	s25 =	simm.s32 $0x1B8E;
	s24 =	sld [smem:$0x3FFE];
	[sflag:s23] =	ssyncadd.s32 $0xFFFFFFFF  }
0xa6: {  	s26 =	simm.s32 $execute0_lowered;
	[smem:$0x3FD2] =	sst s25  }
0xa7: {  	s6 =	sshll.u32 s26, $0x1;
	_ =	strace $0x80000046;
	[dreg:$0x1] =	wrdreg $0xFFFFFFFF  }
0xa8: {  	s28 =	simm.s32 $_size_execute0_lowered;
	s4 =	sadd.s32 s4, s6;
	[dreg:$0x0] =	wrdreg $0x0  }
0xa9: {  	s6 =	sshll.u32 s28, $0x1;
	[dreg:$0x2] =	wrdreg s4  }
0xaa: {  	[dreg:$0x3] =	wrdreg s6  }
0xab: {  	[dreg:$0x4] =	wrdreg $0xC0  }
0xac: {  	_ =	task [dreg:s8], $0x5FFFF  }
0xad: {  	[dreg:$0x1] =	wrdreg $0xFFFFFFFF  }
0xae: {  	[dreg:$0x0] =	wrdreg $0x60  }
0xaf: {  	[dreg:$0x2] =	wrdreg s2  }
0xb0: {  	[dreg:$0x3] =	wrdreg s24  }
0xb1: {  	[dreg:$0x4] =	wrdreg s18  }
0xb2: {  	[dreg:$0x5] =	wrdreg $0x9  }
0xb3: {  	_ =	task.clear_ibuf [dreg:s8], $0x6FFFF;
	_ =	strace $0x90000046  }
0xb4: {  	s29 =	simm.s32 $0x9;
	_ =	strace $0x80000048  }
0xb5: {  	_ =	swait.ge [sflag:s29], $0x1  }
0xb6: {  	[sflag:s29] =	ssyncadd.s32 $0xFFFFFFFF  }
0xb7: {  	_ =	strace $0x90000048  }
0xb8: {  	_ =	sfence  }
0xb9: {  	s30 =	sld [smem:$0x0];
	_ =	sdelay $0x2  }
0xba: {  	s31 =	sshll.u32 s1, $0xD;
	s1 =	sshrl.u32 s1, $0x2  }
0xbb: {  	s3 =	sand.u32 $0x4000, s31;
	s1 =	sadd.s32 s1, s30  }
0xbc: {  	s0 =	sor.u32 s3, s0;
	s1 =	sshll.u32 s1, $0x11  }
0xbd: {  	s0 =	sor.u32 s1, s0  }
0xbe: {  	s0 =	sadd.s32 $0x8F2B, s0  }
0xbf: {  	[sflag:s0] =	ssyncadd.remote.s32 $0x1  }
0xc0: {  	_ =	sfence.sel $0xFFFF  }
0xc1: {  	[dreg:$0x0] =	wrdreg $0xFFFFFFFF;
	(pc) =	sbr.abs _section_cstart, $3  }
0xc2: {  	[dreg:$0x1] =	wrdreg $0xFFFFFFFF  }
0xc3: {  	_ =	task.clear_ibuf [dreg:s8], $0x2FFFF;
	_ =	strace $0x9FFFFFFF  }
0xc4: {  	(tm) =	ssettm $0x7FFFFFFF  }
0xc5: {  	_ =	shalt  }
tec
execute0_lowered:
.L_overlay_start_1:
0x0: {  	(tag) =	ssettag $0x1  }
0x1: {  	s0 =	srdreg.scid;
	s5 =	rddreg [dreg:$0x1]  }
0x2: {  	s1 =	stileid.u32;
	s3 =	rddreg [dreg:$0x2]  }
0x3: {  	s7 =	simm.s32 $0x0;
	s12 =	simm.s32 $0x80;
	s13 =	simm.s32 $0x400  }
0x4: {  	s14 =	simm.s32 $0x100;
	s16 =	simm.s32 $0x600;
	s17 =	simm.s32 $0x5  }
0x5: {  	s18 =	simm.s32 $0x2;
	s30 =	simm.s32 $0x500;
	s20 =	simm.s32 $0x8600  }
0x6: {  	s22 =	simm.s32 $0x800;
	s23 =	simm.s32 $0x8000;
	s28 =	simm.s32 $0x7  }
0x7: {  	s0 =	sand.u32 $0x1, s0;
	s2 =	sshll.u32 s1, $0x1;
	s1 =	rddreg [dreg:$0x0]  }
0x8: {  	s31 =	simm.s32 $0x4;
	[smem:$0x7FF] =	sst s7;
	s2 =	sor.u32 s0, s2  }
0x9: {  	s7 =	sadd.s32 $0x400, s5;
	s0 =	ssub.s32 $0x2, s0;
	s6 =	smul.u32 $0xC80, s2  }
0xa: {  	s4 =	smul.u32 $0x64, s2;
	s2 =	sshll.u32 s2, $0xA;
	s25 =	sshrl.u32 s0, $0x1  }
0xb: {  	_ =	strace $0x80000047;
	s2 =	sand.u32 $0xC00, s2;
	s0 =	ssub.s32 s0, s25  }
0xc: {  	s6 =	sand.u32 $0x1F000, s6;
	s24 =	sand.u32 $0x70, s4;
	s26 =	sadd.s32 $0x4, s4  }
0xd: {  	s29 =	sadd.s32 $0x5, s4;
	s2 =	sor.u32 s2, s6;
	[dreg:$0x6] =	wrdreg s26  }
0xe: {  	s0 =	smax.u32 s0, $0x1;
	[dreg:$0x7] =	wrdreg s29;
	s2 =	sor.u32 s24, s2  }
0xf: {  	s5 =	simm.s32 $0x0;
	[dreg:$0x8] =	wrdreg s0;
	s2 =	sadd.s32 s1, s2  }
0x10: {  	v0 =	vlaneseq.u32;
	s25 =	simm.s32 $0x6;
	[dreg:$0x4] =	wrdreg s2;
	s2 =	sadd.s32 $0x100, s2  }
0x11: {  	v0 =	vmul.u32 $0x80, v0;
	s26 =	simm.s32 $0x3;
	[dreg:$0x5] =	wrdreg s2;
	s2 =	simm.s32 $0x8  }
.LBB2_1:
0x12: {  	[dreg:$0x9] =	wrdreg s5  }
0x13: {  	s0 =	simm.s32 $0x0;
	s21 =	rddreg [dreg:$0x4]  }
0x14: {  	[tilespmem:s0], [sflag:$0x1] =	stream.strided.gather [hbm4b:s21+s12], $0x100, s13, s12, $0x38;
	[tilespmem:$0x18600] =	vst v63  }
0x15: {  	s24 =	rddreg [dreg:$0x5];
	s29 =	simm.s32 $0x1  }
0x16: {  	[tilespmem:s14], [sflag:$0x2] =	stream.strided.gather [hbm4b:s24+s12], $0x100, s13, s12, $0x38;
	[tilespmem:$0x18600] =	vst v63  }
0x17: {  	_ =	swait.ge [sflag:s29], $0x100  }
0x18: {  	[sflag:s29] =	ssyncset.done $0x0  }
0x19: {  	s0 =	simm.s32 $0x0;
	[sflag:s29] =	ssyncadd.s32 $0xFFFFFF00  }
0x1a: {  	s5 =	simm.s32 $0x40;
	v1 =	vld [tilespmem:s0+$0x0]  }
.LBB2_2:
0x1b: {  	_ =	sdelay $0x1  }
0x1c: {  	p0 =	sne.s32 s5, $0x3C0  }
.Ltmp0:
0x1d: {  	_ = 	snop;
	(pc) =	sbr.rel @p0 .LBB2_2-.Ltmp0, $4  }
0x1e: {  	v2 =	vshrl.u32 v1, $0x1  }
0x1f: {  	v3 =	vand.u32 $0x7FF, v1;
	v2 =	vand.u32 $0x7FFFF800, v2  }
0x20: {  	s6 =	sshra.s32 s5, $0x2;
	v2 =	vor.u32 v3, v2  }
0x21: {  	s5 =	sadd.s32 $0x40, s5;
	v1 =	vld [tilespmem:s6+$0x0];
	[tilespmem:s0+$0x400] =	vst v2;
	s0 =	smov.u32 s6  }
0x22: {  	_ =	sdelay $0x3  }
0x23: {  	v2 =	vshrl.u32 v1, $0x1  }
0x24: {  	v1 =	vand.u32 $0x7FF, v1;
	v2 =	vand.u32 $0x7FFFF800, v2  }
0x25: {  	v1 =	vor.u32 v1, v2  }
0x26: {  	s5 =	simm.s32 $0x0;
	[tilespmem:s0+$0x400] =	vst v1  }
0x27: {  	[tilespmem:s16], [sflag:$0x5] =	stream.indirect.gather [hbm4b:s7+s14], $0x80, s13, s14, $0xb8;
	[tilespmem:$0x18600] =	vst v63  }
.LBB2_4:
0x28: {  	_ =	swait.ge [sflag:s17], $0x8000  }
0x29: {  	[sflag:s17] =	ssyncset.done $0x0  }
0x2a: {  	[sflag:s17] =	ssyncadd.s32 $0xFFFF8000  }
0x2b: {  	_ =	swait.ge [sflag:s18], $0x100  }
0x2c: {  	[sflag:s18] =	ssyncset.done $0x0  }
0x2d: {  	s0 =	simm.s32 $0x0;
	[sflag:s18] =	ssyncadd.s32 $0xFFFFFF00  }
0x2e: {  	s6 =	simm.s32 $0x40;
	v1 =	vld [tilespmem:s0+$0x100]  }
.LBB2_5:
0x2f: {  	_ =	sdelay $0x1  }
0x30: {  	p0 =	sne.s32 s6, $0x3C0  }
.Ltmp1:
0x31: {  	_ = 	snop;
	(pc) =	sbr.rel @p0 .LBB2_5-.Ltmp1, $4  }
0x32: {  	v2 =	vshrl.u32 v1, $0x1  }
0x33: {  	v3 =	vand.u32 $0x7FF, v1;
	v2 =	vand.u32 $0x7FFFF800, v2  }
0x34: {  	s8 =	sshra.s32 s6, $0x2;
	v2 =	vor.u32 v3, v2  }
0x35: {  	s6 =	sadd.s32 $0x40, s6;
	v1 =	vld [tilespmem:s8+$0x100];
	[tilespmem:s0+$0x500] =	vst v2;
	s0 =	smov.u32 s8  }
0x36: {  	_ =	sdelay $0x3  }
0x37: {  	v2 =	vshrl.u32 v1, $0x1  }
0x38: {  	v1 =	vand.u32 $0x7FF, v1;
	v2 =	vand.u32 $0x7FFFF800, v2  }
0x39: {  	p0 =	seq.s32 s5, $0x0;
	v1 =	vor.u32 v1, v2  }
0x3a: {  	[tilespmem:s0+$0x500] =	vst v1;
	s0 =	simm.s32 @!p0 $0x8  }
0x3b: {  	_ =	swait.ge @!p0 [sflag:s0], $0x4000  }
0x3c: {  	s8 =	sshll.u32 s5, $0x2;
	[sflag:s0] =	ssyncset.done @!p0 $0x0  }
0x3d: {  	[sflag:s0] =	ssyncadd.s32 @!p0 $0xFFFFC000;
	s0 =	sadd.s32 s8, s4  }
0x3e: {  	[tilespmem:s20], [sflag:$0x6] =	stream.indirect.gather [hbm4b:s7+s14], $0x80, s30, s14, $0xb8;
	[tilespmem:$0x18600] =	vst v63  }
0x3f: {  	s11 =	sadd.s32 $0x2, s0  }
0x40: {  	s6 =	sshll.u32 s11, $0x5;
	s9 =	sshll.u32 s11, $0x8  }
0x41: {  	s15 =	sand.u32 $0x70, s11;
	s10 =	sand.u32 $0xFFFF000, s6;
	s6 =	sand.u32 $0xE00, s9  }
0x42: {  	s9 =	sor.u32 s10, s15;
	s19 =	sadd.s32 s1, s6  }
0x43: {  	s21 =	simm.s32 $0x200;
	s15 =	simm.s32 $0x0;
	s9 =	sadd.s32 s9, s19  }
0x44: {  	[tilespmem:s21], [sflag:$0x3] =	stream.strided.gather [hbm4b:s9+s12], $0x100, s13, s12, $0x38;
	[tilespmem:$0x18600] =	vst v63  }
0x45: {  	v1 =	vld [tilespmem:s15+$0x0];
	_ =	sdelay $0x3  }
0x46: {  	v2 =	vmov s15  }
0x47: {  	v2 =	vshll.u32 v2, $0x7;
	v1 =	vshrl.u32 v1, $0x5  }
0x48: {  	v2 =	vor.u32 v0, v2;
	v1 =	vand.u32 $0x40, v1  }
0x49: {  	v1 =	vor.u32 v2, v1  }
0x4a: {  	v2 =	vor.u32 $0x3, v1  }
0x4b: {  	v3 =	vor.u32 $0x1, v1  }
0x4c: {  	v4 =	vor.u32 $0x2, v1;
	_ =	sdelay $0x1  }
0x4d: {  	v5 =	vld.idx.msk [tilespmem:v1+s16+$0x0], $0xffff  }
0x4e: {  	v2 =	vld.idx.msk [tilespmem:v2+s16+$0x0], $0xffff  }
0x4f: {  	v3 =	vld.idx.msk [tilespmem:v3+s16+$0x0], $0xffff  }
0x50: {  	s24 =	sand.u32 $0x70, s15;
	s29 =	sand.u32 $0x400, s15;
	v4 =	vld.idx.msk [tilespmem:v4+s16+$0x0], $0xffff  }
0x51: {  	s10 =	sor.u32 s24, s29;
	v6 =	vor.u32 $0x4, v1  }
0x52: {  	s9 =	sadd.s32 $0x10600, s10;
	[tilespmem:s10+$0x10600] =	vst v5;
	v5 =	vor.u32 $0x5, v1  }
0x53: {  	[tilespmem:s9+$0x180] =	vst v2;
	v2 =	vor.u32 $0x6, v1  }
0x54: {  	[tilespmem:s9+$0x80] =	vst v3;
	v3 =	vor.u32 $0x7, v1  }
0x55: {  	[tilespmem:s9+$0x100] =	vst v4  }
0x56: {  	v4 =	vld.idx.msk [tilespmem:v6+s16+$0x0], $0xffff  }
0x57: {  	v5 =	vld.idx.msk [tilespmem:v5+s16+$0x0], $0xffff  }
0x58: {  	v2 =	vld.idx.msk [tilespmem:v2+s16+$0x0], $0xffff  }
0x59: {  	v3 =	vld.idx.msk [tilespmem:v3+s16+$0x0], $0xffff  }
0x5a: {  	v6 =	vor.u32 $0xA, v1  }
0x5b: {  	[tilespmem:s9+$0x200] =	vst v4;
	v4 =	vor.u32 $0x9, v1  }
0x5c: {  	s19 =	sor.u32 s15, s15;
	[tilespmem:s9+$0x280] =	vst v5;
	v5 =	vor.u32 $0x8, v1  }
0x5d: {  	s30 =	sor.u32 $0x380, s19;
	[tilespmem:s9+$0x300] =	vst v2;
	v2 =	vor.u32 $0xB, v1  }
0x5e: {  	[tilespmem:s30+$0x10600] =	vst v3  }
0x5f: {  	v3 =	vld.idx.msk [tilespmem:v6+s16+$0x0], $0xffff  }
0x60: {  	v4 =	vld.idx.msk [tilespmem:v4+s16+$0x0], $0xffff  }
0x61: {  	v5 =	vld.idx.msk [tilespmem:v5+s16+$0x0], $0xffff  }
0x62: {  	v2 =	vld.idx.msk [tilespmem:v2+s16+$0x0], $0xffff  }
0x63: {  	v6 =	vor.u32 $0xF, v1  }
0x64: {  	[tilespmem:s10+$0x10F00] =	vst v3;
	v3 =	vor.u32 $0xD, v1  }
0x65: {  	[tilespmem:s10+$0x10E80] =	vst v4;
	v4 =	vor.u32 $0xC, v1  }
0x66: {  	[tilespmem:s10+$0x10E00] =	vst v5;
	v5 =	vor.u32 $0xE, v1  }
0x67: {  	[tilespmem:s10+$0x10F80] =	vst v2  }
0x68: {  	v2 =	vld.idx.msk [tilespmem:v6+s16+$0x0], $0xffff  }
0x69: {  	v3 =	vld.idx.msk [tilespmem:v3+s16+$0x0], $0xffff  }
0x6a: {  	v4 =	vld.idx.msk [tilespmem:v4+s16+$0x0], $0xffff  }
0x6b: {  	v5 =	vld.idx.msk [tilespmem:v5+s16+$0x0], $0xffff  }
0x6c: {  	v6 =	vor.u32 $0x13, v1  }
0x6d: {  	[tilespmem:s10+$0x11180] =	vst v2;
	v2 =	vor.u32 $0x11, v1  }
0x6e: {  	[tilespmem:s10+$0x11080] =	vst v3;
	v3 =	vor.u32 $0x10, v1  }
0x6f: {  	[tilespmem:s10+$0x11000] =	vst v4;
	v4 =	vor.u32 $0x12, v1  }
0x70: {  	[tilespmem:s10+$0x11100] =	vst v5  }
0x71: {  	v5 =	vld.idx.msk [tilespmem:v6+s16+$0x0], $0xffff  }
0x72: {  	v2 =	vld.idx.msk [tilespmem:v2+s16+$0x0], $0xffff  }
0x73: {  	v3 =	vld.idx.msk [tilespmem:v3+s16+$0x0], $0xffff  }
0x74: {  	v4 =	vld.idx.msk [tilespmem:v4+s16+$0x0], $0xffff  }
0x75: {  	v6 =	vor.u32 $0x14, v1  }
0x76: {  	[tilespmem:s10+$0x11780] =	vst v5;
	v5 =	vor.u32 $0x15, v1  }
0x77: {  	[tilespmem:s10+$0x11680] =	vst v2;
	v2 =	vor.u32 $0x17, v1  }
0x78: {  	[tilespmem:s10+$0x11600] =	vst v3;
	v3 =	vor.u32 $0x16, v1  }
0x79: {  	[tilespmem:s10+$0x11700] =	vst v4  }
0x7a: {  	v4 =	vld.idx.msk [tilespmem:v6+s16+$0x0], $0xffff  }
0x7b: {  	v5 =	vld.idx.msk [tilespmem:v5+s16+$0x0], $0xffff  }
0x7c: {  	v2 =	vld.idx.msk [tilespmem:v2+s16+$0x0], $0xffff  }
0x7d: {  	v3 =	vld.idx.msk [tilespmem:v3+s16+$0x0], $0xffff  }
0x7e: {  	v6 =	vor.u32 $0x19, v1  }
0x7f: {  	[tilespmem:s10+$0x11800] =	vst v4;
	v4 =	vor.u32 $0x1B, v1  }
0x80: {  	[tilespmem:s10+$0x11880] =	vst v5;
	v5 =	vor.u32 $0x18, v1  }
0x81: {  	[tilespmem:s10+$0x11980] =	vst v2;
	v2 =	vor.u32 $0x1A, v1  }
0x82: {  	[tilespmem:s10+$0x11900] =	vst v3  }
0x83: {  	v3 =	vld.idx.msk [tilespmem:v6+s16+$0x0], $0xffff  }
0x84: {  	v4 =	vld.idx.msk [tilespmem:v4+s16+$0x0], $0xffff  }
0x85: {  	v5 =	vld.idx.msk [tilespmem:v5+s16+$0x0], $0xffff  }
0x86: {  	v2 =	vld.idx.msk [tilespmem:v2+s16+$0x0], $0xffff  }
0x87: {  	v6 =	vor.u32 $0x1D, v1  }
0x88: {  	[tilespmem:s10+$0x11E80] =	vst v3;
	v3 =	vor.u32 $0x1F, v1  }
0x89: {  	[tilespmem:s10+$0x11F80] =	vst v4;
	v4 =	vor.u32 $0x1C, v1  }
0x8a: {  	[tilespmem:s10+$0x11E00] =	vst v5;
	v5 =	vor.u32 $0x1E, v1  }
0x8b: {  	[tilespmem:s10+$0x11F00] =	vst v2  }
0x8c: {  	v2 =	vld.idx.msk [tilespmem:v6+s16+$0x0], $0xffff  }
0x8d: {  	v3 =	vld.idx.msk [tilespmem:v3+s16+$0x0], $0xffff  }
0x8e: {  	v4 =	vld.idx.msk [tilespmem:v4+s16+$0x0], $0xffff  }
0x8f: {  	v5 =	vld.idx.msk [tilespmem:v5+s16+$0x0], $0xffff  }
0x90: {  	v6 =	vor.u32 $0x21, v1  }
0x91: {  	[tilespmem:s10+$0x12080] =	vst v2;
	v2 =	vor.u32 $0x23, v1  }
0x92: {  	[tilespmem:s10+$0x12180] =	vst v3;
	v3 =	vor.u32 $0x22, v1  }
0x93: {  	[tilespmem:s10+$0x12000] =	vst v4;
	v4 =	vor.u32 $0x20, v1  }
0x94: {  	[tilespmem:s10+$0x12100] =	vst v5  }
0x95: {  	v5 =	vld.idx.msk [tilespmem:v6+s16+$0x0], $0xffff  }
0x96: {  	v2 =	vld.idx.msk [tilespmem:v2+s16+$0x0], $0xffff  }
0x97: {  	v3 =	vld.idx.msk [tilespmem:v3+s16+$0x0], $0xffff  }
0x98: {  	v4 =	vld.idx.msk [tilespmem:v4+s16+$0x0], $0xffff  }
0x99: {  	v6 =	vor.u32 $0x25, v1  }
0x9a: {  	[tilespmem:s10+$0x12680] =	vst v5;
	v5 =	vor.u32 $0x27, v1  }
0x9b: {  	[tilespmem:s10+$0x12780] =	vst v2;
	v2 =	vor.u32 $0x26, v1  }
0x9c: {  	[tilespmem:s10+$0x12700] =	vst v3;
	v3 =	vor.u32 $0x24, v1  }
0x9d: {  	[tilespmem:s10+$0x12600] =	vst v4  }
0x9e: {  	v4 =	vld.idx.msk [tilespmem:v6+s16+$0x0], $0xffff  }
0x9f: {  	v5 =	vld.idx.msk [tilespmem:v5+s16+$0x0], $0xffff  }
0xa0: {  	v2 =	vld.idx.msk [tilespmem:v2+s16+$0x0], $0xffff  }
0xa1: {  	v3 =	vld.idx.msk [tilespmem:v3+s16+$0x0], $0xffff  }
0xa2: {  	v6 =	vor.u32 $0x29, v1  }
0xa3: {  	[tilespmem:s10+$0x12880] =	vst v4;
	v4 =	vor.u32 $0x2B, v1  }
0xa4: {  	[tilespmem:s10+$0x12980] =	vst v5;
	v5 =	vor.u32 $0x28, v1  }
0xa5: {  	[tilespmem:s10+$0x12900] =	vst v2;
	v2 =	vor.u32 $0x2A, v1  }
0xa6: {  	[tilespmem:s10+$0x12800] =	vst v3  }
0xa7: {  	v3 =	vld.idx.msk [tilespmem:v6+s16+$0x0], $0xffff  }
0xa8: {  	v4 =	vld.idx.msk [tilespmem:v4+s16+$0x0], $0xffff  }
0xa9: {  	v5 =	vld.idx.msk [tilespmem:v5+s16+$0x0], $0xffff  }
0xaa: {  	v2 =	vld.idx.msk [tilespmem:v2+s16+$0x0], $0xffff  }
0xab: {  	v6 =	vor.u32 $0x2C, v1  }
0xac: {  	[tilespmem:s10+$0x12E80] =	vst v3;
	v3 =	vor.u32 $0x2D, v1  }
0xad: {  	v7 =	vor.u32 $0x2F, v1;
	[tilespmem:s10+$0x12F80] =	vst v4  }
0xae: {  	[tilespmem:s10+$0x12E00] =	vst v5;
	v5 =	vor.u32 $0x2E, v1  }
0xaf: {  	[tilespmem:s10+$0x12F00] =	vst v2  }
0xb0: {  	v4 =	vld.idx.msk [tilespmem:v6+s16+$0x0], $0xffff  }
0xb1: {  	v2 =	vld.idx.msk [tilespmem:v3+s16+$0x0], $0xffff  }
0xb2: {  	s21 =	sor.u32 $0x1, s8;
	s19 =	simm.s32 $0x0;
	s9 =	simm.s32 $0x10;
	v3 =	vld.idx.msk [tilespmem:v7+s16+$0x0], $0xffff  }
.LBB2_7:
0xb3: {  	p0 =	sne.s32 s9, $0xF0;
	v5 =	vld.idx.msk [tilespmem:v5+s16+$0x0], $0xffff;
	s15 =	sadd.s32 $0x80, s15;
	s19 =	sadd.s32 $0x10, s19  }
0xb4: {  	s29 =	smov.u32 s9;
	s9 =	sadd.s32 $0x10, s9  }
0xb5: {  	v6 =	vor.u32 $0x33, v1  }
0xb6: {  	[tilespmem:s10+$0x13000] =	vst v4;
	v4 =	vor.u32 $0x31, v1  }
0xb7: {  	[tilespmem:s10+$0x13080] =	vst v2;
	v2 =	vor.u32 $0x30, v1  }
0xb8: {  	[tilespmem:s10+$0x13180] =	vst v3;
	v3 =	vor.u32 $0x32, v1  }
0xb9: {  	[tilespmem:s10+$0x13100] =	vst v5  }
0xba: {  	v5 =	vld.idx.msk [tilespmem:v6+s16+$0x0], $0xffff  }
0xbb: {  	v4 =	vld.idx.msk [tilespmem:v4+s16+$0x0], $0xffff  }
0xbc: {  	v2 =	vld.idx.msk [tilespmem:v2+s16+$0x0], $0xffff  }
0xbd: {  	v3 =	vld.idx.msk [tilespmem:v3+s16+$0x0], $0xffff;
	_ =	sdelay $0x1  }
0xbe: {  	v6 =	vor.u32 $0x34, v1  }
0xbf: {  	[tilespmem:s10+$0x13780] =	vst v5;
	v5 =	vor.u32 $0x35, v1  }
0xc0: {  	[tilespmem:s10+$0x13680] =	vst v4;
	v4 =	vor.u32 $0x36, v1  }
0xc1: {  	[tilespmem:s10+$0x13600] =	vst v2;
	v2 =	vor.u32 $0x37, v1  }
0xc2: {  	[tilespmem:s10+$0x13700] =	vst v3  }
0xc3: {  	v3 =	vld.idx.msk [tilespmem:v6+s16+$0x0], $0xffff  }
0xc4: {  	v5 =	vld.idx.msk [tilespmem:v5+s16+$0x0], $0xffff  }
0xc5: {  	v4 =	vld.idx.msk [tilespmem:v4+s16+$0x0], $0xffff  }
0xc6: {  	v2 =	vld.idx.msk [tilespmem:v2+s16+$0x0], $0xffff;
	_ =	sdelay $0x1  }
0xc7: {  	v6 =	vor.u32 $0x38, v1  }
0xc8: {  	[tilespmem:s10+$0x13800] =	vst v3;
	v3 =	vor.u32 $0x3B, v1  }
0xc9: {  	[tilespmem:s10+$0x13880] =	vst v5;
	v5 =	vor.u32 $0x39, v1  }
0xca: {  	[tilespmem:s10+$0x13900] =	vst v4;
	v4 =	vor.u32 $0x3A, v1  }
0xcb: {  	[tilespmem:s10+$0x13980] =	vst v2  }
0xcc: {  	v2 =	vld.idx.msk [tilespmem:v6+s16+$0x0], $0xffff  }
0xcd: {  	v3 =	vld.idx.msk [tilespmem:v3+s16+$0x0], $0xffff  }
0xce: {  	v5 =	vld.idx.msk [tilespmem:v5+s16+$0x0], $0xffff  }
0xcf: {  	v4 =	vld.idx.msk [tilespmem:v4+s16+$0x0], $0xffff;
	_ =	sdelay $0x1  }
0xd0: {  	v6 =	vor.u32 $0x3D, v1  }
0xd1: {  	[tilespmem:s10+$0x13E00] =	vst v2;
	v2 =	vor.u32 $0x3C, v1  }
0xd2: {  	[tilespmem:s10+$0x13F80] =	vst v3;
	v3 =	vor.u32 $0x3E, v1;
	v1 =	vor.u32 $0x3F, v1  }
0xd3: {  	[tilespmem:s10+$0x13E80] =	vst v5  }
0xd4: {  	[tilespmem:s10+$0x13F00] =	vst v4  }
0xd5: {  	v4 =	vld.idx.msk [tilespmem:v6+s16+$0x0], $0xffff  }
0xd6: {  	v2 =	vld.idx.msk [tilespmem:v2+s16+$0x0], $0xffff  }
0xd7: {  	v1 =	vld.idx.msk [tilespmem:v1+s16+$0x0], $0xffff  }
0xd8: {  	v3 =	vld.idx.msk [tilespmem:v3+s16+$0x0], $0xffff;
	_ =	sdelay $0x2  }
0xd9: {  	[tilespmem:s10+$0x14080] =	vst v4  }
0xda: {  	[tilespmem:s10+$0x14000] =	vst v2  }
0xdb: {  	[tilespmem:s10+$0x14180] =	vst v1  }
0xdc: {  	[tilespmem:s10+$0x14100] =	vst v3  }
0xdd: {  	v1 =	vld [tilespmem:s19+$0x0];
	_ =	sdelay $0x3  }
0xde: {  	v2 =	vmov s29  }
0xdf: {  	v2 =	vshll.u32 v2, $0x7;
	v1 =	vshrl.u32 v1, $0x5  }
0xe0: {  	v2 =	vor.u32 v0, v2;
	v1 =	vand.u32 $0x40, v1  }
0xe1: {  	v1 =	vor.u32 v2, v1  }
0xe2: {  	v2 =	vor.u32 $0x1, v1;
	v3 =	vor.u32 $0x2, v1;
	v4 =	vor.u32 $0x3, v1;
	_ =	sdelay $0x3  }
0xe3: {  	v5 =	vld.idx.msk [tilespmem:v1+s16+$0x0], $0xffff  }
0xe4: {  	v4 =	vld.idx.msk [tilespmem:v4+s16+$0x0], $0xffff  }
0xe5: {  	v2 =	vld.idx.msk [tilespmem:v2+s16+$0x0], $0xffff  }
0xe6: {  	v3 =	vld.idx.msk [tilespmem:v3+s16+$0x0], $0xffff  }
0xe7: {  	s24 =	sand.u32 $0x400, s15;
	s10 =	sand.u32 $0x70, s29  }
0xe8: {  	s10 =	sor.u32 s10, s24;
	v6 =	vor.u32 $0x4, v1  }
0xe9: {  	s24 =	sadd.s32 $0x10600, s10;
	[tilespmem:s10+$0x10600] =	vst v5;
	v5 =	vor.u32 $0x5, v1  }
0xea: {  	[tilespmem:s24+$0x180] =	vst v4;
	v4 =	vor.u32 $0x6, v1  }
0xeb: {  	[tilespmem:s24+$0x80] =	vst v2;
	v2 =	vor.u32 $0x7, v1  }
0xec: {  	[tilespmem:s24+$0x100] =	vst v3  }
0xed: {  	v3 =	vld.idx.msk [tilespmem:v6+s16+$0x0], $0xffff  }
0xee: {  	v5 =	vld.idx.msk [tilespmem:v5+s16+$0x0], $0xffff  }
0xef: {  	v4 =	vld.idx.msk [tilespmem:v4+s16+$0x0], $0xffff  }
0xf0: {  	v2 =	vld.idx.msk [tilespmem:v2+s16+$0x0], $0xffff;
	_ =	sdelay $0x1  }
0xf1: {  	v6 =	vor.u32 $0xA, v1  }
0xf2: {  	[tilespmem:s24+$0x200] =	vst v3;
	v3 =	vor.u32 $0x9, v1  }
0xf3: {  	s29 =	sor.u32 s15, s29;
	[tilespmem:s24+$0x280] =	vst v5;
	v5 =	vor.u32 $0x8, v1  }
0xf4: {  	[tilespmem:s24+$0x300] =	vst v4;
	s24 =	sor.u32 $0x380, s29;
	v4 =	vor.u32 $0xB, v1  }
0xf5: {  	[tilespmem:s24+$0x10600] =	vst v2  }
0xf6: {  	v2 =	vld.idx.msk [tilespmem:v6+s16+$0x0], $0xffff  }
0xf7: {  	v3 =	vld.idx.msk [tilespmem:v3+s16+$0x0], $0xffff  }
0xf8: {  	v5 =	vld.idx.msk [tilespmem:v5+s16+$0x0], $0xffff  }
0xf9: {  	v4 =	vld.idx.msk [tilespmem:v4+s16+$0x0], $0xffff;
	_ =	sdelay $0x1  }
0xfa: {  	v6 =	vor.u32 $0xF, v1  }
0xfb: {  	[tilespmem:s10+$0x10F00] =	vst v2;
	v2 =	vor.u32 $0xD, v1  }
0xfc: {  	[tilespmem:s10+$0x10E80] =	vst v3;
	v3 =	vor.u32 $0xC, v1  }
0xfd: {  	[tilespmem:s10+$0x10E00] =	vst v5;
	v5 =	vor.u32 $0xE, v1  }
0xfe: {  	[tilespmem:s10+$0x10F80] =	vst v4  }
0xff: {  	v4 =	vld.idx.msk [tilespmem:v6+s16+$0x0], $0xffff  }
0x100: {  	v2 =	vld.idx.msk [tilespmem:v2+s16+$0x0], $0xffff  }
0x101: {  	v3 =	vld.idx.msk [tilespmem:v3+s16+$0x0], $0xffff  }
0x102: {  	v5 =	vld.idx.msk [tilespmem:v5+s16+$0x0], $0xffff;
	_ =	sdelay $0x1  }
0x103: {  	v6 =	vor.u32 $0x13, v1  }
0x104: {  	[tilespmem:s10+$0x11180] =	vst v4;
	v4 =	vor.u32 $0x11, v1  }
0x105: {  	[tilespmem:s10+$0x11080] =	vst v2;
	v2 =	vor.u32 $0x10, v1  }
0x106: {  	[tilespmem:s10+$0x11000] =	vst v3;
	v3 =	vor.u32 $0x12, v1  }
0x107: {  	[tilespmem:s10+$0x11100] =	vst v5  }
0x108: {  	v5 =	vld.idx.msk [tilespmem:v6+s16+$0x0], $0xffff  }
0x109: {  	v4 =	vld.idx.msk [tilespmem:v4+s16+$0x0], $0xffff  }
0x10a: {  	v2 =	vld.idx.msk [tilespmem:v2+s16+$0x0], $0xffff  }
0x10b: {  	v3 =	vld.idx.msk [tilespmem:v3+s16+$0x0], $0xffff;
	_ =	sdelay $0x1  }
0x10c: {  	v6 =	vor.u32 $0x14, v1  }
0x10d: {  	[tilespmem:s10+$0x11780] =	vst v5;
	v5 =	vor.u32 $0x15, v1  }
0x10e: {  	[tilespmem:s10+$0x11680] =	vst v4;
	v4 =	vor.u32 $0x17, v1  }
0x10f: {  	[tilespmem:s10+$0x11600] =	vst v2;
	v2 =	vor.u32 $0x16, v1  }
0x110: {  	[tilespmem:s10+$0x11700] =	vst v3  }
0x111: {  	v3 =	vld.idx.msk [tilespmem:v6+s16+$0x0], $0xffff  }
0x112: {  	v5 =	vld.idx.msk [tilespmem:v5+s16+$0x0], $0xffff  }
0x113: {  	v4 =	vld.idx.msk [tilespmem:v4+s16+$0x0], $0xffff  }
0x114: {  	v2 =	vld.idx.msk [tilespmem:v2+s16+$0x0], $0xffff;
	_ =	sdelay $0x1  }
0x115: {  	v6 =	vor.u32 $0x19, v1  }
0x116: {  	[tilespmem:s10+$0x11800] =	vst v3;
	v3 =	vor.u32 $0x1B, v1  }
0x117: {  	[tilespmem:s10+$0x11880] =	vst v5;
	v5 =	vor.u32 $0x18, v1  }
0x118: {  	[tilespmem:s10+$0x11980] =	vst v4;
	v4 =	vor.u32 $0x1A, v1  }
0x119: {  	[tilespmem:s10+$0x11900] =	vst v2  }
0x11a: {  	v2 =	vld.idx.msk [tilespmem:v6+s16+$0x0], $0xffff  }
0x11b: {  	v3 =	vld.idx.msk [tilespmem:v3+s16+$0x0], $0xffff  }
0x11c: {  	v5 =	vld.idx.msk [tilespmem:v5+s16+$0x0], $0xffff  }
0x11d: {  	v4 =	vld.idx.msk [tilespmem:v4+s16+$0x0], $0xffff;
	_ =	sdelay $0x1  }
0x11e: {  	v6 =	vor.u32 $0x1D, v1  }
0x11f: {  	[tilespmem:s10+$0x11E80] =	vst v2;
	v2 =	vor.u32 $0x1F, v1  }
0x120: {  	[tilespmem:s10+$0x11F80] =	vst v3;
	v3 =	vor.u32 $0x1C, v1  }
0x121: {  	[tilespmem:s10+$0x11E00] =	vst v5;
	v5 =	vor.u32 $0x1E, v1  }
0x122: {  	[tilespmem:s10+$0x11F00] =	vst v4  }
0x123: {  	v4 =	vld.idx.msk [tilespmem:v6+s16+$0x0], $0xffff  }
0x124: {  	v2 =	vld.idx.msk [tilespmem:v2+s16+$0x0], $0xffff  }
0x125: {  	v3 =	vld.idx.msk [tilespmem:v3+s16+$0x0], $0xffff  }
0x126: {  	v5 =	vld.idx.msk [tilespmem:v5+s16+$0x0], $0xffff;
	_ =	sdelay $0x1  }
0x127: {  	v6 =	vor.u32 $0x21, v1  }
0x128: {  	[tilespmem:s10+$0x12080] =	vst v4;
	v4 =	vor.u32 $0x23, v1  }
0x129: {  	[tilespmem:s10+$0x12180] =	vst v2;
	v2 =	vor.u32 $0x22, v1  }
0x12a: {  	[tilespmem:s10+$0x12000] =	vst v3;
	v3 =	vor.u32 $0x20, v1  }
0x12b: {  	[tilespmem:s10+$0x12100] =	vst v5  }
0x12c: {  	v5 =	vld.idx.msk [tilespmem:v6+s16+$0x0], $0xffff  }
0x12d: {  	v4 =	vld.idx.msk [tilespmem:v4+s16+$0x0], $0xffff  }
0x12e: {  	v2 =	vld.idx.msk [tilespmem:v2+s16+$0x0], $0xffff  }
0x12f: {  	v3 =	vld.idx.msk [tilespmem:v3+s16+$0x0], $0xffff;
	_ =	sdelay $0x1  }
0x130: {  	v6 =	vor.u32 $0x25, v1  }
0x131: {  	[tilespmem:s10+$0x12680] =	vst v5;
	v5 =	vor.u32 $0x27, v1  }
0x132: {  	[tilespmem:s10+$0x12780] =	vst v4;
	v4 =	vor.u32 $0x26, v1  }
0x133: {  	[tilespmem:s10+$0x12700] =	vst v2;
	v2 =	vor.u32 $0x24, v1  }
0x134: {  	[tilespmem:s10+$0x12600] =	vst v3  }
0x135: {  	v3 =	vld.idx.msk [tilespmem:v6+s16+$0x0], $0xffff  }
0x136: {  	v5 =	vld.idx.msk [tilespmem:v5+s16+$0x0], $0xffff  }
0x137: {  	v4 =	vld.idx.msk [tilespmem:v4+s16+$0x0], $0xffff  }
0x138: {  	v2 =	vld.idx.msk [tilespmem:v2+s16+$0x0], $0xffff;
	_ =	sdelay $0x1  }
0x139: {  	v6 =	vor.u32 $0x29, v1  }
0x13a: {  	[tilespmem:s10+$0x12880] =	vst v3;
	v3 =	vor.u32 $0x2B, v1  }
0x13b: {  	[tilespmem:s10+$0x12980] =	vst v5;
	v5 =	vor.u32 $0x28, v1  }
0x13c: {  	[tilespmem:s10+$0x12900] =	vst v4;
	v4 =	vor.u32 $0x2A, v1  }
0x13d: {  	[tilespmem:s10+$0x12800] =	vst v2  }
0x13e: {  	v2 =	vld.idx.msk [tilespmem:v6+s16+$0x0], $0xffff  }
0x13f: {  	v3 =	vld.idx.msk [tilespmem:v3+s16+$0x0], $0xffff  }
0x140: {  	v5 =	vld.idx.msk [tilespmem:v5+s16+$0x0], $0xffff  }
0x141: {  	v4 =	vld.idx.msk [tilespmem:v4+s16+$0x0], $0xffff;
	_ =	sdelay $0x1  }
0x142: {  	v6 =	vor.u32 $0x2C, v1  }
0x143: {  	[tilespmem:s10+$0x12E80] =	vst v2;
	v2 =	vor.u32 $0x2D, v1  }
0x144: {  	[tilespmem:s10+$0x12F80] =	vst v3;
	v3 =	vor.u32 $0x2F, v1  }
.Ltmp2:
0x145: {  	[tilespmem:s10+$0x12E00] =	vst v5;
	v5 =	vor.u32 $0x2E, v1;
	(pc) =	sbr.rel @p0 .LBB2_7-.Ltmp2, $4  }
0x146: {  	[tilespmem:s10+$0x12F00] =	vst v4  }
0x147: {  	v4 =	vld.idx.msk [tilespmem:v6+s16+$0x0], $0xffff  }
0x148: {  	v2 =	vld.idx.msk [tilespmem:v2+s16+$0x0], $0xffff  }
0x149: {  	v3 =	vld.idx.msk [tilespmem:v3+s16+$0x0], $0xffff  }
0x14a: {  	_ =	sdelay $0x3  }
0x14b: {  	v5 =	vld.idx.msk [tilespmem:v5+s16+$0x0], $0xffff  }
0x14c: {  	v6 =	vor.u32 $0x33, v1  }
0x14d: {  	v56 =	vor.u32 $0x31, v1;
	[tilespmem:s10+$0x13000] =	vst v4  }
0x14e: {  	[tilespmem:s10+$0x13080] =	vst v2;
	v2 =	vor.u32 $0x30, v1  }
0x14f: {  	[tilespmem:s10+$0x13180] =	vst v3;
	v3 =	vor.u32 $0x32, v1  }
0x150: {  	[tilespmem:s10+$0x13100] =	vst v5  }
0x151: {  	v5 =	vld.idx.msk [tilespmem:v6+s16+$0x0], $0xffff  }
0x152: {  	v4 =	vld.idx.msk [tilespmem:v56+s16+$0x0], $0xffff  }
0x153: {  	v2 =	vld.idx.msk [tilespmem:v2+s16+$0x0], $0xffff  }
0x154: {  	v3 =	vld.idx.msk [tilespmem:v3+s16+$0x0], $0xffff  }
0x155: {  	v57 =	vor.u32 $0x34, v1  }
0x156: {  	v58 =	vor.u32 $0x35, v1;
	[tilespmem:s10+$0x13780] =	vst v5  }
0x157: {  	v59 =	vor.u32 $0x36, v1;
	[tilespmem:s10+$0x13680] =	vst v4  }
0x158: {  	[tilespmem:s10+$0x13600] =	vst v2;
	v2 =	vor.u32 $0x37, v1  }
0x159: {  	[tilespmem:s10+$0x13700] =	vst v3  }
0x15a: {  	v3 =	vld.idx.msk [tilespmem:v57+s16+$0x0], $0xffff  }
0x15b: {  	v5 =	vld.idx.msk [tilespmem:v58+s16+$0x0], $0xffff  }
0x15c: {  	v4 =	vld.idx.msk [tilespmem:v59+s16+$0x0], $0xffff  }
0x15d: {  	v2 =	vld.idx.msk [tilespmem:v2+s16+$0x0], $0xffff  }
0x15e: {  	v60 =	vor.u32 $0x38, v1  }
0x15f: {  	[tilespmem:s10+$0x13800] =	vst v3;
	v3 =	vor.u32 $0x3B, v1  }
0x160: {  	v61 =	vor.u32 $0x39, v1;
	[tilespmem:s10+$0x13880] =	vst v5  }
0x161: {  	v62 =	vor.u32 $0x3A, v1;
	[tilespmem:s10+$0x13900] =	vst v4  }
0x162: {  	[tilespmem:s10+$0x13980] =	vst v2  }
0x163: {  	v2 =	vld.idx.msk [tilespmem:v60+s16+$0x0], $0xffff  }
0x164: {  	v3 =	vld.idx.msk [tilespmem:v3+s16+$0x0], $0xffff  }
0x165: {  	v5 =	vld.idx.msk [tilespmem:v61+s16+$0x0], $0xffff  }
0x166: {  	v4 =	vld.idx.msk [tilespmem:v62+s16+$0x0], $0xffff  }
0x167: {  	v63 =	vor.u32 $0x3D, v1  }
0x168: {  	[tilespmem:s10+$0x13E00] =	vst v2;
	v2 =	vor.u32 $0x3C, v1  }
0x169: {  	[tilespmem:s10+$0x13F80] =	vst v3;
	v3 =	vor.u32 $0x3F, v1  }
0x16a: {  	[tilespmem:s10+$0x13E80] =	vst v5;
	v1 =	vor.u32 $0x3E, v1  }
0x16b: {  	[tilespmem:s10+$0x13F00] =	vst v4  }
0x16c: {  	v4 =	vld.idx.msk [tilespmem:v63+s16+$0x0], $0xffff  }
0x16d: {  	v2 =	vld.idx.msk [tilespmem:v2+s16+$0x0], $0xffff  }
0x16e: {  	v3 =	vld.idx.msk [tilespmem:v3+s16+$0x0], $0xffff  }
0x16f: {  	v1 =	vld.idx.msk [tilespmem:v1+s16+$0x0], $0xffff  }
0x170: {  	s9 =	sadd.s32 s4, s8  }
0x171: {  	s15 =	sshll.u32 s9, $0x8;
	[tilespmem:s10+$0x14080] =	vst v4  }
0x172: {  	s9 =	sshll.u32 s9, $0xB;
	s15 =	sand.u32 $0xC00, s15;
	[tilespmem:s10+$0x14000] =	vst v2  }
0x173: {  	s9 =	sand.u32 $0xFFF8000, s9;
	s15 =	sadd.s32 s3, s15;
	[tilespmem:s10+$0x14180] =	vst v3  }
0x174: {  	s30 =	simm.s32 $0x10600;
	s9 =	sadd.s32 s9, s15;
	[tilespmem:s10+$0x14100] =	vst v1  }
0x175: {  	[hbm4b:s9+s22] =	stream.strided.scatter [tilespmem:s30], [sflag:$0x7], $0x4000, s23, s22, $0x38;
	[tilespmem:$0x18600] =	vst v63  }
0x176: {  	_ =	swait.ge [sflag:s25], $0x8000  }
0x177: {  	[sflag:s25] =	ssyncset.done $0x0  }
0x178: {  	[sflag:s25] =	ssyncadd.s32 $0xFFFF8000  }
0x179: {  	_ =	swait.ge [sflag:s26], $0x100  }
0x17a: {  	[sflag:s26] =	ssyncset.done $0x0  }
0x17b: {  	s9 =	simm.s32 $0x0;
	[sflag:s26] =	ssyncadd.s32 $0xFFFFFF00  }
0x17c: {  	s10 =	simm.s32 $0x40;
	v1 =	vld [tilespmem:s9+$0x200]  }
.LBB2_9:
0x17d: {  	_ =	sdelay $0x1  }
0x17e: {  	p0 =	sne.s32 s10, $0x3C0  }
.Ltmp3:
0x17f: {  	_ = 	snop;
	(pc) =	sbr.rel @p0 .LBB2_9-.Ltmp3, $4  }
0x180: {  	v2 =	vshrl.u32 v1, $0x1  }
0x181: {  	v3 =	vand.u32 $0x7FF, v1;
	v2 =	vand.u32 $0x7FFFF800, v2  }
0x182: {  	s15 =	sshra.s32 s10, $0x2;
	v2 =	vor.u32 v3, v2  }
0x183: {  	s10 =	sadd.s32 $0x40, s10;
	v1 =	vld [tilespmem:s15+$0x200];
	[tilespmem:s9+$0x400] =	vst v2;
	s9 =	smov.u32 s15  }
0x184: {  	_ =	sdelay $0x3  }
0x185: {  	v2 =	vshrl.u32 v1, $0x1  }
0x186: {  	v1 =	vand.u32 $0x7FF, v1;
	v2 =	vand.u32 $0x7FFFF800, v2  }
0x187: {  	s0 =	sadd.s32 $0x3, s0;
	v1 =	vor.u32 v1, v2  }
0x188: {  	s29 =	simm.s32 $0x100;
	s24 =	sshll.u32 s0, $0x5;
	[tilespmem:s9+$0x400] =	vst v1  }
0x189: {  	s10 =	sshll.u32 s0, $0x8;
	s15 =	sand.u32 $0x70, s0;
	_ =	swait.ge [sflag:s28], $0x4000  }
0x18a: {  	s10 =	sand.u32 $0xF00, s10;
	s9 =	sand.u32 $0xFFFF000, s24;
	[sflag:s28] =	ssyncset.done $0x0  }
0x18b: {  	s30 =	sadd.s32 s1, s10;
	s9 =	sor.u32 s9, s15;
	[sflag:s28] =	ssyncadd.s32 $0xFFFFC000  }
0x18c: {  	[tilespmem:s16], [sflag:$0x5] =	stream.indirect.gather [hbm4b:s7+s29], $0x80, s13, s29, $0xb8;
	[tilespmem:$0x18600] =	vst v63  }
0x18d: {  	s19 =	simm.s32 $0x300;
	s9 =	sadd.s32 s9, s30  }
0x18e: {  	[tilespmem:s19], [sflag:$0x4] =	stream.strided.gather [hbm4b:s9+s12], $0x100, s13, s12, $0x38;
	[tilespmem:$0x18600] =	vst v63  }
0x18f: {  	v1 =	vld [tilespmem:s29+$0x0];
	_ =	sdelay $0x2  }
0x190: {  	s9 =	simm.s32 $0x0  }
0x191: {  	v2 =	vmov s9  }
0x192: {  	v2 =	vshll.u32 v2, $0x7;
	v1 =	vshrl.u32 v1, $0x5  }
0x193: {  	v2 =	vor.u32 v0, v2;
	v1 =	vand.u32 $0x40, v1  }
0x194: {  	v1 =	vor.u32 v2, v1  }
0x195: {  	v2 =	vor.u32 $0x3, v1  }
0x196: {  	v3 =	vor.u32 $0x1, v1  }
0x197: {  	v4 =	vor.u32 $0x2, v1;
	_ =	sdelay $0x1  }
0x198: {  	v5 =	vld.idx.msk [tilespmem:v1+s20+$0x0], $0xffff  }
0x199: {  	v2 =	vld.idx.msk [tilespmem:v2+s20+$0x0], $0xffff  }
0x19a: {  	v3 =	vld.idx.msk [tilespmem:v3+s20+$0x0], $0xffff  }
0x19b: {  	s24 =	sand.u32 $0x70, s9;
	s19 =	sand.u32 $0x400, s9;
	v4 =	vld.idx.msk [tilespmem:v4+s20+$0x0], $0xffff  }
0x19c: {  	s15 =	sor.u32 s24, s19;
	v6 =	vor.u32 $0x4, v1  }
0x19d: {  	s19 =	sadd.s32 $0x14600, s15;
	[tilespmem:s15+$0x14600] =	vst v5;
	v5 =	vor.u32 $0x5, v1  }
0x19e: {  	[tilespmem:s19+$0x180] =	vst v2;
	v2 =	vor.u32 $0x6, v1  }
0x19f: {  	[tilespmem:s19+$0x80] =	vst v3;
	v3 =	vor.u32 $0x7, v1  }
0x1a0: {  	[tilespmem:s19+$0x100] =	vst v4  }
0x1a1: {  	v4 =	vld.idx.msk [tilespmem:v6+s20+$0x0], $0xffff  }
0x1a2: {  	v5 =	vld.idx.msk [tilespmem:v5+s20+$0x0], $0xffff  }
0x1a3: {  	v2 =	vld.idx.msk [tilespmem:v2+s20+$0x0], $0xffff  }
0x1a4: {  	v3 =	vld.idx.msk [tilespmem:v3+s20+$0x0], $0xffff  }
0x1a5: {  	v6 =	vor.u32 $0xA, v1  }
0x1a6: {  	[tilespmem:s19+$0x200] =	vst v4;
	v4 =	vor.u32 $0x9, v1  }
0x1a7: {  	s24 =	sor.u32 s9, s9;
	[tilespmem:s19+$0x280] =	vst v5;
	v5 =	vor.u32 $0x8, v1  }
0x1a8: {  	s30 =	sor.u32 $0x380, s24;
	[tilespmem:s19+$0x300] =	vst v2;
	v2 =	vor.u32 $0xB, v1  }
0x1a9: {  	[tilespmem:s30+$0x14600] =	vst v3  }
0x1aa: {  	v3 =	vld.idx.msk [tilespmem:v6+s20+$0x0], $0xffff  }
0x1ab: {  	v4 =	vld.idx.msk [tilespmem:v4+s20+$0x0], $0xffff  }
0x1ac: {  	v5 =	vld.idx.msk [tilespmem:v5+s20+$0x0], $0xffff  }
0x1ad: {  	v2 =	vld.idx.msk [tilespmem:v2+s20+$0x0], $0xffff  }
0x1ae: {  	v6 =	vor.u32 $0xF, v1  }
0x1af: {  	[tilespmem:s15+$0x14F00] =	vst v3;
	v3 =	vor.u32 $0xD, v1  }
0x1b0: {  	[tilespmem:s15+$0x14E80] =	vst v4;
	v4 =	vor.u32 $0xC, v1  }
0x1b1: {  	[tilespmem:s15+$0x14E00] =	vst v5;
	v5 =	vor.u32 $0xE, v1  }
0x1b2: {  	[tilespmem:s15+$0x14F80] =	vst v2  }
0x1b3: {  	v2 =	vld.idx.msk [tilespmem:v6+s20+$0x0], $0xffff  }
0x1b4: {  	v3 =	vld.idx.msk [tilespmem:v3+s20+$0x0], $0xffff  }
0x1b5: {  	v4 =	vld.idx.msk [tilespmem:v4+s20+$0x0], $0xffff  }
0x1b6: {  	v5 =	vld.idx.msk [tilespmem:v5+s20+$0x0], $0xffff  }
0x1b7: {  	v6 =	vor.u32 $0x13, v1  }
0x1b8: {  	[tilespmem:s15+$0x15180] =	vst v2;
	v2 =	vor.u32 $0x11, v1  }
0x1b9: {  	[tilespmem:s15+$0x15080] =	vst v3;
	v3 =	vor.u32 $0x10, v1  }
0x1ba: {  	[tilespmem:s15+$0x15000] =	vst v4;
	v4 =	vor.u32 $0x12, v1  }
0x1bb: {  	[tilespmem:s15+$0x15100] =	vst v5  }
0x1bc: {  	v5 =	vld.idx.msk [tilespmem:v6+s20+$0x0], $0xffff  }
0x1bd: {  	v2 =	vld.idx.msk [tilespmem:v2+s20+$0x0], $0xffff  }
0x1be: {  	v3 =	vld.idx.msk [tilespmem:v3+s20+$0x0], $0xffff  }
0x1bf: {  	v4 =	vld.idx.msk [tilespmem:v4+s20+$0x0], $0xffff  }
0x1c0: {  	v6 =	vor.u32 $0x14, v1  }
0x1c1: {  	[tilespmem:s15+$0x15780] =	vst v5;
	v5 =	vor.u32 $0x15, v1  }
0x1c2: {  	[tilespmem:s15+$0x15680] =	vst v2;
	v2 =	vor.u32 $0x17, v1  }
0x1c3: {  	[tilespmem:s15+$0x15600] =	vst v3;
	v3 =	vor.u32 $0x16, v1  }
0x1c4: {  	[tilespmem:s15+$0x15700] =	vst v4  }
0x1c5: {  	v4 =	vld.idx.msk [tilespmem:v6+s20+$0x0], $0xffff  }
0x1c6: {  	v5 =	vld.idx.msk [tilespmem:v5+s20+$0x0], $0xffff  }
0x1c7: {  	v2 =	vld.idx.msk [tilespmem:v2+s20+$0x0], $0xffff  }
0x1c8: {  	v3 =	vld.idx.msk [tilespmem:v3+s20+$0x0], $0xffff  }
0x1c9: {  	v6 =	vor.u32 $0x19, v1  }
0x1ca: {  	[tilespmem:s15+$0x15800] =	vst v4;
	v4 =	vor.u32 $0x1B, v1  }
0x1cb: {  	[tilespmem:s15+$0x15880] =	vst v5;
	v5 =	vor.u32 $0x18, v1  }
0x1cc: {  	[tilespmem:s15+$0x15980] =	vst v2;
	v2 =	vor.u32 $0x1A, v1  }
0x1cd: {  	[tilespmem:s15+$0x15900] =	vst v3  }
0x1ce: {  	v3 =	vld.idx.msk [tilespmem:v6+s20+$0x0], $0xffff  }
0x1cf: {  	v4 =	vld.idx.msk [tilespmem:v4+s20+$0x0], $0xffff  }
0x1d0: {  	v5 =	vld.idx.msk [tilespmem:v5+s20+$0x0], $0xffff  }
0x1d1: {  	v2 =	vld.idx.msk [tilespmem:v2+s20+$0x0], $0xffff  }
0x1d2: {  	v6 =	vor.u32 $0x1D, v1  }
0x1d3: {  	[tilespmem:s15+$0x15E80] =	vst v3;
	v3 =	vor.u32 $0x1F, v1  }
0x1d4: {  	[tilespmem:s15+$0x15F80] =	vst v4;
	v4 =	vor.u32 $0x1C, v1  }
0x1d5: {  	[tilespmem:s15+$0x15E00] =	vst v5;
	v5 =	vor.u32 $0x1E, v1  }
0x1d6: {  	[tilespmem:s15+$0x15F00] =	vst v2  }
0x1d7: {  	v2 =	vld.idx.msk [tilespmem:v6+s20+$0x0], $0xffff  }
0x1d8: {  	v3 =	vld.idx.msk [tilespmem:v3+s20+$0x0], $0xffff  }
0x1d9: {  	v4 =	vld.idx.msk [tilespmem:v4+s20+$0x0], $0xffff  }
0x1da: {  	v5 =	vld.idx.msk [tilespmem:v5+s20+$0x0], $0xffff  }
0x1db: {  	v6 =	vor.u32 $0x21, v1  }
0x1dc: {  	[tilespmem:s15+$0x16080] =	vst v2;
	v2 =	vor.u32 $0x23, v1  }
0x1dd: {  	[tilespmem:s15+$0x16180] =	vst v3;
	v3 =	vor.u32 $0x22, v1  }
0x1de: {  	[tilespmem:s15+$0x16000] =	vst v4;
	v4 =	vor.u32 $0x20, v1  }
0x1df: {  	[tilespmem:s15+$0x16100] =	vst v5  }
0x1e0: {  	v5 =	vld.idx.msk [tilespmem:v6+s20+$0x0], $0xffff  }
0x1e1: {  	v2 =	vld.idx.msk [tilespmem:v2+s20+$0x0], $0xffff  }
0x1e2: {  	v3 =	vld.idx.msk [tilespmem:v3+s20+$0x0], $0xffff  }
0x1e3: {  	v4 =	vld.idx.msk [tilespmem:v4+s20+$0x0], $0xffff  }
0x1e4: {  	v6 =	vor.u32 $0x25, v1  }
0x1e5: {  	[tilespmem:s15+$0x16680] =	vst v5;
	v5 =	vor.u32 $0x27, v1  }
0x1e6: {  	[tilespmem:s15+$0x16780] =	vst v2;
	v2 =	vor.u32 $0x26, v1  }
0x1e7: {  	[tilespmem:s15+$0x16700] =	vst v3;
	v3 =	vor.u32 $0x24, v1  }
0x1e8: {  	[tilespmem:s15+$0x16600] =	vst v4  }
0x1e9: {  	v4 =	vld.idx.msk [tilespmem:v6+s20+$0x0], $0xffff  }
0x1ea: {  	v5 =	vld.idx.msk [tilespmem:v5+s20+$0x0], $0xffff  }
0x1eb: {  	v2 =	vld.idx.msk [tilespmem:v2+s20+$0x0], $0xffff  }
0x1ec: {  	v3 =	vld.idx.msk [tilespmem:v3+s20+$0x0], $0xffff  }
0x1ed: {  	v6 =	vor.u32 $0x29, v1  }
0x1ee: {  	[tilespmem:s15+$0x16880] =	vst v4;
	v4 =	vor.u32 $0x2B, v1  }
0x1ef: {  	[tilespmem:s15+$0x16980] =	vst v5;
	v5 =	vor.u32 $0x28, v1  }
0x1f0: {  	[tilespmem:s15+$0x16900] =	vst v2;
	v2 =	vor.u32 $0x2A, v1  }
0x1f1: {  	[tilespmem:s15+$0x16800] =	vst v3  }
0x1f2: {  	v3 =	vld.idx.msk [tilespmem:v6+s20+$0x0], $0xffff  }
0x1f3: {  	v4 =	vld.idx.msk [tilespmem:v4+s20+$0x0], $0xffff  }
0x1f4: {  	v5 =	vld.idx.msk [tilespmem:v5+s20+$0x0], $0xffff  }
0x1f5: {  	v2 =	vld.idx.msk [tilespmem:v2+s20+$0x0], $0xffff  }
0x1f6: {  	v6 =	vor.u32 $0x2C, v1  }
0x1f7: {  	[tilespmem:s15+$0x16E80] =	vst v3;
	v3 =	vor.u32 $0x2D, v1  }
0x1f8: {  	v7 =	vor.u32 $0x2F, v1;
	[tilespmem:s15+$0x16F80] =	vst v4  }
0x1f9: {  	[tilespmem:s15+$0x16E00] =	vst v5;
	v5 =	vor.u32 $0x2E, v1  }
0x1fa: {  	[tilespmem:s15+$0x16F00] =	vst v2  }
0x1fb: {  	v4 =	vld.idx.msk [tilespmem:v6+s20+$0x0], $0xffff  }
0x1fc: {  	v2 =	vld.idx.msk [tilespmem:v3+s20+$0x0], $0xffff  }
0x1fd: {  	s19 =	simm.s32 $0x10;
	v3 =	vld.idx.msk [tilespmem:v7+s20+$0x0], $0xffff  }
.LBB2_11:
0x1fe: {  	p0 =	sne.s32 s19, $0xF0;
	v5 =	vld.idx.msk [tilespmem:v5+s20+$0x0], $0xffff;
	s9 =	sadd.s32 $0x80, s9;
	s29 =	sadd.s32 $0x10, s29  }
0x1ff: {  	s24 =	smov.u32 s19;
	s19 =	sadd.s32 $0x10, s19  }
0x200: {  	v6 =	vor.u32 $0x33, v1  }
0x201: {  	[tilespmem:s15+$0x17000] =	vst v4;
	v4 =	vor.u32 $0x31, v1  }
0x202: {  	[tilespmem:s15+$0x17080] =	vst v2;
	v2 =	vor.u32 $0x30, v1  }
0x203: {  	[tilespmem:s15+$0x17180] =	vst v3;
	v3 =	vor.u32 $0x32, v1  }
0x204: {  	[tilespmem:s15+$0x17100] =	vst v5  }
0x205: {  	v5 =	vld.idx.msk [tilespmem:v6+s20+$0x0], $0xffff  }
0x206: {  	v4 =	vld.idx.msk [tilespmem:v4+s20+$0x0], $0xffff  }
0x207: {  	v2 =	vld.idx.msk [tilespmem:v2+s20+$0x0], $0xffff  }
0x208: {  	v3 =	vld.idx.msk [tilespmem:v3+s20+$0x0], $0xffff;
	_ =	sdelay $0x1  }
0x209: {  	v6 =	vor.u32 $0x34, v1  }
0x20a: {  	[tilespmem:s15+$0x17780] =	vst v5;
	v5 =	vor.u32 $0x35, v1  }
0x20b: {  	[tilespmem:s15+$0x17680] =	vst v4;
	v4 =	vor.u32 $0x36, v1  }
0x20c: {  	[tilespmem:s15+$0x17600] =	vst v2;
	v2 =	vor.u32 $0x37, v1  }
0x20d: {  	[tilespmem:s15+$0x17700] =	vst v3  }
0x20e: {  	v3 =	vld.idx.msk [tilespmem:v6+s20+$0x0], $0xffff  }
0x20f: {  	v5 =	vld.idx.msk [tilespmem:v5+s20+$0x0], $0xffff  }
0x210: {  	v4 =	vld.idx.msk [tilespmem:v4+s20+$0x0], $0xffff  }
0x211: {  	v2 =	vld.idx.msk [tilespmem:v2+s20+$0x0], $0xffff;
	_ =	sdelay $0x1  }
0x212: {  	v6 =	vor.u32 $0x38, v1  }
0x213: {  	[tilespmem:s15+$0x17800] =	vst v3;
	v3 =	vor.u32 $0x3B, v1  }
0x214: {  	[tilespmem:s15+$0x17880] =	vst v5;
	v5 =	vor.u32 $0x39, v1  }
0x215: {  	[tilespmem:s15+$0x17900] =	vst v4;
	v4 =	vor.u32 $0x3A, v1  }
0x216: {  	[tilespmem:s15+$0x17980] =	vst v2  }
0x217: {  	v2 =	vld.idx.msk [tilespmem:v6+s20+$0x0], $0xffff  }
0x218: {  	v3 =	vld.idx.msk [tilespmem:v3+s20+$0x0], $0xffff  }
0x219: {  	v5 =	vld.idx.msk [tilespmem:v5+s20+$0x0], $0xffff  }
0x21a: {  	v4 =	vld.idx.msk [tilespmem:v4+s20+$0x0], $0xffff;
	_ =	sdelay $0x1  }
0x21b: {  	v6 =	vor.u32 $0x3D, v1  }
0x21c: {  	[tilespmem:s15+$0x17E00] =	vst v2;
	v2 =	vor.u32 $0x3C, v1  }
0x21d: {  	[tilespmem:s15+$0x17F80] =	vst v3;
	v3 =	vor.u32 $0x3E, v1;
	v1 =	vor.u32 $0x3F, v1  }
0x21e: {  	[tilespmem:s15+$0x17E80] =	vst v5  }
0x21f: {  	[tilespmem:s15+$0x17F00] =	vst v4  }
0x220: {  	v4 =	vld.idx.msk [tilespmem:v6+s20+$0x0], $0xffff  }
0x221: {  	v2 =	vld.idx.msk [tilespmem:v2+s20+$0x0], $0xffff  }
0x222: {  	v1 =	vld.idx.msk [tilespmem:v1+s20+$0x0], $0xffff  }
0x223: {  	v3 =	vld.idx.msk [tilespmem:v3+s20+$0x0], $0xffff;
	_ =	sdelay $0x2  }
0x224: {  	[tilespmem:s15+$0x18080] =	vst v4  }
0x225: {  	[tilespmem:s15+$0x18000] =	vst v2  }
0x226: {  	[tilespmem:s15+$0x18180] =	vst v1  }
0x227: {  	[tilespmem:s15+$0x18100] =	vst v3  }
0x228: {  	v1 =	vld [tilespmem:s29+$0x0];
	_ =	sdelay $0x3  }
0x229: {  	v2 =	vmov s24  }
0x22a: {  	v2 =	vshll.u32 v2, $0x7;
	v1 =	vshrl.u32 v1, $0x5  }
0x22b: {  	v2 =	vor.u32 v0, v2;
	v1 =	vand.u32 $0x40, v1  }
0x22c: {  	v1 =	vor.u32 v2, v1  }
0x22d: {  	v2 =	vor.u32 $0x1, v1;
	v3 =	vor.u32 $0x2, v1;
	v4 =	vor.u32 $0x3, v1;
	_ =	sdelay $0x3  }
0x22e: {  	v5 =	vld.idx.msk [tilespmem:v1+s20+$0x0], $0xffff  }
0x22f: {  	v4 =	vld.idx.msk [tilespmem:v4+s20+$0x0], $0xffff  }
0x230: {  	v2 =	vld.idx.msk [tilespmem:v2+s20+$0x0], $0xffff  }
0x231: {  	v3 =	vld.idx.msk [tilespmem:v3+s20+$0x0], $0xffff  }
0x232: {  	s30 =	sand.u32 $0x400, s9;
	s15 =	sand.u32 $0x70, s24  }
0x233: {  	s15 =	sor.u32 s15, s30;
	v6 =	vor.u32 $0x4, v1  }
0x234: {  	s30 =	sadd.s32 $0x14600, s15;
	[tilespmem:s15+$0x14600] =	vst v5;
	v5 =	vor.u32 $0x5, v1  }
0x235: {  	[tilespmem:s30+$0x180] =	vst v4;
	v4 =	vor.u32 $0x6, v1  }
0x236: {  	[tilespmem:s30+$0x80] =	vst v2;
	v2 =	vor.u32 $0x7, v1  }
0x237: {  	[tilespmem:s30+$0x100] =	vst v3  }
0x238: {  	v3 =	vld.idx.msk [tilespmem:v6+s20+$0x0], $0xffff  }
0x239: {  	v5 =	vld.idx.msk [tilespmem:v5+s20+$0x0], $0xffff  }
0x23a: {  	v4 =	vld.idx.msk [tilespmem:v4+s20+$0x0], $0xffff  }
0x23b: {  	v2 =	vld.idx.msk [tilespmem:v2+s20+$0x0], $0xffff;
	_ =	sdelay $0x1  }
0x23c: {  	v6 =	vor.u32 $0xA, v1  }
0x23d: {  	[tilespmem:s30+$0x200] =	vst v3;
	v3 =	vor.u32 $0x9, v1  }
0x23e: {  	s24 =	sor.u32 s9, s24;
	[tilespmem:s30+$0x280] =	vst v5;
	v5 =	vor.u32 $0x8, v1  }
0x23f: {  	s24 =	sor.u32 $0x380, s24;
	[tilespmem:s30+$0x300] =	vst v4;
	v4 =	vor.u32 $0xB, v1  }
0x240: {  	[tilespmem:s24+$0x14600] =	vst v2  }
0x241: {  	v2 =	vld.idx.msk [tilespmem:v6+s20+$0x0], $0xffff  }
0x242: {  	v3 =	vld.idx.msk [tilespmem:v3+s20+$0x0], $0xffff  }
0x243: {  	v5 =	vld.idx.msk [tilespmem:v5+s20+$0x0], $0xffff  }
0x244: {  	v4 =	vld.idx.msk [tilespmem:v4+s20+$0x0], $0xffff;
	_ =	sdelay $0x1  }
0x245: {  	v6 =	vor.u32 $0xF, v1  }
0x246: {  	[tilespmem:s15+$0x14F00] =	vst v2;
	v2 =	vor.u32 $0xD, v1  }
0x247: {  	[tilespmem:s15+$0x14E80] =	vst v3;
	v3 =	vor.u32 $0xC, v1  }
0x248: {  	[tilespmem:s15+$0x14E00] =	vst v5;
	v5 =	vor.u32 $0xE, v1  }
0x249: {  	[tilespmem:s15+$0x14F80] =	vst v4  }
0x24a: {  	v4 =	vld.idx.msk [tilespmem:v6+s20+$0x0], $0xffff  }
0x24b: {  	v2 =	vld.idx.msk [tilespmem:v2+s20+$0x0], $0xffff  }
0x24c: {  	v3 =	vld.idx.msk [tilespmem:v3+s20+$0x0], $0xffff  }
0x24d: {  	v5 =	vld.idx.msk [tilespmem:v5+s20+$0x0], $0xffff;
	_ =	sdelay $0x1  }
0x24e: {  	v6 =	vor.u32 $0x13, v1  }
0x24f: {  	[tilespmem:s15+$0x15180] =	vst v4;
	v4 =	vor.u32 $0x11, v1  }
0x250: {  	[tilespmem:s15+$0x15080] =	vst v2;
	v2 =	vor.u32 $0x10, v1  }
0x251: {  	[tilespmem:s15+$0x15000] =	vst v3;
	v3 =	vor.u32 $0x12, v1  }
0x252: {  	[tilespmem:s15+$0x15100] =	vst v5  }
0x253: {  	v5 =	vld.idx.msk [tilespmem:v6+s20+$0x0], $0xffff  }
0x254: {  	v4 =	vld.idx.msk [tilespmem:v4+s20+$0x0], $0xffff  }
0x255: {  	v2 =	vld.idx.msk [tilespmem:v2+s20+$0x0], $0xffff  }
0x256: {  	v3 =	vld.idx.msk [tilespmem:v3+s20+$0x0], $0xffff;
	_ =	sdelay $0x1  }
0x257: {  	v6 =	vor.u32 $0x14, v1  }
0x258: {  	[tilespmem:s15+$0x15780] =	vst v5;
	v5 =	vor.u32 $0x15, v1  }
0x259: {  	[tilespmem:s15+$0x15680] =	vst v4;
	v4 =	vor.u32 $0x17, v1  }
0x25a: {  	[tilespmem:s15+$0x15600] =	vst v2;
	v2 =	vor.u32 $0x16, v1  }
0x25b: {  	[tilespmem:s15+$0x15700] =	vst v3  }
0x25c: {  	v3 =	vld.idx.msk [tilespmem:v6+s20+$0x0], $0xffff  }
0x25d: {  	v5 =	vld.idx.msk [tilespmem:v5+s20+$0x0], $0xffff  }
0x25e: {  	v4 =	vld.idx.msk [tilespmem:v4+s20+$0x0], $0xffff  }
0x25f: {  	v2 =	vld.idx.msk [tilespmem:v2+s20+$0x0], $0xffff;
	_ =	sdelay $0x1  }
0x260: {  	v6 =	vor.u32 $0x19, v1  }
0x261: {  	[tilespmem:s15+$0x15800] =	vst v3;
	v3 =	vor.u32 $0x1B, v1  }
0x262: {  	[tilespmem:s15+$0x15880] =	vst v5;
	v5 =	vor.u32 $0x18, v1  }
0x263: {  	[tilespmem:s15+$0x15980] =	vst v4;
	v4 =	vor.u32 $0x1A, v1  }
0x264: {  	[tilespmem:s15+$0x15900] =	vst v2  }
0x265: {  	v2 =	vld.idx.msk [tilespmem:v6+s20+$0x0], $0xffff  }
0x266: {  	v3 =	vld.idx.msk [tilespmem:v3+s20+$0x0], $0xffff  }
0x267: {  	v5 =	vld.idx.msk [tilespmem:v5+s20+$0x0], $0xffff  }
0x268: {  	v4 =	vld.idx.msk [tilespmem:v4+s20+$0x0], $0xffff;
	_ =	sdelay $0x1  }
0x269: {  	v6 =	vor.u32 $0x1D, v1  }
0x26a: {  	[tilespmem:s15+$0x15E80] =	vst v2;
	v2 =	vor.u32 $0x1F, v1  }
0x26b: {  	[tilespmem:s15+$0x15F80] =	vst v3;
	v3 =	vor.u32 $0x1C, v1  }
0x26c: {  	[tilespmem:s15+$0x15E00] =	vst v5;
	v5 =	vor.u32 $0x1E, v1  }
0x26d: {  	[tilespmem:s15+$0x15F00] =	vst v4  }
0x26e: {  	v4 =	vld.idx.msk [tilespmem:v6+s20+$0x0], $0xffff  }
0x26f: {  	v2 =	vld.idx.msk [tilespmem:v2+s20+$0x0], $0xffff  }
0x270: {  	v3 =	vld.idx.msk [tilespmem:v3+s20+$0x0], $0xffff  }
0x271: {  	v5 =	vld.idx.msk [tilespmem:v5+s20+$0x0], $0xffff;
	_ =	sdelay $0x1  }
0x272: {  	v6 =	vor.u32 $0x21, v1  }
0x273: {  	[tilespmem:s15+$0x16080] =	vst v4;
	v4 =	vor.u32 $0x23, v1  }
0x274: {  	[tilespmem:s15+$0x16180] =	vst v2;
	v2 =	vor.u32 $0x22, v1  }
0x275: {  	[tilespmem:s15+$0x16000] =	vst v3;
	v3 =	vor.u32 $0x20, v1  }
0x276: {  	[tilespmem:s15+$0x16100] =	vst v5  }
0x277: {  	v5 =	vld.idx.msk [tilespmem:v6+s20+$0x0], $0xffff  }
0x278: {  	v4 =	vld.idx.msk [tilespmem:v4+s20+$0x0], $0xffff  }
0x279: {  	v2 =	vld.idx.msk [tilespmem:v2+s20+$0x0], $0xffff  }
0x27a: {  	v3 =	vld.idx.msk [tilespmem:v3+s20+$0x0], $0xffff;
	_ =	sdelay $0x1  }
0x27b: {  	v6 =	vor.u32 $0x25, v1  }
0x27c: {  	[tilespmem:s15+$0x16680] =	vst v5;
	v5 =	vor.u32 $0x27, v1  }
0x27d: {  	[tilespmem:s15+$0x16780] =	vst v4;
	v4 =	vor.u32 $0x26, v1  }
0x27e: {  	[tilespmem:s15+$0x16700] =	vst v2;
	v2 =	vor.u32 $0x24, v1  }
0x27f: {  	[tilespmem:s15+$0x16600] =	vst v3  }
0x280: {  	v3 =	vld.idx.msk [tilespmem:v6+s20+$0x0], $0xffff  }
0x281: {  	v5 =	vld.idx.msk [tilespmem:v5+s20+$0x0], $0xffff  }
0x282: {  	v4 =	vld.idx.msk [tilespmem:v4+s20+$0x0], $0xffff  }
0x283: {  	v2 =	vld.idx.msk [tilespmem:v2+s20+$0x0], $0xffff;
	_ =	sdelay $0x1  }
0x284: {  	v6 =	vor.u32 $0x29, v1  }
0x285: {  	[tilespmem:s15+$0x16880] =	vst v3;
	v3 =	vor.u32 $0x2B, v1  }
0x286: {  	[tilespmem:s15+$0x16980] =	vst v5;
	v5 =	vor.u32 $0x28, v1  }
0x287: {  	[tilespmem:s15+$0x16900] =	vst v4;
	v4 =	vor.u32 $0x2A, v1  }
0x288: {  	[tilespmem:s15+$0x16800] =	vst v2  }
0x289: {  	v2 =	vld.idx.msk [tilespmem:v6+s20+$0x0], $0xffff  }
0x28a: {  	v3 =	vld.idx.msk [tilespmem:v3+s20+$0x0], $0xffff  }
0x28b: {  	v5 =	vld.idx.msk [tilespmem:v5+s20+$0x0], $0xffff  }
0x28c: {  	v4 =	vld.idx.msk [tilespmem:v4+s20+$0x0], $0xffff;
	_ =	sdelay $0x1  }
0x28d: {  	v6 =	vor.u32 $0x2C, v1  }
0x28e: {  	[tilespmem:s15+$0x16E80] =	vst v2;
	v2 =	vor.u32 $0x2D, v1  }
0x28f: {  	[tilespmem:s15+$0x16F80] =	vst v3;
	v3 =	vor.u32 $0x2F, v1  }
.Ltmp4:
0x290: {  	[tilespmem:s15+$0x16E00] =	vst v5;
	v5 =	vor.u32 $0x2E, v1;
	(pc) =	sbr.rel @p0 .LBB2_11-.Ltmp4, $4  }
0x291: {  	[tilespmem:s15+$0x16F00] =	vst v4  }
0x292: {  	v4 =	vld.idx.msk [tilespmem:v6+s20+$0x0], $0xffff  }
0x293: {  	v2 =	vld.idx.msk [tilespmem:v2+s20+$0x0], $0xffff  }
0x294: {  	v3 =	vld.idx.msk [tilespmem:v3+s20+$0x0], $0xffff  }
0x295: {  	_ =	sdelay $0x3  }
0x296: {  	v5 =	vld.idx.msk [tilespmem:v5+s20+$0x0], $0xffff  }
0x297: {  	v6 =	vor.u32 $0x33, v1  }
0x298: {  	v56 =	vor.u32 $0x31, v1;
	[tilespmem:s15+$0x17000] =	vst v4  }
0x299: {  	[tilespmem:s15+$0x17080] =	vst v2;
	v2 =	vor.u32 $0x30, v1  }
0x29a: {  	[tilespmem:s15+$0x17180] =	vst v3;
	v3 =	vor.u32 $0x32, v1  }
0x29b: {  	[tilespmem:s15+$0x17100] =	vst v5  }
0x29c: {  	v5 =	vld.idx.msk [tilespmem:v6+s20+$0x0], $0xffff  }
0x29d: {  	v4 =	vld.idx.msk [tilespmem:v56+s20+$0x0], $0xffff  }
0x29e: {  	v2 =	vld.idx.msk [tilespmem:v2+s20+$0x0], $0xffff  }
0x29f: {  	v3 =	vld.idx.msk [tilespmem:v3+s20+$0x0], $0xffff  }
0x2a0: {  	v57 =	vor.u32 $0x34, v1  }
0x2a1: {  	v58 =	vor.u32 $0x35, v1;
	[tilespmem:s15+$0x17780] =	vst v5  }
0x2a2: {  	v59 =	vor.u32 $0x36, v1;
	[tilespmem:s15+$0x17680] =	vst v4  }
0x2a3: {  	[tilespmem:s15+$0x17600] =	vst v2;
	v2 =	vor.u32 $0x37, v1  }
0x2a4: {  	[tilespmem:s15+$0x17700] =	vst v3  }
0x2a5: {  	v3 =	vld.idx.msk [tilespmem:v57+s20+$0x0], $0xffff  }
0x2a6: {  	v5 =	vld.idx.msk [tilespmem:v58+s20+$0x0], $0xffff  }
0x2a7: {  	v4 =	vld.idx.msk [tilespmem:v59+s20+$0x0], $0xffff  }
0x2a8: {  	v2 =	vld.idx.msk [tilespmem:v2+s20+$0x0], $0xffff  }
0x2a9: {  	v60 =	vor.u32 $0x38, v1  }
0x2aa: {  	[tilespmem:s15+$0x17800] =	vst v3;
	v3 =	vor.u32 $0x3B, v1  }
0x2ab: {  	v61 =	vor.u32 $0x39, v1;
	[tilespmem:s15+$0x17880] =	vst v5  }
0x2ac: {  	v62 =	vor.u32 $0x3A, v1;
	[tilespmem:s15+$0x17900] =	vst v4  }
0x2ad: {  	[tilespmem:s15+$0x17980] =	vst v2  }
0x2ae: {  	v2 =	vld.idx.msk [tilespmem:v60+s20+$0x0], $0xffff  }
0x2af: {  	v3 =	vld.idx.msk [tilespmem:v3+s20+$0x0], $0xffff  }
0x2b0: {  	v5 =	vld.idx.msk [tilespmem:v61+s20+$0x0], $0xffff  }
0x2b1: {  	v4 =	vld.idx.msk [tilespmem:v62+s20+$0x0], $0xffff  }
0x2b2: {  	v63 =	vor.u32 $0x3D, v1  }
0x2b3: {  	[tilespmem:s15+$0x17E00] =	vst v2;
	v2 =	vor.u32 $0x3C, v1  }
0x2b4: {  	[tilespmem:s15+$0x17F80] =	vst v3;
	v3 =	vor.u32 $0x3F, v1  }
0x2b5: {  	[tilespmem:s15+$0x17E80] =	vst v5;
	v1 =	vor.u32 $0x3E, v1  }
0x2b6: {  	[tilespmem:s15+$0x17F00] =	vst v4  }
0x2b7: {  	v4 =	vld.idx.msk [tilespmem:v63+s20+$0x0], $0xffff  }
0x2b8: {  	v2 =	vld.idx.msk [tilespmem:v2+s20+$0x0], $0xffff  }
0x2b9: {  	v3 =	vld.idx.msk [tilespmem:v3+s20+$0x0], $0xffff  }
0x2ba: {  	v1 =	vld.idx.msk [tilespmem:v1+s20+$0x0], $0xffff  }
0x2bb: {  	s9 =	sadd.s32 s4, s21  }
0x2bc: {  	s19 =	sshll.u32 s9, $0x8;
	[tilespmem:s15+$0x18080] =	vst v4  }
0x2bd: {  	s9 =	sshll.u32 s9, $0xB;
	s19 =	sand.u32 $0xD00, s19;
	[tilespmem:s15+$0x18000] =	vst v2  }
0x2be: {  	s9 =	sand.u32 $0xFFF8000, s9;
	s19 =	sadd.s32 s3, s19;
	[tilespmem:s15+$0x18180] =	vst v3  }
0x2bf: {  	s30 =	simm.s32 $0x14600;
	s9 =	sadd.s32 s9, s19;
	[tilespmem:s15+$0x18100] =	vst v1  }
0x2c0: {  	[hbm4b:s9+s22] =	stream.strided.scatter [tilespmem:s30], [sflag:$0x8], $0x4000, s23, s22, $0x38;
	[tilespmem:$0x18600] =	vst v63  }
0x2c1: {  	_ =	swait.ge [sflag:s17], $0x8000  }
0x2c2: {  	[sflag:s17] =	ssyncset.done $0x0  }
0x2c3: {  	[sflag:s17] =	ssyncadd.s32 $0xFFFF8000  }
0x2c4: {  	_ =	swait.ge [sflag:s31], $0x100  }
0x2c5: {  	[sflag:s31] =	ssyncset.done $0x0  }
0x2c6: {  	s9 =	simm.s32 $0x0;
	[sflag:s31] =	ssyncadd.s32 $0xFFFFFF00  }
0x2c7: {  	s15 =	simm.s32 $0x40;
	v1 =	vld [tilespmem:s9+$0x300]  }
.LBB2_13:
0x2c8: {  	_ =	sdelay $0x1  }
0x2c9: {  	p0 =	sne.s32 s15, $0x3C0  }
.Ltmp5:
0x2ca: {  	_ = 	snop;
	(pc) =	sbr.rel @p0 .LBB2_13-.Ltmp5, $4  }
0x2cb: {  	v2 =	vshrl.u32 v1, $0x1  }
0x2cc: {  	v3 =	vand.u32 $0x7FF, v1;
	v2 =	vand.u32 $0x7FFFF800, v2  }
0x2cd: {  	s19 =	sshra.s32 s15, $0x2;
	v2 =	vor.u32 v3, v2  }
0x2ce: {  	s15 =	sadd.s32 $0x40, s15;
	v1 =	vld [tilespmem:s19+$0x300];
	[tilespmem:s9+$0x500] =	vst v2;
	s9 =	smov.u32 s19  }
0x2cf: {  	_ =	sdelay $0x3  }
0x2d0: {  	v2 =	vshrl.u32 v1, $0x1  }
0x2d1: {  	v1 =	vand.u32 $0x7FF, v1;
	v2 =	vand.u32 $0x7FFFF800, v2  }
0x2d2: {  	v1 =	vor.u32 v1, v2  }
0x2d3: {  	[tilespmem:s9+$0x500] =	vst v1  }
0x2d4: {  	_ =	swait.ge [sflag:s2], $0x4000  }
0x2d5: {  	p0 =	seq.s32 s5, $0x18;
	[sflag:s2] =	ssyncset.done $0x0;
	s9 =	rddreg [dreg:$0x6]  }
0x2d6: {  	s30 =	simm.s32 $0x500;
	[sflag:s2] =	ssyncadd.s32 $0xFFFFC000;
	s9 =	sadd.s32 @!p0 s8, s9  }
0x2d7: {  	[tilespmem:s20], [sflag:$0x6] =	stream.indirect.gather [hbm4b:s7+s14], $0x80, s30, s14, $0xb8;
	[tilespmem:$0x18600] =	vst v63  }
0x2d8: {  	s15 =	sshll.u32 @!p0 s9, $0x5;
	s19 =	sshll.u32 @!p0 s9, $0x8  }
0x2d9: {  	s9 =	sand.u32 @!p0 $0x70, s9;
	s15 =	sand.u32 @!p0 $0xFFFF000, s15;
	s19 =	sand.u32 @!p0 $0xC00, s19  }
0x2da: {  	s21 =	simm.s32 @!p0 $0x0;
	s9 =	sadd.s32 @!p0 s1, s9;
	s15 =	sor.u32 @!p0 s19, s15  }
0x2db: {  	s19 =	simm.s32 @!p0 $0x400;
	s9 =	sadd.s32 @!p0 s15, s9;
	s15 =	simm.s32 @!p0 $0x80  }
0x2dc: {  	[tilespmem:s21], [sflag:$0x1] =	stream.strided.gather @!p0 [hbm4b:s9+s15], $0x100, s19, s15, $0x38;
	[tilespmem:$0x18600] =	vst v63  }
0x2dd: {  	s21 =	simm.s32 $0x200  }
0x2de: {  	v1 =	vld [tilespmem:s21+$0x0];
	_ =	sdelay $0x2  }
0x2df: {  	s9 =	simm.s32 $0x0  }
0x2e0: {  	v2 =	vmov s9  }
0x2e1: {  	v2 =	vshll.u32 v2, $0x7;
	v1 =	vshrl.u32 v1, $0x5  }
0x2e2: {  	v2 =	vor.u32 v0, v2;
	v1 =	vand.u32 $0x40, v1  }
0x2e3: {  	v1 =	vor.u32 v2, v1  }
0x2e4: {  	v2 =	vor.u32 $0x3, v1  }
0x2e5: {  	v3 =	vor.u32 $0x1, v1  }
0x2e6: {  	v4 =	vor.u32 $0x2, v1;
	_ =	sdelay $0x1  }
0x2e7: {  	v5 =	vld.idx.msk [tilespmem:v1+s16+$0x0], $0xffff  }
0x2e8: {  	v2 =	vld.idx.msk [tilespmem:v2+s16+$0x0], $0xffff  }
0x2e9: {  	v3 =	vld.idx.msk [tilespmem:v3+s16+$0x0], $0xffff  }
0x2ea: {  	s19 =	sand.u32 $0x70, s9;
	s24 =	sand.u32 $0x400, s9;
	v4 =	vld.idx.msk [tilespmem:v4+s16+$0x0], $0xffff  }
0x2eb: {  	s15 =	sor.u32 s19, s24;
	v6 =	vor.u32 $0x4, v1  }
0x2ec: {  	s19 =	sadd.s32 $0x10600, s15;
	[tilespmem:s15+$0x10600] =	vst v5;
	v5 =	vor.u32 $0x5, v1  }
0x2ed: {  	[tilespmem:s19+$0x180] =	vst v2;
	v2 =	vor.u32 $0x6, v1  }
0x2ee: {  	[tilespmem:s19+$0x80] =	vst v3;
	v3 =	vor.u32 $0x7, v1  }
0x2ef: {  	[tilespmem:s19+$0x100] =	vst v4  }
0x2f0: {  	v4 =	vld.idx.msk [tilespmem:v6+s16+$0x0], $0xffff  }
0x2f1: {  	v5 =	vld.idx.msk [tilespmem:v5+s16+$0x0], $0xffff  }
0x2f2: {  	v2 =	vld.idx.msk [tilespmem:v2+s16+$0x0], $0xffff  }
0x2f3: {  	v3 =	vld.idx.msk [tilespmem:v3+s16+$0x0], $0xffff  }
0x2f4: {  	v6 =	vor.u32 $0xA, v1  }
0x2f5: {  	[tilespmem:s19+$0x200] =	vst v4;
	v4 =	vor.u32 $0x9, v1  }
0x2f6: {  	s24 =	sor.u32 s9, s9;
	[tilespmem:s19+$0x280] =	vst v5;
	v5 =	vor.u32 $0x8, v1  }
0x2f7: {  	s29 =	sor.u32 $0x380, s24;
	[tilespmem:s19+$0x300] =	vst v2;
	v2 =	vor.u32 $0xB, v1  }
0x2f8: {  	[tilespmem:s29+$0x10600] =	vst v3  }
0x2f9: {  	v3 =	vld.idx.msk [tilespmem:v6+s16+$0x0], $0xffff  }
0x2fa: {  	v4 =	vld.idx.msk [tilespmem:v4+s16+$0x0], $0xffff  }
0x2fb: {  	v5 =	vld.idx.msk [tilespmem:v5+s16+$0x0], $0xffff  }
0x2fc: {  	v2 =	vld.idx.msk [tilespmem:v2+s16+$0x0], $0xffff  }
0x2fd: {  	v6 =	vor.u32 $0xF, v1  }
0x2fe: {  	[tilespmem:s15+$0x10F00] =	vst v3;
	v3 =	vor.u32 $0xD, v1  }
0x2ff: {  	[tilespmem:s15+$0x10E80] =	vst v4;
	v4 =	vor.u32 $0xC, v1  }
0x300: {  	[tilespmem:s15+$0x10E00] =	vst v5;
	v5 =	vor.u32 $0xE, v1  }
0x301: {  	[tilespmem:s15+$0x10F80] =	vst v2  }
0x302: {  	v2 =	vld.idx.msk [tilespmem:v6+s16+$0x0], $0xffff  }
0x303: {  	v3 =	vld.idx.msk [tilespmem:v3+s16+$0x0], $0xffff  }
0x304: {  	v4 =	vld.idx.msk [tilespmem:v4+s16+$0x0], $0xffff  }
0x305: {  	v5 =	vld.idx.msk [tilespmem:v5+s16+$0x0], $0xffff  }
0x306: {  	v6 =	vor.u32 $0x13, v1  }
0x307: {  	[tilespmem:s15+$0x11180] =	vst v2;
	v2 =	vor.u32 $0x11, v1  }
0x308: {  	[tilespmem:s15+$0x11080] =	vst v3;
	v3 =	vor.u32 $0x10, v1  }
0x309: {  	[tilespmem:s15+$0x11000] =	vst v4;
	v4 =	vor.u32 $0x12, v1  }
0x30a: {  	[tilespmem:s15+$0x11100] =	vst v5  }
0x30b: {  	v5 =	vld.idx.msk [tilespmem:v6+s16+$0x0], $0xffff  }
0x30c: {  	v2 =	vld.idx.msk [tilespmem:v2+s16+$0x0], $0xffff  }
0x30d: {  	v3 =	vld.idx.msk [tilespmem:v3+s16+$0x0], $0xffff  }
0x30e: {  	v4 =	vld.idx.msk [tilespmem:v4+s16+$0x0], $0xffff  }
0x30f: {  	v6 =	vor.u32 $0x14, v1  }
0x310: {  	[tilespmem:s15+$0x11780] =	vst v5;
	v5 =	vor.u32 $0x15, v1  }
0x311: {  	[tilespmem:s15+$0x11680] =	vst v2;
	v2 =	vor.u32 $0x17, v1  }
0x312: {  	[tilespmem:s15+$0x11600] =	vst v3;
	v3 =	vor.u32 $0x16, v1  }
0x313: {  	[tilespmem:s15+$0x11700] =	vst v4  }
0x314: {  	v4 =	vld.idx.msk [tilespmem:v6+s16+$0x0], $0xffff  }
0x315: {  	v5 =	vld.idx.msk [tilespmem:v5+s16+$0x0], $0xffff  }
0x316: {  	v2 =	vld.idx.msk [tilespmem:v2+s16+$0x0], $0xffff  }
0x317: {  	v3 =	vld.idx.msk [tilespmem:v3+s16+$0x0], $0xffff  }
0x318: {  	v6 =	vor.u32 $0x19, v1  }
0x319: {  	[tilespmem:s15+$0x11800] =	vst v4;
	v4 =	vor.u32 $0x1B, v1  }
0x31a: {  	[tilespmem:s15+$0x11880] =	vst v5;
	v5 =	vor.u32 $0x18, v1  }
0x31b: {  	[tilespmem:s15+$0x11980] =	vst v2;
	v2 =	vor.u32 $0x1A, v1  }
0x31c: {  	[tilespmem:s15+$0x11900] =	vst v3  }
0x31d: {  	v3 =	vld.idx.msk [tilespmem:v6+s16+$0x0], $0xffff  }
0x31e: {  	v4 =	vld.idx.msk [tilespmem:v4+s16+$0x0], $0xffff  }
0x31f: {  	v5 =	vld.idx.msk [tilespmem:v5+s16+$0x0], $0xffff  }
0x320: {  	v2 =	vld.idx.msk [tilespmem:v2+s16+$0x0], $0xffff  }
0x321: {  	v6 =	vor.u32 $0x1D, v1  }
0x322: {  	[tilespmem:s15+$0x11E80] =	vst v3;
	v3 =	vor.u32 $0x1F, v1  }
0x323: {  	[tilespmem:s15+$0x11F80] =	vst v4;
	v4 =	vor.u32 $0x1C, v1  }
0x324: {  	[tilespmem:s15+$0x11E00] =	vst v5;
	v5 =	vor.u32 $0x1E, v1  }
0x325: {  	[tilespmem:s15+$0x11F00] =	vst v2  }
0x326: {  	v2 =	vld.idx.msk [tilespmem:v6+s16+$0x0], $0xffff  }
0x327: {  	v3 =	vld.idx.msk [tilespmem:v3+s16+$0x0], $0xffff  }
0x328: {  	v4 =	vld.idx.msk [tilespmem:v4+s16+$0x0], $0xffff  }
0x329: {  	v5 =	vld.idx.msk [tilespmem:v5+s16+$0x0], $0xffff  }
0x32a: {  	v6 =	vor.u32 $0x21, v1  }
0x32b: {  	[tilespmem:s15+$0x12080] =	vst v2;
	v2 =	vor.u32 $0x23, v1  }
0x32c: {  	[tilespmem:s15+$0x12180] =	vst v3;
	v3 =	vor.u32 $0x22, v1  }
0x32d: {  	[tilespmem:s15+$0x12000] =	vst v4;
	v4 =	vor.u32 $0x20, v1  }
0x32e: {  	[tilespmem:s15+$0x12100] =	vst v5  }
0x32f: {  	v5 =	vld.idx.msk [tilespmem:v6+s16+$0x0], $0xffff  }
0x330: {  	v2 =	vld.idx.msk [tilespmem:v2+s16+$0x0], $0xffff  }
0x331: {  	v3 =	vld.idx.msk [tilespmem:v3+s16+$0x0], $0xffff  }
0x332: {  	v4 =	vld.idx.msk [tilespmem:v4+s16+$0x0], $0xffff  }
0x333: {  	v6 =	vor.u32 $0x25, v1  }
0x334: {  	[tilespmem:s15+$0x12680] =	vst v5;
	v5 =	vor.u32 $0x27, v1  }
0x335: {  	[tilespmem:s15+$0x12780] =	vst v2;
	v2 =	vor.u32 $0x26, v1  }
0x336: {  	[tilespmem:s15+$0x12700] =	vst v3;
	v3 =	vor.u32 $0x24, v1  }
0x337: {  	[tilespmem:s15+$0x12600] =	vst v4  }
0x338: {  	v4 =	vld.idx.msk [tilespmem:v6+s16+$0x0], $0xffff  }
0x339: {  	v5 =	vld.idx.msk [tilespmem:v5+s16+$0x0], $0xffff  }
0x33a: {  	v2 =	vld.idx.msk [tilespmem:v2+s16+$0x0], $0xffff  }
0x33b: {  	v3 =	vld.idx.msk [tilespmem:v3+s16+$0x0], $0xffff  }
0x33c: {  	v6 =	vor.u32 $0x29, v1  }
0x33d: {  	[tilespmem:s15+$0x12880] =	vst v4;
	v4 =	vor.u32 $0x2B, v1  }
0x33e: {  	[tilespmem:s15+$0x12980] =	vst v5;
	v5 =	vor.u32 $0x28, v1  }
0x33f: {  	[tilespmem:s15+$0x12900] =	vst v2;
	v2 =	vor.u32 $0x2A, v1  }
0x340: {  	[tilespmem:s15+$0x12800] =	vst v3  }
0x341: {  	v3 =	vld.idx.msk [tilespmem:v6+s16+$0x0], $0xffff  }
0x342: {  	v4 =	vld.idx.msk [tilespmem:v4+s16+$0x0], $0xffff  }
0x343: {  	v5 =	vld.idx.msk [tilespmem:v5+s16+$0x0], $0xffff  }
0x344: {  	v2 =	vld.idx.msk [tilespmem:v2+s16+$0x0], $0xffff  }
0x345: {  	v6 =	vor.u32 $0x2C, v1  }
0x346: {  	[tilespmem:s15+$0x12E80] =	vst v3;
	v3 =	vor.u32 $0x2D, v1  }
0x347: {  	v7 =	vor.u32 $0x2F, v1;
	[tilespmem:s15+$0x12F80] =	vst v4  }
0x348: {  	[tilespmem:s15+$0x12E00] =	vst v5;
	v5 =	vor.u32 $0x2E, v1  }
0x349: {  	[tilespmem:s15+$0x12F00] =	vst v2  }
0x34a: {  	v4 =	vld.idx.msk [tilespmem:v6+s16+$0x0], $0xffff  }
0x34b: {  	v2 =	vld.idx.msk [tilespmem:v3+s16+$0x0], $0xffff  }
0x34c: {  	s19 =	simm.s32 $0x10;
	v3 =	vld.idx.msk [tilespmem:v7+s16+$0x0], $0xffff  }
.LBB2_15:
0x34d: {  	p1 =	sne.s32 s19, $0xF0;
	v5 =	vld.idx.msk [tilespmem:v5+s16+$0x0], $0xffff;
	s9 =	sadd.s32 $0x80, s9;
	s21 =	sadd.s32 $0x10, s21  }
0x34e: {  	s24 =	smov.u32 s19;
	s19 =	sadd.s32 $0x10, s19  }
0x34f: {  	v6 =	vor.u32 $0x33, v1  }
0x350: {  	[tilespmem:s15+$0x13000] =	vst v4;
	v4 =	vor.u32 $0x31, v1  }
0x351: {  	[tilespmem:s15+$0x13080] =	vst v2;
	v2 =	vor.u32 $0x30, v1  }
0x352: {  	[tilespmem:s15+$0x13180] =	vst v3;
	v3 =	vor.u32 $0x32, v1  }
0x353: {  	[tilespmem:s15+$0x13100] =	vst v5  }
0x354: {  	v5 =	vld.idx.msk [tilespmem:v6+s16+$0x0], $0xffff  }
0x355: {  	v4 =	vld.idx.msk [tilespmem:v4+s16+$0x0], $0xffff  }
0x356: {  	v2 =	vld.idx.msk [tilespmem:v2+s16+$0x0], $0xffff  }
0x357: {  	v3 =	vld.idx.msk [tilespmem:v3+s16+$0x0], $0xffff;
	_ =	sdelay $0x1  }
0x358: {  	v6 =	vor.u32 $0x34, v1  }
0x359: {  	[tilespmem:s15+$0x13780] =	vst v5;
	v5 =	vor.u32 $0x35, v1  }
0x35a: {  	[tilespmem:s15+$0x13680] =	vst v4;
	v4 =	vor.u32 $0x36, v1  }
0x35b: {  	[tilespmem:s15+$0x13600] =	vst v2;
	v2 =	vor.u32 $0x37, v1  }
0x35c: {  	[tilespmem:s15+$0x13700] =	vst v3  }
0x35d: {  	v3 =	vld.idx.msk [tilespmem:v6+s16+$0x0], $0xffff  }
0x35e: {  	v5 =	vld.idx.msk [tilespmem:v5+s16+$0x0], $0xffff  }
0x35f: {  	v4 =	vld.idx.msk [tilespmem:v4+s16+$0x0], $0xffff  }
0x360: {  	v2 =	vld.idx.msk [tilespmem:v2+s16+$0x0], $0xffff;
	_ =	sdelay $0x1  }
0x361: {  	v6 =	vor.u32 $0x38, v1  }
0x362: {  	[tilespmem:s15+$0x13800] =	vst v3;
	v3 =	vor.u32 $0x3B, v1  }
0x363: {  	[tilespmem:s15+$0x13880] =	vst v5;
	v5 =	vor.u32 $0x39, v1  }
0x364: {  	[tilespmem:s15+$0x13900] =	vst v4;
	v4 =	vor.u32 $0x3A, v1  }
0x365: {  	[tilespmem:s15+$0x13980] =	vst v2  }
0x366: {  	v2 =	vld.idx.msk [tilespmem:v6+s16+$0x0], $0xffff  }
0x367: {  	v3 =	vld.idx.msk [tilespmem:v3+s16+$0x0], $0xffff  }
0x368: {  	v5 =	vld.idx.msk [tilespmem:v5+s16+$0x0], $0xffff  }
0x369: {  	v4 =	vld.idx.msk [tilespmem:v4+s16+$0x0], $0xffff;
	_ =	sdelay $0x1  }
0x36a: {  	v6 =	vor.u32 $0x3D, v1  }
0x36b: {  	[tilespmem:s15+$0x13E00] =	vst v2;
	v2 =	vor.u32 $0x3C, v1  }
0x36c: {  	[tilespmem:s15+$0x13F80] =	vst v3;
	v3 =	vor.u32 $0x3E, v1;
	v1 =	vor.u32 $0x3F, v1  }
0x36d: {  	[tilespmem:s15+$0x13E80] =	vst v5  }
0x36e: {  	[tilespmem:s15+$0x13F00] =	vst v4  }
0x36f: {  	v4 =	vld.idx.msk [tilespmem:v6+s16+$0x0], $0xffff  }
0x370: {  	v2 =	vld.idx.msk [tilespmem:v2+s16+$0x0], $0xffff  }
0x371: {  	v1 =	vld.idx.msk [tilespmem:v1+s16+$0x0], $0xffff  }
0x372: {  	v3 =	vld.idx.msk [tilespmem:v3+s16+$0x0], $0xffff;
	_ =	sdelay $0x2  }
0x373: {  	[tilespmem:s15+$0x14080] =	vst v4  }
0x374: {  	[tilespmem:s15+$0x14000] =	vst v2  }
0x375: {  	[tilespmem:s15+$0x14180] =	vst v1  }
0x376: {  	[tilespmem:s15+$0x14100] =	vst v3  }
0x377: {  	v1 =	vld [tilespmem:s21+$0x0];
	_ =	sdelay $0x3  }
0x378: {  	v2 =	vmov s24  }
0x379: {  	v2 =	vshll.u32 v2, $0x7;
	v1 =	vshrl.u32 v1, $0x5  }
0x37a: {  	v2 =	vor.u32 v0, v2;
	v1 =	vand.u32 $0x40, v1  }
0x37b: {  	v1 =	vor.u32 v2, v1  }
0x37c: {  	v2 =	vor.u32 $0x1, v1;
	v3 =	vor.u32 $0x2, v1;
	v4 =	vor.u32 $0x3, v1;
	_ =	sdelay $0x3  }
0x37d: {  	v5 =	vld.idx.msk [tilespmem:v1+s16+$0x0], $0xffff  }
0x37e: {  	v4 =	vld.idx.msk [tilespmem:v4+s16+$0x0], $0xffff  }
0x37f: {  	v2 =	vld.idx.msk [tilespmem:v2+s16+$0x0], $0xffff  }
0x380: {  	v3 =	vld.idx.msk [tilespmem:v3+s16+$0x0], $0xffff  }
0x381: {  	s29 =	sand.u32 $0x400, s9;
	s15 =	sand.u32 $0x70, s24  }
0x382: {  	s15 =	sor.u32 s15, s29;
	v6 =	vor.u32 $0x4, v1  }
0x383: {  	s29 =	sadd.s32 $0x10600, s15;
	[tilespmem:s15+$0x10600] =	vst v5;
	v5 =	vor.u32 $0x5, v1  }
0x384: {  	[tilespmem:s29+$0x180] =	vst v4;
	v4 =	vor.u32 $0x6, v1  }
0x385: {  	[tilespmem:s29+$0x80] =	vst v2;
	v2 =	vor.u32 $0x7, v1  }
0x386: {  	[tilespmem:s29+$0x100] =	vst v3  }
0x387: {  	v3 =	vld.idx.msk [tilespmem:v6+s16+$0x0], $0xffff  }
0x388: {  	v5 =	vld.idx.msk [tilespmem:v5+s16+$0x0], $0xffff  }
0x389: {  	v4 =	vld.idx.msk [tilespmem:v4+s16+$0x0], $0xffff  }
0x38a: {  	v2 =	vld.idx.msk [tilespmem:v2+s16+$0x0], $0xffff;
	_ =	sdelay $0x1  }
0x38b: {  	v6 =	vor.u32 $0xA, v1  }
0x38c: {  	[tilespmem:s29+$0x200] =	vst v3;
	v3 =	vor.u32 $0x9, v1  }
0x38d: {  	s24 =	sor.u32 s9, s24;
	[tilespmem:s29+$0x280] =	vst v5;
	v5 =	vor.u32 $0x8, v1  }
0x38e: {  	s24 =	sor.u32 $0x380, s24;
	[tilespmem:s29+$0x300] =	vst v4;
	v4 =	vor.u32 $0xB, v1  }
0x38f: {  	[tilespmem:s24+$0x10600] =	vst v2  }
0x390: {  	v2 =	vld.idx.msk [tilespmem:v6+s16+$0x0], $0xffff  }
0x391: {  	v3 =	vld.idx.msk [tilespmem:v3+s16+$0x0], $0xffff  }
0x392: {  	v5 =	vld.idx.msk [tilespmem:v5+s16+$0x0], $0xffff  }
0x393: {  	v4 =	vld.idx.msk [tilespmem:v4+s16+$0x0], $0xffff;
	_ =	sdelay $0x1  }
0x394: {  	v6 =	vor.u32 $0xF, v1  }
0x395: {  	[tilespmem:s15+$0x10F00] =	vst v2;
	v2 =	vor.u32 $0xD, v1  }
0x396: {  	[tilespmem:s15+$0x10E80] =	vst v3;
	v3 =	vor.u32 $0xC, v1  }
0x397: {  	[tilespmem:s15+$0x10E00] =	vst v5;
	v5 =	vor.u32 $0xE, v1  }
0x398: {  	[tilespmem:s15+$0x10F80] =	vst v4  }
0x399: {  	v4 =	vld.idx.msk [tilespmem:v6+s16+$0x0], $0xffff  }
0x39a: {  	v2 =	vld.idx.msk [tilespmem:v2+s16+$0x0], $0xffff  }
0x39b: {  	v3 =	vld.idx.msk [tilespmem:v3+s16+$0x0], $0xffff  }
0x39c: {  	v5 =	vld.idx.msk [tilespmem:v5+s16+$0x0], $0xffff;
	_ =	sdelay $0x1  }
0x39d: {  	v6 =	vor.u32 $0x13, v1  }
0x39e: {  	[tilespmem:s15+$0x11180] =	vst v4;
	v4 =	vor.u32 $0x11, v1  }
0x39f: {  	[tilespmem:s15+$0x11080] =	vst v2;
	v2 =	vor.u32 $0x10, v1  }
0x3a0: {  	[tilespmem:s15+$0x11000] =	vst v3;
	v3 =	vor.u32 $0x12, v1  }
0x3a1: {  	[tilespmem:s15+$0x11100] =	vst v5  }
0x3a2: {  	v5 =	vld.idx.msk [tilespmem:v6+s16+$0x0], $0xffff  }
0x3a3: {  	v4 =	vld.idx.msk [tilespmem:v4+s16+$0x0], $0xffff  }
0x3a4: {  	v2 =	vld.idx.msk [tilespmem:v2+s16+$0x0], $0xffff  }
0x3a5: {  	v3 =	vld.idx.msk [tilespmem:v3+s16+$0x0], $0xffff;
	_ =	sdelay $0x1  }
0x3a6: {  	v6 =	vor.u32 $0x14, v1  }
0x3a7: {  	[tilespmem:s15+$0x11780] =	vst v5;
	v5 =	vor.u32 $0x15, v1  }
0x3a8: {  	[tilespmem:s15+$0x11680] =	vst v4;
	v4 =	vor.u32 $0x17, v1  }
0x3a9: {  	[tilespmem:s15+$0x11600] =	vst v2;
	v2 =	vor.u32 $0x16, v1  }
0x3aa: {  	[tilespmem:s15+$0x11700] =	vst v3  }
0x3ab: {  	v3 =	vld.idx.msk [tilespmem:v6+s16+$0x0], $0xffff  }
0x3ac: {  	v5 =	vld.idx.msk [tilespmem:v5+s16+$0x0], $0xffff  }
0x3ad: {  	v4 =	vld.idx.msk [tilespmem:v4+s16+$0x0], $0xffff  }
0x3ae: {  	v2 =	vld.idx.msk [tilespmem:v2+s16+$0x0], $0xffff;
	_ =	sdelay $0x1  }
0x3af: {  	v6 =	vor.u32 $0x19, v1  }
0x3b0: {  	[tilespmem:s15+$0x11800] =	vst v3;
	v3 =	vor.u32 $0x1B, v1  }
0x3b1: {  	[tilespmem:s15+$0x11880] =	vst v5;
	v5 =	vor.u32 $0x18, v1  }
0x3b2: {  	[tilespmem:s15+$0x11980] =	vst v4;
	v4 =	vor.u32 $0x1A, v1  }
0x3b3: {  	[tilespmem:s15+$0x11900] =	vst v2  }
0x3b4: {  	v2 =	vld.idx.msk [tilespmem:v6+s16+$0x0], $0xffff  }
0x3b5: {  	v3 =	vld.idx.msk [tilespmem:v3+s16+$0x0], $0xffff  }
0x3b6: {  	v5 =	vld.idx.msk [tilespmem:v5+s16+$0x0], $0xffff  }
0x3b7: {  	v4 =	vld.idx.msk [tilespmem:v4+s16+$0x0], $0xffff;
	_ =	sdelay $0x1  }
0x3b8: {  	v6 =	vor.u32 $0x1D, v1  }
0x3b9: {  	[tilespmem:s15+$0x11E80] =	vst v2;
	v2 =	vor.u32 $0x1F, v1  }
0x3ba: {  	[tilespmem:s15+$0x11F80] =	vst v3;
	v3 =	vor.u32 $0x1C, v1  }
0x3bb: {  	[tilespmem:s15+$0x11E00] =	vst v5;
	v5 =	vor.u32 $0x1E, v1  }
0x3bc: {  	[tilespmem:s15+$0x11F00] =	vst v4  }
0x3bd: {  	v4 =	vld.idx.msk [tilespmem:v6+s16+$0x0], $0xffff  }
0x3be: {  	v2 =	vld.idx.msk [tilespmem:v2+s16+$0x0], $0xffff  }
0x3bf: {  	v3 =	vld.idx.msk [tilespmem:v3+s16+$0x0], $0xffff  }
0x3c0: {  	v5 =	vld.idx.msk [tilespmem:v5+s16+$0x0], $0xffff;
	_ =	sdelay $0x1  }
0x3c1: {  	v6 =	vor.u32 $0x21, v1  }
0x3c2: {  	[tilespmem:s15+$0x12080] =	vst v4;
	v4 =	vor.u32 $0x23, v1  }
0x3c3: {  	[tilespmem:s15+$0x12180] =	vst v2;
	v2 =	vor.u32 $0x22, v1  }
0x3c4: {  	[tilespmem:s15+$0x12000] =	vst v3;
	v3 =	vor.u32 $0x20, v1  }
0x3c5: {  	[tilespmem:s15+$0x12100] =	vst v5  }
0x3c6: {  	v5 =	vld.idx.msk [tilespmem:v6+s16+$0x0], $0xffff  }
0x3c7: {  	v4 =	vld.idx.msk [tilespmem:v4+s16+$0x0], $0xffff  }
0x3c8: {  	v2 =	vld.idx.msk [tilespmem:v2+s16+$0x0], $0xffff  }
0x3c9: {  	v3 =	vld.idx.msk [tilespmem:v3+s16+$0x0], $0xffff;
	_ =	sdelay $0x1  }
0x3ca: {  	v6 =	vor.u32 $0x25, v1  }
0x3cb: {  	[tilespmem:s15+$0x12680] =	vst v5;
	v5 =	vor.u32 $0x27, v1  }
0x3cc: {  	[tilespmem:s15+$0x12780] =	vst v4;
	v4 =	vor.u32 $0x26, v1  }
0x3cd: {  	[tilespmem:s15+$0x12700] =	vst v2;
	v2 =	vor.u32 $0x24, v1  }
0x3ce: {  	[tilespmem:s15+$0x12600] =	vst v3  }
0x3cf: {  	v3 =	vld.idx.msk [tilespmem:v6+s16+$0x0], $0xffff  }
0x3d0: {  	v5 =	vld.idx.msk [tilespmem:v5+s16+$0x0], $0xffff  }
0x3d1: {  	v4 =	vld.idx.msk [tilespmem:v4+s16+$0x0], $0xffff  }
0x3d2: {  	v2 =	vld.idx.msk [tilespmem:v2+s16+$0x0], $0xffff;
	_ =	sdelay $0x1  }
0x3d3: {  	v6 =	vor.u32 $0x29, v1  }
0x3d4: {  	[tilespmem:s15+$0x12880] =	vst v3;
	v3 =	vor.u32 $0x2B, v1  }
0x3d5: {  	[tilespmem:s15+$0x12980] =	vst v5;
	v5 =	vor.u32 $0x28, v1  }
0x3d6: {  	[tilespmem:s15+$0x12900] =	vst v4;
	v4 =	vor.u32 $0x2A, v1  }
0x3d7: {  	[tilespmem:s15+$0x12800] =	vst v2  }
0x3d8: {  	v2 =	vld.idx.msk [tilespmem:v6+s16+$0x0], $0xffff  }
0x3d9: {  	v3 =	vld.idx.msk [tilespmem:v3+s16+$0x0], $0xffff  }
0x3da: {  	v5 =	vld.idx.msk [tilespmem:v5+s16+$0x0], $0xffff  }
0x3db: {  	v4 =	vld.idx.msk [tilespmem:v4+s16+$0x0], $0xffff;
	_ =	sdelay $0x1  }
0x3dc: {  	v6 =	vor.u32 $0x2C, v1  }
0x3dd: {  	[tilespmem:s15+$0x12E80] =	vst v2;
	v2 =	vor.u32 $0x2D, v1  }
0x3de: {  	[tilespmem:s15+$0x12F80] =	vst v3;
	v3 =	vor.u32 $0x2F, v1  }
.Ltmp6:
0x3df: {  	[tilespmem:s15+$0x12E00] =	vst v5;
	v5 =	vor.u32 $0x2E, v1;
	(pc) =	sbr.rel @p1 .LBB2_15-.Ltmp6, $4  }
0x3e0: {  	[tilespmem:s15+$0x12F00] =	vst v4  }
0x3e1: {  	v4 =	vld.idx.msk [tilespmem:v6+s16+$0x0], $0xffff  }
0x3e2: {  	v2 =	vld.idx.msk [tilespmem:v2+s16+$0x0], $0xffff  }
0x3e3: {  	v3 =	vld.idx.msk [tilespmem:v3+s16+$0x0], $0xffff  }
0x3e4: {  	_ =	sdelay $0x3  }
0x3e5: {  	v5 =	vld.idx.msk [tilespmem:v5+s16+$0x0], $0xffff  }
0x3e6: {  	v6 =	vor.u32 $0x33, v1  }
0x3e7: {  	v56 =	vor.u32 $0x31, v1;
	[tilespmem:s15+$0x13000] =	vst v4  }
0x3e8: {  	[tilespmem:s15+$0x13080] =	vst v2;
	v2 =	vor.u32 $0x30, v1  }
0x3e9: {  	[tilespmem:s15+$0x13180] =	vst v3;
	v3 =	vor.u32 $0x32, v1  }
0x3ea: {  	[tilespmem:s15+$0x13100] =	vst v5  }
0x3eb: {  	v5 =	vld.idx.msk [tilespmem:v6+s16+$0x0], $0xffff  }
0x3ec: {  	v4 =	vld.idx.msk [tilespmem:v56+s16+$0x0], $0xffff  }
0x3ed: {  	v2 =	vld.idx.msk [tilespmem:v2+s16+$0x0], $0xffff  }
0x3ee: {  	v3 =	vld.idx.msk [tilespmem:v3+s16+$0x0], $0xffff  }
0x3ef: {  	v57 =	vor.u32 $0x34, v1  }
0x3f0: {  	v58 =	vor.u32 $0x35, v1;
	[tilespmem:s15+$0x13780] =	vst v5  }
0x3f1: {  	v59 =	vor.u32 $0x36, v1;
	[tilespmem:s15+$0x13680] =	vst v4  }
0x3f2: {  	[tilespmem:s15+$0x13600] =	vst v2;
	v2 =	vor.u32 $0x37, v1  }
0x3f3: {  	[tilespmem:s15+$0x13700] =	vst v3  }
0x3f4: {  	v3 =	vld.idx.msk [tilespmem:v57+s16+$0x0], $0xffff  }
0x3f5: {  	v5 =	vld.idx.msk [tilespmem:v58+s16+$0x0], $0xffff  }
0x3f6: {  	v4 =	vld.idx.msk [tilespmem:v59+s16+$0x0], $0xffff  }
0x3f7: {  	v2 =	vld.idx.msk [tilespmem:v2+s16+$0x0], $0xffff  }
0x3f8: {  	v60 =	vor.u32 $0x38, v1  }
0x3f9: {  	[tilespmem:s15+$0x13800] =	vst v3;
	v3 =	vor.u32 $0x3B, v1  }
0x3fa: {  	v61 =	vor.u32 $0x39, v1;
	[tilespmem:s15+$0x13880] =	vst v5  }
0x3fb: {  	v62 =	vor.u32 $0x3A, v1;
	[tilespmem:s15+$0x13900] =	vst v4  }
0x3fc: {  	[tilespmem:s15+$0x13980] =	vst v2  }
0x3fd: {  	v2 =	vld.idx.msk [tilespmem:v60+s16+$0x0], $0xffff  }
0x3fe: {  	v3 =	vld.idx.msk [tilespmem:v3+s16+$0x0], $0xffff  }
0x3ff: {  	v5 =	vld.idx.msk [tilespmem:v61+s16+$0x0], $0xffff  }
0x400: {  	v4 =	vld.idx.msk [tilespmem:v62+s16+$0x0], $0xffff  }
0x401: {  	v63 =	vor.u32 $0x3D, v1  }
0x402: {  	[tilespmem:s15+$0x13E00] =	vst v2;
	v2 =	vor.u32 $0x3C, v1  }
0x403: {  	[tilespmem:s15+$0x13F80] =	vst v3;
	v3 =	vor.u32 $0x3F, v1  }
0x404: {  	[tilespmem:s15+$0x13E80] =	vst v5;
	v1 =	vor.u32 $0x3E, v1  }
0x405: {  	[tilespmem:s15+$0x13F00] =	vst v4  }
0x406: {  	v4 =	vld.idx.msk [tilespmem:v63+s16+$0x0], $0xffff  }
0x407: {  	v2 =	vld.idx.msk [tilespmem:v2+s16+$0x0], $0xffff  }
0x408: {  	v3 =	vld.idx.msk [tilespmem:v3+s16+$0x0], $0xffff  }
0x409: {  	v1 =	vld.idx.msk [tilespmem:v1+s16+$0x0], $0xffff;
	_ =	sdelay $0x1  }
0x40a: {  	[tilespmem:s15+$0x14080] =	vst v4  }
0x40b: {  	s9 =	sshll.u32 s11, $0xB;
	[tilespmem:s15+$0x14000] =	vst v2  }
0x40c: {  	s6 =	sadd.s32 s3, s6;
	s9 =	sand.u32 $0xFFF8000, s9;
	[tilespmem:s15+$0x14180] =	vst v3  }
.Ltmp7:
0x40d: {  	s29 =	simm.s32 $0x10600;
	s6 =	sadd.s32 s9, s6;
	[tilespmem:s15+$0x14100] =	vst v1;
	(pc) =	sbr.rel @p0 .LBB2_20-.Ltmp7, $4  }
0x40e: {  	[hbm4b:s6+s22] =	stream.strided.scatter [tilespmem:s29], [sflag:$0x7], $0x4000, s23, s22, $0x38;
	[tilespmem:$0x18600] =	vst v63  }
0x40f: {  	_ =	swait.ge [sflag:s25], $0x8000  }
0x410: {  	[sflag:s25] =	ssyncset.done $0x0  }
0x411: {  	[sflag:s25] =	ssyncadd.s32 $0xFFFF8000  }
0x412: {  	s6 =	simm.s32 $0x1  }
0x413: {  	_ =	swait.ge [sflag:s6], $0x100  }
0x414: {  	[sflag:s6] =	ssyncset.done $0x0  }
0x415: {  	[sflag:s6] =	ssyncadd.s32 $0xFFFFFF00;
	s6 =	simm.s32 $0x0  }
0x416: {  	s9 =	simm.s32 $0x40;
	v1 =	vld [tilespmem:s6+$0x0]  }
.LBB2_18:
0x417: {  	_ =	sdelay $0x1  }
0x418: {  	p0 =	sne.s32 s9, $0x3C0  }
.Ltmp8:
0x419: {  	_ = 	snop;
	(pc) =	sbr.rel @p0 .LBB2_18-.Ltmp8, $4  }
0x41a: {  	v2 =	vshrl.u32 v1, $0x1  }
0x41b: {  	v3 =	vand.u32 $0x7FF, v1;
	v2 =	vand.u32 $0x7FFFF800, v2  }
0x41c: {  	s11 =	sshra.s32 s9, $0x2;
	v2 =	vor.u32 v3, v2  }
0x41d: {  	s9 =	sadd.s32 $0x40, s9;
	v1 =	vld [tilespmem:s11+$0x0];
	[tilespmem:s6+$0x400] =	vst v2;
	s6 =	smov.u32 s11  }
0x41e: {  	_ =	sdelay $0x3  }
0x41f: {  	v2 =	vshrl.u32 v1, $0x1  }
0x420: {  	v1 =	vand.u32 $0x7FF, v1;
	v2 =	vand.u32 $0x7FFFF800, v2  }
0x421: {  	v1 =	vor.u32 v1, v2  }
0x422: {  	[tilespmem:s6+$0x400] =	vst v1  }
0x423: {  	_ =	swait.ge [sflag:s28], $0x4000  }
0x424: {  	[sflag:s28] =	ssyncset.done $0x0;
	s29 =	rddreg [dreg:$0x7]  }
0x425: {  	[sflag:s28] =	ssyncadd.s32 $0xFFFFC000;
	s6 =	sadd.s32 s8, s29  }
0x426: {  	[tilespmem:s16], [sflag:$0x5] =	stream.indirect.gather [hbm4b:s7+s14], $0x80, s13, s14, $0xb8;
	[tilespmem:$0x18600] =	vst v63  }
0x427: {  	s8 =	sshll.u32 s6, $0x5;
	s9 =	sshll.u32 s6, $0x8  }
0x428: {  	s6 =	sand.u32 $0x70, s6;
	s8 =	sand.u32 $0xFFFF000, s8;
	s9 =	sand.u32 $0xD00, s9  }
0x429: {  	s6 =	sadd.s32 s1, s6;
	s8 =	sor.u32 s9, s8  }
0x42a: {  	s6 =	sadd.s32 s8, s6  }
0x42b: {  	[tilespmem:s14], [sflag:$0x2] =	stream.strided.gather [hbm4b:s6+s12], $0x100, s13, s12, $0x38;
	[tilespmem:$0x18600] =	vst v63  }
.LBB2_20:
0x42c: {  	s8 =	simm.s32 $0x300  }
0x42d: {  	v1 =	vld [tilespmem:s8+$0x0];
	_ =	sdelay $0x2  }
0x42e: {  	s9 =	simm.s32 $0x0  }
0x42f: {  	v2 =	vmov s9  }
0x430: {  	v2 =	vshll.u32 v2, $0x7;
	v1 =	vshrl.u32 v1, $0x5  }
0x431: {  	v2 =	vor.u32 v0, v2;
	v1 =	vand.u32 $0x40, v1  }
0x432: {  	v1 =	vor.u32 v2, v1  }
0x433: {  	v2 =	vor.u32 $0x3, v1  }
0x434: {  	v3 =	vor.u32 $0x1, v1  }
0x435: {  	v4 =	vor.u32 $0x2, v1;
	_ =	sdelay $0x1  }
0x436: {  	v5 =	vld.idx.msk [tilespmem:v1+s20+$0x0], $0xffff  }
0x437: {  	v2 =	vld.idx.msk [tilespmem:v2+s20+$0x0], $0xffff  }
0x438: {  	v3 =	vld.idx.msk [tilespmem:v3+s20+$0x0], $0xffff  }
0x439: {  	s6 =	sand.u32 $0x70, s9;
	s11 =	sand.u32 $0x400, s9;
	v4 =	vld.idx.msk [tilespmem:v4+s20+$0x0], $0xffff  }
0x43a: {  	s6 =	sor.u32 s6, s11;
	v6 =	vor.u32 $0x4, v1  }
0x43b: {  	s11 =	sadd.s32 $0x14600, s6;
	[tilespmem:s6+$0x14600] =	vst v5;
	v5 =	vor.u32 $0x5, v1  }
0x43c: {  	[tilespmem:s11+$0x180] =	vst v2;
	v2 =	vor.u32 $0x6, v1  }
0x43d: {  	[tilespmem:s11+$0x80] =	vst v3;
	v3 =	vor.u32 $0x7, v1  }
0x43e: {  	[tilespmem:s11+$0x100] =	vst v4  }
0x43f: {  	v4 =	vld.idx.msk [tilespmem:v6+s20+$0x0], $0xffff  }
0x440: {  	v5 =	vld.idx.msk [tilespmem:v5+s20+$0x0], $0xffff  }
0x441: {  	v2 =	vld.idx.msk [tilespmem:v2+s20+$0x0], $0xffff  }
0x442: {  	v3 =	vld.idx.msk [tilespmem:v3+s20+$0x0], $0xffff  }
0x443: {  	v6 =	vor.u32 $0xA, v1  }
0x444: {  	[tilespmem:s11+$0x200] =	vst v4;
	v4 =	vor.u32 $0x9, v1  }
0x445: {  	s15 =	sor.u32 s9, s9;
	[tilespmem:s11+$0x280] =	vst v5;
	v5 =	vor.u32 $0x8, v1  }
0x446: {  	s29 =	sor.u32 $0x380, s15;
	[tilespmem:s11+$0x300] =	vst v2;
	v2 =	vor.u32 $0xB, v1  }
0x447: {  	[tilespmem:s29+$0x14600] =	vst v3  }
0x448: {  	v3 =	vld.idx.msk [tilespmem:v6+s20+$0x0], $0xffff  }
0x449: {  	v4 =	vld.idx.msk [tilespmem:v4+s20+$0x0], $0xffff  }
0x44a: {  	v5 =	vld.idx.msk [tilespmem:v5+s20+$0x0], $0xffff  }
0x44b: {  	v2 =	vld.idx.msk [tilespmem:v2+s20+$0x0], $0xffff  }
0x44c: {  	v6 =	vor.u32 $0xF, v1  }
0x44d: {  	[tilespmem:s6+$0x14F00] =	vst v3;
	v3 =	vor.u32 $0xD, v1  }
0x44e: {  	[tilespmem:s6+$0x14E80] =	vst v4;
	v4 =	vor.u32 $0xC, v1  }
0x44f: {  	[tilespmem:s6+$0x14E00] =	vst v5;
	v5 =	vor.u32 $0xE, v1  }
0x450: {  	[tilespmem:s6+$0x14F80] =	vst v2  }
0x451: {  	v2 =	vld.idx.msk [tilespmem:v6+s20+$0x0], $0xffff  }
0x452: {  	v3 =	vld.idx.msk [tilespmem:v3+s20+$0x0], $0xffff  }
0x453: {  	v4 =	vld.idx.msk [tilespmem:v4+s20+$0x0], $0xffff  }
0x454: {  	v5 =	vld.idx.msk [tilespmem:v5+s20+$0x0], $0xffff  }
0x455: {  	v6 =	vor.u32 $0x13, v1  }
0x456: {  	[tilespmem:s6+$0x15180] =	vst v2;
	v2 =	vor.u32 $0x11, v1  }
0x457: {  	[tilespmem:s6+$0x15080] =	vst v3;
	v3 =	vor.u32 $0x10, v1  }
0x458: {  	[tilespmem:s6+$0x15000] =	vst v4;
	v4 =	vor.u32 $0x12, v1  }
0x459: {  	[tilespmem:s6+$0x15100] =	vst v5  }
0x45a: {  	v5 =	vld.idx.msk [tilespmem:v6+s20+$0x0], $0xffff  }
0x45b: {  	v2 =	vld.idx.msk [tilespmem:v2+s20+$0x0], $0xffff  }
0x45c: {  	v3 =	vld.idx.msk [tilespmem:v3+s20+$0x0], $0xffff  }
0x45d: {  	v4 =	vld.idx.msk [tilespmem:v4+s20+$0x0], $0xffff  }
0x45e: {  	v6 =	vor.u32 $0x14, v1  }
0x45f: {  	[tilespmem:s6+$0x15780] =	vst v5;
	v5 =	vor.u32 $0x15, v1  }
0x460: {  	[tilespmem:s6+$0x15680] =	vst v2;
	v2 =	vor.u32 $0x17, v1  }
0x461: {  	[tilespmem:s6+$0x15600] =	vst v3;
	v3 =	vor.u32 $0x16, v1  }
0x462: {  	[tilespmem:s6+$0x15700] =	vst v4  }
0x463: {  	v4 =	vld.idx.msk [tilespmem:v6+s20+$0x0], $0xffff  }
0x464: {  	v5 =	vld.idx.msk [tilespmem:v5+s20+$0x0], $0xffff  }
0x465: {  	v2 =	vld.idx.msk [tilespmem:v2+s20+$0x0], $0xffff  }
0x466: {  	v3 =	vld.idx.msk [tilespmem:v3+s20+$0x0], $0xffff  }
0x467: {  	v6 =	vor.u32 $0x19, v1  }
0x468: {  	[tilespmem:s6+$0x15800] =	vst v4;
	v4 =	vor.u32 $0x1B, v1  }
0x469: {  	[tilespmem:s6+$0x15880] =	vst v5;
	v5 =	vor.u32 $0x18, v1  }
0x46a: {  	[tilespmem:s6+$0x15980] =	vst v2;
	v2 =	vor.u32 $0x1A, v1  }
0x46b: {  	[tilespmem:s6+$0x15900] =	vst v3  }
0x46c: {  	v3 =	vld.idx.msk [tilespmem:v6+s20+$0x0], $0xffff  }
0x46d: {  	v4 =	vld.idx.msk [tilespmem:v4+s20+$0x0], $0xffff  }
0x46e: {  	v5 =	vld.idx.msk [tilespmem:v5+s20+$0x0], $0xffff  }
0x46f: {  	v2 =	vld.idx.msk [tilespmem:v2+s20+$0x0], $0xffff  }
0x470: {  	v6 =	vor.u32 $0x1D, v1  }
0x471: {  	[tilespmem:s6+$0x15E80] =	vst v3;
	v3 =	vor.u32 $0x1F, v1  }
0x472: {  	[tilespmem:s6+$0x15F80] =	vst v4;
	v4 =	vor.u32 $0x1C, v1  }
0x473: {  	[tilespmem:s6+$0x15E00] =	vst v5;
	v5 =	vor.u32 $0x1E, v1  }
0x474: {  	[tilespmem:s6+$0x15F00] =	vst v2  }
0x475: {  	v2 =	vld.idx.msk [tilespmem:v6+s20+$0x0], $0xffff  }
0x476: {  	v3 =	vld.idx.msk [tilespmem:v3+s20+$0x0], $0xffff  }
0x477: {  	v4 =	vld.idx.msk [tilespmem:v4+s20+$0x0], $0xffff  }
0x478: {  	v5 =	vld.idx.msk [tilespmem:v5+s20+$0x0], $0xffff  }
0x479: {  	v6 =	vor.u32 $0x21, v1  }
0x47a: {  	[tilespmem:s6+$0x16080] =	vst v2;
	v2 =	vor.u32 $0x23, v1  }
0x47b: {  	[tilespmem:s6+$0x16180] =	vst v3;
	v3 =	vor.u32 $0x22, v1  }
0x47c: {  	[tilespmem:s6+$0x16000] =	vst v4;
	v4 =	vor.u32 $0x20, v1  }
0x47d: {  	[tilespmem:s6+$0x16100] =	vst v5  }
0x47e: {  	v5 =	vld.idx.msk [tilespmem:v6+s20+$0x0], $0xffff  }
0x47f: {  	v2 =	vld.idx.msk [tilespmem:v2+s20+$0x0], $0xffff  }
0x480: {  	v3 =	vld.idx.msk [tilespmem:v3+s20+$0x0], $0xffff  }
0x481: {  	v4 =	vld.idx.msk [tilespmem:v4+s20+$0x0], $0xffff  }
0x482: {  	v6 =	vor.u32 $0x25, v1  }
0x483: {  	[tilespmem:s6+$0x16680] =	vst v5;
	v5 =	vor.u32 $0x27, v1  }
0x484: {  	[tilespmem:s6+$0x16780] =	vst v2;
	v2 =	vor.u32 $0x26, v1  }
0x485: {  	[tilespmem:s6+$0x16700] =	vst v3;
	v3 =	vor.u32 $0x24, v1  }
0x486: {  	[tilespmem:s6+$0x16600] =	vst v4  }
0x487: {  	v4 =	vld.idx.msk [tilespmem:v6+s20+$0x0], $0xffff  }
0x488: {  	v5 =	vld.idx.msk [tilespmem:v5+s20+$0x0], $0xffff  }
0x489: {  	v2 =	vld.idx.msk [tilespmem:v2+s20+$0x0], $0xffff  }
0x48a: {  	v3 =	vld.idx.msk [tilespmem:v3+s20+$0x0], $0xffff  }
0x48b: {  	v6 =	vor.u32 $0x29, v1  }
0x48c: {  	[tilespmem:s6+$0x16880] =	vst v4;
	v4 =	vor.u32 $0x2B, v1  }
0x48d: {  	[tilespmem:s6+$0x16980] =	vst v5;
	v5 =	vor.u32 $0x28, v1  }
0x48e: {  	[tilespmem:s6+$0x16900] =	vst v2;
	v2 =	vor.u32 $0x2A, v1  }
0x48f: {  	[tilespmem:s6+$0x16800] =	vst v3  }
0x490: {  	v3 =	vld.idx.msk [tilespmem:v6+s20+$0x0], $0xffff  }
0x491: {  	v4 =	vld.idx.msk [tilespmem:v4+s20+$0x0], $0xffff  }
0x492: {  	v5 =	vld.idx.msk [tilespmem:v5+s20+$0x0], $0xffff  }
0x493: {  	v2 =	vld.idx.msk [tilespmem:v2+s20+$0x0], $0xffff  }
0x494: {  	v6 =	vor.u32 $0x2C, v1  }
0x495: {  	[tilespmem:s6+$0x16E80] =	vst v3;
	v3 =	vor.u32 $0x2D, v1  }
0x496: {  	v7 =	vor.u32 $0x2F, v1;
	[tilespmem:s6+$0x16F80] =	vst v4  }
0x497: {  	[tilespmem:s6+$0x16E00] =	vst v5;
	v5 =	vor.u32 $0x2E, v1  }
0x498: {  	[tilespmem:s6+$0x16F00] =	vst v2  }
0x499: {  	v4 =	vld.idx.msk [tilespmem:v6+s20+$0x0], $0xffff  }
0x49a: {  	v2 =	vld.idx.msk [tilespmem:v3+s20+$0x0], $0xffff  }
0x49b: {  	s11 =	simm.s32 $0x10;
	v3 =	vld.idx.msk [tilespmem:v7+s20+$0x0], $0xffff  }
.LBB2_21:
0x49c: {  	p0 =	sne.s32 s11, $0xF0;
	v5 =	vld.idx.msk [tilespmem:v5+s20+$0x0], $0xffff;
	s9 =	sadd.s32 $0x80, s9;
	s8 =	sadd.s32 $0x10, s8  }
0x49d: {  	s15 =	smov.u32 s11;
	s11 =	sadd.s32 $0x10, s11  }
0x49e: {  	v6 =	vor.u32 $0x33, v1  }
0x49f: {  	[tilespmem:s6+$0x17000] =	vst v4;
	v4 =	vor.u32 $0x31, v1  }
0x4a0: {  	[tilespmem:s6+$0x17080] =	vst v2;
	v2 =	vor.u32 $0x30, v1  }
0x4a1: {  	[tilespmem:s6+$0x17180] =	vst v3;
	v3 =	vor.u32 $0x32, v1  }
0x4a2: {  	[tilespmem:s6+$0x17100] =	vst v5  }
0x4a3: {  	v5 =	vld.idx.msk [tilespmem:v6+s20+$0x0], $0xffff  }
0x4a4: {  	v4 =	vld.idx.msk [tilespmem:v4+s20+$0x0], $0xffff  }
0x4a5: {  	v2 =	vld.idx.msk [tilespmem:v2+s20+$0x0], $0xffff  }
0x4a6: {  	v3 =	vld.idx.msk [tilespmem:v3+s20+$0x0], $0xffff;
	_ =	sdelay $0x1  }
0x4a7: {  	v6 =	vor.u32 $0x34, v1  }
0x4a8: {  	[tilespmem:s6+$0x17780] =	vst v5;
	v5 =	vor.u32 $0x35, v1  }
0x4a9: {  	[tilespmem:s6+$0x17680] =	vst v4;
	v4 =	vor.u32 $0x36, v1  }
0x4aa: {  	[tilespmem:s6+$0x17600] =	vst v2;
	v2 =	vor.u32 $0x37, v1  }
0x4ab: {  	[tilespmem:s6+$0x17700] =	vst v3  }
0x4ac: {  	v3 =	vld.idx.msk [tilespmem:v6+s20+$0x0], $0xffff  }
0x4ad: {  	v5 =	vld.idx.msk [tilespmem:v5+s20+$0x0], $0xffff  }
0x4ae: {  	v4 =	vld.idx.msk [tilespmem:v4+s20+$0x0], $0xffff  }
0x4af: {  	v2 =	vld.idx.msk [tilespmem:v2+s20+$0x0], $0xffff;
	_ =	sdelay $0x1  }
0x4b0: {  	v6 =	vor.u32 $0x38, v1  }
0x4b1: {  	[tilespmem:s6+$0x17800] =	vst v3;
	v3 =	vor.u32 $0x3B, v1  }
0x4b2: {  	[tilespmem:s6+$0x17880] =	vst v5;
	v5 =	vor.u32 $0x39, v1  }
0x4b3: {  	[tilespmem:s6+$0x17900] =	vst v4;
	v4 =	vor.u32 $0x3A, v1  }
0x4b4: {  	[tilespmem:s6+$0x17980] =	vst v2  }
0x4b5: {  	v2 =	vld.idx.msk [tilespmem:v6+s20+$0x0], $0xffff  }
0x4b6: {  	v3 =	vld.idx.msk [tilespmem:v3+s20+$0x0], $0xffff  }
0x4b7: {  	v5 =	vld.idx.msk [tilespmem:v5+s20+$0x0], $0xffff  }
0x4b8: {  	v4 =	vld.idx.msk [tilespmem:v4+s20+$0x0], $0xffff;
	_ =	sdelay $0x1  }
0x4b9: {  	v6 =	vor.u32 $0x3D, v1  }
0x4ba: {  	[tilespmem:s6+$0x17E00] =	vst v2;
	v2 =	vor.u32 $0x3C, v1  }
0x4bb: {  	[tilespmem:s6+$0x17F80] =	vst v3;
	v3 =	vor.u32 $0x3E, v1;
	v1 =	vor.u32 $0x3F, v1  }
0x4bc: {  	[tilespmem:s6+$0x17E80] =	vst v5  }
0x4bd: {  	[tilespmem:s6+$0x17F00] =	vst v4  }
0x4be: {  	v4 =	vld.idx.msk [tilespmem:v6+s20+$0x0], $0xffff  }
0x4bf: {  	v2 =	vld.idx.msk [tilespmem:v2+s20+$0x0], $0xffff  }
0x4c0: {  	v1 =	vld.idx.msk [tilespmem:v1+s20+$0x0], $0xffff  }
0x4c1: {  	v3 =	vld.idx.msk [tilespmem:v3+s20+$0x0], $0xffff;
	_ =	sdelay $0x2  }
0x4c2: {  	[tilespmem:s6+$0x18080] =	vst v4  }
0x4c3: {  	[tilespmem:s6+$0x18000] =	vst v2  }
0x4c4: {  	[tilespmem:s6+$0x18180] =	vst v1  }
0x4c5: {  	[tilespmem:s6+$0x18100] =	vst v3  }
0x4c6: {  	v1 =	vld [tilespmem:s8+$0x0];
	_ =	sdelay $0x3  }
0x4c7: {  	v2 =	vmov s15  }
0x4c8: {  	v2 =	vshll.u32 v2, $0x7;
	v1 =	vshrl.u32 v1, $0x5  }
0x4c9: {  	v2 =	vor.u32 v0, v2;
	v1 =	vand.u32 $0x40, v1  }
0x4ca: {  	v1 =	vor.u32 v2, v1  }
0x4cb: {  	v2 =	vor.u32 $0x1, v1;
	v3 =	vor.u32 $0x2, v1;
	v4 =	vor.u32 $0x3, v1;
	_ =	sdelay $0x3  }
0x4cc: {  	v5 =	vld.idx.msk [tilespmem:v1+s20+$0x0], $0xffff  }
0x4cd: {  	v4 =	vld.idx.msk [tilespmem:v4+s20+$0x0], $0xffff  }
0x4ce: {  	v2 =	vld.idx.msk [tilespmem:v2+s20+$0x0], $0xffff  }
0x4cf: {  	v3 =	vld.idx.msk [tilespmem:v3+s20+$0x0], $0xffff  }
0x4d0: {  	s19 =	sand.u32 $0x400, s9;
	s6 =	sand.u32 $0x70, s15  }
0x4d1: {  	s6 =	sor.u32 s6, s19;
	v6 =	vor.u32 $0x4, v1  }
0x4d2: {  	s19 =	sadd.s32 $0x14600, s6;
	[tilespmem:s6+$0x14600] =	vst v5;
	v5 =	vor.u32 $0x5, v1  }
0x4d3: {  	[tilespmem:s19+$0x180] =	vst v4;
	v4 =	vor.u32 $0x6, v1  }
0x4d4: {  	[tilespmem:s19+$0x80] =	vst v2;
	v2 =	vor.u32 $0x7, v1  }
0x4d5: {  	[tilespmem:s19+$0x100] =	vst v3  }
0x4d6: {  	v3 =	vld.idx.msk [tilespmem:v6+s20+$0x0], $0xffff  }
0x4d7: {  	v5 =	vld.idx.msk [tilespmem:v5+s20+$0x0], $0xffff  }
0x4d8: {  	v4 =	vld.idx.msk [tilespmem:v4+s20+$0x0], $0xffff  }
0x4d9: {  	v2 =	vld.idx.msk [tilespmem:v2+s20+$0x0], $0xffff;
	_ =	sdelay $0x1  }
0x4da: {  	v6 =	vor.u32 $0xA, v1  }
0x4db: {  	[tilespmem:s19+$0x200] =	vst v3;
	v3 =	vor.u32 $0x9, v1  }
0x4dc: {  	s15 =	sor.u32 s9, s15;
	[tilespmem:s19+$0x280] =	vst v5;
	v5 =	vor.u32 $0x8, v1  }
0x4dd: {  	s15 =	sor.u32 $0x380, s15;
	[tilespmem:s19+$0x300] =	vst v4;
	v4 =	vor.u32 $0xB, v1  }
0x4de: {  	[tilespmem:s15+$0x14600] =	vst v2  }
0x4df: {  	v2 =	vld.idx.msk [tilespmem:v6+s20+$0x0], $0xffff  }
0x4e0: {  	v3 =	vld.idx.msk [tilespmem:v3+s20+$0x0], $0xffff  }
0x4e1: {  	v5 =	vld.idx.msk [tilespmem:v5+s20+$0x0], $0xffff  }
0x4e2: {  	v4 =	vld.idx.msk [tilespmem:v4+s20+$0x0], $0xffff;
	_ =	sdelay $0x1  }
0x4e3: {  	v6 =	vor.u32 $0xF, v1  }
0x4e4: {  	[tilespmem:s6+$0x14F00] =	vst v2;
	v2 =	vor.u32 $0xD, v1  }
0x4e5: {  	[tilespmem:s6+$0x14E80] =	vst v3;
	v3 =	vor.u32 $0xC, v1  }
0x4e6: {  	[tilespmem:s6+$0x14E00] =	vst v5;
	v5 =	vor.u32 $0xE, v1  }
0x4e7: {  	[tilespmem:s6+$0x14F80] =	vst v4  }
0x4e8: {  	v4 =	vld.idx.msk [tilespmem:v6+s20+$0x0], $0xffff  }
0x4e9: {  	v2 =	vld.idx.msk [tilespmem:v2+s20+$0x0], $0xffff  }
0x4ea: {  	v3 =	vld.idx.msk [tilespmem:v3+s20+$0x0], $0xffff  }
0x4eb: {  	v5 =	vld.idx.msk [tilespmem:v5+s20+$0x0], $0xffff;
	_ =	sdelay $0x1  }
0x4ec: {  	v6 =	vor.u32 $0x13, v1  }
0x4ed: {  	[tilespmem:s6+$0x15180] =	vst v4;
	v4 =	vor.u32 $0x11, v1  }
0x4ee: {  	[tilespmem:s6+$0x15080] =	vst v2;
	v2 =	vor.u32 $0x10, v1  }
0x4ef: {  	[tilespmem:s6+$0x15000] =	vst v3;
	v3 =	vor.u32 $0x12, v1  }
0x4f0: {  	[tilespmem:s6+$0x15100] =	vst v5  }
0x4f1: {  	v5 =	vld.idx.msk [tilespmem:v6+s20+$0x0], $0xffff  }
0x4f2: {  	v4 =	vld.idx.msk [tilespmem:v4+s20+$0x0], $0xffff  }
0x4f3: {  	v2 =	vld.idx.msk [tilespmem:v2+s20+$0x0], $0xffff  }
0x4f4: {  	v3 =	vld.idx.msk [tilespmem:v3+s20+$0x0], $0xffff;
	_ =	sdelay $0x1  }
0x4f5: {  	v6 =	vor.u32 $0x14, v1  }
0x4f6: {  	[tilespmem:s6+$0x15780] =	vst v5;
	v5 =	vor.u32 $0x15, v1  }
0x4f7: {  	[tilespmem:s6+$0x15680] =	vst v4;
	v4 =	vor.u32 $0x17, v1  }
0x4f8: {  	[tilespmem:s6+$0x15600] =	vst v2;
	v2 =	vor.u32 $0x16, v1  }
0x4f9: {  	[tilespmem:s6+$0x15700] =	vst v3  }
0x4fa: {  	v3 =	vld.idx.msk [tilespmem:v6+s20+$0x0], $0xffff  }
0x4fb: {  	v5 =	vld.idx.msk [tilespmem:v5+s20+$0x0], $0xffff  }
0x4fc: {  	v4 =	vld.idx.msk [tilespmem:v4+s20+$0x0], $0xffff  }
0x4fd: {  	v2 =	vld.idx.msk [tilespmem:v2+s20+$0x0], $0xffff;
	_ =	sdelay $0x1  }
0x4fe: {  	v6 =	vor.u32 $0x19, v1  }
0x4ff: {  	[tilespmem:s6+$0x15800] =	vst v3;
	v3 =	vor.u32 $0x1B, v1  }
0x500: {  	[tilespmem:s6+$0x15880] =	vst v5;
	v5 =	vor.u32 $0x18, v1  }
0x501: {  	[tilespmem:s6+$0x15980] =	vst v4;
	v4 =	vor.u32 $0x1A, v1  }
0x502: {  	[tilespmem:s6+$0x15900] =	vst v2  }
0x503: {  	v2 =	vld.idx.msk [tilespmem:v6+s20+$0x0], $0xffff  }
0x504: {  	v3 =	vld.idx.msk [tilespmem:v3+s20+$0x0], $0xffff  }
0x505: {  	v5 =	vld.idx.msk [tilespmem:v5+s20+$0x0], $0xffff  }
0x506: {  	v4 =	vld.idx.msk [tilespmem:v4+s20+$0x0], $0xffff;
	_ =	sdelay $0x1  }
0x507: {  	v6 =	vor.u32 $0x1D, v1  }
0x508: {  	[tilespmem:s6+$0x15E80] =	vst v2;
	v2 =	vor.u32 $0x1F, v1  }
0x509: {  	[tilespmem:s6+$0x15F80] =	vst v3;
	v3 =	vor.u32 $0x1C, v1  }
0x50a: {  	[tilespmem:s6+$0x15E00] =	vst v5;
	v5 =	vor.u32 $0x1E, v1  }
0x50b: {  	[tilespmem:s6+$0x15F00] =	vst v4  }
0x50c: {  	v4 =	vld.idx.msk [tilespmem:v6+s20+$0x0], $0xffff  }
0x50d: {  	v2 =	vld.idx.msk [tilespmem:v2+s20+$0x0], $0xffff  }
0x50e: {  	v3 =	vld.idx.msk [tilespmem:v3+s20+$0x0], $0xffff  }
0x50f: {  	v5 =	vld.idx.msk [tilespmem:v5+s20+$0x0], $0xffff;
	_ =	sdelay $0x1  }
0x510: {  	v6 =	vor.u32 $0x21, v1  }
0x511: {  	[tilespmem:s6+$0x16080] =	vst v4;
	v4 =	vor.u32 $0x23, v1  }
0x512: {  	[tilespmem:s6+$0x16180] =	vst v2;
	v2 =	vor.u32 $0x22, v1  }
0x513: {  	[tilespmem:s6+$0x16000] =	vst v3;
	v3 =	vor.u32 $0x20, v1  }
0x514: {  	[tilespmem:s6+$0x16100] =	vst v5  }
0x515: {  	v5 =	vld.idx.msk [tilespmem:v6+s20+$0x0], $0xffff  }
0x516: {  	v4 =	vld.idx.msk [tilespmem:v4+s20+$0x0], $0xffff  }
0x517: {  	v2 =	vld.idx.msk [tilespmem:v2+s20+$0x0], $0xffff  }
0x518: {  	v3 =	vld.idx.msk [tilespmem:v3+s20+$0x0], $0xffff;
	_ =	sdelay $0x1  }
0x519: {  	v6 =	vor.u32 $0x25, v1  }
0x51a: {  	[tilespmem:s6+$0x16680] =	vst v5;
	v5 =	vor.u32 $0x27, v1  }
0x51b: {  	[tilespmem:s6+$0x16780] =	vst v4;
	v4 =	vor.u32 $0x26, v1  }
0x51c: {  	[tilespmem:s6+$0x16700] =	vst v2;
	v2 =	vor.u32 $0x24, v1  }
0x51d: {  	[tilespmem:s6+$0x16600] =	vst v3  }
0x51e: {  	v3 =	vld.idx.msk [tilespmem:v6+s20+$0x0], $0xffff  }
0x51f: {  	v5 =	vld.idx.msk [tilespmem:v5+s20+$0x0], $0xffff  }
0x520: {  	v4 =	vld.idx.msk [tilespmem:v4+s20+$0x0], $0xffff  }
0x521: {  	v2 =	vld.idx.msk [tilespmem:v2+s20+$0x0], $0xffff;
	_ =	sdelay $0x1  }
0x522: {  	v6 =	vor.u32 $0x29, v1  }
0x523: {  	[tilespmem:s6+$0x16880] =	vst v3;
	v3 =	vor.u32 $0x2B, v1  }
0x524: {  	[tilespmem:s6+$0x16980] =	vst v5;
	v5 =	vor.u32 $0x28, v1  }
0x525: {  	[tilespmem:s6+$0x16900] =	vst v4;
	v4 =	vor.u32 $0x2A, v1  }
0x526: {  	[tilespmem:s6+$0x16800] =	vst v2  }
0x527: {  	v2 =	vld.idx.msk [tilespmem:v6+s20+$0x0], $0xffff  }
0x528: {  	v3 =	vld.idx.msk [tilespmem:v3+s20+$0x0], $0xffff  }
0x529: {  	v5 =	vld.idx.msk [tilespmem:v5+s20+$0x0], $0xffff  }
0x52a: {  	v4 =	vld.idx.msk [tilespmem:v4+s20+$0x0], $0xffff;
	_ =	sdelay $0x1  }
0x52b: {  	v6 =	vor.u32 $0x2C, v1  }
0x52c: {  	[tilespmem:s6+$0x16E80] =	vst v2;
	v2 =	vor.u32 $0x2D, v1  }
0x52d: {  	[tilespmem:s6+$0x16F80] =	vst v3;
	v3 =	vor.u32 $0x2F, v1  }
.Ltmp9:
0x52e: {  	[tilespmem:s6+$0x16E00] =	vst v5;
	v5 =	vor.u32 $0x2E, v1;
	(pc) =	sbr.rel @p0 .LBB2_21-.Ltmp9, $4  }
0x52f: {  	[tilespmem:s6+$0x16F00] =	vst v4  }
0x530: {  	v4 =	vld.idx.msk [tilespmem:v6+s20+$0x0], $0xffff  }
0x531: {  	v2 =	vld.idx.msk [tilespmem:v2+s20+$0x0], $0xffff  }
0x532: {  	v3 =	vld.idx.msk [tilespmem:v3+s20+$0x0], $0xffff  }
0x533: {  	_ =	sdelay $0x3  }
0x534: {  	v5 =	vld.idx.msk [tilespmem:v5+s20+$0x0], $0xffff  }
0x535: {  	v6 =	vor.u32 $0x33, v1  }
0x536: {  	v56 =	vor.u32 $0x31, v1;
	[tilespmem:s6+$0x17000] =	vst v4  }
0x537: {  	[tilespmem:s6+$0x17080] =	vst v2;
	v2 =	vor.u32 $0x30, v1  }
0x538: {  	[tilespmem:s6+$0x17180] =	vst v3;
	v3 =	vor.u32 $0x32, v1  }
0x539: {  	[tilespmem:s6+$0x17100] =	vst v5  }
0x53a: {  	v5 =	vld.idx.msk [tilespmem:v6+s20+$0x0], $0xffff  }
0x53b: {  	v4 =	vld.idx.msk [tilespmem:v56+s20+$0x0], $0xffff  }
0x53c: {  	v2 =	vld.idx.msk [tilespmem:v2+s20+$0x0], $0xffff  }
0x53d: {  	v3 =	vld.idx.msk [tilespmem:v3+s20+$0x0], $0xffff  }
0x53e: {  	v57 =	vor.u32 $0x34, v1  }
0x53f: {  	v58 =	vor.u32 $0x35, v1;
	[tilespmem:s6+$0x17780] =	vst v5  }
0x540: {  	v59 =	vor.u32 $0x36, v1;
	[tilespmem:s6+$0x17680] =	vst v4  }
0x541: {  	[tilespmem:s6+$0x17600] =	vst v2;
	v2 =	vor.u32 $0x37, v1  }
0x542: {  	[tilespmem:s6+$0x17700] =	vst v3  }
0x543: {  	v3 =	vld.idx.msk [tilespmem:v57+s20+$0x0], $0xffff  }
0x544: {  	v5 =	vld.idx.msk [tilespmem:v58+s20+$0x0], $0xffff  }
0x545: {  	v4 =	vld.idx.msk [tilespmem:v59+s20+$0x0], $0xffff  }
0x546: {  	v2 =	vld.idx.msk [tilespmem:v2+s20+$0x0], $0xffff  }
0x547: {  	v60 =	vor.u32 $0x38, v1  }
0x548: {  	[tilespmem:s6+$0x17800] =	vst v3;
	v3 =	vor.u32 $0x3B, v1  }
0x549: {  	v61 =	vor.u32 $0x39, v1;
	[tilespmem:s6+$0x17880] =	vst v5  }
0x54a: {  	v62 =	vor.u32 $0x3A, v1;
	[tilespmem:s6+$0x17900] =	vst v4  }
0x54b: {  	[tilespmem:s6+$0x17980] =	vst v2  }
0x54c: {  	v2 =	vld.idx.msk [tilespmem:v60+s20+$0x0], $0xffff  }
0x54d: {  	v3 =	vld.idx.msk [tilespmem:v3+s20+$0x0], $0xffff  }
0x54e: {  	v5 =	vld.idx.msk [tilespmem:v61+s20+$0x0], $0xffff  }
0x54f: {  	v4 =	vld.idx.msk [tilespmem:v62+s20+$0x0], $0xffff  }
0x550: {  	v63 =	vor.u32 $0x3D, v1  }
0x551: {  	[tilespmem:s6+$0x17E00] =	vst v2;
	v2 =	vor.u32 $0x3C, v1  }
0x552: {  	[tilespmem:s6+$0x17F80] =	vst v3;
	v3 =	vor.u32 $0x3F, v1  }
0x553: {  	[tilespmem:s6+$0x17E80] =	vst v5;
	v1 =	vor.u32 $0x3E, v1  }
0x554: {  	[tilespmem:s6+$0x17F00] =	vst v4  }
0x555: {  	v4 =	vld.idx.msk [tilespmem:v63+s20+$0x0], $0xffff  }
0x556: {  	v2 =	vld.idx.msk [tilespmem:v2+s20+$0x0], $0xffff  }
0x557: {  	v3 =	vld.idx.msk [tilespmem:v3+s20+$0x0], $0xffff  }
0x558: {  	s5 =	sadd.s32 $0x1, s5;
	v1 =	vld.idx.msk [tilespmem:v1+s20+$0x0], $0xffff  }
0x559: {  	p0 =	sne.s32 s5, $0x19  }
.Ltmp10:
0x55a: {  	[tilespmem:s6+$0x18080] =	vst v4;
	(pc) =	sbr.rel @p0 .LBB2_4-.Ltmp10, $4  }
0x55b: {  	s0 =	sshll.u32 s0, $0xB;
	[tilespmem:s6+$0x18000] =	vst v2  }
0x55c: {  	s8 =	sadd.s32 s3, s10;
	s0 =	sand.u32 $0xFFF8000, s0;
	[tilespmem:s6+$0x18180] =	vst v3  }
0x55d: {  	s29 =	simm.s32 $0x14600;
	s0 =	sadd.s32 s0, s8;
	[tilespmem:s6+$0x18100] =	vst v1  }
0x55e: {  	[hbm4b:s0+s22] =	stream.strided.scatter [tilespmem:s29], [sflag:$0x8], $0x4000, s23, s22, $0x38;
	[tilespmem:$0x18600] =	vst v63  }
0x55f: {  	_ =	swait.ge [sflag:s28], $0x4000  }
0x560: {  	[sflag:s28] =	ssyncset.done $0x0  }
0x561: {  	[sflag:s28] =	ssyncadd.s32 $0xFFFFC000  }
0x562: {  	_ =	swait.ge [sflag:s2], $0x4000  }
0x563: {  	s5 =	rddreg [dreg:$0x9]  }
0x564: {  	s0 =	rddreg [dreg:$0x8];
	s5 =	sadd.s32 $0x1, s5  }
0x565: {  	p0 =	sne.s32 s5, s0  }
.Ltmp11:
0x566: {  	_ = 	snop;
	(pc) =	sbr.rel @p0 .LBB2_1-.Ltmp11, $3  }
0x567: {  	_ =	sdelay $0x1  }
0x568: {  	[sflag:s2] =	ssyncset.done $0x0  }
0x569: {  	[sflag:s2] =	ssyncadd.s32 $0xFFFFC000  }
0x56a: {  	_ =	sfence.sel $0x180000  }
0x56b: {  	[bflag:$0x0] =	sbarrier.arrive $0xFFFF  }
0x56c: {  	_ =	strace $0x90000047  }
0x56d: {  	s0 =	stileid.u32;
	[bflag:$0x2] =	sbarrier.arrive $0xFFFF  }
0x56e: {  	p0 =	sne.s32 s0, $0x0;
	s0 =	rddreg [dreg:$0x3]  }
0x56f: {  	s0 =	sadd.s32 @!p0 $0x100000, s0  }
0x570: {  	[sflag:s0] =	ssyncadd.tile.s32 @!p0 $0x1;
	_ =	shalt  }
.Lfunc_end2:
_tile_overlayer_lowered:
.L_overlay_start_2:
0x571: {  	(tag) =	ssettag $0x2  }
0x572: {  	s0 =	rddreg [dreg:$0x0];
	s2 =	stileid.u32  }
0x573: {  	s1 =	rddreg [dreg:$0x1];
	p0 =	sne.s32 s2, $0x0  }
0x574: {  	s3 =	rddreg [dreg:$0x2];
	[bflag:$0x3] =	sbarrier.arrive $0xFFFF;
	s2 =	simm.s32 @!p0 $0x1C09  }
0x575: {  	[timem:s3], [sflag:s2] =	dma.local @!p0 [hbm:s0], s1  }
0x576: {  	s0 =	simm.s32 @!p0 $0x9  }
0x577: {  	_ =	swait.ge @!p0 [sflag:s0], s1  }
0x578: {  	s1 =	ssub.s32 @!p0 $0x0, s1;
	[sflag:s0] =	ssyncset.done @!p0 $0x0  }
0x579: {  	[sflag:s0] =	ssyncadd.s32 @!p0 s1  }
0x57a: {  	[bflag:$0x3] =	sbarrier.arrive $0xFFFF  }
0x57b: {  	_ =	shalt  }

</sc_bundles>
